<compile_context>
chip_gen: v7x
topology: tpu7x:2x2x1
jax: 0.10.2.dev20260603
libtpu: 0.0.44.dev20260713+nightly
codegen_flags: <defaults>
</compile_context>

<pallas_src>
import functools

import jax
import jax.numpy as jnp
from jax import lax
from jax.experimental import pallas as pl
from jax.experimental.pallas import tpu as pltpu
from jax.experimental.pallas import tpu_sc as plsc

SIGMA = 2.5
NC, NS, LANES = 2, 16, 16
NW = NC * NS
B = 4
KG = 5


def _lane_rot(v, s):
    idx = lax.bitwise_and(lax.iota(jnp.int32, 16) + s, 15)
    return lax.gather(
        v, idx[:, None],
        lax.GatherDimensionNumbers(offset_dims=(), collapsed_slice_dims=(0,),
                                   start_index_map=(0,)),
        (1,), mode=lax.GatherScatterMode.PROMISE_IN_BOUNDS)


def _lane_sum_vec(v):
    for s in (8, 4, 2, 1):
        v = v + _lane_rot(v, s)
    return v


def _bcast(v, lane):
    idx = jnp.zeros((LANES,), jnp.int32) + lane
    return lax.gather(
        v, idx[:, None],
        lax.GatherDimensionNumbers(offset_dims=(), collapsed_slice_dims=(0,),
                                   start_index_map=(0,)),
        (1,), mode=lax.GatherScatterMode.PROMISE_IN_BOUNDS)


def _rsqrt(a, iters=2):
    i = lax.bitcast_convert_type(a, jnp.int32)
    i = jnp.int32(0x5F3759DF) - lax.shift_right_logical(i, 1)
    y = lax.bitcast_convert_type(i, jnp.float32)
    for _ in range(iters):
        y = y * (1.5 - 0.5 * a * y * y)
    return y


def _make_sc_kernel(H, KS, CIN, QW, NB, M_PAD):
    KC = KS * CIN
    KCP = KC + 128
    NKG = (KS + KG - 1) // KG
    NCH = CIN // LANES
    BH = B * H

    @functools.partial(
        pl.kernel,
        out_type=jax.ShapeDtypeStruct((M_PAD, KCP), jnp.float32),
        mesh=plsc.VectorSubcoreMesh(core_axis_name="c", subcore_axis_name="s",
                                    num_cores=NC, num_subcores=NS),
        scratch_types=[
            pltpu.VMEM((NB, BH), jnp.int32),
            pltpu.VMEM((QW, LANES), jnp.float32),
            pltpu.VMEM((4, LANES), jnp.float32),
            pltpu.VMEM((BH, CIN), jnp.float32),
            pltpu.VMEM((BH, CIN), jnp.float32),
            pltpu.VMEM((BH + LANES,), jnp.float32),
            pltpu.VMEM((BH + LANES,), jnp.float32),
            pltpu.VMEM((BH + LANES,), jnp.float32),
            pltpu.VMEM((BH + LANES,), jnp.float32),
            pltpu.VMEM((BH + LANES,), jnp.float32),
            pltpu.VMEM((BH + LANES,), jnp.float32),
            pltpu.VMEM((BH + LANES,), jnp.float32),
            pltpu.VMEM((BH + LANES,), jnp.float32),
            pltpu.VMEM((H, LANES), jnp.float32),
            pltpu.VMEM((B, KCP), jnp.float32),
            pltpu.VMEM((B, KCP), jnp.float32),
            pltpu.SemaphoreType.DMA,
            pltpu.SemaphoreType.DMA,
            pltpu.SemaphoreType.DMA,
            pltpu.SemaphoreType.DMA,
        ],
    )
    def sc_kernel(feats, px, py, pz, pind, idxf, qp, kpt, out,
                  idx_v, q_v, kpt_v, feats_a, feats_b, xa, ya, za, xb, yb, zb,
                  ia, ib, wbuf, ostage_a, ostage_b,
                  sem_a, sem_b, osem_a, osem_b):
        wid = lax.axis_index("s") * NC + lax.axis_index("c")
        qbase = wid * QW
        pltpu.sync_copy(idxf.at[pl.ds(wid * NB, NB), :], idx_v)
        pltpu.sync_copy(qp.at[pl.ds(qbase, QW), :], q_v)
        pltpu.sync_copy(kpt, kpt_v)

        def fire(bi, fbuf, cx, cy, cz, ci, sem):
            ix = idx_v.at[bi]
            pltpu.async_copy(feats.at[ix], fbuf, sem)
            pltpu.async_copy(px.at[ix], cx.at[pl.ds(0, BH)], sem)
            pltpu.async_copy(py.at[ix], cy.at[pl.ds(0, BH)], sem)
            pltpu.async_copy(pz.at[ix], cz.at[pl.ds(0, BH)], sem)
            pltpu.async_copy(pind.at[ix], ci.at[pl.ds(0, BH)], sem)

        def wait(bi, fbuf, cx, cy, cz, ci, sem):
            ix = idx_v.at[bi]
            pltpu.make_async_copy(feats.at[ix], fbuf, sem).wait()
            pltpu.make_async_copy(px.at[ix], cx.at[pl.ds(0, BH)], sem).wait()
            pltpu.make_async_copy(py.at[ix], cy.at[pl.ds(0, BH)], sem).wait()
            pltpu.make_async_copy(pz.at[ix], cz.at[pl.ds(0, BH)], sem).wait()
            pltpu.make_async_copy(pind.at[ix], ci.at[pl.ds(0, BH)], sem).wait()

        kx = kpt_v[0, :]
        ky = kpt_v[1, :]
        kz = kpt_v[2, :]

        def compute_batch(bi, rows, cx, cy, cz, ci, ostage, osem):
            def per_query(qi, _):
                qrow = bi * B + qi
                qv = q_v[qrow, :]
                kxq = kx + _bcast(qv, 0)
                kyq = ky + _bcast(qv, 1)
                kzq = kz + _bcast(qv, 2)
                rbase = qi * H

                def wpass(h, c):
                    for h2 in (h, h + 1):
                        r = rbase + h2
                        dx = _bcast(cx[pl.ds(r, LANES)], 0) - kxq
                        dy = _bcast(cy[pl.ds(r, LANES)], 0) - kyq
                        dz = _bcast(cz[pl.ds(r, LANES)], 0) - kzq
                        d2 = dx * dx + dy * dy + dz * dz
                        a = jnp.maximum(d2, 1e-12)
                        s = a * _rsqrt(a)
                        wbuf[h2, :] = jnp.maximum(1.0 - s * (1.0 / SIGMA), 0.0)
                    return c

                zero = jnp.zeros((LANES,), jnp.float32)
                plsc.parallel_loop(0, H, 2, carry=jnp.int32(0))(wpass)
                csum = ci[pl.ds(rbase, LANES)]
                for jj in range(1, H // LANES):
                    csum = csum + ci[pl.ds(rbase + LANES * jj, LANES)]
                cfv = _lane_sum_vec(csum)
                ry = _rsqrt(jnp.maximum(cfv, 1.0), iters=3)
                ostage[qi, pl.ds(KC, LANES)] = ry * ry

                for g in range(NKG):
                    nk = min(KG, KS - g * KG)

                    def apass(h, accs, nk=nk, g=g):
                        r = rbase + h
                        wv = wbuf[h, :]
                        ws = [_bcast(wv, g * KG + kk) for kk in range(nk)]
                        new = list(accs)
                        for j in range(NCH):
                            fv = rows[r, pl.ds(LANES * j, LANES)]
                            for kk in range(nk):
                                new[j * nk + kk] = new[j * nk + kk] + ws[kk] * fv
                        return tuple(new)

                    accs = plsc.parallel_loop(
                        0, H, 1, carry=(zero,) * (NCH * nk))(apass)
                    for j in range(NCH):
                        for kk in range(nk):
                            col = (g * KG + kk) * CIN + LANES * j
                            ostage[qi, pl.ds(col, LANES)] = accs[j * nk + kk]
                return 0

            @pl.when(bi >= 2)
            def _():
                pltpu.make_async_copy(
                    ostage, out.at[pl.ds(qbase + (bi - 2) * B, B), :],
                    osem).wait()
            lax.fori_loop(0, B, per_query, 0)
            pltpu.async_copy(ostage, out.at[pl.ds(qbase + bi * B, B), :], osem)

        fire(0, feats_a, xa, ya, za, ia, sem_a)

        def outer(i2, _):
            bi0 = 2 * i2
            fire(bi0 + 1, feats_b, xb, yb, zb, ib, sem_b)
            wait(bi0, feats_a, xa, ya, za, ia, sem_a)
            compute_batch(bi0, feats_a, xa, ya, za, ia, ostage_a, osem_a)

            @pl.when(bi0 + 2 < NB)
            def _():
                fire(bi0 + 2, feats_a, xa, ya, za, ia, sem_a)

            wait(bi0 + 1, feats_b, xb, yb, zb, ib, sem_b)
            compute_batch(bi0 + 1, feats_b, xb, yb, zb, ib, ostage_b, osem_b)
            return 0

        lax.fori_loop(0, NB // 2, outer, 0)
        pltpu.make_async_copy(
            ostage_a, out.at[pl.ds(qbase + (NB - 2) * B, B), :], osem_a).wait()
        pltpu.make_async_copy(
            ostage_b, out.at[pl.ds(qbase + (NB - 1) * B, B), :], osem_b).wait()

    return sc_kernel


def _tc_matmul(wf, w2, m_pad, kc, kcp, cout):
    bm = 512

    def mm(wf_ref, w2_ref, o_ref):
        acc = jnp.dot(wf_ref[:, :kc], w2_ref[...],
                      preferred_element_type=jnp.float32)
        o_ref[...] = acc * wf_ref[:, kc:kc + 1]

    return pl.pallas_call(
        mm,
        grid=(m_pad // bm,),
        in_specs=[
            pl.BlockSpec((bm, kcp), lambda i: (i, 0)),
            pl.BlockSpec((kc, cout), lambda i: (0, 0)),
        ],
        out_specs=pl.BlockSpec((bm, cout), lambda i: (i, 0)),
        out_shape=jax.ShapeDtypeStruct((m_pad, cout), jnp.float32),
    )(wf, w2)


def kernel(s_feats, q_points, s_points, neighbor_indices, kernel_points, weights):
    N, CIN = s_feats.shape
    M, H = neighbor_indices.shape
    KS = kernel_points.shape[0]
    COUT = weights.shape[2]
    KC = KS * CIN

    qw = -(-M // NW)
    QW = -(-qw // 8) * 8
    M_PAD = NW * QW
    NB = QW // B

    sf = s_feats.astype(jnp.float32)
    sp = s_points.astype(jnp.float32)
    px, py, pz = sp[:, 0], sp[:, 1], sp[:, 2]
    pind = (jnp.sum(sf, axis=1) > 0.0).astype(jnp.float32)

    idx = neighbor_indices.astype(jnp.int32).reshape(M * H)
    idx = jnp.pad(idx, (0, (M_PAD - M) * H)).reshape(NW * NB, B * H)

    qp = jnp.pad(q_points.astype(jnp.float32), ((0, M_PAD - M), (0, 13)))

    kpt = jnp.full((4, LANES), 1e6, jnp.float32)
    kpt = kpt.at[:3, :KS].set(kernel_points.astype(jnp.float32).T)

    sc = _make_sc_kernel(H, KS, CIN, QW, NB, M_PAD)
    wf = sc(sf, px, py, pz, pind, idx, qp, kpt)

    out = _tc_matmul(wf, weights.astype(jnp.float32).reshape(KC, COUT),
                     M_PAD, KC, KC + 128, COUT)
    return out[:M]

# --- scband reference (transcript-rebuilt; emitter-appended) ---
"""Pipeline reference for scband-kpconv-42090679501115 (READ-ONLY COPY).

The authoritative reference and input builder live on the scoring server;
editing this copy changes nothing except your own understanding.
"""

import jax, jax.numpy as jnp
import numpy as np

KERNEL_SIZE = 15
IN_CH = 128
OUT_CH = 128
RADIUS = 2.5
SIGMA = 2.5
INF = 1000000.0
N = 10000
M = 10000
H = 32


def make_kernel_points(radius, num_kpoints, dim=3):
    # Deterministic stand-in for load_kernels(..., fixed='center'):
    # first point at the sphere center, remaining points spread inside the sphere.
    rng = np.random.default_rng(42)
    pts = rng.normal(size=(num_kpoints, dim))
    pts = pts / (np.linalg.norm(pts, axis=1, keepdims=True) + 1e-12)
    r = rng.uniform(0.3, 1.0, size=(num_kpoints, 1)) ** (1.0 / dim)
    pts = pts * r
    pts[0, :] = 0.0
    return (pts * radius).astype(np.float32)


def setup_inputs(seed: int = 0) -> dict:
    key = jax.random.key(seed)
    k1, k2, k3, k4, k5 = jax.random.split(key, 5)
    s_feats = jax.random.normal(k1, (N, IN_CH), dtype=jnp.float32)
    q_points = jax.random.normal(k2, (M, 3), dtype=jnp.float32)
    s_points = jax.random.normal(k3, (N, 3), dtype=jnp.float32)
    neighbor_indices = jax.random.randint(k4, (M, H), 0, N, dtype=jnp.int64)
    # learned weights: kaiming-uniform-like init
    fan_in = KERNEL_SIZE * IN_CH
    bound = np.sqrt(6.0 / fan_in)
    weights = jax.random.uniform(k5, (KERNEL_SIZE, IN_CH, OUT_CH), dtype=jnp.float32, minval=-bound, maxval=bound)
    kernel_points = jnp.asarray(make_kernel_points(RADIUS, KERNEL_SIZE, 3))
    return {
        's_feats': s_feats,
        'q_points': q_points,
        's_points': s_points,
        'neighbor_indices': neighbor_indices,
        'kernel_points': kernel_points,
        'weights': weights,
    }


def reference(s_feats, q_points, s_points, neighbor_indices, kernel_points, weights):
    # pad support points with an 'infinity' shadow point
    s_points_pad = jnp.concatenate([s_points, jnp.zeros_like(s_points[:1, :]) + INF], axis=0)  # (N+1, 3)
    neighbors = jnp.take(s_points_pad, neighbor_indices, axis=0)  # (M, H, 3)
    neighbors = neighbors - q_points[:, None, :]  # (M, H, 3)
    differences = neighbors[:, :, None, :] - kernel_points[None, None, :, :]  # (M, H, K, 3)
    sq_distances = jnp.sum(differences ** 2, axis=3)  # (M, H, K)
    neighbor_weights = jnp.clip(1.0 - jnp.sqrt(sq_distances) / SIGMA, 0.0)  # (M, H, K)
    neighbor_weights = jnp.transpose(neighbor_weights, (0, 2, 1))  # (M, K, H)
    s_feats_pad = jnp.concatenate([s_feats, jnp.zeros_like(s_feats[:1, :])], axis=0)  # (N+1, C_in)
    neighbor_feats = jnp.take(s_feats_pad, neighbor_indices, axis=0)  # (M, H, C_in)
    weighted_feats = jnp.matmul(neighbor_weights, neighbor_feats)  # (M, K, C_in)
    weighted_feats = jnp.transpose(weighted_feats, (1, 0, 2))  # (K, M, C_in)
    kernel_outputs = jnp.matmul(weighted_feats, weights)  # (K, M, C_out)
    output_feats = jnp.sum(kernel_outputs, axis=0)  # (M, C_out)
    neighbor_feats_sum = jnp.sum(neighbor_feats, axis=-1)  # (M, H)
    neighbor_num = jnp.sum((neighbor_feats_sum > 0.0).astype(jnp.int32), axis=-1)  # (M,)
    neighbor_num = jnp.maximum(neighbor_num, jnp.ones_like(neighbor_num))
    output_feats = output_feats / neighbor_num[:, None].astype(output_feats.dtype)
    return output_feats

if __name__ == "__main__":
    import jax
    _d = setup_inputs()
    print(jax.jit(kernel)(*tuple(_d.values())))

</pallas_src>

<mosaic_0001>
#map = affine_map<(d0, d1) -> (0, 0)>
#map1 = affine_map<(d0, d1) -> (0)>
module attributes {stable_mosaic.version = 14 : i64} {
  func.func @sc_kernel(%arg0: i32, %arg1: i32, %arg2: memref<10000x128xf32, #tpu.memory_space<hbm>>, %arg3: memref<10000xf32, #tpu.memory_space<hbm>>, %arg4: memref<10000xf32, #tpu.memory_space<hbm>>, %arg5: memref<10000xf32, #tpu.memory_space<hbm>>, %arg6: memref<10000xf32, #tpu.memory_space<hbm>>, %arg7: memref<2560x128xi32, #tpu.memory_space<hbm>>, %arg8: memref<10240x16xf32, #tpu.memory_space<hbm>>, %arg9: memref<4x16xf32, #tpu.memory_space<hbm>>, %arg10: memref<10240x2048xf32, #tpu.memory_space<hbm>>, %arg11: memref<80x128xi32, #tpu.memory_space<vmem>>, %arg12: memref<320x16xf32, #tpu.memory_space<vmem>>, %arg13: memref<4x16xf32, #tpu.memory_space<vmem>>, %arg14: memref<128x128xf32, #tpu.memory_space<vmem>>, %arg15: memref<128x128xf32, #tpu.memory_space<vmem>>, %arg16: memref<144xf32, #tpu.memory_space<vmem>>, %arg17: memref<144xf32, #tpu.memory_space<vmem>>, %arg18: memref<144xf32, #tpu.memory_space<vmem>>, %arg19: memref<144xf32, #tpu.memory_space<vmem>>, %arg20: memref<144xf32, #tpu.memory_space<vmem>>, %arg21: memref<144xf32, #tpu.memory_space<vmem>>, %arg22: memref<144xf32, #tpu.memory_space<vmem>>, %arg23: memref<144xf32, #tpu.memory_space<vmem>>, %arg24: memref<32x16xf32, #tpu.memory_space<vmem>>, %arg25: memref<4x2048xf32, #tpu.memory_space<vmem>>, %arg26: memref<4x2048xf32, #tpu.memory_space<vmem>>, %arg27: memref<!tpu.dma_semaphore, #tpu.memory_space<semaphore_mem>>, %arg28: memref<!tpu.dma_semaphore, #tpu.memory_space<semaphore_mem>>, %arg29: memref<!tpu.dma_semaphore, #tpu.memory_space<semaphore_mem>>, %arg30: memref<!tpu.dma_semaphore, #tpu.memory_space<semaphore_mem>>) attributes {dimension_semantics = [#tpu.dimension_semantics<core_parallel>, #tpu.dimension_semantics<subcore_parallel>], iteration_bounds = array<i64: 2, 16>, scalar_prefetch = 0 : i64, scratch_operands = 20 : i64, tpu.core_type = #tpu.core_type<sc_vector_subcore>, window_params = [{transform_indices = #map}, {transform_indices = #map1}, {transform_indices = #map1}, {transform_indices = #map1}, {transform_indices = #map1}, {transform_indices = #map}, {transform_indices = #map}, {transform_indices = #map}, {transform_indices = #map}]} {
    %mul3A = arith.constant 2 : i32
    %mul3A_0 = arith.muli %arg1, %mul3A : i32
    %add3A = arith.addi %mul3A_0, %arg0 : i32
    %mul3A_1 = arith.constant 320 : i32
    %mul3A_2 = arith.muli %add3A, %mul3A_1 : i32
    %mul3A_3 = arith.constant 80 : i32
    %mul3A_4 = arith.muli %add3A, %mul3A_3 : i32
    "tpu.region"() ({
      %run_scoped3A = tpu.sem_alloc : memref<!tpu.dma_semaphore, #tpu.memory_space<semaphore_mem>>
      %dma_start3A_74 = arith.constant 0 : i32
      %dma_start3A_75 = tpu.memref_slice %arg7[%mul3A_4, %dma_start3A_74] : memref<2560x128xi32, #tpu.memory_space<hbm>> -> memref<80x128xi32, #tpu.memory_space<hbm>>
      %dma_start3A_76 = arith.constant 0 : i32
      %dma_start3A_77 = tpu.memref_slice %arg7[%mul3A_4, %dma_start3A_76] : memref<2560x128xi32, #tpu.memory_space<hbm>> -> memref<80x128xi32, #tpu.memory_space<hbm>>
      tpu.enqueue_dma source(%dma_start3A_77 : memref<80x128xi32, #tpu.memory_space<hbm>>) target(%arg11 : memref<80x128xi32, #tpu.memory_space<vmem>>) target_semaphore(%run_scoped3A : memref<!tpu.dma_semaphore, #tpu.memory_space<semaphore_mem>>)
      %dma_wait3A_78 = arith.constant 0 : i32
      %dma_wait3A_79 = tpu.memref_slice %arg7[%mul3A_4, %dma_wait3A_78] : memref<2560x128xi32, #tpu.memory_space<hbm>> -> memref<80x128xi32, #tpu.memory_space<hbm>>
      %dma_wait3A_80 = arith.constant 0 : i32
      %dma_wait3A_81 = tpu.memref_slice %arg7[%mul3A_4, %dma_wait3A_80] : memref<2560x128xi32, #tpu.memory_space<hbm>> -> memref<80x128xi32, #tpu.memory_space<hbm>>
      tpu.wait_dma2 semaphore(%run_scoped3A : memref<!tpu.dma_semaphore, #tpu.memory_space<semaphore_mem>>) src(%dma_wait3A_81 : memref<80x128xi32, #tpu.memory_space<hbm>>) dst(%arg11 : memref<80x128xi32, #tpu.memory_space<vmem>>)
      tpu.yield
    }) : () -> ()
    "tpu.region"() ({
      %run_scoped3A = tpu.sem_alloc : memref<!tpu.dma_semaphore, #tpu.memory_space<semaphore_mem>>
      %dma_start3A_74 = arith.constant 0 : i32
      %dma_start3A_75 = tpu.memref_slice %arg8[%mul3A_2, %dma_start3A_74] : memref<10240x16xf32, #tpu.memory_space<hbm>> -> memref<320x16xf32, #tpu.memory_space<hbm>>
      %dma_start3A_76 = arith.constant 0 : i32
      %dma_start3A_77 = tpu.memref_slice %arg8[%mul3A_2, %dma_start3A_76] : memref<10240x16xf32, #tpu.memory_space<hbm>> -> memref<320x16xf32, #tpu.memory_space<hbm>>
      tpu.enqueue_dma source(%dma_start3A_77 : memref<320x16xf32, #tpu.memory_space<hbm>>) target(%arg12 : memref<320x16xf32, #tpu.memory_space<vmem>>) target_semaphore(%run_scoped3A : memref<!tpu.dma_semaphore, #tpu.memory_space<semaphore_mem>>)
      %dma_wait3A_78 = arith.constant 0 : i32
      %dma_wait3A_79 = tpu.memref_slice %arg8[%mul3A_2, %dma_wait3A_78] : memref<10240x16xf32, #tpu.memory_space<hbm>> -> memref<320x16xf32, #tpu.memory_space<hbm>>
      %dma_wait3A_80 = arith.constant 0 : i32
      %dma_wait3A_81 = tpu.memref_slice %arg8[%mul3A_2, %dma_wait3A_80] : memref<10240x16xf32, #tpu.memory_space<hbm>> -> memref<320x16xf32, #tpu.memory_space<hbm>>
      tpu.wait_dma2 semaphore(%run_scoped3A : memref<!tpu.dma_semaphore, #tpu.memory_space<semaphore_mem>>) src(%dma_wait3A_81 : memref<320x16xf32, #tpu.memory_space<hbm>>) dst(%arg12 : memref<320x16xf32, #tpu.memory_space<vmem>>)
      tpu.yield
    }) : () -> ()
    "tpu.region"() ({
      %run_scoped3A = tpu.sem_alloc : memref<!tpu.dma_semaphore, #tpu.memory_space<semaphore_mem>>
      tpu.enqueue_dma source(%arg9 : memref<4x16xf32, #tpu.memory_space<hbm>>) target(%arg13 : memref<4x16xf32, #tpu.memory_space<vmem>>) target_semaphore(%run_scoped3A : memref<!tpu.dma_semaphore, #tpu.memory_space<semaphore_mem>>)
      tpu.wait_dma2 semaphore(%run_scoped3A : memref<!tpu.dma_semaphore, #tpu.memory_space<semaphore_mem>>) src(%arg9 : memref<4x16xf32, #tpu.memory_space<hbm>>) dst(%arg13 : memref<4x16xf32, #tpu.memory_space<vmem>>)
      tpu.yield
    }) : () -> ()
    %get3A = arith.constant 0 : i32
    %get3A_5 = arith.index_cast %get3A : i32 to index
    %get3A_6 = arith.constant 0 : index
    %get3A_7 = tpu.vector_load %arg13[%get3A_5, %get3A_6] {strides = array<i32>} : memref<4x16xf32, #tpu.memory_space<vmem>>, vector<1x16xf32>,
    %get3A_8 = vector.shape_cast %get3A_7 : vector<1x16xf32> to vector<16xf32>
    %get3A_9 = arith.constant 1 : i32
    %get3A_10 = arith.index_cast %get3A_9 : i32 to index
    %get3A_11 = arith.constant 0 : index
    %get3A_12 = tpu.vector_load %arg13[%get3A_10, %get3A_11] {strides = array<i32>} : memref<4x16xf32, #tpu.memory_space<vmem>>, vector<1x16xf32>,
    %get3A_13 = vector.shape_cast %get3A_12 : vector<1x16xf32> to vector<16xf32>
    %get3A_14 = arith.constant 2 : i32
    %get3A_15 = arith.index_cast %get3A_14 : i32 to index
    %get3A_16 = arith.constant 0 : index
    %get3A_17 = tpu.vector_load %arg13[%get3A_15, %get3A_16] {strides = array<i32>} : memref<4x16xf32, #tpu.memory_space<vmem>>, vector<1x16xf32>,
    %get3A_18 = vector.shape_cast %get3A_17 : vector<1x16xf32> to vector<16xf32>
    %dma_start3A = arith.constant 0 : i32
    %dma_start3A_19 = arith.constant 0 : i32
    %dma_start3A_20 = tpu.memref_slice %arg11[%dma_start3A, %dma_start3A_19] : memref<80x128xi32, #tpu.memory_space<vmem>> -> memref<1x128xi32, #tpu.memory_space<vmem>>
    %dma_start3A_21 = tpu.memref_squeeze %dma_start3A_20 : memref<1x128xi32, #tpu.memory_space<vmem>> -> memref<128xi32, #tpu.memory_space<vmem>>
    %dma_start3A_22 = arith.constant 0 : i32
    %dma_start3A_23 = arith.constant 0 : i32
    %dma_start3A_24 = tpu.memref_slice %arg2[%dma_start3A_22, %dma_start3A_23] : memref<10000x128xf32, #tpu.memory_space<hbm>> -> memref<10000x128xf32, #tpu.memory_space<hbm>>
    tpu.enqueue_indirect_dma source(%dma_start3A_24 : memref<10000x128xf32, #tpu.memory_space<hbm>>) target(%arg14 : memref<128x128xf32, #tpu.memory_space<vmem>>) offsets(%dma_start3A_21 : memref<128xi32, #tpu.memory_space<vmem>>) semaphore(%arg27 : memref<!tpu.dma_semaphore, #tpu.memory_space<semaphore_mem>>)
    %dma_start3A_25 = arith.constant 0 : i32
    %dma_start3A_26 = arith.constant 0 : i32
    %dma_start3A_27 = tpu.memref_slice %arg16[%dma_start3A_26] : memref<144xf32, #tpu.memory_space<vmem>> -> memref<128xf32, #tpu.memory_space<vmem>>
    %dma_start3A_28 = arith.constant 0 : i32
    %dma_start3A_29 = tpu.memref_slice %arg11[%dma_start3A_25, %dma_start3A_28] : memref<80x128xi32, #tpu.memory_space<vmem>> -> memref<1x128xi32, #tpu.memory_space<vmem>>
    %dma_start3A_30 = tpu.memref_squeeze %dma_start3A_29 : memref<1x128xi32, #tpu.memory_space<vmem>> -> memref<128xi32, #tpu.memory_space<vmem>>
    %dma_start3A_31 = arith.constant 0 : i32
    %dma_start3A_32 = tpu.memref_slice %arg3[%dma_start3A_31] : memref<10000xf32, #tpu.memory_space<hbm>> -> memref<10000xf32, #tpu.memory_space<hbm>>
    tpu.enqueue_indirect_dma source(%dma_start3A_32 : memref<10000xf32, #tpu.memory_space<hbm>>) target(%dma_start3A_27 : memref<128xf32, #tpu.memory_space<vmem>>) offsets(%dma_start3A_30 : memref<128xi32, #tpu.memory_space<vmem>>) semaphore(%arg27 : memref<!tpu.dma_semaphore, #tpu.memory_space<semaphore_mem>>)
    %dma_start3A_33 = arith.constant 0 : i32
    %dma_start3A_34 = arith.constant 0 : i32
    %dma_start3A_35 = tpu.memref_slice %arg17[%dma_start3A_34] : memref<144xf32, #tpu.memory_space<vmem>> -> memref<128xf32, #tpu.memory_space<vmem>>
    %dma_start3A_36 = arith.constant 0 : i32
    %dma_start3A_37 = tpu.memref_slice %arg11[%dma_start3A_33, %dma_start3A_36] : memref<80x128xi32, #tpu.memory_space<vmem>> -> memref<1x128xi32, #tpu.memory_space<vmem>>
    %dma_start3A_38 = tpu.memref_squeeze %dma_start3A_37 : memref<1x128xi32, #tpu.memory_space<vmem>> -> memref<128xi32, #tpu.memory_space<vmem>>
    %dma_start3A_39 = arith.constant 0 : i32
    %dma_start3A_40 = tpu.memref_slice %arg4[%dma_start3A_39] : memref<10000xf32, #tpu.memory_space<hbm>> -> memref<10000xf32, #tpu.memory_space<hbm>>
    tpu.enqueue_indirect_dma source(%dma_start3A_40 : memref<10000xf32, #tpu.memory_space<hbm>>) target(%dma_start3A_35 : memref<128xf32, #tpu.memory_space<vmem>>) offsets(%dma_start3A_38 : memref<128xi32, #tpu.memory_space<vmem>>) semaphore(%arg27 : memref<!tpu.dma_semaphore, #tpu.memory_space<semaphore_mem>>)
    %dma_start3A_41 = arith.constant 0 : i32
    %dma_start3A_42 = arith.constant 0 : i32
    %dma_start3A_43 = tpu.memref_slice %arg18[%dma_start3A_42] : memref<144xf32, #tpu.memory_space<vmem>> -> memref<128xf32, #tpu.memory_space<vmem>>
    %dma_start3A_44 = arith.constant 0 : i32
    %dma_start3A_45 = tpu.memref_slice %arg11[%dma_start3A_41, %dma_start3A_44] : memref<80x128xi32, #tpu.memory_space<vmem>> -> memref<1x128xi32, #tpu.memory_space<vmem>>
    %dma_start3A_46 = tpu.memref_squeeze %dma_start3A_45 : memref<1x128xi32, #tpu.memory_space<vmem>> -> memref<128xi32, #tpu.memory_space<vmem>>
    %dma_start3A_47 = arith.constant 0 : i32
    %dma_start3A_48 = tpu.memref_slice %arg5[%dma_start3A_47] : memref<10000xf32, #tpu.memory_space<hbm>> -> memref<10000xf32, #tpu.memory_space<hbm>>
    tpu.enqueue_indirect_dma source(%dma_start3A_48 : memref<10000xf32, #tpu.memory_space<hbm>>) target(%dma_start3A_43 : memref<128xf32, #tpu.memory_space<vmem>>) offsets(%dma_start3A_46 : memref<128xi32, #tpu.memory_space<vmem>>) semaphore(%arg27 : memref<!tpu.dma_semaphore, #tpu.memory_space<semaphore_mem>>)
    %dma_start3A_49 = arith.constant 0 : i32
    %dma_start3A_50 = arith.constant 0 : i32
    %dma_start3A_51 = tpu.memref_slice %arg22[%dma_start3A_50] : memref<144xf32, #tpu.memory_space<vmem>> -> memref<128xf32, #tpu.memory_space<vmem>>
    %dma_start3A_52 = arith.constant 0 : i32
    %dma_start3A_53 = tpu.memref_slice %arg11[%dma_start3A_49, %dma_start3A_52] : memref<80x128xi32, #tpu.memory_space<vmem>> -> memref<1x128xi32, #tpu.memory_space<vmem>>
    %dma_start3A_54 = tpu.memref_squeeze %dma_start3A_53 : memref<1x128xi32, #tpu.memory_space<vmem>> -> memref<128xi32, #tpu.memory_space<vmem>>
    %dma_start3A_55 = arith.constant 0 : i32
    %dma_start3A_56 = tpu.memref_slice %arg6[%dma_start3A_55] : memref<10000xf32, #tpu.memory_space<hbm>> -> memref<10000xf32, #tpu.memory_space<hbm>>
    tpu.enqueue_indirect_dma source(%dma_start3A_56 : memref<10000xf32, #tpu.memory_space<hbm>>) target(%dma_start3A_51 : memref<128xf32, #tpu.memory_space<vmem>>) offsets(%dma_start3A_54 : memref<128xi32, #tpu.memory_space<vmem>>) semaphore(%arg27 : memref<!tpu.dma_semaphore, #tpu.memory_space<semaphore_mem>>)
    %scan3A = arith.constant 0 : i32
    %scan3A_57 = arith.constant 0 : i32
    %scan3A_58 = arith.constant 40 : i32
    %scan3A_59 = arith.addi %scan3A_57, %scan3A_58 : i32
    %scan3A_60 = arith.constant 1 : i32
    %scan3A_61 = scf.for %scan3A_74 = %scan3A_57 to %scan3A_59 step %scan3A_60 iter_args(%scan3A_75 = %scan3A) -> (i32)  : i32 {
      %mul3A_76 = arith.constant 2 : i32
      %mul3A_77 = arith.muli %mul3A_76, %scan3A_74 : i32
      %add3A_78 = arith.constant 1 : i32
      %add3A_79 = arith.addi %mul3A_77, %add3A_78 : i32
      %dma_start3A_80 = arith.constant 0 : i32
      %dma_start3A_81 = tpu.memref_slice %arg11[%add3A_79, %dma_start3A_80] : memref<80x128xi32, #tpu.memory_space<vmem>> -> memref<1x128xi32, #tpu.memory_space<vmem>>
      %dma_start3A_82 = tpu.memref_squeeze %dma_start3A_81 : memref<1x128xi32, #tpu.memory_space<vmem>> -> memref<128xi32, #tpu.memory_space<vmem>>
      %dma_start3A_83 = arith.constant 0 : i32
      %dma_start3A_84 = arith.constant 0 : i32
      %dma_start3A_85 = tpu.memref_slice %arg2[%dma_start3A_83, %dma_start3A_84] : memref<10000x128xf32, #tpu.memory_space<hbm>> -> memref<10000x128xf32, #tpu.memory_space<hbm>>
      tpu.enqueue_indirect_dma source(%dma_start3A_85 : memref<10000x128xf32, #tpu.memory_space<hbm>>) target(%arg15 : memref<128x128xf32, #tpu.memory_space<vmem>>) offsets(%dma_start3A_82 : memref<128xi32, #tpu.memory_space<vmem>>) semaphore(%arg28 : memref<!tpu.dma_semaphore, #tpu.memory_space<semaphore_mem>>)
      %dma_start3A_86 = arith.constant 0 : i32
      %dma_start3A_87 = tpu.memref_slice %arg19[%dma_start3A_86] : memref<144xf32, #tpu.memory_space<vmem>> -> memref<128xf32, #tpu.memory_space<vmem>>
      %dma_start3A_88 = arith.constant 0 : i32
      %dma_start3A_89 = tpu.memref_slice %arg11[%add3A_79, %dma_start3A_88] : memref<80x128xi32, #tpu.memory_space<vmem>> -> memref<1x128xi32, #tpu.memory_space<vmem>>
      %dma_start3A_90 = tpu.memref_squeeze %dma_start3A_89 : memref<1x128xi32, #tpu.memory_space<vmem>> -> memref<128xi32, #tpu.memory_space<vmem>>
      %dma_start3A_91 = arith.constant 0 : i32
      %dma_start3A_92 = tpu.memref_slice %arg3[%dma_start3A_91] : memref<10000xf32, #tpu.memory_space<hbm>> -> memref<10000xf32, #tpu.memory_space<hbm>>
      tpu.enqueue_indirect_dma source(%dma_start3A_92 : memref<10000xf32, #tpu.memory_space<hbm>>) target(%dma_start3A_87 : memref<128xf32, #tpu.memory_space<vmem>>) offsets(%dma_start3A_90 : memref<128xi32, #tpu.memory_space<vmem>>) semaphore(%arg28 : memref<!tpu.dma_semaphore, #tpu.memory_space<semaphore_mem>>)
      %dma_start3A_93 = arith.constant 0 : i32
      %dma_start3A_94 = tpu.memref_slice %arg20[%dma_start3A_93] : memref<144xf32, #tpu.memory_space<vmem>> -> memref<128xf32, #tpu.memory_space<vmem>>
      %dma_start3A_95 = arith.constant 0 : i32
      %dma_start3A_96 = tpu.memref_slice %arg11[%add3A_79, %dma_start3A_95] : memref<80x128xi32, #tpu.memory_space<vmem>> -> memref<1x128xi32, #tpu.memory_space<vmem>>
      %dma_start3A_97 = tpu.memref_squeeze %dma_start3A_96 : memref<1x128xi32, #tpu.memory_space<vmem>> -> memref<128xi32, #tpu.memory_space<vmem>>
      %dma_start3A_98 = arith.constant 0 : i32
      %dma_start3A_99 = tpu.memref_slice %arg4[%dma_start3A_98] : memref<10000xf32, #tpu.memory_space<hbm>> -> memref<10000xf32, #tpu.memory_space<hbm>>
      tpu.enqueue_indirect_dma source(%dma_start3A_99 : memref<10000xf32, #tpu.memory_space<hbm>>) target(%dma_start3A_94 : memref<128xf32, #tpu.memory_space<vmem>>) offsets(%dma_start3A_97 : memref<128xi32, #tpu.memory_space<vmem>>) semaphore(%arg28 : memref<!tpu.dma_semaphore, #tpu.memory_space<semaphore_mem>>)
      %dma_start3A_100 = arith.constant 0 : i32
      %dma_start3A_101 = tpu.memref_slice %arg21[%dma_start3A_100] : memref<144xf32, #tpu.memory_space<vmem>> -> memref<128xf32, #tpu.memory_space<vmem>>
      %dma_start3A_102 = arith.constant 0 : i32
      %dma_start3A_103 = tpu.memref_slice %arg11[%add3A_79, %dma_start3A_102] : memref<80x128xi32, #tpu.memory_space<vmem>> -> memref<1x128xi32, #tpu.memory_space<vmem>>
      %dma_start3A_104 = tpu.memref_squeeze %dma_start3A_103 : memref<1x128xi32, #tpu.memory_space<vmem>> -> memref<128xi32, #tpu.memory_space<vmem>>
      %dma_start3A_105 = arith.constant 0 : i32
      %dma_start3A_106 = tpu.memref_slice %arg5[%dma_start3A_105] : memref<10000xf32, #tpu.memory_space<hbm>> -> memref<10000xf32, #tpu.memory_space<hbm>>
      tpu.enqueue_indirect_dma source(%dma_start3A_106 : memref<10000xf32, #tpu.memory_space<hbm>>) target(%dma_start3A_101 : memref<128xf32, #tpu.memory_space<vmem>>) offsets(%dma_start3A_104 : memref<128xi32, #tpu.memory_space<vmem>>) semaphore(%arg28 : memref<!tpu.dma_semaphore, #tpu.memory_space<semaphore_mem>>)
      %dma_start3A_107 = arith.constant 0 : i32
      %dma_start3A_108 = tpu.memref_slice %arg23[%dma_start3A_107] : memref<144xf32, #tpu.memory_space<vmem>> -> memref<128xf32, #tpu.memory_space<vmem>>
      %dma_start3A_109 = arith.constant 0 : i32
      %dma_start3A_110 = tpu.memref_slice %arg11[%add3A_79, %dma_start3A_109] : memref<80x128xi32, #tpu.memory_space<vmem>> -> memref<1x128xi32, #tpu.memory_space<vmem>>
      %dma_start3A_111 = tpu.memref_squeeze %dma_start3A_110 : memref<1x128xi32, #tpu.memory_space<vmem>> -> memref<128xi32, #tpu.memory_space<vmem>>
      %dma_start3A_112 = arith.constant 0 : i32
      %dma_start3A_113 = tpu.memref_slice %arg6[%dma_start3A_112] : memref<10000xf32, #tpu.memory_space<hbm>> -> memref<10000xf32, #tpu.memory_space<hbm>>
      tpu.enqueue_indirect_dma source(%dma_start3A_113 : memref<10000xf32, #tpu.memory_space<hbm>>) target(%dma_start3A_108 : memref<128xf32, #tpu.memory_space<vmem>>) offsets(%dma_start3A_111 : memref<128xi32, #tpu.memory_space<vmem>>) semaphore(%arg28 : memref<!tpu.dma_semaphore, #tpu.memory_space<semaphore_mem>>)
      %dma_wait3A_114 = arith.constant 0 : i32
      %dma_wait3A_115 = tpu.memref_slice %arg11[%mul3A_77, %dma_wait3A_114] : memref<80x128xi32, #tpu.memory_space<vmem>> -> memref<1x128xi32, #tpu.memory_space<vmem>>
      %dma_wait3A_116 = tpu.memref_squeeze %dma_wait3A_115 : memref<1x128xi32, #tpu.memory_space<vmem>> -> memref<128xi32, #tpu.memory_space<vmem>>
      %dma_wait3A_117 = arith.constant 0 : i32
      %dma_wait3A_118 = arith.constant 0 : i32
      %dma_wait3A_119 = tpu.memref_slice %arg2[%dma_wait3A_117, %dma_wait3A_118] : memref<10000x128xf32, #tpu.memory_space<hbm>> -> memref<10000x128xf32, #tpu.memory_space<hbm>>
      tpu.wait_indirect_dma semaphore(%arg27 : memref<!tpu.dma_semaphore, #tpu.memory_space<semaphore_mem>>) src(%dma_wait3A_119 : memref<10000x128xf32, #tpu.memory_space<hbm>>) dst(%arg14 : memref<128x128xf32, #tpu.memory_space<vmem>>)
      %dma_wait3A_120 = arith.constant 0 : i32
      %dma_wait3A_121 = tpu.memref_slice %arg16[%dma_wait3A_120] : memref<144xf32, #tpu.memory_space<vmem>> -> memref<128xf32, #tpu.memory_space<vmem>>
      %dma_wait3A_122 = arith.constant 0 : i32
      %dma_wait3A_123 = tpu.memref_slice %arg11[%mul3A_77, %dma_wait3A_122] : memref<80x128xi32, #tpu.memory_space<vmem>> -> memref<1x128xi32, #tpu.memory_space<vmem>>
      %dma_wait3A_124 = tpu.memref_squeeze %dma_wait3A_123 : memref<1x128xi32, #tpu.memory_space<vmem>> -> memref<128xi32, #tpu.memory_space<vmem>>
      %dma_wait3A_125 = arith.constant 0 : i32
      %dma_wait3A_126 = tpu.memref_slice %arg3[%dma_wait3A_125] : memref<10000xf32, #tpu.memory_space<hbm>> -> memref<10000xf32, #tpu.memory_space<hbm>>
      tpu.wait_indirect_dma semaphore(%arg27 : memref<!tpu.dma_semaphore, #tpu.memory_space<semaphore_mem>>) src(%dma_wait3A_126 : memref<10000xf32, #tpu.memory_space<hbm>>) dst(%dma_wait3A_121 : memref<128xf32, #tpu.memory_space<vmem>>)
      %dma_wait3A_127 = arith.constant 0 : i32
      %dma_wait3A_128 = tpu.memref_slice %arg17[%dma_wait3A_127] : memref<144xf32, #tpu.memory_space<vmem>> -> memref<128xf32, #tpu.memory_space<vmem>>
      %dma_wait3A_129 = arith.constant 0 : i32
      %dma_wait3A_130 = tpu.memref_slice %arg11[%mul3A_77, %dma_wait3A_129] : memref<80x128xi32, #tpu.memory_space<vmem>> -> memref<1x128xi32, #tpu.memory_space<vmem>>
      %dma_wait3A_131 = tpu.memref_squeeze %dma_wait3A_130 : memref<1x128xi32, #tpu.memory_space<vmem>> -> memref<128xi32, #tpu.memory_space<vmem>>
      %dma_wait3A_132 = arith.constant 0 : i32
      %dma_wait3A_133 = tpu.memref_slice %arg4[%dma_wait3A_132] : memref<10000xf32, #tpu.memory_space<hbm>> -> memref<10000xf32, #tpu.memory_space<hbm>>
      tpu.wait_indirect_dma semaphore(%arg27 : memref<!tpu.dma_semaphore, #tpu.memory_space<semaphore_mem>>) src(%dma_wait3A_133 : memref<10000xf32, #tpu.memory_space<hbm>>) dst(%dma_wait3A_128 : memref<128xf32, #tpu.memory_space<vmem>>)
      %dma_wait3A_134 = arith.constant 0 : i32
      %dma_wait3A_135 = tpu.memref_slice %arg18[%dma_wait3A_134] : memref<144xf32, #tpu.memory_space<vmem>> -> memref<128xf32, #tpu.memory_space<vmem>>
      %dma_wait3A_136 = arith.constant 0 : i32
      %dma_wait3A_137 = tpu.memref_slice %arg11[%mul3A_77, %dma_wait3A_136] : memref<80x128xi32, #tpu.memory_space<vmem>> -> memref<1x128xi32, #tpu.memory_space<vmem>>
      %dma_wait3A_138 = tpu.memref_squeeze %dma_wait3A_137 : memref<1x128xi32, #tpu.memory_space<vmem>> -> memref<128xi32, #tpu.memory_space<vmem>>
      %dma_wait3A_139 = arith.constant 0 : i32
      %dma_wait3A_140 = tpu.memref_slice %arg5[%dma_wait3A_139] : memref<10000xf32, #tpu.memory_space<hbm>> -> memref<10000xf32, #tpu.memory_space<hbm>>
      tpu.wait_indirect_dma semaphore(%arg27 : memref<!tpu.dma_semaphore, #tpu.memory_space<semaphore_mem>>) src(%dma_wait3A_140 : memref<10000xf32, #tpu.memory_space<hbm>>) dst(%dma_wait3A_135 : memref<128xf32, #tpu.memory_space<vmem>>)
      %dma_wait3A_141 = arith.constant 0 : i32
      %dma_wait3A_142 = tpu.memref_slice %arg22[%dma_wait3A_141] : memref<144xf32, #tpu.memory_space<vmem>> -> memref<128xf32, #tpu.memory_space<vmem>>
      %dma_wait3A_143 = arith.constant 0 : i32
      %dma_wait3A_144 = tpu.memref_slice %arg11[%mul3A_77, %dma_wait3A_143] : memref<80x128xi32, #tpu.memory_space<vmem>> -> memref<1x128xi32, #tpu.memory_space<vmem>>
      %dma_wait3A_145 = tpu.memref_squeeze %dma_wait3A_144 : memref<1x128xi32, #tpu.memory_space<vmem>> -> memref<128xi32, #tpu.memory_space<vmem>>
      %dma_wait3A_146 = arith.constant 0 : i32
      %dma_wait3A_147 = tpu.memref_slice %arg6[%dma_wait3A_146] : memref<10000xf32, #tpu.memory_space<hbm>> -> memref<10000xf32, #tpu.memory_space<hbm>>
      tpu.wait_indirect_dma semaphore(%arg27 : memref<!tpu.dma_semaphore, #tpu.memory_space<semaphore_mem>>) src(%dma_wait3A_147 : memref<10000xf32, #tpu.memory_space<hbm>>) dst(%dma_wait3A_142 : memref<128xf32, #tpu.memory_space<vmem>>)
      %ge3A = arith.constant 2 : i32
      %ge3A_148 = arith.cmpi sge, %mul3A_77, %ge3A : i32
      %convert_element_type3A = arith.extui %ge3A_148 : i1 to i32
      %cond3A = arith.constant 0 : i32
      %cond3A_149 = arith.cmpi ne, %convert_element_type3A, %cond3A : i32
      scf.if %cond3A_149 {
        %sub3A = arith.constant 2 : i32
        %sub3A_228 = arith.subi %mul3A_77, %sub3A : i32
        %mul3A_229 = arith.constant 4 : i32
        %mul3A_230 = arith.muli %sub3A_228, %mul3A_229 : i32
        %add3A_231 = arith.addi %mul3A_2, %mul3A_230 : i32
        %dma_wait3A_232 = arith.constant 0 : i32
        %dma_wait3A_233 = tpu.memref_slice %arg10[%add3A_231, %dma_wait3A_232] : memref<10240x2048xf32, #tpu.memory_space<hbm>> -> memref<4x2048xf32, #tpu.memory_space<hbm>>
        %dma_wait3A_234 = arith.constant 0 : i32
        %dma_wait3A_235 = tpu.memref_slice %arg10[%add3A_231, %dma_wait3A_234] : memref<10240x2048xf32, #tpu.memory_space<hbm>> -> memref<4x2048xf32, #tpu.memory_space<hbm>>
        tpu.wait_dma2 semaphore(%arg29 : memref<!tpu.dma_semaphore, #tpu.memory_space<semaphore_mem>>) src(%arg25 : memref<4x2048xf32, #tpu.memory_space<vmem>>) dst(%dma_wait3A_235 : memref<4x2048xf32, #tpu.memory_space<hbm>>)
      } else {
      }
      %scan3A_150 = arith.constant 0 : i32
      %scan3A_151 = arith.constant 0 : i32
      %scan3A_152 = arith.constant 4 : i32
      %scan3A_153 = arith.addi %scan3A_151, %scan3A_152 : i32
      %scan3A_154 = arith.constant 1 : i32
      %scan3A_155 = scf.for %scan3A_228 = %scan3A_151 to %scan3A_153 step %scan3A_154 iter_args(%scan3A_229 = %scan3A_150) -> (i32)  : i32 {
        %mul3A_230 = arith.constant 4 : i32
        %mul3A_231 = arith.muli %mul3A_77, %mul3A_230 : i32
        %add3A_232 = arith.addi %mul3A_231, %scan3A_228 : i32
        %get3A_233 = arith.index_cast %add3A_232 : i32 to index
        %get3A_234 = arith.constant 0 : index
        %get3A_235 = tpu.vector_load %arg12[%get3A_233, %get3A_234] {strides = array<i32>} : memref<320x16xf32, #tpu.memory_space<vmem>>, vector<1x16xf32>,
        %get3A_236 = vector.shape_cast %get3A_235 : vector<1x16xf32> to vector<16xf32>
        %broadcast_in_dim3A = arith.constant 0 : i32
        %broadcast_in_dim3A_237 = vector.broadcast %broadcast_in_dim3A : i32 to vector<16xi32>
        %add3A_238 = arith.constant 0 : i32
        %add3A_239 = vector.broadcast %add3A_238 : i32 to vector<16xi32>
        %add3A_240 = arith.addi %broadcast_in_dim3A_237, %add3A_239 : vector<16xi32>
        %broadcast_in_dim3A_241 = vector.shape_cast %add3A_240 : vector<16xi32> to vector<16x1xi32>
        %gather3A = vector.shape_cast %broadcast_in_dim3A_241 : vector<16x1xi32> to vector<16xi32>
        %gather3A_242 = tpu.dynamic_gather %get3A_236[%gather3A] in [0] : vector<16xf32>, vector<16xi32> -> vector<16xf32>
        %add3A_243 = arith.addf %get3A_8, %gather3A_242 : vector<16xf32>
        %broadcast_in_dim3A_244 = arith.constant 0 : i32
        %broadcast_in_dim3A_245 = vector.broadcast %broadcast_in_dim3A_244 : i32 to vector<16xi32>
        %add3A_246 = arith.constant 1 : i32
        %add3A_247 = vector.broadcast %add3A_246 : i32 to vector<16xi32>
        %add3A_248 = arith.addi %broadcast_in_dim3A_245, %add3A_247 : vector<16xi32>
        %broadcast_in_dim3A_249 = vector.shape_cast %add3A_248 : vector<16xi32> to vector<16x1xi32>
        %gather3A_250 = vector.shape_cast %broadcast_in_dim3A_249 : vector<16x1xi32> to vector<16xi32>
        %gather3A_251 = tpu.dynamic_gather %get3A_236[%gather3A_250] in [0] : vector<16xf32>, vector<16xi32> -> vector<16xf32>
        %add3A_252 = arith.addf %get3A_13, %gather3A_251 : vector<16xf32>
        %broadcast_in_dim3A_253 = arith.constant 0 : i32
        %broadcast_in_dim3A_254 = vector.broadcast %broadcast_in_dim3A_253 : i32 to vector<16xi32>
        %add3A_255 = arith.constant 2 : i32
        %add3A_256 = vector.broadcast %add3A_255 : i32 to vector<16xi32>
        %add3A_257 = arith.addi %broadcast_in_dim3A_254, %add3A_256 : vector<16xi32>
        %broadcast_in_dim3A_258 = vector.shape_cast %add3A_257 : vector<16xi32> to vector<16x1xi32>
        %gather3A_259 = vector.shape_cast %broadcast_in_dim3A_258 : vector<16x1xi32> to vector<16xi32>
        %gather3A_260 = tpu.dynamic_gather %get3A_236[%gather3A_259] in [0] : vector<16xf32>, vector<16xi32> -> vector<16xf32>
        %add3A_261 = arith.addf %get3A_18, %gather3A_260 : vector<16xf32>
        %mul3A_262 = arith.constant 32 : i32
        %mul3A_263 = arith.muli %scan3A_228, %mul3A_262 : i32
        %broadcast_in_dim3A_264 = arith.constant 0.000000e+00 : f32
        %broadcast_in_dim3A_265 = vector.broadcast %broadcast_in_dim3A_264 : f32 to vector<16xf32>
        %parallel_loop3A = arith.constant 0 : i32
        %parallel_loop3A_266 = arith.constant 32 : i32
        %parallel_loop3A_267 = arith.constant 2 : i32
        %parallel_loop3A_268 = arith.constant 0 : i32
        %parallel_loop3A_269 = scf.for %parallel_loop3A_973 = %parallel_loop3A to %parallel_loop3A_266 step %parallel_loop3A_267 iter_args(%parallel_loop3A_974 = %parallel_loop3A_268) -> (i32)  : i32 {
          %parallel_loop3A_975 = arith.constant 1 : i32
          %parallel_loop3A_976 = arith.addi %parallel_loop3A_973, %parallel_loop3A_975 : i32
          %parallel_loop3A_977 = arith.addi %mul3A_263, %parallel_loop3A_973 : i32
          %parallel_loop3A_978 = arith.index_cast %parallel_loop3A_977 : i32 to index
          %parallel_loop3A_979 = tpu.vector_load %arg16[%parallel_loop3A_978] {strides = array<i32>} : memref<144xf32, #tpu.memory_space<vmem>>, vector<16xf32>,
          %parallel_loop3A_980 = vector.shape_cast %parallel_loop3A_979 : vector<16xf32> to vector<16xf32>
          %parallel_loop3A_981 = arith.constant 0 : i32
          %parallel_loop3A_982 = vector.broadcast %parallel_loop3A_981 : i32 to vector<16xi32>
          %parallel_loop3A_983 = arith.constant 0 : i32
          %parallel_loop3A_984 = vector.broadcast %parallel_loop3A_983 : i32 to vector<16xi32>
          %parallel_loop3A_985 = arith.addi %parallel_loop3A_982, %parallel_loop3A_984 : vector<16xi32>
          %parallel_loop3A_986 = vector.shape_cast %parallel_loop3A_985 : vector<16xi32> to vector<16x1xi32>
          %parallel_loop3A_987 = vector.shape_cast %parallel_loop3A_986 : vector<16x1xi32> to vector<16xi32>
          %parallel_loop3A_988 = tpu.dynamic_gather %parallel_loop3A_980[%parallel_loop3A_987] in [0] : vector<16xf32>, vector<16xi32> -> vector<16xf32>
          %parallel_loop3A_989 = arith.subf %parallel_loop3A_988, %add3A_243 : vector<16xf32>
          %parallel_loop3A_990 = arith.index_cast %parallel_loop3A_977 : i32 to index
          %parallel_loop3A_991 = tpu.vector_load %arg17[%parallel_loop3A_990] {strides = array<i32>} : memref<144xf32, #tpu.memory_space<vmem>>, vector<16xf32>,
          %parallel_loop3A_992 = vector.shape_cast %parallel_loop3A_991 : vector<16xf32> to vector<16xf32>
          %parallel_loop3A_993 = arith.constant 0 : i32
          %parallel_loop3A_994 = vector.broadcast %parallel_loop3A_993 : i32 to vector<16xi32>
          %parallel_loop3A_995 = arith.constant 0 : i32
          %parallel_loop3A_996 = vector.broadcast %parallel_loop3A_995 : i32 to vector<16xi32>
          %parallel_loop3A_997 = arith.addi %parallel_loop3A_994, %parallel_loop3A_996 : vector<16xi32>
          %parallel_loop3A_998 = vector.shape_cast %parallel_loop3A_997 : vector<16xi32> to vector<16x1xi32>
          %parallel_loop3A_999 = vector.shape_cast %parallel_loop3A_998 : vector<16x1xi32> to vector<16xi32>
          %parallel_loop3A_1000 = tpu.dynamic_gather %parallel_loop3A_992[%parallel_loop3A_999] in [0] : vector<16xf32>, vector<16xi32> -> vector<16xf32>
          %parallel_loop3A_1001 = arith.subf %parallel_loop3A_1000, %add3A_252 : vector<16xf32>
          %parallel_loop3A_1002 = arith.index_cast %parallel_loop3A_977 : i32 to index
          %parallel_loop3A_1003 = tpu.vector_load %arg18[%parallel_loop3A_1002] {strides = array<i32>} : memref<144xf32, #tpu.memory_space<vmem>>, vector<16xf32>,
          %parallel_loop3A_1004 = vector.shape_cast %parallel_loop3A_1003 : vector<16xf32> to vector<16xf32>
          %parallel_loop3A_1005 = arith.constant 0 : i32
          %parallel_loop3A_1006 = vector.broadcast %parallel_loop3A_1005 : i32 to vector<16xi32>
          %parallel_loop3A_1007 = arith.constant 0 : i32
          %parallel_loop3A_1008 = vector.broadcast %parallel_loop3A_1007 : i32 to vector<16xi32>
          %parallel_loop3A_1009 = arith.addi %parallel_loop3A_1006, %parallel_loop3A_1008 : vector<16xi32>
          %parallel_loop3A_1010 = vector.shape_cast %parallel_loop3A_1009 : vector<16xi32> to vector<16x1xi32>
          %parallel_loop3A_1011 = vector.shape_cast %parallel_loop3A_1010 : vector<16x1xi32> to vector<16xi32>
          %parallel_loop3A_1012 = tpu.dynamic_gather %parallel_loop3A_1004[%parallel_loop3A_1011] in [0] : vector<16xf32>, vector<16xi32> -> vector<16xf32>
          %parallel_loop3A_1013 = arith.subf %parallel_loop3A_1012, %add3A_261 : vector<16xf32>
          %parallel_loop3A_1014 = arith.mulf %parallel_loop3A_989, %parallel_loop3A_989 : vector<16xf32>
          %parallel_loop3A_1015 = arith.mulf %parallel_loop3A_1001, %parallel_loop3A_1001 : vector<16xf32>
          %parallel_loop3A_1016 = arith.addf %parallel_loop3A_1014, %parallel_loop3A_1015 : vector<16xf32>
          %parallel_loop3A_1017 = arith.mulf %parallel_loop3A_1013, %parallel_loop3A_1013 : vector<16xf32>
          %parallel_loop3A_1018 = arith.addf %parallel_loop3A_1016, %parallel_loop3A_1017 : vector<16xf32>
          %parallel_loop3A_1019 = arith.constant 9.99999996E-13 : f32
          %parallel_loop3A_1020 = vector.broadcast %parallel_loop3A_1019 : f32 to vector<16xf32>
          %parallel_loop3A_1021 = arith.maximumf %parallel_loop3A_1018, %parallel_loop3A_1020 : vector<16xf32>
          %parallel_loop3A_1022 = tpu.bitcast %parallel_loop3A_1021 : vector<16xf32> -> vector<16xi32>
          %parallel_loop3A_1023 = arith.constant 1 : i32
          %parallel_loop3A_1024 = vector.broadcast %parallel_loop3A_1023 : i32 to vector<16xi32>
          %parallel_loop3A_1025 = arith.shrui %parallel_loop3A_1022, %parallel_loop3A_1024 : vector<16xi32>
          %parallel_loop3A_1026 = arith.constant 1597463007 : i32
          %parallel_loop3A_1027 = vector.broadcast %parallel_loop3A_1026 : i32 to vector<16xi32>
          %parallel_loop3A_1028 = arith.subi %parallel_loop3A_1027, %parallel_loop3A_1025 : vector<16xi32>
          %parallel_loop3A_1029 = tpu.bitcast %parallel_loop3A_1028 : vector<16xi32> -> vector<16xf32>
          %parallel_loop3A_1030 = arith.constant 5.000000e-01 : f32
          %parallel_loop3A_1031 = vector.broadcast %parallel_loop3A_1030 : f32 to vector<16xf32>
          %parallel_loop3A_1032 = arith.mulf %parallel_loop3A_1031, %parallel_loop3A_1021 : vector<16xf32>
          %parallel_loop3A_1033 = arith.mulf %parallel_loop3A_1032, %parallel_loop3A_1029 : vector<16xf32>
          %parallel_loop3A_1034 = arith.mulf %parallel_loop3A_1033, %parallel_loop3A_1029 : vector<16xf32>
          %parallel_loop3A_1035 = arith.constant 1.500000e+00 : f32
          %parallel_loop3A_1036 = vector.broadcast %parallel_loop3A_1035 : f32 to vector<16xf32>
          %parallel_loop3A_1037 = arith.subf %parallel_loop3A_1036, %parallel_loop3A_1034 : vector<16xf32>
          %parallel_loop3A_1038 = arith.mulf %parallel_loop3A_1029, %parallel_loop3A_1037 : vector<16xf32>
          %parallel_loop3A_1039 = arith.constant 5.000000e-01 : f32
          %parallel_loop3A_1040 = vector.broadcast %parallel_loop3A_1039 : f32 to vector<16xf32>
          %parallel_loop3A_1041 = arith.mulf %parallel_loop3A_1040, %parallel_loop3A_1021 : vector<16xf32>
          %parallel_loop3A_1042 = arith.mulf %parallel_loop3A_1041, %parallel_loop3A_1038 : vector<16xf32>
          %parallel_loop3A_1043 = arith.mulf %parallel_loop3A_1042, %parallel_loop3A_1038 : vector<16xf32>
          %parallel_loop3A_1044 = arith.constant 1.500000e+00 : f32
          %parallel_loop3A_1045 = vector.broadcast %parallel_loop3A_1044 : f32 to vector<16xf32>
          %parallel_loop3A_1046 = arith.subf %parallel_loop3A_1045, %parallel_loop3A_1043 : vector<16xf32>
          %parallel_loop3A_1047 = arith.mulf %parallel_loop3A_1038, %parallel_loop3A_1046 : vector<16xf32>
          %parallel_loop3A_1048 = arith.mulf %parallel_loop3A_1021, %parallel_loop3A_1047 : vector<16xf32>
          %parallel_loop3A_1049 = arith.constant 4.000000e-01 : f32
          %parallel_loop3A_1050 = vector.broadcast %parallel_loop3A_1049 : f32 to vector<16xf32>
          %parallel_loop3A_1051 = arith.mulf %parallel_loop3A_1048, %parallel_loop3A_1050 : vector<16xf32>
          %parallel_loop3A_1052 = arith.constant 1.000000e+00 : f32
          %parallel_loop3A_1053 = vector.broadcast %parallel_loop3A_1052 : f32 to vector<16xf32>
          %parallel_loop3A_1054 = arith.subf %parallel_loop3A_1053, %parallel_loop3A_1051 : vector<16xf32>
          %parallel_loop3A_1055 = arith.constant 0.000000e+00 : f32
          %parallel_loop3A_1056 = vector.broadcast %parallel_loop3A_1055 : f32 to vector<16xf32>
          %parallel_loop3A_1057 = arith.maximumf %parallel_loop3A_1054, %parallel_loop3A_1056 : vector<16xf32>
          %parallel_loop3A_1058 = arith.index_cast %parallel_loop3A_973 : i32 to index
          %parallel_loop3A_1059 = arith.constant 0 : index
          %parallel_loop3A_1060 = tpu.vector_load %arg24[%parallel_loop3A_1058, %parallel_loop3A_1059] {strides = array<i32>} : memref<32x16xf32, #tpu.memory_space<vmem>>, vector<1x16xf32>,
          %parallel_loop3A_1061 = vector.shape_cast %parallel_loop3A_1060 : vector<1x16xf32> to vector<16xf32>
          %parallel_loop3A_1062 = vector.shape_cast %parallel_loop3A_1057 : vector<16xf32> to vector<1x16xf32>
          tpu.vector_store %arg24[%parallel_loop3A_1058, %parallel_loop3A_1059], %parallel_loop3A_1062 {strides = array<i32>} : memref<32x16xf32, #tpu.memory_space<vmem>>, vector<1x16xf32>,
          %parallel_loop3A_1063 = arith.addi %mul3A_263, %parallel_loop3A_976 : i32
          %parallel_loop3A_1064 = arith.index_cast %parallel_loop3A_1063 : i32 to index
          %parallel_loop3A_1065 = tpu.vector_load %arg16[%parallel_loop3A_1064] {strides = array<i32>} : memref<144xf32, #tpu.memory_space<vmem>>, vector<16xf32>,
          %parallel_loop3A_1066 = vector.shape_cast %parallel_loop3A_1065 : vector<16xf32> to vector<16xf32>
          %parallel_loop3A_1067 = arith.constant 0 : i32
          %parallel_loop3A_1068 = vector.broadcast %parallel_loop3A_1067 : i32 to vector<16xi32>
          %parallel_loop3A_1069 = arith.constant 0 : i32
          %parallel_loop3A_1070 = vector.broadcast %parallel_loop3A_1069 : i32 to vector<16xi32>
          %parallel_loop3A_1071 = arith.addi %parallel_loop3A_1068, %parallel_loop3A_1070 : vector<16xi32>
          %parallel_loop3A_1072 = vector.shape_cast %parallel_loop3A_1071 : vector<16xi32> to vector<16x1xi32>
          %parallel_loop3A_1073 = vector.shape_cast %parallel_loop3A_1072 : vector<16x1xi32> to vector<16xi32>
          %parallel_loop3A_1074 = tpu.dynamic_gather %parallel_loop3A_1066[%parallel_loop3A_1073] in [0] : vector<16xf32>, vector<16xi32> -> vector<16xf32>
          %parallel_loop3A_1075 = arith.subf %parallel_loop3A_1074, %add3A_243 : vector<16xf32>
          %parallel_loop3A_1076 = arith.index_cast %parallel_loop3A_1063 : i32 to index
          %parallel_loop3A_1077 = tpu.vector_load %arg17[%parallel_loop3A_1076] {strides = array<i32>} : memref<144xf32, #tpu.memory_space<vmem>>, vector<16xf32>,
          %parallel_loop3A_1078 = vector.shape_cast %parallel_loop3A_1077 : vector<16xf32> to vector<16xf32>
          %parallel_loop3A_1079 = arith.constant 0 : i32
          %parallel_loop3A_1080 = vector.broadcast %parallel_loop3A_1079 : i32 to vector<16xi32>
          %parallel_loop3A_1081 = arith.constant 0 : i32
          %parallel_loop3A_1082 = vector.broadcast %parallel_loop3A_1081 : i32 to vector<16xi32>
          %parallel_loop3A_1083 = arith.addi %parallel_loop3A_1080, %parallel_loop3A_1082 : vector<16xi32>
          %parallel_loop3A_1084 = vector.shape_cast %parallel_loop3A_1083 : vector<16xi32> to vector<16x1xi32>
          %parallel_loop3A_1085 = vector.shape_cast %parallel_loop3A_1084 : vector<16x1xi32> to vector<16xi32>
          %parallel_loop3A_1086 = tpu.dynamic_gather %parallel_loop3A_1078[%parallel_loop3A_1085] in [0] : vector<16xf32>, vector<16xi32> -> vector<16xf32>
          %parallel_loop3A_1087 = arith.subf %parallel_loop3A_1086, %add3A_252 : vector<16xf32>
          %parallel_loop3A_1088 = arith.index_cast %parallel_loop3A_1063 : i32 to index
          %parallel_loop3A_1089 = tpu.vector_load %arg18[%parallel_loop3A_1088] {strides = array<i32>} : memref<144xf32, #tpu.memory_space<vmem>>, vector<16xf32>,
          %parallel_loop3A_1090 = vector.shape_cast %parallel_loop3A_1089 : vector<16xf32> to vector<16xf32>
          %parallel_loop3A_1091 = arith.constant 0 : i32
          %parallel_loop3A_1092 = vector.broadcast %parallel_loop3A_1091 : i32 to vector<16xi32>
          %parallel_loop3A_1093 = arith.constant 0 : i32
          %parallel_loop3A_1094 = vector.broadcast %parallel_loop3A_1093 : i32 to vector<16xi32>
          %parallel_loop3A_1095 = arith.addi %parallel_loop3A_1092, %parallel_loop3A_1094 : vector<16xi32>
          %parallel_loop3A_1096 = vector.shape_cast %parallel_loop3A_1095 : vector<16xi32> to vector<16x1xi32>
          %parallel_loop3A_1097 = vector.shape_cast %parallel_loop3A_1096 : vector<16x1xi32> to vector<16xi32>
          %parallel_loop3A_1098 = tpu.dynamic_gather %parallel_loop3A_1090[%parallel_loop3A_1097] in [0] : vector<16xf32>, vector<16xi32> -> vector<16xf32>
          %parallel_loop3A_1099 = arith.subf %parallel_loop3A_1098, %add3A_261 : vector<16xf32>
          %parallel_loop3A_1100 = arith.mulf %parallel_loop3A_1075, %parallel_loop3A_1075 : vector<16xf32>
          %parallel_loop3A_1101 = arith.mulf %parallel_loop3A_1087, %parallel_loop3A_1087 : vector<16xf32>
          %parallel_loop3A_1102 = arith.addf %parallel_loop3A_1100, %parallel_loop3A_1101 : vector<16xf32>
          %parallel_loop3A_1103 = arith.mulf %parallel_loop3A_1099, %parallel_loop3A_1099 : vector<16xf32>
          %parallel_loop3A_1104 = arith.addf %parallel_loop3A_1102, %parallel_loop3A_1103 : vector<16xf32>
          %parallel_loop3A_1105 = arith.constant 9.99999996E-13 : f32
          %parallel_loop3A_1106 = vector.broadcast %parallel_loop3A_1105 : f32 to vector<16xf32>
          %parallel_loop3A_1107 = arith.maximumf %parallel_loop3A_1104, %parallel_loop3A_1106 : vector<16xf32>
          %parallel_loop3A_1108 = tpu.bitcast %parallel_loop3A_1107 : vector<16xf32> -> vector<16xi32>
          %parallel_loop3A_1109 = arith.constant 1 : i32
          %parallel_loop3A_1110 = vector.broadcast %parallel_loop3A_1109 : i32 to vector<16xi32>
          %parallel_loop3A_1111 = arith.shrui %parallel_loop3A_1108, %parallel_loop3A_1110 : vector<16xi32>
          %parallel_loop3A_1112 = arith.constant 1597463007 : i32
          %parallel_loop3A_1113 = vector.broadcast %parallel_loop3A_1112 : i32 to vector<16xi32>
          %parallel_loop3A_1114 = arith.subi %parallel_loop3A_1113, %parallel_loop3A_1111 : vector<16xi32>
          %parallel_loop3A_1115 = tpu.bitcast %parallel_loop3A_1114 : vector<16xi32> -> vector<16xf32>
          %parallel_loop3A_1116 = arith.constant 5.000000e-01 : f32
          %parallel_loop3A_1117 = vector.broadcast %parallel_loop3A_1116 : f32 to vector<16xf32>
          %parallel_loop3A_1118 = arith.mulf %parallel_loop3A_1117, %parallel_loop3A_1107 : vector<16xf32>
          %parallel_loop3A_1119 = arith.mulf %parallel_loop3A_1118, %parallel_loop3A_1115 : vector<16xf32>
          %parallel_loop3A_1120 = arith.mulf %parallel_loop3A_1119, %parallel_loop3A_1115 : vector<16xf32>
          %parallel_loop3A_1121 = arith.constant 1.500000e+00 : f32
          %parallel_loop3A_1122 = vector.broadcast %parallel_loop3A_1121 : f32 to vector<16xf32>
          %parallel_loop3A_1123 = arith.subf %parallel_loop3A_1122, %parallel_loop3A_1120 : vector<16xf32>
          %parallel_loop3A_1124 = arith.mulf %parallel_loop3A_1115, %parallel_loop3A_1123 : vector<16xf32>
          %parallel_loop3A_1125 = arith.constant 5.000000e-01 : f32
          %parallel_loop3A_1126 = vector.broadcast %parallel_loop3A_1125 : f32 to vector<16xf32>
          %parallel_loop3A_1127 = arith.mulf %parallel_loop3A_1126, %parallel_loop3A_1107 : vector<16xf32>
          %parallel_loop3A_1128 = arith.mulf %parallel_loop3A_1127, %parallel_loop3A_1124 : vector<16xf32>
          %parallel_loop3A_1129 = arith.mulf %parallel_loop3A_1128, %parallel_loop3A_1124 : vector<16xf32>
          %parallel_loop3A_1130 = arith.constant 1.500000e+00 : f32
          %parallel_loop3A_1131 = vector.broadcast %parallel_loop3A_1130 : f32 to vector<16xf32>
          %parallel_loop3A_1132 = arith.subf %parallel_loop3A_1131, %parallel_loop3A_1129 : vector<16xf32>
          %parallel_loop3A_1133 = arith.mulf %parallel_loop3A_1124, %parallel_loop3A_1132 : vector<16xf32>
          %parallel_loop3A_1134 = arith.mulf %parallel_loop3A_1107, %parallel_loop3A_1133 : vector<16xf32>
          %parallel_loop3A_1135 = arith.constant 4.000000e-01 : f32
          %parallel_loop3A_1136 = vector.broadcast %parallel_loop3A_1135 : f32 to vector<16xf32>
          %parallel_loop3A_1137 = arith.mulf %parallel_loop3A_1134, %parallel_loop3A_1136 : vector<16xf32>
          %parallel_loop3A_1138 = arith.constant 1.000000e+00 : f32
          %parallel_loop3A_1139 = vector.broadcast %parallel_loop3A_1138 : f32 to vector<16xf32>
          %parallel_loop3A_1140 = arith.subf %parallel_loop3A_1139, %parallel_loop3A_1137 : vector<16xf32>
          %parallel_loop3A_1141 = arith.constant 0.000000e+00 : f32
          %parallel_loop3A_1142 = vector.broadcast %parallel_loop3A_1141 : f32 to vector<16xf32>
          %parallel_loop3A_1143 = arith.maximumf %parallel_loop3A_1140, %parallel_loop3A_1142 : vector<16xf32>
          %parallel_loop3A_1144 = arith.index_cast %parallel_loop3A_976 : i32 to index
          %parallel_loop3A_1145 = arith.constant 0 : index
          %parallel_loop3A_1146 = tpu.vector_load %arg24[%parallel_loop3A_1144, %parallel_loop3A_1145] {strides = array<i32>} : memref<32x16xf32, #tpu.memory_space<vmem>>, vector<1x16xf32>,
          %parallel_loop3A_1147 = vector.shape_cast %parallel_loop3A_1146 : vector<1x16xf32> to vector<16xf32>
          %parallel_loop3A_1148 = vector.shape_cast %parallel_loop3A_1143 : vector<16xf32> to vector<1x16xf32>
          tpu.vector_store %arg24[%parallel_loop3A_1144, %parallel_loop3A_1145], %parallel_loop3A_1148 {strides = array<i32>} : memref<32x16xf32, #tpu.memory_space<vmem>>, vector<1x16xf32>,
          scf.yield %parallel_loop3A_974 : i32
        } {sc.loop_unroll_factor = 1 : i64, sc.parallel_access}
        %get3A_270 = arith.index_cast %mul3A_263 : i32 to index
        %get3A_271 = tpu.vector_load %arg22[%get3A_270] {strides = array<i32>} : memref<144xf32, #tpu.memory_space<vmem>>, vector<16xf32>,
        %get3A_272 = vector.shape_cast %get3A_271 : vector<16xf32> to vector<16xf32>
        %add3A_273 = arith.constant 16 : i32
        %add3A_274 = arith.addi %mul3A_263, %add3A_273 : i32
        %get3A_275 = arith.index_cast %add3A_274 : i32 to index
        %get3A_276 = tpu.vector_load %arg22[%get3A_275] {strides = array<i32>} : memref<144xf32, #tpu.memory_space<vmem>>, vector<16xf32>,
        %get3A_277 = vector.shape_cast %get3A_276 : vector<16xf32> to vector<16xf32>
        %add3A_278 = arith.addf %get3A_272, %get3A_277 : vector<16xf32>
        %iota3A = tpu.iota {dimensions = array<i32: 0>} : vector<16xi32>
        %add3A_279 = arith.constant 8 : i32
        %add3A_280 = vector.broadcast %add3A_279 : i32 to vector<16xi32>
        %add3A_281 = arith.addi %iota3A, %add3A_280 : vector<16xi32>
        %and3A = arith.constant 15 : i32
        %and3A_282 = vector.broadcast %and3A : i32 to vector<16xi32>
        %and3A_283 = arith.andi %add3A_281, %and3A_282 : vector<16xi32>
        %broadcast_in_dim3A_284 = vector.shape_cast %and3A_283 : vector<16xi32> to vector<16x1xi32>
        %gather3A_285 = vector.shape_cast %broadcast_in_dim3A_284 : vector<16x1xi32> to vector<16xi32>
        %gather3A_286 = tpu.dynamic_gather %add3A_278[%gather3A_285] in [0] : vector<16xf32>, vector<16xi32> -> vector<16xf32>
        %add3A_287 = arith.addf %add3A_278, %gather3A_286 : vector<16xf32>
        %iota3A_288 = tpu.iota {dimensions = array<i32: 0>} : vector<16xi32>
        %add3A_289 = arith.constant 4 : i32
        %add3A_290 = vector.broadcast %add3A_289 : i32 to vector<16xi32>
        %add3A_291 = arith.addi %iota3A_288, %add3A_290 : vector<16xi32>
        %and3A_292 = arith.constant 15 : i32
        %and3A_293 = vector.broadcast %and3A_292 : i32 to vector<16xi32>
        %and3A_294 = arith.andi %add3A_291, %and3A_293 : vector<16xi32>
        %broadcast_in_dim3A_295 = vector.shape_cast %and3A_294 : vector<16xi32> to vector<16x1xi32>
        %gather3A_296 = vector.shape_cast %broadcast_in_dim3A_295 : vector<16x1xi32> to vector<16xi32>
        %gather3A_297 = tpu.dynamic_gather %add3A_287[%gather3A_296] in [0] : vector<16xf32>, vector<16xi32> -> vector<16xf32>
        %add3A_298 = arith.addf %add3A_287, %gather3A_297 : vector<16xf32>
        %iota3A_299 = tpu.iota {dimensions = array<i32: 0>} : vector<16xi32>
        %add3A_300 = arith.constant 2 : i32
        %add3A_301 = vector.broadcast %add3A_300 : i32 to vector<16xi32>
        %add3A_302 = arith.addi %iota3A_299, %add3A_301 : vector<16xi32>
        %and3A_303 = arith.constant 15 : i32
        %and3A_304 = vector.broadcast %and3A_303 : i32 to vector<16xi32>
        %and3A_305 = arith.andi %add3A_302, %and3A_304 : vector<16xi32>
        %broadcast_in_dim3A_306 = vector.shape_cast %and3A_305 : vector<16xi32> to vector<16x1xi32>
        %gather3A_307 = vector.shape_cast %broadcast_in_dim3A_306 : vector<16x1xi32> to vector<16xi32>
        %gather3A_308 = tpu.dynamic_gather %add3A_298[%gather3A_307] in [0] : vector<16xf32>, vector<16xi32> -> vector<16xf32>
        %add3A_309 = arith.addf %add3A_298, %gather3A_308 : vector<16xf32>
        %iota3A_310 = tpu.iota {dimensions = array<i32: 0>} : vector<16xi32>
        %add3A_311 = arith.constant 1 : i32
        %add3A_312 = vector.broadcast %add3A_311 : i32 to vector<16xi32>
        %add3A_313 = arith.addi %iota3A_310, %add3A_312 : vector<16xi32>
        %and3A_314 = arith.constant 15 : i32
        %and3A_315 = vector.broadcast %and3A_314 : i32 to vector<16xi32>
        %and3A_316 = arith.andi %add3A_313, %and3A_315 : vector<16xi32>
        %broadcast_in_dim3A_317 = vector.shape_cast %and3A_316 : vector<16xi32> to vector<16x1xi32>
        %gather3A_318 = vector.shape_cast %broadcast_in_dim3A_317 : vector<16x1xi32> to vector<16xi32>
        %gather3A_319 = tpu.dynamic_gather %add3A_309[%gather3A_318] in [0] : vector<16xf32>, vector<16xi32> -> vector<16xf32>
        %add3A_320 = arith.addf %add3A_309, %gather3A_319 : vector<16xf32>
        %max3A = arith.constant 1.000000e+00 : f32
        %max3A_321 = vector.broadcast %max3A : f32 to vector<16xf32>
        %max3A_322 = arith.maximumf %add3A_320, %max3A_321 : vector<16xf32>
        %bitcast_convert_type3A = tpu.bitcast %max3A_322 : vector<16xf32> -> vector<16xi32>
        %shift_right_logical3A = arith.constant 1 : i32
        %shift_right_logical3A_323 = vector.broadcast %shift_right_logical3A : i32 to vector<16xi32>
        %shift_right_logical3A_324 = arith.shrui %bitcast_convert_type3A, %shift_right_logical3A_323 : vector<16xi32>
        %sub3A = arith.constant 1597463007 : i32
        %sub3A_325 = vector.broadcast %sub3A : i32 to vector<16xi32>
        %sub3A_326 = arith.subi %sub3A_325, %shift_right_logical3A_324 : vector<16xi32>
        %bitcast_convert_type3A_327 = tpu.bitcast %sub3A_326 : vector<16xi32> -> vector<16xf32>
        %mul3A_328 = arith.constant 5.000000e-01 : f32
        %mul3A_329 = vector.broadcast %mul3A_328 : f32 to vector<16xf32>
        %mul3A_330 = arith.mulf %mul3A_329, %max3A_322 : vector<16xf32>
        %mul3A_331 = arith.mulf %mul3A_330, %bitcast_convert_type3A_327 : vector<16xf32>
        %mul3A_332 = arith.mulf %mul3A_331, %bitcast_convert_type3A_327 : vector<16xf32>
        %sub3A_333 = arith.constant 1.500000e+00 : f32
        %sub3A_334 = vector.broadcast %sub3A_333 : f32 to vector<16xf32>
        %sub3A_335 = arith.subf %sub3A_334, %mul3A_332 : vector<16xf32>
        %mul3A_336 = arith.mulf %bitcast_convert_type3A_327, %sub3A_335 : vector<16xf32>
        %mul3A_337 = arith.constant 5.000000e-01 : f32
        %mul3A_338 = vector.broadcast %mul3A_337 : f32 to vector<16xf32>
        %mul3A_339 = arith.mulf %mul3A_338, %max3A_322 : vector<16xf32>
        %mul3A_340 = arith.mulf %mul3A_339, %mul3A_336 : vector<16xf32>
        %mul3A_341 = arith.mulf %mul3A_340, %mul3A_336 : vector<16xf32>
        %sub3A_342 = arith.constant 1.500000e+00 : f32
        %sub3A_343 = vector.broadcast %sub3A_342 : f32 to vector<16xf32>
        %sub3A_344 = arith.subf %sub3A_343, %mul3A_341 : vector<16xf32>
        %mul3A_345 = arith.mulf %mul3A_336, %sub3A_344 : vector<16xf32>
        %mul3A_346 = arith.constant 5.000000e-01 : f32
        %mul3A_347 = vector.broadcast %mul3A_346 : f32 to vector<16xf32>
        %mul3A_348 = arith.mulf %mul3A_347, %max3A_322 : vector<16xf32>
        %mul3A_349 = arith.mulf %mul3A_348, %mul3A_345 : vector<16xf32>
        %mul3A_350 = arith.mulf %mul3A_349, %mul3A_345 : vector<16xf32>
        %sub3A_351 = arith.constant 1.500000e+00 : f32
        %sub3A_352 = vector.broadcast %sub3A_351 : f32 to vector<16xf32>
        %sub3A_353 = arith.subf %sub3A_352, %mul3A_350 : vector<16xf32>
        %mul3A_354 = arith.mulf %mul3A_345, %sub3A_353 : vector<16xf32>
        %mul3A_355 = arith.mulf %mul3A_354, %mul3A_354 : vector<16xf32>
        %swap3A = arith.index_cast %scan3A_228 : i32 to index
        %swap3A_356 = arith.constant 1920 : index
        %swap3A_357 = tpu.vector_load %arg25[%swap3A, %swap3A_356] {strides = array<i32>} : memref<4x2048xf32, #tpu.memory_space<vmem>>, vector<1x16xf32>,
        %swap3A_358 = vector.shape_cast %swap3A_357 : vector<1x16xf32> to vector<16xf32>
        %swap3A_359 = vector.shape_cast %mul3A_355 : vector<16xf32> to vector<1x16xf32>
        tpu.vector_store %arg25[%swap3A, %swap3A_356], %swap3A_359 {strides = array<i32>} : memref<4x2048xf32, #tpu.memory_space<vmem>>, vector<1x16xf32>,
        %parallel_loop3A_360 = arith.constant 0 : i32
        %parallel_loop3A_361 = arith.constant 32 : i32
        %parallel_loop3A_362 = arith.constant 1 : i32
        %parallel_loop3A_363:40 = scf.for %parallel_loop3A_973 = %parallel_loop3A_360 to %parallel_loop3A_361 step %parallel_loop3A_362 iter_args(%parallel_loop3A_974 = %broadcast_in_dim3A_265, %parallel_loop3A_975 = %broadcast_in_dim3A_265, %parallel_loop3A_976 = %broadcast_in_dim3A_265, %parallel_loop3A_977 = %broadcast_in_dim3A_265, %parallel_loop3A_978 = %broadcast_in_dim3A_265, %parallel_loop3A_979 = %broadcast_in_dim3A_265, %parallel_loop3A_980 = %broadcast_in_dim3A_265, %parallel_loop3A_981 = %broadcast_in_dim3A_265, %parallel_loop3A_982 = %broadcast_in_dim3A_265, %parallel_loop3A_983 = %broadcast_in_dim3A_265, %parallel_loop3A_984 = %broadcast_in_dim3A_265, %parallel_loop3A_985 = %broadcast_in_dim3A_265, %parallel_loop3A_986 = %broadcast_in_dim3A_265, %parallel_loop3A_987 = %broadcast_in_dim3A_265, %parallel_loop3A_988 = %broadcast_in_dim3A_265, %parallel_loop3A_989 = %broadcast_in_dim3A_265, %parallel_loop3A_990 = %broadcast_in_dim3A_265, %parallel_loop3A_991 = %broadcast_in_dim3A_265, %parallel_loop3A_992 = %broadcast_in_dim3A_265, %parallel_loop3A_993 = %broadcast_in_dim3A_265, %parallel_loop3A_994 = %broadcast_in_dim3A_265, %parallel_loop3A_995 = %broadcast_in_dim3A_265, %parallel_loop3A_996 = %broadcast_in_dim3A_265, %parallel_loop3A_997 = %broadcast_in_dim3A_265, %parallel_loop3A_998 = %broadcast_in_dim3A_265, %parallel_loop3A_999 = %broadcast_in_dim3A_265, %parallel_loop3A_1000 = %broadcast_in_dim3A_265, %parallel_loop3A_1001 = %broadcast_in_dim3A_265, %parallel_loop3A_1002 = %broadcast_in_dim3A_265, %parallel_loop3A_1003 = %broadcast_in_dim3A_265, %parallel_loop3A_1004 = %broadcast_in_dim3A_265, %parallel_loop3A_1005 = %broadcast_in_dim3A_265, %parallel_loop3A_1006 = %broadcast_in_dim3A_265, %parallel_loop3A_1007 = %broadcast_in_dim3A_265, %parallel_loop3A_1008 = %broadcast_in_dim3A_265, %parallel_loop3A_1009 = %broadcast_in_dim3A_265, %parallel_loop3A_1010 = %broadcast_in_dim3A_265, %parallel_loop3A_1011 = %broadcast_in_dim3A_265, %parallel_loop3A_1012 = %broadcast_in_dim3A_265, %parallel_loop3A_1013 = %broadcast_in_dim3A_265) -> (vector<16xf32>, vector<16xf32>, vector<16xf32>, vector<16xf32>, vector<16xf32>, vector<16xf32>, vector<16xf32>, vector<16xf32>, vector<16xf32>, vector<16xf32>, vector<16xf32>, vector<16xf32>, vector<16xf32>, vector<16xf32>, vector<16xf32>, vector<16xf32>, vector<16xf32>, vector<16xf32>, vector<16xf32>, vector<16xf32>, vector<16xf32>, vector<16xf32>, vector<16xf32>, vector<16xf32>, vector<16xf32>, vector<16xf32>, vector<16xf32>, vector<16xf32>, vector<16xf32>, vector<16xf32>, vector<16xf32>, vector<16xf32>, vector<16xf32>, vector<16xf32>, vector<16xf32>, vector<16xf32>, vector<16xf32>, vector<16xf32>, vector<16xf32>, vector<16xf32>)  : i32 {
          %parallel_loop3A_1014 = arith.addi %mul3A_263, %parallel_loop3A_973 : i32
          %parallel_loop3A_1015 = arith.index_cast %parallel_loop3A_973 : i32 to index
          %parallel_loop3A_1016 = arith.constant 0 : index
          %parallel_loop3A_1017 = tpu.vector_load %arg24[%parallel_loop3A_1015, %parallel_loop3A_1016] {strides = array<i32>} : memref<32x16xf32, #tpu.memory_space<vmem>>, vector<1x16xf32>,
          %parallel_loop3A_1018 = vector.shape_cast %parallel_loop3A_1017 : vector<1x16xf32> to vector<16xf32>
          %parallel_loop3A_1019 = arith.constant 0 : i32
          %parallel_loop3A_1020 = vector.broadcast %parallel_loop3A_1019 : i32 to vector<16xi32>
          %parallel_loop3A_1021 = arith.constant 0 : i32
          %parallel_loop3A_1022 = vector.broadcast %parallel_loop3A_1021 : i32 to vector<16xi32>
          %parallel_loop3A_1023 = arith.addi %parallel_loop3A_1020, %parallel_loop3A_1022 : vector<16xi32>
          %parallel_loop3A_1024 = vector.shape_cast %parallel_loop3A_1023 : vector<16xi32> to vector<16x1xi32>
          %parallel_loop3A_1025 = vector.shape_cast %parallel_loop3A_1024 : vector<16x1xi32> to vector<16xi32>
          %parallel_loop3A_1026 = tpu.dynamic_gather %parallel_loop3A_1018[%parallel_loop3A_1025] in [0] : vector<16xf32>, vector<16xi32> -> vector<16xf32>
          %parallel_loop3A_1027 = arith.constant 0 : i32
          %parallel_loop3A_1028 = vector.broadcast %parallel_loop3A_1027 : i32 to vector<16xi32>
          %parallel_loop3A_1029 = arith.constant 1 : i32
          %parallel_loop3A_1030 = vector.broadcast %parallel_loop3A_1029 : i32 to vector<16xi32>
          %parallel_loop3A_1031 = arith.addi %parallel_loop3A_1028, %parallel_loop3A_1030 : vector<16xi32>
          %parallel_loop3A_1032 = vector.shape_cast %parallel_loop3A_1031 : vector<16xi32> to vector<16x1xi32>
          %parallel_loop3A_1033 = vector.shape_cast %parallel_loop3A_1032 : vector<16x1xi32> to vector<16xi32>
          %parallel_loop3A_1034 = tpu.dynamic_gather %parallel_loop3A_1018[%parallel_loop3A_1033] in [0] : vector<16xf32>, vector<16xi32> -> vector<16xf32>
          %parallel_loop3A_1035 = arith.constant 0 : i32
          %parallel_loop3A_1036 = vector.broadcast %parallel_loop3A_1035 : i32 to vector<16xi32>
          %parallel_loop3A_1037 = arith.constant 2 : i32
          %parallel_loop3A_1038 = vector.broadcast %parallel_loop3A_1037 : i32 to vector<16xi32>
          %parallel_loop3A_1039 = arith.addi %parallel_loop3A_1036, %parallel_loop3A_1038 : vector<16xi32>
          %parallel_loop3A_1040 = vector.shape_cast %parallel_loop3A_1039 : vector<16xi32> to vector<16x1xi32>
          %parallel_loop3A_1041 = vector.shape_cast %parallel_loop3A_1040 : vector<16x1xi32> to vector<16xi32>
          %parallel_loop3A_1042 = tpu.dynamic_gather %parallel_loop3A_1018[%parallel_loop3A_1041] in [0] : vector<16xf32>, vector<16xi32> -> vector<16xf32>
          %parallel_loop3A_1043 = arith.constant 0 : i32
          %parallel_loop3A_1044 = vector.broadcast %parallel_loop3A_1043 : i32 to vector<16xi32>
          %parallel_loop3A_1045 = arith.constant 3 : i32
          %parallel_loop3A_1046 = vector.broadcast %parallel_loop3A_1045 : i32 to vector<16xi32>
          %parallel_loop3A_1047 = arith.addi %parallel_loop3A_1044, %parallel_loop3A_1046 : vector<16xi32>
          %parallel_loop3A_1048 = vector.shape_cast %parallel_loop3A_1047 : vector<16xi32> to vector<16x1xi32>
          %parallel_loop3A_1049 = vector.shape_cast %parallel_loop3A_1048 : vector<16x1xi32> to vector<16xi32>
          %parallel_loop3A_1050 = tpu.dynamic_gather %parallel_loop3A_1018[%parallel_loop3A_1049] in [0] : vector<16xf32>, vector<16xi32> -> vector<16xf32>
          %parallel_loop3A_1051 = arith.constant 0 : i32
          %parallel_loop3A_1052 = vector.broadcast %parallel_loop3A_1051 : i32 to vector<16xi32>
          %parallel_loop3A_1053 = arith.constant 4 : i32
          %parallel_loop3A_1054 = vector.broadcast %parallel_loop3A_1053 : i32 to vector<16xi32>
          %parallel_loop3A_1055 = arith.addi %parallel_loop3A_1052, %parallel_loop3A_1054 : vector<16xi32>
          %parallel_loop3A_1056 = vector.shape_cast %parallel_loop3A_1055 : vector<16xi32> to vector<16x1xi32>
          %parallel_loop3A_1057 = vector.shape_cast %parallel_loop3A_1056 : vector<16x1xi32> to vector<16xi32>
          %parallel_loop3A_1058 = tpu.dynamic_gather %parallel_loop3A_1018[%parallel_loop3A_1057] in [0] : vector<16xf32>, vector<16xi32> -> vector<16xf32>
          %parallel_loop3A_1059 = arith.index_cast %parallel_loop3A_1014 : i32 to index
          %parallel_loop3A_1060 = arith.constant 0 : index
          %parallel_loop3A_1061 = tpu.vector_load %arg14[%parallel_loop3A_1059, %parallel_loop3A_1060] {strides = array<i32>} : memref<128x128xf32, #tpu.memory_space<vmem>>, vector<1x16xf32>,
          %parallel_loop3A_1062 = vector.shape_cast %parallel_loop3A_1061 : vector<1x16xf32> to vector<16xf32>
          %parallel_loop3A_1063 = arith.mulf %parallel_loop3A_1026, %parallel_loop3A_1062 : vector<16xf32>
          %parallel_loop3A_1064 = arith.addf %parallel_loop3A_974, %parallel_loop3A_1063 : vector<16xf32>
          %parallel_loop3A_1065 = arith.mulf %parallel_loop3A_1034, %parallel_loop3A_1062 : vector<16xf32>
          %parallel_loop3A_1066 = arith.addf %parallel_loop3A_975, %parallel_loop3A_1065 : vector<16xf32>
          %parallel_loop3A_1067 = arith.mulf %parallel_loop3A_1042, %parallel_loop3A_1062 : vector<16xf32>
          %parallel_loop3A_1068 = arith.addf %parallel_loop3A_976, %parallel_loop3A_1067 : vector<16xf32>
          %parallel_loop3A_1069 = arith.mulf %parallel_loop3A_1050, %parallel_loop3A_1062 : vector<16xf32>
          %parallel_loop3A_1070 = arith.addf %parallel_loop3A_977, %parallel_loop3A_1069 : vector<16xf32>
          %parallel_loop3A_1071 = arith.mulf %parallel_loop3A_1058, %parallel_loop3A_1062 : vector<16xf32>
          %parallel_loop3A_1072 = arith.addf %parallel_loop3A_978, %parallel_loop3A_1071 : vector<16xf32>
          %parallel_loop3A_1073 = arith.index_cast %parallel_loop3A_1014 : i32 to index
          %parallel_loop3A_1074 = arith.constant 16 : index
          %parallel_loop3A_1075 = tpu.vector_load %arg14[%parallel_loop3A_1073, %parallel_loop3A_1074] {strides = array<i32>} : memref<128x128xf32, #tpu.memory_space<vmem>>, vector<1x16xf32>,
          %parallel_loop3A_1076 = vector.shape_cast %parallel_loop3A_1075 : vector<1x16xf32> to vector<16xf32>
          %parallel_loop3A_1077 = arith.mulf %parallel_loop3A_1026, %parallel_loop3A_1076 : vector<16xf32>
          %parallel_loop3A_1078 = arith.addf %parallel_loop3A_979, %parallel_loop3A_1077 : vector<16xf32>
          %parallel_loop3A_1079 = arith.mulf %parallel_loop3A_1034, %parallel_loop3A_1076 : vector<16xf32>
          %parallel_loop3A_1080 = arith.addf %parallel_loop3A_980, %parallel_loop3A_1079 : vector<16xf32>
          %parallel_loop3A_1081 = arith.mulf %parallel_loop3A_1042, %parallel_loop3A_1076 : vector<16xf32>
          %parallel_loop3A_1082 = arith.addf %parallel_loop3A_981, %parallel_loop3A_1081 : vector<16xf32>
          %parallel_loop3A_1083 = arith.mulf %parallel_loop3A_1050, %parallel_loop3A_1076 : vector<16xf32>
          %parallel_loop3A_1084 = arith.addf %parallel_loop3A_982, %parallel_loop3A_1083 : vector<16xf32>
          %parallel_loop3A_1085 = arith.mulf %parallel_loop3A_1058, %parallel_loop3A_1076 : vector<16xf32>
          %parallel_loop3A_1086 = arith.addf %parallel_loop3A_983, %parallel_loop3A_1085 : vector<16xf32>
          %parallel_loop3A_1087 = arith.index_cast %parallel_loop3A_1014 : i32 to index
          %parallel_loop3A_1088 = arith.constant 32 : index
          %parallel_loop3A_1089 = tpu.vector_load %arg14[%parallel_loop3A_1087, %parallel_loop3A_1088] {strides = array<i32>} : memref<128x128xf32, #tpu.memory_space<vmem>>, vector<1x16xf32>,
          %parallel_loop3A_1090 = vector.shape_cast %parallel_loop3A_1089 : vector<1x16xf32> to vector<16xf32>
          %parallel_loop3A_1091 = arith.mulf %parallel_loop3A_1026, %parallel_loop3A_1090 : vector<16xf32>
          %parallel_loop3A_1092 = arith.addf %parallel_loop3A_984, %parallel_loop3A_1091 : vector<16xf32>
          %parallel_loop3A_1093 = arith.mulf %parallel_loop3A_1034, %parallel_loop3A_1090 : vector<16xf32>
          %parallel_loop3A_1094 = arith.addf %parallel_loop3A_985, %parallel_loop3A_1093 : vector<16xf32>
          %parallel_loop3A_1095 = arith.mulf %parallel_loop3A_1042, %parallel_loop3A_1090 : vector<16xf32>
          %parallel_loop3A_1096 = arith.addf %parallel_loop3A_986, %parallel_loop3A_1095 : vector<16xf32>
          %parallel_loop3A_1097 = arith.mulf %parallel_loop3A_1050, %parallel_loop3A_1090 : vector<16xf32>
          %parallel_loop3A_1098 = arith.addf %parallel_loop3A_987, %parallel_loop3A_1097 : vector<16xf32>
          %parallel_loop3A_1099 = arith.mulf %parallel_loop3A_1058, %parallel_loop3A_1090 : vector<16xf32>
          %parallel_loop3A_1100 = arith.addf %parallel_loop3A_988, %parallel_loop3A_1099 : vector<16xf32>
          %parallel_loop3A_1101 = arith.index_cast %parallel_loop3A_1014 : i32 to index
          %parallel_loop3A_1102 = arith.constant 48 : index
          %parallel_loop3A_1103 = tpu.vector_load %arg14[%parallel_loop3A_1101, %parallel_loop3A_1102] {strides = array<i32>} : memref<128x128xf32, #tpu.memory_space<vmem>>, vector<1x16xf32>,
          %parallel_loop3A_1104 = vector.shape_cast %parallel_loop3A_1103 : vector<1x16xf32> to vector<16xf32>
          %parallel_loop3A_1105 = arith.mulf %parallel_loop3A_1026, %parallel_loop3A_1104 : vector<16xf32>
          %parallel_loop3A_1106 = arith.addf %parallel_loop3A_989, %parallel_loop3A_1105 : vector<16xf32>
          %parallel_loop3A_1107 = arith.mulf %parallel_loop3A_1034, %parallel_loop3A_1104 : vector<16xf32>
          %parallel_loop3A_1108 = arith.addf %parallel_loop3A_990, %parallel_loop3A_1107 : vector<16xf32>
          %parallel_loop3A_1109 = arith.mulf %parallel_loop3A_1042, %parallel_loop3A_1104 : vector<16xf32>
          %parallel_loop3A_1110 = arith.addf %parallel_loop3A_991, %parallel_loop3A_1109 : vector<16xf32>
          %parallel_loop3A_1111 = arith.mulf %parallel_loop3A_1050, %parallel_loop3A_1104 : vector<16xf32>
          %parallel_loop3A_1112 = arith.addf %parallel_loop3A_992, %parallel_loop3A_1111 : vector<16xf32>
          %parallel_loop3A_1113 = arith.mulf %parallel_loop3A_1058, %parallel_loop3A_1104 : vector<16xf32>
          %parallel_loop3A_1114 = arith.addf %parallel_loop3A_993, %parallel_loop3A_1113 : vector<16xf32>
          %parallel_loop3A_1115 = arith.index_cast %parallel_loop3A_1014 : i32 to index
          %parallel_loop3A_1116 = arith.constant 64 : index
          %parallel_loop3A_1117 = tpu.vector_load %arg14[%parallel_loop3A_1115, %parallel_loop3A_1116] {strides = array<i32>} : memref<128x128xf32, #tpu.memory_space<vmem>>, vector<1x16xf32>,
          %parallel_loop3A_1118 = vector.shape_cast %parallel_loop3A_1117 : vector<1x16xf32> to vector<16xf32>
          %parallel_loop3A_1119 = arith.mulf %parallel_loop3A_1026, %parallel_loop3A_1118 : vector<16xf32>
          %parallel_loop3A_1120 = arith.addf %parallel_loop3A_994, %parallel_loop3A_1119 : vector<16xf32>
          %parallel_loop3A_1121 = arith.mulf %parallel_loop3A_1034, %parallel_loop3A_1118 : vector<16xf32>
          %parallel_loop3A_1122 = arith.addf %parallel_loop3A_995, %parallel_loop3A_1121 : vector<16xf32>
          %parallel_loop3A_1123 = arith.mulf %parallel_loop3A_1042, %parallel_loop3A_1118 : vector<16xf32>
          %parallel_loop3A_1124 = arith.addf %parallel_loop3A_996, %parallel_loop3A_1123 : vector<16xf32>
          %parallel_loop3A_1125 = arith.mulf %parallel_loop3A_1050, %parallel_loop3A_1118 : vector<16xf32>
          %parallel_loop3A_1126 = arith.addf %parallel_loop3A_997, %parallel_loop3A_1125 : vector<16xf32>
          %parallel_loop3A_1127 = arith.mulf %parallel_loop3A_1058, %parallel_loop3A_1118 : vector<16xf32>
          %parallel_loop3A_1128 = arith.addf %parallel_loop3A_998, %parallel_loop3A_1127 : vector<16xf32>
          %parallel_loop3A_1129 = arith.index_cast %parallel_loop3A_1014 : i32 to index
          %parallel_loop3A_1130 = arith.constant 80 : index
          %parallel_loop3A_1131 = tpu.vector_load %arg14[%parallel_loop3A_1129, %parallel_loop3A_1130] {strides = array<i32>} : memref<128x128xf32, #tpu.memory_space<vmem>>, vector<1x16xf32>,
          %parallel_loop3A_1132 = vector.shape_cast %parallel_loop3A_1131 : vector<1x16xf32> to vector<16xf32>
          %parallel_loop3A_1133 = arith.mulf %parallel_loop3A_1026, %parallel_loop3A_1132 : vector<16xf32>
          %parallel_loop3A_1134 = arith.addf %parallel_loop3A_999, %parallel_loop3A_1133 : vector<16xf32>
          %parallel_loop3A_1135 = arith.mulf %parallel_loop3A_1034, %parallel_loop3A_1132 : vector<16xf32>
          %parallel_loop3A_1136 = arith.addf %parallel_loop3A_1000, %parallel_loop3A_1135 : vector<16xf32>
          %parallel_loop3A_1137 = arith.mulf %parallel_loop3A_1042, %parallel_loop3A_1132 : vector<16xf32>
          %parallel_loop3A_1138 = arith.addf %parallel_loop3A_1001, %parallel_loop3A_1137 : vector<16xf32>
          %parallel_loop3A_1139 = arith.mulf %parallel_loop3A_1050, %parallel_loop3A_1132 : vector<16xf32>
          %parallel_loop3A_1140 = arith.addf %parallel_loop3A_1002, %parallel_loop3A_1139 : vector<16xf32>
          %parallel_loop3A_1141 = arith.mulf %parallel_loop3A_1058, %parallel_loop3A_1132 : vector<16xf32>
          %parallel_loop3A_1142 = arith.addf %parallel_loop3A_1003, %parallel_loop3A_1141 : vector<16xf32>
          %parallel_loop3A_1143 = arith.index_cast %parallel_loop3A_1014 : i32 to index
          %parallel_loop3A_1144 = arith.constant 96 : index
          %parallel_loop3A_1145 = tpu.vector_load %arg14[%parallel_loop3A_1143, %parallel_loop3A_1144] {strides = array<i32>} : memref<128x128xf32, #tpu.memory_space<vmem>>, vector<1x16xf32>,
          %parallel_loop3A_1146 = vector.shape_cast %parallel_loop3A_1145 : vector<1x16xf32> to vector<16xf32>
          %parallel_loop3A_1147 = arith.mulf %parallel_loop3A_1026, %parallel_loop3A_1146 : vector<16xf32>
          %parallel_loop3A_1148 = arith.addf %parallel_loop3A_1004, %parallel_loop3A_1147 : vector<16xf32>
          %parallel_loop3A_1149 = arith.mulf %parallel_loop3A_1034, %parallel_loop3A_1146 : vector<16xf32>
          %parallel_loop3A_1150 = arith.addf %parallel_loop3A_1005, %parallel_loop3A_1149 : vector<16xf32>
          %parallel_loop3A_1151 = arith.mulf %parallel_loop3A_1042, %parallel_loop3A_1146 : vector<16xf32>
          %parallel_loop3A_1152 = arith.addf %parallel_loop3A_1006, %parallel_loop3A_1151 : vector<16xf32>
          %parallel_loop3A_1153 = arith.mulf %parallel_loop3A_1050, %parallel_loop3A_1146 : vector<16xf32>
          %parallel_loop3A_1154 = arith.addf %parallel_loop3A_1007, %parallel_loop3A_1153 : vector<16xf32>
          %parallel_loop3A_1155 = arith.mulf %parallel_loop3A_1058, %parallel_loop3A_1146 : vector<16xf32>
          %parallel_loop3A_1156 = arith.addf %parallel_loop3A_1008, %parallel_loop3A_1155 : vector<16xf32>
          %parallel_loop3A_1157 = arith.index_cast %parallel_loop3A_1014 : i32 to index
          %parallel_loop3A_1158 = arith.constant 112 : index
          %parallel_loop3A_1159 = tpu.vector_load %arg14[%parallel_loop3A_1157, %parallel_loop3A_1158] {strides = array<i32>} : memref<128x128xf32, #tpu.memory_space<vmem>>, vector<1x16xf32>,
          %parallel_loop3A_1160 = vector.shape_cast %parallel_loop3A_1159 : vector<1x16xf32> to vector<16xf32>
          %parallel_loop3A_1161 = arith.mulf %parallel_loop3A_1026, %parallel_loop3A_1160 : vector<16xf32>
          %parallel_loop3A_1162 = arith.addf %parallel_loop3A_1009, %parallel_loop3A_1161 : vector<16xf32>
          %parallel_loop3A_1163 = arith.mulf %parallel_loop3A_1034, %parallel_loop3A_1160 : vector<16xf32>
          %parallel_loop3A_1164 = arith.addf %parallel_loop3A_1010, %parallel_loop3A_1163 : vector<16xf32>
          %parallel_loop3A_1165 = arith.mulf %parallel_loop3A_1042, %parallel_loop3A_1160 : vector<16xf32>
          %parallel_loop3A_1166 = arith.addf %parallel_loop3A_1011, %parallel_loop3A_1165 : vector<16xf32>
          %parallel_loop3A_1167 = arith.mulf %parallel_loop3A_1050, %parallel_loop3A_1160 : vector<16xf32>
          %parallel_loop3A_1168 = arith.addf %parallel_loop3A_1012, %parallel_loop3A_1167 : vector<16xf32>
          %parallel_loop3A_1169 = arith.mulf %parallel_loop3A_1058, %parallel_loop3A_1160 : vector<16xf32>
          %parallel_loop3A_1170 = arith.addf %parallel_loop3A_1013, %parallel_loop3A_1169 : vector<16xf32>
          scf.yield %parallel_loop3A_1064, %parallel_loop3A_1066, %parallel_loop3A_1068, %parallel_loop3A_1070, %parallel_loop3A_1072, %parallel_loop3A_1078, %parallel_loop3A_1080, %parallel_loop3A_1082, %parallel_loop3A_1084, %parallel_loop3A_1086, %parallel_loop3A_1092, %parallel_loop3A_1094, %parallel_loop3A_1096, %parallel_loop3A_1098, %parallel_loop3A_1100, %parallel_loop3A_1106, %parallel_loop3A_1108, %parallel_loop3A_1110, %parallel_loop3A_1112, %parallel_loop3A_1114, %parallel_loop3A_1120, %parallel_loop3A_1122, %parallel_loop3A_1124, %parallel_loop3A_1126, %parallel_loop3A_1128, %parallel_loop3A_1134, %parallel_loop3A_1136, %parallel_loop3A_1138, %parallel_loop3A_1140, %parallel_loop3A_1142, %parallel_loop3A_1148, %parallel_loop3A_1150, %parallel_loop3A_1152, %parallel_loop3A_1154, %parallel_loop3A_1156, %parallel_loop3A_1162, %parallel_loop3A_1164, %parallel_loop3A_1166, %parallel_loop3A_1168, %parallel_loop3A_1170 : vector<16xf32>, vector<16xf32>, vector<16xf32>, vector<16xf32>, vector<16xf32>, vector<16xf32>, vector<16xf32>, vector<16xf32>, vector<16xf32>, vector<16xf32>, vector<16xf32>, vector<16xf32>, vector<16xf32>, vector<16xf32>, vector<16xf32>, vector<16xf32>, vector<16xf32>, vector<16xf32>, vector<16xf32>, vector<16xf32>, vector<16xf32>, vector<16xf32>, vector<16xf32>, vector<16xf32>, vector<16xf32>, vector<16xf32>, vector<16xf32>, vector<16xf32>, vector<16xf32>, vector<16xf32>, vector<16xf32>, vector<16xf32>, vector<16xf32>, vector<16xf32>, vector<16xf32>, vector<16xf32>, vector<16xf32>, vector<16xf32>, vector<16xf32>, vector<16xf32>
        } {sc.loop_unroll_factor = 1 : i64, sc.parallel_access}
        %swap3A_364 = arith.index_cast %scan3A_228 : i32 to index
        %swap3A_365 = arith.constant 0 : index
        %swap3A_366 = tpu.vector_load %arg25[%swap3A_364, %swap3A_365] {strides = array<i32>} : memref<4x2048xf32, #tpu.memory_space<vmem>>, vector<1x16xf32>,
        %swap3A_367 = vector.shape_cast %swap3A_366 : vector<1x16xf32> to vector<16xf32>
        %swap3A_368 = vector.shape_cast %parallel_loop3A_363#0 : vector<16xf32> to vector<1x16xf32>
        tpu.vector_store %arg25[%swap3A_364, %swap3A_365], %swap3A_368 {strides = array<i32>} : memref<4x2048xf32, #tpu.memory_space<vmem>>, vector<1x16xf32>,
        %swap3A_369 = arith.index_cast %scan3A_228 : i32 to index
        %swap3A_370 = arith.constant 128 : index
        %swap3A_371 = tpu.vector_load %arg25[%swap3A_369, %swap3A_370] {strides = array<i32>} : memref<4x2048xf32, #tpu.memory_space<vmem>>, vector<1x16xf32>,
        %swap3A_372 = vector.shape_cast %swap3A_371 : vector<1x16xf32> to vector<16xf32>
        %swap3A_373 = vector.shape_cast %parallel_loop3A_363#1 : vector<16xf32> to vector<1x16xf32>
        tpu.vector_store %arg25[%swap3A_369, %swap3A_370], %swap3A_373 {strides = array<i32>} : memref<4x2048xf32, #tpu.memory_space<vmem>>, vector<1x16xf32>,
        %swap3A_374 = arith.index_cast %scan3A_228 : i32 to index
        %swap3A_375 = arith.constant 256 : index
        %swap3A_376 = tpu.vector_load %arg25[%swap3A_374, %swap3A_375] {strides = array<i32>} : memref<4x2048xf32, #tpu.memory_space<vmem>>, vector<1x16xf32>,
        %swap3A_377 = vector.shape_cast %swap3A_376 : vector<1x16xf32> to vector<16xf32>
        %swap3A_378 = vector.shape_cast %parallel_loop3A_363#2 : vector<16xf32> to vector<1x16xf32>
        tpu.vector_store %arg25[%swap3A_374, %swap3A_375], %swap3A_378 {strides = array<i32>} : memref<4x2048xf32, #tpu.memory_space<vmem>>, vector<1x16xf32>,
        %swap3A_379 = arith.index_cast %scan3A_228 : i32 to index
        %swap3A_380 = arith.constant 384 : index
        %swap3A_381 = tpu.vector_load %arg25[%swap3A_379, %swap3A_380] {strides = array<i32>} : memref<4x2048xf32, #tpu.memory_space<vmem>>, vector<1x16xf32>,
        %swap3A_382 = vector.shape_cast %swap3A_381 : vector<1x16xf32> to vector<16xf32>
        %swap3A_383 = vector.shape_cast %parallel_loop3A_363#3 : vector<16xf32> to vector<1x16xf32>
        tpu.vector_store %arg25[%swap3A_379, %swap3A_380], %swap3A_383 {strides = array<i32>} : memref<4x2048xf32, #tpu.memory_space<vmem>>, vector<1x16xf32>,
        %swap3A_384 = arith.index_cast %scan3A_228 : i32 to index
        %swap3A_385 = arith.constant 512 : index
        %swap3A_386 = tpu.vector_load %arg25[%swap3A_384, %swap3A_385] {strides = array<i32>} : memref<4x2048xf32, #tpu.memory_space<vmem>>, vector<1x16xf32>,
        %swap3A_387 = vector.shape_cast %swap3A_386 : vector<1x16xf32> to vector<16xf32>
        %swap3A_388 = vector.shape_cast %parallel_loop3A_363#4 : vector<16xf32> to vector<1x16xf32>
        tpu.vector_store %arg25[%swap3A_384, %swap3A_385], %swap3A_388 {strides = array<i32>} : memref<4x2048xf32, #tpu.memory_space<vmem>>, vector<1x16xf32>,
        %swap3A_389 = arith.index_cast %scan3A_228 : i32 to index
        %swap3A_390 = arith.constant 16 : index
        %swap3A_391 = tpu.vector_load %arg25[%swap3A_389, %swap3A_390] {strides = array<i32>} : memref<4x2048xf32, #tpu.memory_space<vmem>>, vector<1x16xf32>,
        %swap3A_392 = vector.shape_cast %swap3A_391 : vector<1x16xf32> to vector<16xf32>
        %swap3A_393 = vector.shape_cast %parallel_loop3A_363#5 : vector<16xf32> to vector<1x16xf32>
        tpu.vector_store %arg25[%swap3A_389, %swap3A_390], %swap3A_393 {strides = array<i32>} : memref<4x2048xf32, #tpu.memory_space<vmem>>, vector<1x16xf32>,
        %swap3A_394 = arith.index_cast %scan3A_228 : i32 to index
        %swap3A_395 = arith.constant 144 : index
        %swap3A_396 = tpu.vector_load %arg25[%swap3A_394, %swap3A_395] {strides = array<i32>} : memref<4x2048xf32, #tpu.memory_space<vmem>>, vector<1x16xf32>,
        %swap3A_397 = vector.shape_cast %swap3A_396 : vector<1x16xf32> to vector<16xf32>
        %swap3A_398 = vector.shape_cast %parallel_loop3A_363#6 : vector<16xf32> to vector<1x16xf32>
        tpu.vector_store %arg25[%swap3A_394, %swap3A_395], %swap3A_398 {strides = array<i32>} : memref<4x2048xf32, #tpu.memory_space<vmem>>, vector<1x16xf32>,
        %swap3A_399 = arith.index_cast %scan3A_228 : i32 to index
        %swap3A_400 = arith.constant 272 : index
        %swap3A_401 = tpu.vector_load %arg25[%swap3A_399, %swap3A_400] {strides = array<i32>} : memref<4x2048xf32, #tpu.memory_space<vmem>>, vector<1x16xf32>,
        %swap3A_402 = vector.shape_cast %swap3A_401 : vector<1x16xf32> to vector<16xf32>
        %swap3A_403 = vector.shape_cast %parallel_loop3A_363#7 : vector<16xf32> to vector<1x16xf32>
        tpu.vector_store %arg25[%swap3A_399, %swap3A_400], %swap3A_403 {strides = array<i32>} : memref<4x2048xf32, #tpu.memory_space<vmem>>, vector<1x16xf32>,
        %swap3A_404 = arith.index_cast %scan3A_228 : i32 to index
        %swap3A_405 = arith.constant 400 : index
        %swap3A_406 = tpu.vector_load %arg25[%swap3A_404, %swap3A_405] {strides = array<i32>} : memref<4x2048xf32, #tpu.memory_space<vmem>>, vector<1x16xf32>,
        %swap3A_407 = vector.shape_cast %swap3A_406 : vector<1x16xf32> to vector<16xf32>
        %swap3A_408 = vector.shape_cast %parallel_loop3A_363#8 : vector<16xf32> to vector<1x16xf32>
        tpu.vector_store %arg25[%swap3A_404, %swap3A_405], %swap3A_408 {strides = array<i32>} : memref<4x2048xf32, #tpu.memory_space<vmem>>, vector<1x16xf32>,
        %swap3A_409 = arith.index_cast %scan3A_228 : i32 to index
        %swap3A_410 = arith.constant 528 : index
        %swap3A_411 = tpu.vector_load %arg25[%swap3A_409, %swap3A_410] {strides = array<i32>} : memref<4x2048xf32, #tpu.memory_space<vmem>>, vector<1x16xf32>,
        %swap3A_412 = vector.shape_cast %swap3A_411 : vector<1x16xf32> to vector<16xf32>
        %swap3A_413 = vector.shape_cast %parallel_loop3A_363#9 : vector<16xf32> to vector<1x16xf32>
        tpu.vector_store %arg25[%swap3A_409, %swap3A_410], %swap3A_413 {strides = array<i32>} : memref<4x2048xf32, #tpu.memory_space<vmem>>, vector<1x16xf32>,
        %swap3A_414 = arith.index_cast %scan3A_228 : i32 to index
        %swap3A_415 = arith.constant 32 : index
        %swap3A_416 = tpu.vector_load %arg25[%swap3A_414, %swap3A_415] {strides = array<i32>} : memref<4x2048xf32, #tpu.memory_space<vmem>>, vector<1x16xf32>,
        %swap3A_417 = vector.shape_cast %swap3A_416 : vector<1x16xf32> to vector<16xf32>
        %swap3A_418 = vector.shape_cast %parallel_loop3A_363#10 : vector<16xf32> to vector<1x16xf32>
        tpu.vector_store %arg25[%swap3A_414, %swap3A_415], %swap3A_418 {strides = array<i32>} : memref<4x2048xf32, #tpu.memory_space<vmem>>, vector<1x16xf32>,
        %swap3A_419 = arith.index_cast %scan3A_228 : i32 to index
        %swap3A_420 = arith.constant 160 : index
        %swap3A_421 = tpu.vector_load %arg25[%swap3A_419, %swap3A_420] {strides = array<i32>} : memref<4x2048xf32, #tpu.memory_space<vmem>>, vector<1x16xf32>,
        %swap3A_422 = vector.shape_cast %swap3A_421 : vector<1x16xf32> to vector<16xf32>
        %swap3A_423 = vector.shape_cast %parallel_loop3A_363#11 : vector<16xf32> to vector<1x16xf32>
        tpu.vector_store %arg25[%swap3A_419, %swap3A_420], %swap3A_423 {strides = array<i32>} : memref<4x2048xf32, #tpu.memory_space<vmem>>, vector<1x16xf32>,
        %swap3A_424 = arith.index_cast %scan3A_228 : i32 to index
        %swap3A_425 = arith.constant 288 : index
        %swap3A_426 = tpu.vector_load %arg25[%swap3A_424, %swap3A_425] {strides = array<i32>} : memref<4x2048xf32, #tpu.memory_space<vmem>>, vector<1x16xf32>,
        %swap3A_427 = vector.shape_cast %swap3A_426 : vector<1x16xf32> to vector<16xf32>
        %swap3A_428 = vector.shape_cast %parallel_loop3A_363#12 : vector<16xf32> to vector<1x16xf32>
        tpu.vector_store %arg25[%swap3A_424, %swap3A_425], %swap3A_428 {strides = array<i32>} : memref<4x2048xf32, #tpu.memory_space<vmem>>, vector<1x16xf32>,
        %swap3A_429 = arith.index_cast %scan3A_228 : i32 to index
        %swap3A_430 = arith.constant 416 : index
        %swap3A_431 = tpu.vector_load %arg25[%swap3A_429, %swap3A_430] {strides = array<i32>} : memref<4x2048xf32, #tpu.memory_space<vmem>>, vector<1x16xf32>,
        %swap3A_432 = vector.shape_cast %swap3A_431 : vector<1x16xf32> to vector<16xf32>
        %swap3A_433 = vector.shape_cast %parallel_loop3A_363#13 : vector<16xf32> to vector<1x16xf32>
        tpu.vector_store %arg25[%swap3A_429, %swap3A_430], %swap3A_433 {strides = array<i32>} : memref<4x2048xf32, #tpu.memory_space<vmem>>, vector<1x16xf32>,
        %swap3A_434 = arith.index_cast %scan3A_228 : i32 to index
        %swap3A_435 = arith.constant 544 : index
        %swap3A_436 = tpu.vector_load %arg25[%swap3A_434, %swap3A_435] {strides = array<i32>} : memref<4x2048xf32, #tpu.memory_space<vmem>>, vector<1x16xf32>,
        %swap3A_437 = vector.shape_cast %swap3A_436 : vector<1x16xf32> to vector<16xf32>
        %swap3A_438 = vector.shape_cast %parallel_loop3A_363#14 : vector<16xf32> to vector<1x16xf32>
        tpu.vector_store %arg25[%swap3A_434, %swap3A_435], %swap3A_438 {strides = array<i32>} : memref<4x2048xf32, #tpu.memory_space<vmem>>, vector<1x16xf32>,
        %swap3A_439 = arith.index_cast %scan3A_228 : i32 to index
        %swap3A_440 = arith.constant 48 : index
        %swap3A_441 = tpu.vector_load %arg25[%swap3A_439, %swap3A_440] {strides = array<i32>} : memref<4x2048xf32, #tpu.memory_space<vmem>>, vector<1x16xf32>,
        %swap3A_442 = vector.shape_cast %swap3A_441 : vector<1x16xf32> to vector<16xf32>
        %swap3A_443 = vector.shape_cast %parallel_loop3A_363#15 : vector<16xf32> to vector<1x16xf32>
        tpu.vector_store %arg25[%swap3A_439, %swap3A_440], %swap3A_443 {strides = array<i32>} : memref<4x2048xf32, #tpu.memory_space<vmem>>, vector<1x16xf32>,
        %swap3A_444 = arith.index_cast %scan3A_228 : i32 to index
        %swap3A_445 = arith.constant 176 : index
        %swap3A_446 = tpu.vector_load %arg25[%swap3A_444, %swap3A_445] {strides = array<i32>} : memref<4x2048xf32, #tpu.memory_space<vmem>>, vector<1x16xf32>,
        %swap3A_447 = vector.shape_cast %swap3A_446 : vector<1x16xf32> to vector<16xf32>
        %swap3A_448 = vector.shape_cast %parallel_loop3A_363#16 : vector<16xf32> to vector<1x16xf32>
        tpu.vector_store %arg25[%swap3A_444, %swap3A_445], %swap3A_448 {strides = array<i32>} : memref<4x2048xf32, #tpu.memory_space<vmem>>, vector<1x16xf32>,
        %swap3A_449 = arith.index_cast %scan3A_228 : i32 to index
        %swap3A_450 = arith.constant 304 : index
        %swap3A_451 = tpu.vector_load %arg25[%swap3A_449, %swap3A_450] {strides = array<i32>} : memref<4x2048xf32, #tpu.memory_space<vmem>>, vector<1x16xf32>,
        %swap3A_452 = vector.shape_cast %swap3A_451 : vector<1x16xf32> to vector<16xf32>
        %swap3A_453 = vector.shape_cast %parallel_loop3A_363#17 : vector<16xf32> to vector<1x16xf32>
        tpu.vector_store %arg25[%swap3A_449, %swap3A_450], %swap3A_453 {strides = array<i32>} : memref<4x2048xf32, #tpu.memory_space<vmem>>, vector<1x16xf32>,
        %swap3A_454 = arith.index_cast %scan3A_228 : i32 to index
        %swap3A_455 = arith.constant 432 : index
        %swap3A_456 = tpu.vector_load %arg25[%swap3A_454, %swap3A_455] {strides = array<i32>} : memref<4x2048xf32, #tpu.memory_space<vmem>>, vector<1x16xf32>,
        %swap3A_457 = vector.shape_cast %swap3A_456 : vector<1x16xf32> to vector<16xf32>
        %swap3A_458 = vector.shape_cast %parallel_loop3A_363#18 : vector<16xf32> to vector<1x16xf32>
        tpu.vector_store %arg25[%swap3A_454, %swap3A_455], %swap3A_458 {strides = array<i32>} : memref<4x2048xf32, #tpu.memory_space<vmem>>, vector<1x16xf32>,
        %swap3A_459 = arith.index_cast %scan3A_228 : i32 to index
        %swap3A_460 = arith.constant 560 : index
        %swap3A_461 = tpu.vector_load %arg25[%swap3A_459, %swap3A_460] {strides = array<i32>} : memref<4x2048xf32, #tpu.memory_space<vmem>>, vector<1x16xf32>,
        %swap3A_462 = vector.shape_cast %swap3A_461 : vector<1x16xf32> to vector<16xf32>
        %swap3A_463 = vector.shape_cast %parallel_loop3A_363#19 : vector<16xf32> to vector<1x16xf32>
        tpu.vector_store %arg25[%swap3A_459, %swap3A_460], %swap3A_463 {strides = array<i32>} : memref<4x2048xf32, #tpu.memory_space<vmem>>, vector<1x16xf32>,
        %swap3A_464 = arith.index_cast %scan3A_228 : i32 to index
        %swap3A_465 = arith.constant 64 : index
        %swap3A_466 = tpu.vector_load %arg25[%swap3A_464, %swap3A_465] {strides = array<i32>} : memref<4x2048xf32, #tpu.memory_space<vmem>>, vector<1x16xf32>,
        %swap3A_467 = vector.shape_cast %swap3A_466 : vector<1x16xf32> to vector<16xf32>
        %swap3A_468 = vector.shape_cast %parallel_loop3A_363#20 : vector<16xf32> to vector<1x16xf32>
        tpu.vector_store %arg25[%swap3A_464, %swap3A_465], %swap3A_468 {strides = array<i32>} : memref<4x2048xf32, #tpu.memory_space<vmem>>, vector<1x16xf32>,
        %swap3A_469 = arith.index_cast %scan3A_228 : i32 to index
        %swap3A_470 = arith.constant 192 : index
        %swap3A_471 = tpu.vector_load %arg25[%swap3A_469, %swap3A_470] {strides = array<i32>} : memref<4x2048xf32, #tpu.memory_space<vmem>>, vector<1x16xf32>,
        %swap3A_472 = vector.shape_cast %swap3A_471 : vector<1x16xf32> to vector<16xf32>
        %swap3A_473 = vector.shape_cast %parallel_loop3A_363#21 : vector<16xf32> to vector<1x16xf32>
        tpu.vector_store %arg25[%swap3A_469, %swap3A_470], %swap3A_473 {strides = array<i32>} : memref<4x2048xf32, #tpu.memory_space<vmem>>, vector<1x16xf32>,
        %swap3A_474 = arith.index_cast %scan3A_228 : i32 to index
        %swap3A_475 = arith.constant 320 : index
        %swap3A_476 = tpu.vector_load %arg25[%swap3A_474, %swap3A_475] {strides = array<i32>} : memref<4x2048xf32, #tpu.memory_space<vmem>>, vector<1x16xf32>,
        %swap3A_477 = vector.shape_cast %swap3A_476 : vector<1x16xf32> to vector<16xf32>
        %swap3A_478 = vector.shape_cast %parallel_loop3A_363#22 : vector<16xf32> to vector<1x16xf32>
        tpu.vector_store %arg25[%swap3A_474, %swap3A_475], %swap3A_478 {strides = array<i32>} : memref<4x2048xf32, #tpu.memory_space<vmem>>, vector<1x16xf32>,
        %swap3A_479 = arith.index_cast %scan3A_228 : i32 to index
        %swap3A_480 = arith.constant 448 : index
        %swap3A_481 = tpu.vector_load %arg25[%swap3A_479, %swap3A_480] {strides = array<i32>} : memref<4x2048xf32, #tpu.memory_space<vmem>>, vector<1x16xf32>,
        %swap3A_482 = vector.shape_cast %swap3A_481 : vector<1x16xf32> to vector<16xf32>
        %swap3A_483 = vector.shape_cast %parallel_loop3A_363#23 : vector<16xf32> to vector<1x16xf32>
        tpu.vector_store %arg25[%swap3A_479, %swap3A_480], %swap3A_483 {strides = array<i32>} : memref<4x2048xf32, #tpu.memory_space<vmem>>, vector<1x16xf32>,
        %swap3A_484 = arith.index_cast %scan3A_228 : i32 to index
        %swap3A_485 = arith.constant 576 : index
        %swap3A_486 = tpu.vector_load %arg25[%swap3A_484, %swap3A_485] {strides = array<i32>} : memref<4x2048xf32, #tpu.memory_space<vmem>>, vector<1x16xf32>,
        %swap3A_487 = vector.shape_cast %swap3A_486 : vector<1x16xf32> to vector<16xf32>
        %swap3A_488 = vector.shape_cast %parallel_loop3A_363#24 : vector<16xf32> to vector<1x16xf32>
        tpu.vector_store %arg25[%swap3A_484, %swap3A_485], %swap3A_488 {strides = array<i32>} : memref<4x2048xf32, #tpu.memory_space<vmem>>, vector<1x16xf32>,
        %swap3A_489 = arith.index_cast %scan3A_228 : i32 to index
        %swap3A_490 = arith.constant 80 : index
        %swap3A_491 = tpu.vector_load %arg25[%swap3A_489, %swap3A_490] {strides = array<i32>} : memref<4x2048xf32, #tpu.memory_space<vmem>>, vector<1x16xf32>,
        %swap3A_492 = vector.shape_cast %swap3A_491 : vector<1x16xf32> to vector<16xf32>
        %swap3A_493 = vector.shape_cast %parallel_loop3A_363#25 : vector<16xf32> to vector<1x16xf32>
        tpu.vector_store %arg25[%swap3A_489, %swap3A_490], %swap3A_493 {strides = array<i32>} : memref<4x2048xf32, #tpu.memory_space<vmem>>, vector<1x16xf32>,
        %swap3A_494 = arith.index_cast %scan3A_228 : i32 to index
        %swap3A_495 = arith.constant 208 : index
        %swap3A_496 = tpu.vector_load %arg25[%swap3A_494, %swap3A_495] {strides = array<i32>} : memref<4x2048xf32, #tpu.memory_space<vmem>>, vector<1x16xf32>,
        %swap3A_497 = vector.shape_cast %swap3A_496 : vector<1x16xf32> to vector<16xf32>
        %swap3A_498 = vector.shape_cast %parallel_loop3A_363#26 : vector<16xf32> to vector<1x16xf32>
        tpu.vector_store %arg25[%swap3A_494, %swap3A_495], %swap3A_498 {strides = array<i32>} : memref<4x2048xf32, #tpu.memory_space<vmem>>, vector<1x16xf32>,
        %swap3A_499 = arith.index_cast %scan3A_228 : i32 to index
        %swap3A_500 = arith.constant 336 : index
        %swap3A_501 = tpu.vector_load %arg25[%swap3A_499, %swap3A_500] {strides = array<i32>} : memref<4x2048xf32, #tpu.memory_space<vmem>>, vector<1x16xf32>,
        %swap3A_502 = vector.shape_cast %swap3A_501 : vector<1x16xf32> to vector<16xf32>
        %swap3A_503 = vector.shape_cast %parallel_loop3A_363#27 : vector<16xf32> to vector<1x16xf32>
        tpu.vector_store %arg25[%swap3A_499, %swap3A_500], %swap3A_503 {strides = array<i32>} : memref<4x2048xf32, #tpu.memory_space<vmem>>, vector<1x16xf32>,
        %swap3A_504 = arith.index_cast %scan3A_228 : i32 to index
        %swap3A_505 = arith.constant 464 : index
        %swap3A_506 = tpu.vector_load %arg25[%swap3A_504, %swap3A_505] {strides = array<i32>} : memref<4x2048xf32, #tpu.memory_space<vmem>>, vector<1x16xf32>,
        %swap3A_507 = vector.shape_cast %swap3A_506 : vector<1x16xf32> to vector<16xf32>
        %swap3A_508 = vector.shape_cast %parallel_loop3A_363#28 : vector<16xf32> to vector<1x16xf32>
        tpu.vector_store %arg25[%swap3A_504, %swap3A_505], %swap3A_508 {strides = array<i32>} : memref<4x2048xf32, #tpu.memory_space<vmem>>, vector<1x16xf32>,
        %swap3A_509 = arith.index_cast %scan3A_228 : i32 to index
        %swap3A_510 = arith.constant 592 : index
        %swap3A_511 = tpu.vector_load %arg25[%swap3A_509, %swap3A_510] {strides = array<i32>} : memref<4x2048xf32, #tpu.memory_space<vmem>>, vector<1x16xf32>,
        %swap3A_512 = vector.shape_cast %swap3A_511 : vector<1x16xf32> to vector<16xf32>
        %swap3A_513 = vector.shape_cast %parallel_loop3A_363#29 : vector<16xf32> to vector<1x16xf32>
        tpu.vector_store %arg25[%swap3A_509, %swap3A_510], %swap3A_513 {strides = array<i32>} : memref<4x2048xf32, #tpu.memory_space<vmem>>, vector<1x16xf32>,
        %swap3A_514 = arith.index_cast %scan3A_228 : i32 to index
        %swap3A_515 = arith.constant 96 : index
        %swap3A_516 = tpu.vector_load %arg25[%swap3A_514, %swap3A_515] {strides = array<i32>} : memref<4x2048xf32, #tpu.memory_space<vmem>>, vector<1x16xf32>,
        %swap3A_517 = vector.shape_cast %swap3A_516 : vector<1x16xf32> to vector<16xf32>
        %swap3A_518 = vector.shape_cast %parallel_loop3A_363#30 : vector<16xf32> to vector<1x16xf32>
        tpu.vector_store %arg25[%swap3A_514, %swap3A_515], %swap3A_518 {strides = array<i32>} : memref<4x2048xf32, #tpu.memory_space<vmem>>, vector<1x16xf32>,
        %swap3A_519 = arith.index_cast %scan3A_228 : i32 to index
        %swap3A_520 = arith.constant 224 : index
        %swap3A_521 = tpu.vector_load %arg25[%swap3A_519, %swap3A_520] {strides = array<i32>} : memref<4x2048xf32, #tpu.memory_space<vmem>>, vector<1x16xf32>,
        %swap3A_522 = vector.shape_cast %swap3A_521 : vector<1x16xf32> to vector<16xf32>
        %swap3A_523 = vector.shape_cast %parallel_loop3A_363#31 : vector<16xf32> to vector<1x16xf32>
        tpu.vector_store %arg25[%swap3A_519, %swap3A_520], %swap3A_523 {strides = array<i32>} : memref<4x2048xf32, #tpu.memory_space<vmem>>, vector<1x16xf32>,
        %swap3A_524 = arith.index_cast %scan3A_228 : i32 to index
        %swap3A_525 = arith.constant 352 : index
        %swap3A_526 = tpu.vector_load %arg25[%swap3A_524, %swap3A_525] {strides = array<i32>} : memref<4x2048xf32, #tpu.memory_space<vmem>>, vector<1x16xf32>,
        %swap3A_527 = vector.shape_cast %swap3A_526 : vector<1x16xf32> to vector<16xf32>
        %swap3A_528 = vector.shape_cast %parallel_loop3A_363#32 : vector<16xf32> to vector<1x16xf32>
        tpu.vector_store %arg25[%swap3A_524, %swap3A_525], %swap3A_528 {strides = array<i32>} : memref<4x2048xf32, #tpu.memory_space<vmem>>, vector<1x16xf32>,
        %swap3A_529 = arith.index_cast %scan3A_228 : i32 to index
        %swap3A_530 = arith.constant 480 : index
        %swap3A_531 = tpu.vector_load %arg25[%swap3A_529, %swap3A_530] {strides = array<i32>} : memref<4x2048xf32, #tpu.memory_space<vmem>>, vector<1x16xf32>,
        %swap3A_532 = vector.shape_cast %swap3A_531 : vector<1x16xf32> to vector<16xf32>
        %swap3A_533 = vector.shape_cast %parallel_loop3A_363#33 : vector<16xf32> to vector<1x16xf32>
        tpu.vector_store %arg25[%swap3A_529, %swap3A_530], %swap3A_533 {strides = array<i32>} : memref<4x2048xf32, #tpu.memory_space<vmem>>, vector<1x16xf32>,
        %swap3A_534 = arith.index_cast %scan3A_228 : i32 to index
        %swap3A_535 = arith.constant 608 : index
        %swap3A_536 = tpu.vector_load %arg25[%swap3A_534, %swap3A_535] {strides = array<i32>} : memref<4x2048xf32, #tpu.memory_space<vmem>>, vector<1x16xf32>,
        %swap3A_537 = vector.shape_cast %swap3A_536 : vector<1x16xf32> to vector<16xf32>
        %swap3A_538 = vector.shape_cast %parallel_loop3A_363#34 : vector<16xf32> to vector<1x16xf32>
        tpu.vector_store %arg25[%swap3A_534, %swap3A_535], %swap3A_538 {strides = array<i32>} : memref<4x2048xf32, #tpu.memory_space<vmem>>, vector<1x16xf32>,
        %swap3A_539 = arith.index_cast %scan3A_228 : i32 to index
        %swap3A_540 = arith.constant 112 : index
        %swap3A_541 = tpu.vector_load %arg25[%swap3A_539, %swap3A_540] {strides = array<i32>} : memref<4x2048xf32, #tpu.memory_space<vmem>>, vector<1x16xf32>,
        %swap3A_542 = vector.shape_cast %swap3A_541 : vector<1x16xf32> to vector<16xf32>
        %swap3A_543 = vector.shape_cast %parallel_loop3A_363#35 : vector<16xf32> to vector<1x16xf32>
        tpu.vector_store %arg25[%swap3A_539, %swap3A_540], %swap3A_543 {strides = array<i32>} : memref<4x2048xf32, #tpu.memory_space<vmem>>, vector<1x16xf32>,
        %swap3A_544 = arith.index_cast %scan3A_228 : i32 to index
        %swap3A_545 = arith.constant 240 : index
        %swap3A_546 = tpu.vector_load %arg25[%swap3A_544, %swap3A_545] {strides = array<i32>} : memref<4x2048xf32, #tpu.memory_space<vmem>>, vector<1x16xf32>,
        %swap3A_547 = vector.shape_cast %swap3A_546 : vector<1x16xf32> to vector<16xf32>
        %swap3A_548 = vector.shape_cast %parallel_loop3A_363#36 : vector<16xf32> to vector<1x16xf32>
        tpu.vector_store %arg25[%swap3A_544, %swap3A_545], %swap3A_548 {strides = array<i32>} : memref<4x2048xf32, #tpu.memory_space<vmem>>, vector<1x16xf32>,
        %swap3A_549 = arith.index_cast %scan3A_228 : i32 to index
        %swap3A_550 = arith.constant 368 : index
        %swap3A_551 = tpu.vector_load %arg25[%swap3A_549, %swap3A_550] {strides = array<i32>} : memref<4x2048xf32, #tpu.memory_space<vmem>>, vector<1x16xf32>,
        %swap3A_552 = vector.shape_cast %swap3A_551 : vector<1x16xf32> to vector<16xf32>
        %swap3A_553 = vector.shape_cast %parallel_loop3A_363#37 : vector<16xf32> to vector<1x16xf32>
        tpu.vector_store %arg25[%swap3A_549, %swap3A_550], %swap3A_553 {strides = array<i32>} : memref<4x2048xf32, #tpu.memory_space<vmem>>, vector<1x16xf32>,
        %swap3A_554 = arith.index_cast %scan3A_228 : i32 to index
        %swap3A_555 = arith.constant 496 : index
        %swap3A_556 = tpu.vector_load %arg25[%swap3A_554, %swap3A_555] {strides = array<i32>} : memref<4x2048xf32, #tpu.memory_space<vmem>>, vector<1x16xf32>,
        %swap3A_557 = vector.shape_cast %swap3A_556 : vector<1x16xf32> to vector<16xf32>
        %swap3A_558 = vector.shape_cast %parallel_loop3A_363#38 : vector<16xf32> to vector<1x16xf32>
        tpu.vector_store %arg25[%swap3A_554, %swap3A_555], %swap3A_558 {strides = array<i32>} : memref<4x2048xf32, #tpu.memory_space<vmem>>, vector<1x16xf32>,
        %swap3A_559 = arith.index_cast %scan3A_228 : i32 to index
        %swap3A_560 = arith.constant 624 : index
        %swap3A_561 = tpu.vector_load %arg25[%swap3A_559, %swap3A_560] {strides = array<i32>} : memref<4x2048xf32, #tpu.memory_space<vmem>>, vector<1x16xf32>,
        %swap3A_562 = vector.shape_cast %swap3A_561 : vector<1x16xf32> to vector<16xf32>
        %swap3A_563 = vector.shape_cast %parallel_loop3A_363#39 : vector<16xf32> to vector<1x16xf32>
        tpu.vector_store %arg25[%swap3A_559, %swap3A_560], %swap3A_563 {strides = array<i32>} : memref<4x2048xf32, #tpu.memory_space<vmem>>, vector<1x16xf32>,
        %parallel_loop3A_564 = arith.constant 0 : i32
        %parallel_loop3A_565 = arith.constant 32 : i32
        %parallel_loop3A_566 = arith.constant 1 : i32
        %parallel_loop3A_567:40 = scf.for %parallel_loop3A_973 = %parallel_loop3A_564 to %parallel_loop3A_565 step %parallel_loop3A_566 iter_args(%parallel_loop3A_974 = %broadcast_in_dim3A_265, %parallel_loop3A_975 = %broadcast_in_dim3A_265, %parallel_loop3A_976 = %broadcast_in_dim3A_265, %parallel_loop3A_977 = %broadcast_in_dim3A_265, %parallel_loop3A_978 = %broadcast_in_dim3A_265, %parallel_loop3A_979 = %broadcast_in_dim3A_265, %parallel_loop3A_980 = %broadcast_in_dim3A_265, %parallel_loop3A_981 = %broadcast_in_dim3A_265, %parallel_loop3A_982 = %broadcast_in_dim3A_265, %parallel_loop3A_983 = %broadcast_in_dim3A_265, %parallel_loop3A_984 = %broadcast_in_dim3A_265, %parallel_loop3A_985 = %broadcast_in_dim3A_265, %parallel_loop3A_986 = %broadcast_in_dim3A_265, %parallel_loop3A_987 = %broadcast_in_dim3A_265, %parallel_loop3A_988 = %broadcast_in_dim3A_265, %parallel_loop3A_989 = %broadcast_in_dim3A_265, %parallel_loop3A_990 = %broadcast_in_dim3A_265, %parallel_loop3A_991 = %broadcast_in_dim3A_265, %parallel_loop3A_992 = %broadcast_in_dim3A_265, %parallel_loop3A_993 = %broadcast_in_dim3A_265, %parallel_loop3A_994 = %broadcast_in_dim3A_265, %parallel_loop3A_995 = %broadcast_in_dim3A_265, %parallel_loop3A_996 = %broadcast_in_dim3A_265, %parallel_loop3A_997 = %broadcast_in_dim3A_265, %parallel_loop3A_998 = %broadcast_in_dim3A_265, %parallel_loop3A_999 = %broadcast_in_dim3A_265, %parallel_loop3A_1000 = %broadcast_in_dim3A_265, %parallel_loop3A_1001 = %broadcast_in_dim3A_265, %parallel_loop3A_1002 = %broadcast_in_dim3A_265, %parallel_loop3A_1003 = %broadcast_in_dim3A_265, %parallel_loop3A_1004 = %broadcast_in_dim3A_265, %parallel_loop3A_1005 = %broadcast_in_dim3A_265, %parallel_loop3A_1006 = %broadcast_in_dim3A_265, %parallel_loop3A_1007 = %broadcast_in_dim3A_265, %parallel_loop3A_1008 = %broadcast_in_dim3A_265, %parallel_loop3A_1009 = %broadcast_in_dim3A_265, %parallel_loop3A_1010 = %broadcast_in_dim3A_265, %parallel_loop3A_1011 = %broadcast_in_dim3A_265, %parallel_loop3A_1012 = %broadcast_in_dim3A_265, %parallel_loop3A_1013 = %broadcast_in_dim3A_265) -> (vector<16xf32>, vector<16xf32>, vector<16xf32>, vector<16xf32>, vector<16xf32>, vector<16xf32>, vector<16xf32>, vector<16xf32>, vector<16xf32>, vector<16xf32>, vector<16xf32>, vector<16xf32>, vector<16xf32>, vector<16xf32>, vector<16xf32>, vector<16xf32>, vector<16xf32>, vector<16xf32>, vector<16xf32>, vector<16xf32>, vector<16xf32>, vector<16xf32>, vector<16xf32>, vector<16xf32>, vector<16xf32>, vector<16xf32>, vector<16xf32>, vector<16xf32>, vector<16xf32>, vector<16xf32>, vector<16xf32>, vector<16xf32>, vector<16xf32>, vector<16xf32>, vector<16xf32>, vector<16xf32>, vector<16xf32>, vector<16xf32>, vector<16xf32>, vector<16xf32>)  : i32 {
          %parallel_loop3A_1014 = arith.addi %mul3A_263, %parallel_loop3A_973 : i32
          %parallel_loop3A_1015 = arith.index_cast %parallel_loop3A_973 : i32 to index
          %parallel_loop3A_1016 = arith.constant 0 : index
          %parallel_loop3A_1017 = tpu.vector_load %arg24[%parallel_loop3A_1015, %parallel_loop3A_1016] {strides = array<i32>} : memref<32x16xf32, #tpu.memory_space<vmem>>, vector<1x16xf32>,
          %parallel_loop3A_1018 = vector.shape_cast %parallel_loop3A_1017 : vector<1x16xf32> to vector<16xf32>
          %parallel_loop3A_1019 = arith.constant 0 : i32
          %parallel_loop3A_1020 = vector.broadcast %parallel_loop3A_1019 : i32 to vector<16xi32>
          %parallel_loop3A_1021 = arith.constant 5 : i32
          %parallel_loop3A_1022 = vector.broadcast %parallel_loop3A_1021 : i32 to vector<16xi32>
          %parallel_loop3A_1023 = arith.addi %parallel_loop3A_1020, %parallel_loop3A_1022 : vector<16xi32>
          %parallel_loop3A_1024 = vector.shape_cast %parallel_loop3A_1023 : vector<16xi32> to vector<16x1xi32>
          %parallel_loop3A_1025 = vector.shape_cast %parallel_loop3A_1024 : vector<16x1xi32> to vector<16xi32>
          %parallel_loop3A_1026 = tpu.dynamic_gather %parallel_loop3A_1018[%parallel_loop3A_1025] in [0] : vector<16xf32>, vector<16xi32> -> vector<16xf32>
          %parallel_loop3A_1027 = arith.constant 0 : i32
          %parallel_loop3A_1028 = vector.broadcast %parallel_loop3A_1027 : i32 to vector<16xi32>
          %parallel_loop3A_1029 = arith.constant 6 : i32
          %parallel_loop3A_1030 = vector.broadcast %parallel_loop3A_1029 : i32 to vector<16xi32>
          %parallel_loop3A_1031 = arith.addi %parallel_loop3A_1028, %parallel_loop3A_1030 : vector<16xi32>
          %parallel_loop3A_1032 = vector.shape_cast %parallel_loop3A_1031 : vector<16xi32> to vector<16x1xi32>
          %parallel_loop3A_1033 = vector.shape_cast %parallel_loop3A_1032 : vector<16x1xi32> to vector<16xi32>
          %parallel_loop3A_1034 = tpu.dynamic_gather %parallel_loop3A_1018[%parallel_loop3A_1033] in [0] : vector<16xf32>, vector<16xi32> -> vector<16xf32>
          %parallel_loop3A_1035 = arith.constant 0 : i32
          %parallel_loop3A_1036 = vector.broadcast %parallel_loop3A_1035 : i32 to vector<16xi32>
          %parallel_loop3A_1037 = arith.constant 7 : i32
          %parallel_loop3A_1038 = vector.broadcast %parallel_loop3A_1037 : i32 to vector<16xi32>
          %parallel_loop3A_1039 = arith.addi %parallel_loop3A_1036, %parallel_loop3A_1038 : vector<16xi32>
          %parallel_loop3A_1040 = vector.shape_cast %parallel_loop3A_1039 : vector<16xi32> to vector<16x1xi32>
          %parallel_loop3A_1041 = vector.shape_cast %parallel_loop3A_1040 : vector<16x1xi32> to vector<16xi32>
          %parallel_loop3A_1042 = tpu.dynamic_gather %parallel_loop3A_1018[%parallel_loop3A_1041] in [0] : vector<16xf32>, vector<16xi32> -> vector<16xf32>
          %parallel_loop3A_1043 = arith.constant 0 : i32
          %parallel_loop3A_1044 = vector.broadcast %parallel_loop3A_1043 : i32 to vector<16xi32>
          %parallel_loop3A_1045 = arith.constant 8 : i32
          %parallel_loop3A_1046 = vector.broadcast %parallel_loop3A_1045 : i32 to vector<16xi32>
          %parallel_loop3A_1047 = arith.addi %parallel_loop3A_1044, %parallel_loop3A_1046 : vector<16xi32>
          %parallel_loop3A_1048 = vector.shape_cast %parallel_loop3A_1047 : vector<16xi32> to vector<16x1xi32>
          %parallel_loop3A_1049 = vector.shape_cast %parallel_loop3A_1048 : vector<16x1xi32> to vector<16xi32>
          %parallel_loop3A_1050 = tpu.dynamic_gather %parallel_loop3A_1018[%parallel_loop3A_1049] in [0] : vector<16xf32>, vector<16xi32> -> vector<16xf32>
          %parallel_loop3A_1051 = arith.constant 0 : i32
          %parallel_loop3A_1052 = vector.broadcast %parallel_loop3A_1051 : i32 to vector<16xi32>
          %parallel_loop3A_1053 = arith.constant 9 : i32
          %parallel_loop3A_1054 = vector.broadcast %parallel_loop3A_1053 : i32 to vector<16xi32>
          %parallel_loop3A_1055 = arith.addi %parallel_loop3A_1052, %parallel_loop3A_1054 : vector<16xi32>
          %parallel_loop3A_1056 = vector.shape_cast %parallel_loop3A_1055 : vector<16xi32> to vector<16x1xi32>
          %parallel_loop3A_1057 = vector.shape_cast %parallel_loop3A_1056 : vector<16x1xi32> to vector<16xi32>
          %parallel_loop3A_1058 = tpu.dynamic_gather %parallel_loop3A_1018[%parallel_loop3A_1057] in [0] : vector<16xf32>, vector<16xi32> -> vector<16xf32>
          %parallel_loop3A_1059 = arith.index_cast %parallel_loop3A_1014 : i32 to index
          %parallel_loop3A_1060 = arith.constant 0 : index
          %parallel_loop3A_1061 = tpu.vector_load %arg14[%parallel_loop3A_1059, %parallel_loop3A_1060] {strides = array<i32>} : memref<128x128xf32, #tpu.memory_space<vmem>>, vector<1x16xf32>,
          %parallel_loop3A_1062 = vector.shape_cast %parallel_loop3A_1061 : vector<1x16xf32> to vector<16xf32>
          %parallel_loop3A_1063 = arith.mulf %parallel_loop3A_1026, %parallel_loop3A_1062 : vector<16xf32>
          %parallel_loop3A_1064 = arith.addf %parallel_loop3A_974, %parallel_loop3A_1063 : vector<16xf32>
          %parallel_loop3A_1065 = arith.mulf %parallel_loop3A_1034, %parallel_loop3A_1062 : vector<16xf32>
          %parallel_loop3A_1066 = arith.addf %parallel_loop3A_975, %parallel_loop3A_1065 : vector<16xf32>
          %parallel_loop3A_1067 = arith.mulf %parallel_loop3A_1042, %parallel_loop3A_1062 : vector<16xf32>
          %parallel_loop3A_1068 = arith.addf %parallel_loop3A_976, %parallel_loop3A_1067 : vector<16xf32>
          %parallel_loop3A_1069 = arith.mulf %parallel_loop3A_1050, %parallel_loop3A_1062 : vector<16xf32>
          %parallel_loop3A_1070 = arith.addf %parallel_loop3A_977, %parallel_loop3A_1069 : vector<16xf32>
          %parallel_loop3A_1071 = arith.mulf %parallel_loop3A_1058, %parallel_loop3A_1062 : vector<16xf32>
          %parallel_loop3A_1072 = arith.addf %parallel_loop3A_978, %parallel_loop3A_1071 : vector<16xf32>
          %parallel_loop3A_1073 = arith.index_cast %parallel_loop3A_1014 : i32 to index
          %parallel_loop3A_1074 = arith.constant 16 : index
          %parallel_loop3A_1075 = tpu.vector_load %arg14[%parallel_loop3A_1073, %parallel_loop3A_1074] {strides = array<i32>} : memref<128x128xf32, #tpu.memory_space<vmem>>, vector<1x16xf32>,
          %parallel_loop3A_1076 = vector.shape_cast %parallel_loop3A_1075 : vector<1x16xf32> to vector<16xf32>
          %parallel_loop3A_1077 = arith.mulf %parallel_loop3A_1026, %parallel_loop3A_1076 : vector<16xf32>
          %parallel_loop3A_1078 = arith.addf %parallel_loop3A_979, %parallel_loop3A_1077 : vector<16xf32>
          %parallel_loop3A_1079 = arith.mulf %parallel_loop3A_1034, %parallel_loop3A_1076 : vector<16xf32>
          %parallel_loop3A_1080 = arith.addf %parallel_loop3A_980, %parallel_loop3A_1079 : vector<16xf32>
          %parallel_loop3A_1081 = arith.mulf %parallel_loop3A_1042, %parallel_loop3A_1076 : vector<16xf32>
          %parallel_loop3A_1082 = arith.addf %parallel_loop3A_981, %parallel_loop3A_1081 : vector<16xf32>
          %parallel_loop3A_1083 = arith.mulf %parallel_loop3A_1050, %parallel_loop3A_1076 : vector<16xf32>
          %parallel_loop3A_1084 = arith.addf %parallel_loop3A_982, %parallel_loop3A_1083 : vector<16xf32>
          %parallel_loop3A_1085 = arith.mulf %parallel_loop3A_1058, %parallel_loop3A_1076 : vector<16xf32>
          %parallel_loop3A_1086 = arith.addf %parallel_loop3A_983, %parallel_loop3A_1085 : vector<16xf32>
          %parallel_loop3A_1087 = arith.index_cast %parallel_loop3A_1014 : i32 to index
          %parallel_loop3A_1088 = arith.constant 32 : index
          %parallel_loop3A_1089 = tpu.vector_load %arg14[%parallel_loop3A_1087, %parallel_loop3A_1088] {strides = array<i32>} : memref<128x128xf32, #tpu.memory_space<vmem>>, vector<1x16xf32>,
          %parallel_loop3A_1090 = vector.shape_cast %parallel_loop3A_1089 : vector<1x16xf32> to vector<16xf32>
          %parallel_loop3A_1091 = arith.mulf %parallel_loop3A_1026, %parallel_loop3A_1090 : vector<16xf32>
          %parallel_loop3A_1092 = arith.addf %parallel_loop3A_984, %parallel_loop3A_1091 : vector<16xf32>
          %parallel_loop3A_1093 = arith.mulf %parallel_loop3A_1034, %parallel_loop3A_1090 : vector<16xf32>
          %parallel_loop3A_1094 = arith.addf %parallel_loop3A_985, %parallel_loop3A_1093 : vector<16xf32>
          %parallel_loop3A_1095 = arith.mulf %parallel_loop3A_1042, %parallel_loop3A_1090 : vector<16xf32>
          %parallel_loop3A_1096 = arith.addf %parallel_loop3A_986, %parallel_loop3A_1095 : vector<16xf32>
          %parallel_loop3A_1097 = arith.mulf %parallel_loop3A_1050, %parallel_loop3A_1090 : vector<16xf32>
          %parallel_loop3A_1098 = arith.addf %parallel_loop3A_987, %parallel_loop3A_1097 : vector<16xf32>
          %parallel_loop3A_1099 = arith.mulf %parallel_loop3A_1058, %parallel_loop3A_1090 : vector<16xf32>
          %parallel_loop3A_1100 = arith.addf %parallel_loop3A_988, %parallel_loop3A_1099 : vector<16xf32>
          %parallel_loop3A_1101 = arith.index_cast %parallel_loop3A_1014 : i32 to index
          %parallel_loop3A_1102 = arith.constant 48 : index
          %parallel_loop3A_1103 = tpu.vector_load %arg14[%parallel_loop3A_1101, %parallel_loop3A_1102] {strides = array<i32>} : memref<128x128xf32, #tpu.memory_space<vmem>>, vector<1x16xf32>,
          %parallel_loop3A_1104 = vector.shape_cast %parallel_loop3A_1103 : vector<1x16xf32> to vector<16xf32>
          %parallel_loop3A_1105 = arith.mulf %parallel_loop3A_1026, %parallel_loop3A_1104 : vector<16xf32>
          %parallel_loop3A_1106 = arith.addf %parallel_loop3A_989, %parallel_loop3A_1105 : vector<16xf32>
          %parallel_loop3A_1107 = arith.mulf %parallel_loop3A_1034, %parallel_loop3A_1104 : vector<16xf32>
          %parallel_loop3A_1108 = arith.addf %parallel_loop3A_990, %parallel_loop3A_1107 : vector<16xf32>
          %parallel_loop3A_1109 = arith.mulf %parallel_loop3A_1042, %parallel_loop3A_1104 : vector<16xf32>
          %parallel_loop3A_1110 = arith.addf %parallel_loop3A_991, %parallel_loop3A_1109 : vector<16xf32>
          %parallel_loop3A_1111 = arith.mulf %parallel_loop3A_1050, %parallel_loop3A_1104 : vector<16xf32>
          %parallel_loop3A_1112 = arith.addf %parallel_loop3A_992, %parallel_loop3A_1111 : vector<16xf32>
          %parallel_loop3A_1113 = arith.mulf %parallel_loop3A_1058, %parallel_loop3A_1104 : vector<16xf32>
          %parallel_loop3A_1114 = arith.addf %parallel_loop3A_993, %parallel_loop3A_1113 : vector<16xf32>
          %parallel_loop3A_1115 = arith.index_cast %parallel_loop3A_1014 : i32 to index
          %parallel_loop3A_1116 = arith.constant 64 : index
          %parallel_loop3A_1117 = tpu.vector_load %arg14[%parallel_loop3A_1115, %parallel_loop3A_1116] {strides = array<i32>} : memref<128x128xf32, #tpu.memory_space<vmem>>, vector<1x16xf32>,
          %parallel_loop3A_1118 = vector.shape_cast %parallel_loop3A_1117 : vector<1x16xf32> to vector<16xf32>
          %parallel_loop3A_1119 = arith.mulf %parallel_loop3A_1026, %parallel_loop3A_1118 : vector<16xf32>
          %parallel_loop3A_1120 = arith.addf %parallel_loop3A_994, %parallel_loop3A_1119 : vector<16xf32>
          %parallel_loop3A_1121 = arith.mulf %parallel_loop3A_1034, %parallel_loop3A_1118 : vector<16xf32>
          %parallel_loop3A_1122 = arith.addf %parallel_loop3A_995, %parallel_loop3A_1121 : vector<16xf32>
          %parallel_loop3A_1123 = arith.mulf %parallel_loop3A_1042, %parallel_loop3A_1118 : vector<16xf32>
          %parallel_loop3A_1124 = arith.addf %parallel_loop3A_996, %parallel_loop3A_1123 : vector<16xf32>
          %parallel_loop3A_1125 = arith.mulf %parallel_loop3A_1050, %parallel_loop3A_1118 : vector<16xf32>
          %parallel_loop3A_1126 = arith.addf %parallel_loop3A_997, %parallel_loop3A_1125 : vector<16xf32>
          %parallel_loop3A_1127 = arith.mulf %parallel_loop3A_1058, %parallel_loop3A_1118 : vector<16xf32>
          %parallel_loop3A_1128 = arith.addf %parallel_loop3A_998, %parallel_loop3A_1127 : vector<16xf32>
          %parallel_loop3A_1129 = arith.index_cast %parallel_loop3A_1014 : i32 to index
          %parallel_loop3A_1130 = arith.constant 80 : index
          %parallel_loop3A_1131 = tpu.vector_load %arg14[%parallel_loop3A_1129, %parallel_loop3A_1130] {strides = array<i32>} : memref<128x128xf32, #tpu.memory_space<vmem>>, vector<1x16xf32>,
          %parallel_loop3A_1132 = vector.shape_cast %parallel_loop3A_1131 : vector<1x16xf32> to vector<16xf32>
          %parallel_loop3A_1133 = arith.mulf %parallel_loop3A_1026, %parallel_loop3A_1132 : vector<16xf32>
          %parallel_loop3A_1134 = arith.addf %parallel_loop3A_999, %parallel_loop3A_1133 : vector<16xf32>
          %parallel_loop3A_1135 = arith.mulf %parallel_loop3A_1034, %parallel_loop3A_1132 : vector<16xf32>
          %parallel_loop3A_1136 = arith.addf %parallel_loop3A_1000, %parallel_loop3A_1135 : vector<16xf32>
          %parallel_loop3A_1137 = arith.mulf %parallel_loop3A_1042, %parallel_loop3A_1132 : vector<16xf32>
          %parallel_loop3A_1138 = arith.addf %parallel_loop3A_1001, %parallel_loop3A_1137 : vector<16xf32>
          %parallel_loop3A_1139 = arith.mulf %parallel_loop3A_1050, %parallel_loop3A_1132 : vector<16xf32>
          %parallel_loop3A_1140 = arith.addf %parallel_loop3A_1002, %parallel_loop3A_1139 : vector<16xf32>
          %parallel_loop3A_1141 = arith.mulf %parallel_loop3A_1058, %parallel_loop3A_1132 : vector<16xf32>
          %parallel_loop3A_1142 = arith.addf %parallel_loop3A_1003, %parallel_loop3A_1141 : vector<16xf32>
          %parallel_loop3A_1143 = arith.index_cast %parallel_loop3A_1014 : i32 to index
          %parallel_loop3A_1144 = arith.constant 96 : index
          %parallel_loop3A_1145 = tpu.vector_load %arg14[%parallel_loop3A_1143, %parallel_loop3A_1144] {strides = array<i32>} : memref<128x128xf32, #tpu.memory_space<vmem>>, vector<1x16xf32>,
          %parallel_loop3A_1146 = vector.shape_cast %parallel_loop3A_1145 : vector<1x16xf32> to vector<16xf32>
          %parallel_loop3A_1147 = arith.mulf %parallel_loop3A_1026, %parallel_loop3A_1146 : vector<16xf32>
          %parallel_loop3A_1148 = arith.addf %parallel_loop3A_1004, %parallel_loop3A_1147 : vector<16xf32>
          %parallel_loop3A_1149 = arith.mulf %parallel_loop3A_1034, %parallel_loop3A_1146 : vector<16xf32>
          %parallel_loop3A_1150 = arith.addf %parallel_loop3A_1005, %parallel_loop3A_1149 : vector<16xf32>
          %parallel_loop3A_1151 = arith.mulf %parallel_loop3A_1042, %parallel_loop3A_1146 : vector<16xf32>
          %parallel_loop3A_1152 = arith.addf %parallel_loop3A_1006, %parallel_loop3A_1151 : vector<16xf32>
          %parallel_loop3A_1153 = arith.mulf %parallel_loop3A_1050, %parallel_loop3A_1146 : vector<16xf32>
          %parallel_loop3A_1154 = arith.addf %parallel_loop3A_1007, %parallel_loop3A_1153 : vector<16xf32>
          %parallel_loop3A_1155 = arith.mulf %parallel_loop3A_1058, %parallel_loop3A_1146 : vector<16xf32>
          %parallel_loop3A_1156 = arith.addf %parallel_loop3A_1008, %parallel_loop3A_1155 : vector<16xf32>
          %parallel_loop3A_1157 = arith.index_cast %parallel_loop3A_1014 : i32 to index
          %parallel_loop3A_1158 = arith.constant 112 : index
          %parallel_loop3A_1159 = tpu.vector_load %arg14[%parallel_loop3A_1157, %parallel_loop3A_1158] {strides = array<i32>} : memref<128x128xf32, #tpu.memory_space<vmem>>, vector<1x16xf32>,
          %parallel_loop3A_1160 = vector.shape_cast %parallel_loop3A_1159 : vector<1x16xf32> to vector<16xf32>
          %parallel_loop3A_1161 = arith.mulf %parallel_loop3A_1026, %parallel_loop3A_1160 : vector<16xf32>
          %parallel_loop3A_1162 = arith.addf %parallel_loop3A_1009, %parallel_loop3A_1161 : vector<16xf32>
          %parallel_loop3A_1163 = arith.mulf %parallel_loop3A_1034, %parallel_loop3A_1160 : vector<16xf32>
          %parallel_loop3A_1164 = arith.addf %parallel_loop3A_1010, %parallel_loop3A_1163 : vector<16xf32>
          %parallel_loop3A_1165 = arith.mulf %parallel_loop3A_1042, %parallel_loop3A_1160 : vector<16xf32>
          %parallel_loop3A_1166 = arith.addf %parallel_loop3A_1011, %parallel_loop3A_1165 : vector<16xf32>
          %parallel_loop3A_1167 = arith.mulf %parallel_loop3A_1050, %parallel_loop3A_1160 : vector<16xf32>
          %parallel_loop3A_1168 = arith.addf %parallel_loop3A_1012, %parallel_loop3A_1167 : vector<16xf32>
          %parallel_loop3A_1169 = arith.mulf %parallel_loop3A_1058, %parallel_loop3A_1160 : vector<16xf32>
          %parallel_loop3A_1170 = arith.addf %parallel_loop3A_1013, %parallel_loop3A_1169 : vector<16xf32>
          scf.yield %parallel_loop3A_1064, %parallel_loop3A_1066, %parallel_loop3A_1068, %parallel_loop3A_1070, %parallel_loop3A_1072, %parallel_loop3A_1078, %parallel_loop3A_1080, %parallel_loop3A_1082, %parallel_loop3A_1084, %parallel_loop3A_1086, %parallel_loop3A_1092, %parallel_loop3A_1094, %parallel_loop3A_1096, %parallel_loop3A_1098, %parallel_loop3A_1100, %parallel_loop3A_1106, %parallel_loop3A_1108, %parallel_loop3A_1110, %parallel_loop3A_1112, %parallel_loop3A_1114, %parallel_loop3A_1120, %parallel_loop3A_1122, %parallel_loop3A_1124, %parallel_loop3A_1126, %parallel_loop3A_1128, %parallel_loop3A_1134, %parallel_loop3A_1136, %parallel_loop3A_1138, %parallel_loop3A_1140, %parallel_loop3A_1142, %parallel_loop3A_1148, %parallel_loop3A_1150, %parallel_loop3A_1152, %parallel_loop3A_1154, %parallel_loop3A_1156, %parallel_loop3A_1162, %parallel_loop3A_1164, %parallel_loop3A_1166, %parallel_loop3A_1168, %parallel_loop3A_1170 : vector<16xf32>, vector<16xf32>, vector<16xf32>, vector<16xf32>, vector<16xf32>, vector<16xf32>, vector<16xf32>, vector<16xf32>, vector<16xf32>, vector<16xf32>, vector<16xf32>, vector<16xf32>, vector<16xf32>, vector<16xf32>, vector<16xf32>, vector<16xf32>, vector<16xf32>, vector<16xf32>, vector<16xf32>, vector<16xf32>, vector<16xf32>, vector<16xf32>, vector<16xf32>, vector<16xf32>, vector<16xf32>, vector<16xf32>, vector<16xf32>, vector<16xf32>, vector<16xf32>, vector<16xf32>, vector<16xf32>, vector<16xf32>, vector<16xf32>, vector<16xf32>, vector<16xf32>, vector<16xf32>, vector<16xf32>, vector<16xf32>, vector<16xf32>, vector<16xf32>
        } {sc.loop_unroll_factor = 1 : i64, sc.parallel_access}
        %swap3A_568 = arith.index_cast %scan3A_228 : i32 to index
        %swap3A_569 = arith.constant 640 : index
        %swap3A_570 = tpu.vector_load %arg25[%swap3A_568, %swap3A_569] {strides = array<i32>} : memref<4x2048xf32, #tpu.memory_space<vmem>>, vector<1x16xf32>,
        %swap3A_571 = vector.shape_cast %swap3A_570 : vector<1x16xf32> to vector<16xf32>
        %swap3A_572 = vector.shape_cast %parallel_loop3A_567#0 : vector<16xf32> to vector<1x16xf32>
        tpu.vector_store %arg25[%swap3A_568, %swap3A_569], %swap3A_572 {strides = array<i32>} : memref<4x2048xf32, #tpu.memory_space<vmem>>, vector<1x16xf32>,
        %swap3A_573 = arith.index_cast %scan3A_228 : i32 to index
        %swap3A_574 = arith.constant 768 : index
        %swap3A_575 = tpu.vector_load %arg25[%swap3A_573, %swap3A_574] {strides = array<i32>} : memref<4x2048xf32, #tpu.memory_space<vmem>>, vector<1x16xf32>,
        %swap3A_576 = vector.shape_cast %swap3A_575 : vector<1x16xf32> to vector<16xf32>
        %swap3A_577 = vector.shape_cast %parallel_loop3A_567#1 : vector<16xf32> to vector<1x16xf32>
        tpu.vector_store %arg25[%swap3A_573, %swap3A_574], %swap3A_577 {strides = array<i32>} : memref<4x2048xf32, #tpu.memory_space<vmem>>, vector<1x16xf32>,
        %swap3A_578 = arith.index_cast %scan3A_228 : i32 to index
        %swap3A_579 = arith.constant 896 : index
        %swap3A_580 = tpu.vector_load %arg25[%swap3A_578, %swap3A_579] {strides = array<i32>} : memref<4x2048xf32, #tpu.memory_space<vmem>>, vector<1x16xf32>,
        %swap3A_581 = vector.shape_cast %swap3A_580 : vector<1x16xf32> to vector<16xf32>
        %swap3A_582 = vector.shape_cast %parallel_loop3A_567#2 : vector<16xf32> to vector<1x16xf32>
        tpu.vector_store %arg25[%swap3A_578, %swap3A_579], %swap3A_582 {strides = array<i32>} : memref<4x2048xf32, #tpu.memory_space<vmem>>, vector<1x16xf32>,
        %swap3A_583 = arith.index_cast %scan3A_228 : i32 to index
        %swap3A_584 = arith.constant 1024 : index
        %swap3A_585 = tpu.vector_load %arg25[%swap3A_583, %swap3A_584] {strides = array<i32>} : memref<4x2048xf32, #tpu.memory_space<vmem>>, vector<1x16xf32>,
        %swap3A_586 = vector.shape_cast %swap3A_585 : vector<1x16xf32> to vector<16xf32>
        %swap3A_587 = vector.shape_cast %parallel_loop3A_567#3 : vector<16xf32> to vector<1x16xf32>
        tpu.vector_store %arg25[%swap3A_583, %swap3A_584], %swap3A_587 {strides = array<i32>} : memref<4x2048xf32, #tpu.memory_space<vmem>>, vector<1x16xf32>,
        %swap3A_588 = arith.index_cast %scan3A_228 : i32 to index
        %swap3A_589 = arith.constant 1152 : index
        %swap3A_590 = tpu.vector_load %arg25[%swap3A_588, %swap3A_589] {strides = array<i32>} : memref<4x2048xf32, #tpu.memory_space<vmem>>, vector<1x16xf32>,
        %swap3A_591 = vector.shape_cast %swap3A_590 : vector<1x16xf32> to vector<16xf32>
        %swap3A_592 = vector.shape_cast %parallel_loop3A_567#4 : vector<16xf32> to vector<1x16xf32>
        tpu.vector_store %arg25[%swap3A_588, %swap3A_589], %swap3A_592 {strides = array<i32>} : memref<4x2048xf32, #tpu.memory_space<vmem>>, vector<1x16xf32>,
        %swap3A_593 = arith.index_cast %scan3A_228 : i32 to index
        %swap3A_594 = arith.constant 656 : index
        %swap3A_595 = tpu.vector_load %arg25[%swap3A_593, %swap3A_594] {strides = array<i32>} : memref<4x2048xf32, #tpu.memory_space<vmem>>, vector<1x16xf32>,
        %swap3A_596 = vector.shape_cast %swap3A_595 : vector<1x16xf32> to vector<16xf32>
        %swap3A_597 = vector.shape_cast %parallel_loop3A_567#5 : vector<16xf32> to vector<1x16xf32>
        tpu.vector_store %arg25[%swap3A_593, %swap3A_594], %swap3A_597 {strides = array<i32>} : memref<4x2048xf32, #tpu.memory_space<vmem>>, vector<1x16xf32>,
        %swap3A_598 = arith.index_cast %scan3A_228 : i32 to index
        %swap3A_599 = arith.constant 784 : index
        %swap3A_600 = tpu.vector_load %arg25[%swap3A_598, %swap3A_599] {strides = array<i32>} : memref<4x2048xf32, #tpu.memory_space<vmem>>, vector<1x16xf32>,
        %swap3A_601 = vector.shape_cast %swap3A_600 : vector<1x16xf32> to vector<16xf32>
        %swap3A_602 = vector.shape_cast %parallel_loop3A_567#6 : vector<16xf32> to vector<1x16xf32>
        tpu.vector_store %arg25[%swap3A_598, %swap3A_599], %swap3A_602 {strides = array<i32>} : memref<4x2048xf32, #tpu.memory_space<vmem>>, vector<1x16xf32>,
        %swap3A_603 = arith.index_cast %scan3A_228 : i32 to index
        %swap3A_604 = arith.constant 912 : index
        %swap3A_605 = tpu.vector_load %arg25[%swap3A_603, %swap3A_604] {strides = array<i32>} : memref<4x2048xf32, #tpu.memory_space<vmem>>, vector<1x16xf32>,
        %swap3A_606 = vector.shape_cast %swap3A_605 : vector<1x16xf32> to vector<16xf32>
        %swap3A_607 = vector.shape_cast %parallel_loop3A_567#7 : vector<16xf32> to vector<1x16xf32>
        tpu.vector_store %arg25[%swap3A_603, %swap3A_604], %swap3A_607 {strides = array<i32>} : memref<4x2048xf32, #tpu.memory_space<vmem>>, vector<1x16xf32>,
        %swap3A_608 = arith.index_cast %scan3A_228 : i32 to index
        %swap3A_609 = arith.constant 1040 : index
        %swap3A_610 = tpu.vector_load %arg25[%swap3A_608, %swap3A_609] {strides = array<i32>} : memref<4x2048xf32, #tpu.memory_space<vmem>>, vector<1x16xf32>,
        %swap3A_611 = vector.shape_cast %swap3A_610 : vector<1x16xf32> to vector<16xf32>
        %swap3A_612 = vector.shape_cast %parallel_loop3A_567#8 : vector<16xf32> to vector<1x16xf32>
        tpu.vector_store %arg25[%swap3A_608, %swap3A_609], %swap3A_612 {strides = array<i32>} : memref<4x2048xf32, #tpu.memory_space<vmem>>, vector<1x16xf32>,
        %swap3A_613 = arith.index_cast %scan3A_228 : i32 to index
        %swap3A_614 = arith.constant 1168 : index
        %swap3A_615 = tpu.vector_load %arg25[%swap3A_613, %swap3A_614] {strides = array<i32>} : memref<4x2048xf32, #tpu.memory_space<vmem>>, vector<1x16xf32>,
        %swap3A_616 = vector.shape_cast %swap3A_615 : vector<1x16xf32> to vector<16xf32>
        %swap3A_617 = vector.shape_cast %parallel_loop3A_567#9 : vector<16xf32> to vector<1x16xf32>
        tpu.vector_store %arg25[%swap3A_613, %swap3A_614], %swap3A_617 {strides = array<i32>} : memref<4x2048xf32, #tpu.memory_space<vmem>>, vector<1x16xf32>,
        %swap3A_618 = arith.index_cast %scan3A_228 : i32 to index
        %swap3A_619 = arith.constant 672 : index
        %swap3A_620 = tpu.vector_load %arg25[%swap3A_618, %swap3A_619] {strides = array<i32>} : memref<4x2048xf32, #tpu.memory_space<vmem>>, vector<1x16xf32>,
        %swap3A_621 = vector.shape_cast %swap3A_620 : vector<1x16xf32> to vector<16xf32>
        %swap3A_622 = vector.shape_cast %parallel_loop3A_567#10 : vector<16xf32> to vector<1x16xf32>
        tpu.vector_store %arg25[%swap3A_618, %swap3A_619], %swap3A_622 {strides = array<i32>} : memref<4x2048xf32, #tpu.memory_space<vmem>>, vector<1x16xf32>,
        %swap3A_623 = arith.index_cast %scan3A_228 : i32 to index
        %swap3A_624 = arith.constant 800 : index
        %swap3A_625 = tpu.vector_load %arg25[%swap3A_623, %swap3A_624] {strides = array<i32>} : memref<4x2048xf32, #tpu.memory_space<vmem>>, vector<1x16xf32>,
        %swap3A_626 = vector.shape_cast %swap3A_625 : vector<1x16xf32> to vector<16xf32>
        %swap3A_627 = vector.shape_cast %parallel_loop3A_567#11 : vector<16xf32> to vector<1x16xf32>
        tpu.vector_store %arg25[%swap3A_623, %swap3A_624], %swap3A_627 {strides = array<i32>} : memref<4x2048xf32, #tpu.memory_space<vmem>>, vector<1x16xf32>,
        %swap3A_628 = arith.index_cast %scan3A_228 : i32 to index
        %swap3A_629 = arith.constant 928 : index
        %swap3A_630 = tpu.vector_load %arg25[%swap3A_628, %swap3A_629] {strides = array<i32>} : memref<4x2048xf32, #tpu.memory_space<vmem>>, vector<1x16xf32>,
        %swap3A_631 = vector.shape_cast %swap3A_630 : vector<1x16xf32> to vector<16xf32>
        %swap3A_632 = vector.shape_cast %parallel_loop3A_567#12 : vector<16xf32> to vector<1x16xf32>
        tpu.vector_store %arg25[%swap3A_628, %swap3A_629], %swap3A_632 {strides = array<i32>} : memref<4x2048xf32, #tpu.memory_space<vmem>>, vector<1x16xf32>,
        %swap3A_633 = arith.index_cast %scan3A_228 : i32 to index
        %swap3A_634 = arith.constant 1056 : index
        %swap3A_635 = tpu.vector_load %arg25[%swap3A_633, %swap3A_634] {strides = array<i32>} : memref<4x2048xf32, #tpu.memory_space<vmem>>, vector<1x16xf32>,
        %swap3A_636 = vector.shape_cast %swap3A_635 : vector<1x16xf32> to vector<16xf32>
        %swap3A_637 = vector.shape_cast %parallel_loop3A_567#13 : vector<16xf32> to vector<1x16xf32>
        tpu.vector_store %arg25[%swap3A_633, %swap3A_634], %swap3A_637 {strides = array<i32>} : memref<4x2048xf32, #tpu.memory_space<vmem>>, vector<1x16xf32>,
        %swap3A_638 = arith.index_cast %scan3A_228 : i32 to index
        %swap3A_639 = arith.constant 1184 : index
        %swap3A_640 = tpu.vector_load %arg25[%swap3A_638, %swap3A_639] {strides = array<i32>} : memref<4x2048xf32, #tpu.memory_space<vmem>>, vector<1x16xf32>,
        %swap3A_641 = vector.shape_cast %swap3A_640 : vector<1x16xf32> to vector<16xf32>
        %swap3A_642 = vector.shape_cast %parallel_loop3A_567#14 : vector<16xf32> to vector<1x16xf32>
        tpu.vector_store %arg25[%swap3A_638, %swap3A_639], %swap3A_642 {strides = array<i32>} : memref<4x2048xf32, #tpu.memory_space<vmem>>, vector<1x16xf32>,
        %swap3A_643 = arith.index_cast %scan3A_228 : i32 to index
        %swap3A_644 = arith.constant 688 : index
        %swap3A_645 = tpu.vector_load %arg25[%swap3A_643, %swap3A_644] {strides = array<i32>} : memref<4x2048xf32, #tpu.memory_space<vmem>>, vector<1x16xf32>,
        %swap3A_646 = vector.shape_cast %swap3A_645 : vector<1x16xf32> to vector<16xf32>
        %swap3A_647 = vector.shape_cast %parallel_loop3A_567#15 : vector<16xf32> to vector<1x16xf32>
        tpu.vector_store %arg25[%swap3A_643, %swap3A_644], %swap3A_647 {strides = array<i32>} : memref<4x2048xf32, #tpu.memory_space<vmem>>, vector<1x16xf32>,
        %swap3A_648 = arith.index_cast %scan3A_228 : i32 to index
        %swap3A_649 = arith.constant 816 : index
        %swap3A_650 = tpu.vector_load %arg25[%swap3A_648, %swap3A_649] {strides = array<i32>} : memref<4x2048xf32, #tpu.memory_space<vmem>>, vector<1x16xf32>,
        %swap3A_651 = vector.shape_cast %swap3A_650 : vector<1x16xf32> to vector<16xf32>
        %swap3A_652 = vector.shape_cast %parallel_loop3A_567#16 : vector<16xf32> to vector<1x16xf32>
        tpu.vector_store %arg25[%swap3A_648, %swap3A_649], %swap3A_652 {strides = array<i32>} : memref<4x2048xf32, #tpu.memory_space<vmem>>, vector<1x16xf32>,
        %swap3A_653 = arith.index_cast %scan3A_228 : i32 to index
        %swap3A_654 = arith.constant 944 : index
        %swap3A_655 = tpu.vector_load %arg25[%swap3A_653, %swap3A_654] {strides = array<i32>} : memref<4x2048xf32, #tpu.memory_space<vmem>>, vector<1x16xf32>,
        %swap3A_656 = vector.shape_cast %swap3A_655 : vector<1x16xf32> to vector<16xf32>
        %swap3A_657 = vector.shape_cast %parallel_loop3A_567#17 : vector<16xf32> to vector<1x16xf32>
        tpu.vector_store %arg25[%swap3A_653, %swap3A_654], %swap3A_657 {strides = array<i32>} : memref<4x2048xf32, #tpu.memory_space<vmem>>, vector<1x16xf32>,
        %swap3A_658 = arith.index_cast %scan3A_228 : i32 to index
        %swap3A_659 = arith.constant 1072 : index
        %swap3A_660 = tpu.vector_load %arg25[%swap3A_658, %swap3A_659] {strides = array<i32>} : memref<4x2048xf32, #tpu.memory_space<vmem>>, vector<1x16xf32>,
        %swap3A_661 = vector.shape_cast %swap3A_660 : vector<1x16xf32> to vector<16xf32>
        %swap3A_662 = vector.shape_cast %parallel_loop3A_567#18 : vector<16xf32> to vector<1x16xf32>
        tpu.vector_store %arg25[%swap3A_658, %swap3A_659], %swap3A_662 {strides = array<i32>} : memref<4x2048xf32, #tpu.memory_space<vmem>>, vector<1x16xf32>,
        %swap3A_663 = arith.index_cast %scan3A_228 : i32 to index
        %swap3A_664 = arith.constant 1200 : index
        %swap3A_665 = tpu.vector_load %arg25[%swap3A_663, %swap3A_664] {strides = array<i32>} : memref<4x2048xf32, #tpu.memory_space<vmem>>, vector<1x16xf32>,
        %swap3A_666 = vector.shape_cast %swap3A_665 : vector<1x16xf32> to vector<16xf32>
        %swap3A_667 = vector.shape_cast %parallel_loop3A_567#19 : vector<16xf32> to vector<1x16xf32>
        tpu.vector_store %arg25[%swap3A_663, %swap3A_664], %swap3A_667 {strides = array<i32>} : memref<4x2048xf32, #tpu.memory_space<vmem>>, vector<1x16xf32>,
        %swap3A_668 = arith.index_cast %scan3A_228 : i32 to index
        %swap3A_669 = arith.constant 704 : index
        %swap3A_670 = tpu.vector_load %arg25[%swap3A_668, %swap3A_669] {strides = array<i32>} : memref<4x2048xf32, #tpu.memory_space<vmem>>, vector<1x16xf32>,
        %swap3A_671 = vector.shape_cast %swap3A_670 : vector<1x16xf32> to vector<16xf32>
        %swap3A_672 = vector.shape_cast %parallel_loop3A_567#20 : vector<16xf32> to vector<1x16xf32>
        tpu.vector_store %arg25[%swap3A_668, %swap3A_669], %swap3A_672 {strides = array<i32>} : memref<4x2048xf32, #tpu.memory_space<vmem>>, vector<1x16xf32>,
        %swap3A_673 = arith.index_cast %scan3A_228 : i32 to index
        %swap3A_674 = arith.constant 832 : index
        %swap3A_675 = tpu.vector_load %arg25[%swap3A_673, %swap3A_674] {strides = array<i32>} : memref<4x2048xf32, #tpu.memory_space<vmem>>, vector<1x16xf32>,
        %swap3A_676 = vector.shape_cast %swap3A_675 : vector<1x16xf32> to vector<16xf32>
        %swap3A_677 = vector.shape_cast %parallel_loop3A_567#21 : vector<16xf32> to vector<1x16xf32>
        tpu.vector_store %arg25[%swap3A_673, %swap3A_674], %swap3A_677 {strides = array<i32>} : memref<4x2048xf32, #tpu.memory_space<vmem>>, vector<1x16xf32>,
        %swap3A_678 = arith.index_cast %scan3A_228 : i32 to index
        %swap3A_679 = arith.constant 960 : index
        %swap3A_680 = tpu.vector_load %arg25[%swap3A_678, %swap3A_679] {strides = array<i32>} : memref<4x2048xf32, #tpu.memory_space<vmem>>, vector<1x16xf32>,
        %swap3A_681 = vector.shape_cast %swap3A_680 : vector<1x16xf32> to vector<16xf32>
        %swap3A_682 = vector.shape_cast %parallel_loop3A_567#22 : vector<16xf32> to vector<1x16xf32>
        tpu.vector_store %arg25[%swap3A_678, %swap3A_679], %swap3A_682 {strides = array<i32>} : memref<4x2048xf32, #tpu.memory_space<vmem>>, vector<1x16xf32>,
        %swap3A_683 = arith.index_cast %scan3A_228 : i32 to index
        %swap3A_684 = arith.constant 1088 : index
        %swap3A_685 = tpu.vector_load %arg25[%swap3A_683, %swap3A_684] {strides = array<i32>} : memref<4x2048xf32, #tpu.memory_space<vmem>>, vector<1x16xf32>,
        %swap3A_686 = vector.shape_cast %swap3A_685 : vector<1x16xf32> to vector<16xf32>
        %swap3A_687 = vector.shape_cast %parallel_loop3A_567#23 : vector<16xf32> to vector<1x16xf32>
        tpu.vector_store %arg25[%swap3A_683, %swap3A_684], %swap3A_687 {strides = array<i32>} : memref<4x2048xf32, #tpu.memory_space<vmem>>, vector<1x16xf32>,
        %swap3A_688 = arith.index_cast %scan3A_228 : i32 to index
        %swap3A_689 = arith.constant 1216 : index
        %swap3A_690 = tpu.vector_load %arg25[%swap3A_688, %swap3A_689] {strides = array<i32>} : memref<4x2048xf32, #tpu.memory_space<vmem>>, vector<1x16xf32>,
        %swap3A_691 = vector.shape_cast %swap3A_690 : vector<1x16xf32> to vector<16xf32>
        %swap3A_692 = vector.shape_cast %parallel_loop3A_567#24 : vector<16xf32> to vector<1x16xf32>
        tpu.vector_store %arg25[%swap3A_688, %swap3A_689], %swap3A_692 {strides = array<i32>} : memref<4x2048xf32, #tpu.memory_space<vmem>>, vector<1x16xf32>,
        %swap3A_693 = arith.index_cast %scan3A_228 : i32 to index
        %swap3A_694 = arith.constant 720 : index
        %swap3A_695 = tpu.vector_load %arg25[%swap3A_693, %swap3A_694] {strides = array<i32>} : memref<4x2048xf32, #tpu.memory_space<vmem>>, vector<1x16xf32>,
        %swap3A_696 = vector.shape_cast %swap3A_695 : vector<1x16xf32> to vector<16xf32>
        %swap3A_697 = vector.shape_cast %parallel_loop3A_567#25 : vector<16xf32> to vector<1x16xf32>
        tpu.vector_store %arg25[%swap3A_693, %swap3A_694], %swap3A_697 {strides = array<i32>} : memref<4x2048xf32, #tpu.memory_space<vmem>>, vector<1x16xf32>,
        %swap3A_698 = arith.index_cast %scan3A_228 : i32 to index
        %swap3A_699 = arith.constant 848 : index
        %swap3A_700 = tpu.vector_load %arg25[%swap3A_698, %swap3A_699] {strides = array<i32>} : memref<4x2048xf32, #tpu.memory_space<vmem>>, vector<1x16xf32>,
        %swap3A_701 = vector.shape_cast %swap3A_700 : vector<1x16xf32> to vector<16xf32>
        %swap3A_702 = vector.shape_cast %parallel_loop3A_567#26 : vector<16xf32> to vector<1x16xf32>
        tpu.vector_store %arg25[%swap3A_698, %swap3A_699], %swap3A_702 {strides = array<i32>} : memref<4x2048xf32, #tpu.memory_space<vmem>>, vector<1x16xf32>,
        %swap3A_703 = arith.index_cast %scan3A_228 : i32 to index
        %swap3A_704 = arith.constant 976 : index
        %swap3A_705 = tpu.vector_load %arg25[%swap3A_703, %swap3A_704] {strides = array<i32>} : memref<4x2048xf32, #tpu.memory_space<vmem>>, vector<1x16xf32>,
        %swap3A_706 = vector.shape_cast %swap3A_705 : vector<1x16xf32> to vector<16xf32>
        %swap3A_707 = vector.shape_cast %parallel_loop3A_567#27 : vector<16xf32> to vector<1x16xf32>
        tpu.vector_store %arg25[%swap3A_703, %swap3A_704], %swap3A_707 {strides = array<i32>} : memref<4x2048xf32, #tpu.memory_space<vmem>>, vector<1x16xf32>,
        %swap3A_708 = arith.index_cast %scan3A_228 : i32 to index
        %swap3A_709 = arith.constant 1104 : index
        %swap3A_710 = tpu.vector_load %arg25[%swap3A_708, %swap3A_709] {strides = array<i32>} : memref<4x2048xf32, #tpu.memory_space<vmem>>, vector<1x16xf32>,
        %swap3A_711 = vector.shape_cast %swap3A_710 : vector<1x16xf32> to vector<16xf32>
        %swap3A_712 = vector.shape_cast %parallel_loop3A_567#28 : vector<16xf32> to vector<1x16xf32>
        tpu.vector_store %arg25[%swap3A_708, %swap3A_709], %swap3A_712 {strides = array<i32>} : memref<4x2048xf32, #tpu.memory_space<vmem>>, vector<1x16xf32>,
        %swap3A_713 = arith.index_cast %scan3A_228 : i32 to index
        %swap3A_714 = arith.constant 1232 : index
        %swap3A_715 = tpu.vector_load %arg25[%swap3A_713, %swap3A_714] {strides = array<i32>} : memref<4x2048xf32, #tpu.memory_space<vmem>>, vector<1x16xf32>,
        %swap3A_716 = vector.shape_cast %swap3A_715 : vector<1x16xf32> to vector<16xf32>
        %swap3A_717 = vector.shape_cast %parallel_loop3A_567#29 : vector<16xf32> to vector<1x16xf32>
        tpu.vector_store %arg25[%swap3A_713, %swap3A_714], %swap3A_717 {strides = array<i32>} : memref<4x2048xf32, #tpu.memory_space<vmem>>, vector<1x16xf32>,
        %swap3A_718 = arith.index_cast %scan3A_228 : i32 to index
        %swap3A_719 = arith.constant 736 : index
        %swap3A_720 = tpu.vector_load %arg25[%swap3A_718, %swap3A_719] {strides = array<i32>} : memref<4x2048xf32, #tpu.memory_space<vmem>>, vector<1x16xf32>,
        %swap3A_721 = vector.shape_cast %swap3A_720 : vector<1x16xf32> to vector<16xf32>
        %swap3A_722 = vector.shape_cast %parallel_loop3A_567#30 : vector<16xf32> to vector<1x16xf32>
        tpu.vector_store %arg25[%swap3A_718, %swap3A_719], %swap3A_722 {strides = array<i32>} : memref<4x2048xf32, #tpu.memory_space<vmem>>, vector<1x16xf32>,
        %swap3A_723 = arith.index_cast %scan3A_228 : i32 to index
        %swap3A_724 = arith.constant 864 : index
        %swap3A_725 = tpu.vector_load %arg25[%swap3A_723, %swap3A_724] {strides = array<i32>} : memref<4x2048xf32, #tpu.memory_space<vmem>>, vector<1x16xf32>,
        %swap3A_726 = vector.shape_cast %swap3A_725 : vector<1x16xf32> to vector<16xf32>
        %swap3A_727 = vector.shape_cast %parallel_loop3A_567#31 : vector<16xf32> to vector<1x16xf32>
        tpu.vector_store %arg25[%swap3A_723, %swap3A_724], %swap3A_727 {strides = array<i32>} : memref<4x2048xf32, #tpu.memory_space<vmem>>, vector<1x16xf32>,
        %swap3A_728 = arith.index_cast %scan3A_228 : i32 to index
        %swap3A_729 = arith.constant 992 : index
        %swap3A_730 = tpu.vector_load %arg25[%swap3A_728, %swap3A_729] {strides = array<i32>} : memref<4x2048xf32, #tpu.memory_space<vmem>>, vector<1x16xf32>,
        %swap3A_731 = vector.shape_cast %swap3A_730 : vector<1x16xf32> to vector<16xf32>
        %swap3A_732 = vector.shape_cast %parallel_loop3A_567#32 : vector<16xf32> to vector<1x16xf32>
        tpu.vector_store %arg25[%swap3A_728, %swap3A_729], %swap3A_732 {strides = array<i32>} : memref<4x2048xf32, #tpu.memory_space<vmem>>, vector<1x16xf32>,
        %swap3A_733 = arith.index_cast %scan3A_228 : i32 to index
        %swap3A_734 = arith.constant 1120 : index
        %swap3A_735 = tpu.vector_load %arg25[%swap3A_733, %swap3A_734] {strides = array<i32>} : memref<4x2048xf32, #tpu.memory_space<vmem>>, vector<1x16xf32>,
        %swap3A_736 = vector.shape_cast %swap3A_735 : vector<1x16xf32> to vector<16xf32>
        %swap3A_737 = vector.shape_cast %parallel_loop3A_567#33 : vector<16xf32> to vector<1x16xf32>
        tpu.vector_store %arg25[%swap3A_733, %swap3A_734], %swap3A_737 {strides = array<i32>} : memref<4x2048xf32, #tpu.memory_space<vmem>>, vector<1x16xf32>,
        %swap3A_738 = arith.index_cast %scan3A_228 : i32 to index
        %swap3A_739 = arith.constant 1248 : index
        %swap3A_740 = tpu.vector_load %arg25[%swap3A_738, %swap3A_739] {strides = array<i32>} : memref<4x2048xf32, #tpu.memory_space<vmem>>, vector<1x16xf32>,
        %swap3A_741 = vector.shape_cast %swap3A_740 : vector<1x16xf32> to vector<16xf32>
        %swap3A_742 = vector.shape_cast %parallel_loop3A_567#34 : vector<16xf32> to vector<1x16xf32>
        tpu.vector_store %arg25[%swap3A_738, %swap3A_739], %swap3A_742 {strides = array<i32>} : memref<4x2048xf32, #tpu.memory_space<vmem>>, vector<1x16xf32>,
        %swap3A_743 = arith.index_cast %scan3A_228 : i32 to index
        %swap3A_744 = arith.constant 752 : index
        %swap3A_745 = tpu.vector_load %arg25[%swap3A_743, %swap3A_744] {strides = array<i32>} : memref<4x2048xf32, #tpu.memory_space<vmem>>, vector<1x16xf32>,
        %swap3A_746 = vector.shape_cast %swap3A_745 : vector<1x16xf32> to vector<16xf32>
        %swap3A_747 = vector.shape_cast %parallel_loop3A_567#35 : vector<16xf32> to vector<1x16xf32>
        tpu.vector_store %arg25[%swap3A_743, %swap3A_744], %swap3A_747 {strides = array<i32>} : memref<4x2048xf32, #tpu.memory_space<vmem>>, vector<1x16xf32>,
        %swap3A_748 = arith.index_cast %scan3A_228 : i32 to index
        %swap3A_749 = arith.constant 880 : index
        %swap3A_750 = tpu.vector_load %arg25[%swap3A_748, %swap3A_749] {strides = array<i32>} : memref<4x2048xf32, #tpu.memory_space<vmem>>, vector<1x16xf32>,
        %swap3A_751 = vector.shape_cast %swap3A_750 : vector<1x16xf32> to vector<16xf32>
        %swap3A_752 = vector.shape_cast %parallel_loop3A_567#36 : vector<16xf32> to vector<1x16xf32>
        tpu.vector_store %arg25[%swap3A_748, %swap3A_749], %swap3A_752 {strides = array<i32>} : memref<4x2048xf32, #tpu.memory_space<vmem>>, vector<1x16xf32>,
        %swap3A_753 = arith.index_cast %scan3A_228 : i32 to index
        %swap3A_754 = arith.constant 1008 : index
        %swap3A_755 = tpu.vector_load %arg25[%swap3A_753, %swap3A_754] {strides = array<i32>} : memref<4x2048xf32, #tpu.memory_space<vmem>>, vector<1x16xf32>,
        %swap3A_756 = vector.shape_cast %swap3A_755 : vector<1x16xf32> to vector<16xf32>
        %swap3A_757 = vector.shape_cast %parallel_loop3A_567#37 : vector<16xf32> to vector<1x16xf32>
        tpu.vector_store %arg25[%swap3A_753, %swap3A_754], %swap3A_757 {strides = array<i32>} : memref<4x2048xf32, #tpu.memory_space<vmem>>, vector<1x16xf32>,
        %swap3A_758 = arith.index_cast %scan3A_228 : i32 to index
        %swap3A_759 = arith.constant 1136 : index
        %swap3A_760 = tpu.vector_load %arg25[%swap3A_758, %swap3A_759] {strides = array<i32>} : memref<4x2048xf32, #tpu.memory_space<vmem>>, vector<1x16xf32>,
        %swap3A_761 = vector.shape_cast %swap3A_760 : vector<1x16xf32> to vector<16xf32>
        %swap3A_762 = vector.shape_cast %parallel_loop3A_567#38 : vector<16xf32> to vector<1x16xf32>
        tpu.vector_store %arg25[%swap3A_758, %swap3A_759], %swap3A_762 {strides = array<i32>} : memref<4x2048xf32, #tpu.memory_space<vmem>>, vector<1x16xf32>,
        %swap3A_763 = arith.index_cast %scan3A_228 : i32 to index
        %swap3A_764 = arith.constant 1264 : index
        %swap3A_765 = tpu.vector_load %arg25[%swap3A_763, %swap3A_764] {strides = array<i32>} : memref<4x2048xf32, #tpu.memory_space<vmem>>, vector<1x16xf32>,
        %swap3A_766 = vector.shape_cast %swap3A_765 : vector<1x16xf32> to vector<16xf32>
        %swap3A_767 = vector.shape_cast %parallel_loop3A_567#39 : vector<16xf32> to vector<1x16xf32>
        tpu.vector_store %arg25[%swap3A_763, %swap3A_764], %swap3A_767 {strides = array<i32>} : memref<4x2048xf32, #tpu.memory_space<vmem>>, vector<1x16xf32>,
        %parallel_loop3A_768 = arith.constant 0 : i32
        %parallel_loop3A_769 = arith.constant 32 : i32
        %parallel_loop3A_770 = arith.constant 1 : i32
        %parallel_loop3A_771:40 = scf.for %parallel_loop3A_973 = %parallel_loop3A_768 to %parallel_loop3A_769 step %parallel_loop3A_770 iter_args(%parallel_loop3A_974 = %broadcast_in_dim3A_265, %parallel_loop3A_975 = %broadcast_in_dim3A_265, %parallel_loop3A_976 = %broadcast_in_dim3A_265, %parallel_loop3A_977 = %broadcast_in_dim3A_265, %parallel_loop3A_978 = %broadcast_in_dim3A_265, %parallel_loop3A_979 = %broadcast_in_dim3A_265, %parallel_loop3A_980 = %broadcast_in_dim3A_265, %parallel_loop3A_981 = %broadcast_in_dim3A_265, %parallel_loop3A_982 = %broadcast_in_dim3A_265, %parallel_loop3A_983 = %broadcast_in_dim3A_265, %parallel_loop3A_984 = %broadcast_in_dim3A_265, %parallel_loop3A_985 = %broadcast_in_dim3A_265, %parallel_loop3A_986 = %broadcast_in_dim3A_265, %parallel_loop3A_987 = %broadcast_in_dim3A_265, %parallel_loop3A_988 = %broadcast_in_dim3A_265, %parallel_loop3A_989 = %broadcast_in_dim3A_265, %parallel_loop3A_990 = %broadcast_in_dim3A_265, %parallel_loop3A_991 = %broadcast_in_dim3A_265, %parallel_loop3A_992 = %broadcast_in_dim3A_265, %parallel_loop3A_993 = %broadcast_in_dim3A_265, %parallel_loop3A_994 = %broadcast_in_dim3A_265, %parallel_loop3A_995 = %broadcast_in_dim3A_265, %parallel_loop3A_996 = %broadcast_in_dim3A_265, %parallel_loop3A_997 = %broadcast_in_dim3A_265, %parallel_loop3A_998 = %broadcast_in_dim3A_265, %parallel_loop3A_999 = %broadcast_in_dim3A_265, %parallel_loop3A_1000 = %broadcast_in_dim3A_265, %parallel_loop3A_1001 = %broadcast_in_dim3A_265, %parallel_loop3A_1002 = %broadcast_in_dim3A_265, %parallel_loop3A_1003 = %broadcast_in_dim3A_265, %parallel_loop3A_1004 = %broadcast_in_dim3A_265, %parallel_loop3A_1005 = %broadcast_in_dim3A_265, %parallel_loop3A_1006 = %broadcast_in_dim3A_265, %parallel_loop3A_1007 = %broadcast_in_dim3A_265, %parallel_loop3A_1008 = %broadcast_in_dim3A_265, %parallel_loop3A_1009 = %broadcast_in_dim3A_265, %parallel_loop3A_1010 = %broadcast_in_dim3A_265, %parallel_loop3A_1011 = %broadcast_in_dim3A_265, %parallel_loop3A_1012 = %broadcast_in_dim3A_265, %parallel_loop3A_1013 = %broadcast_in_dim3A_265) -> (vector<16xf32>, vector<16xf32>, vector<16xf32>, vector<16xf32>, vector<16xf32>, vector<16xf32>, vector<16xf32>, vector<16xf32>, vector<16xf32>, vector<16xf32>, vector<16xf32>, vector<16xf32>, vector<16xf32>, vector<16xf32>, vector<16xf32>, vector<16xf32>, vector<16xf32>, vector<16xf32>, vector<16xf32>, vector<16xf32>, vector<16xf32>, vector<16xf32>, vector<16xf32>, vector<16xf32>, vector<16xf32>, vector<16xf32>, vector<16xf32>, vector<16xf32>, vector<16xf32>, vector<16xf32>, vector<16xf32>, vector<16xf32>, vector<16xf32>, vector<16xf32>, vector<16xf32>, vector<16xf32>, vector<16xf32>, vector<16xf32>, vector<16xf32>, vector<16xf32>)  : i32 {
          %parallel_loop3A_1014 = arith.addi %mul3A_263, %parallel_loop3A_973 : i32
          %parallel_loop3A_1015 = arith.index_cast %parallel_loop3A_973 : i32 to index
          %parallel_loop3A_1016 = arith.constant 0 : index
          %parallel_loop3A_1017 = tpu.vector_load %arg24[%parallel_loop3A_1015, %parallel_loop3A_1016] {strides = array<i32>} : memref<32x16xf32, #tpu.memory_space<vmem>>, vector<1x16xf32>,
          %parallel_loop3A_1018 = vector.shape_cast %parallel_loop3A_1017 : vector<1x16xf32> to vector<16xf32>
          %parallel_loop3A_1019 = arith.constant 0 : i32
          %parallel_loop3A_1020 = vector.broadcast %parallel_loop3A_1019 : i32 to vector<16xi32>
          %parallel_loop3A_1021 = arith.constant 10 : i32
          %parallel_loop3A_1022 = vector.broadcast %parallel_loop3A_1021 : i32 to vector<16xi32>
          %parallel_loop3A_1023 = arith.addi %parallel_loop3A_1020, %parallel_loop3A_1022 : vector<16xi32>
          %parallel_loop3A_1024 = vector.shape_cast %parallel_loop3A_1023 : vector<16xi32> to vector<16x1xi32>
          %parallel_loop3A_1025 = vector.shape_cast %parallel_loop3A_1024 : vector<16x1xi32> to vector<16xi32>
          %parallel_loop3A_1026 = tpu.dynamic_gather %parallel_loop3A_1018[%parallel_loop3A_1025] in [0] : vector<16xf32>, vector<16xi32> -> vector<16xf32>
          %parallel_loop3A_1027 = arith.constant 0 : i32
          %parallel_loop3A_1028 = vector.broadcast %parallel_loop3A_1027 : i32 to vector<16xi32>
          %parallel_loop3A_1029 = arith.constant 11 : i32
          %parallel_loop3A_1030 = vector.broadcast %parallel_loop3A_1029 : i32 to vector<16xi32>
          %parallel_loop3A_1031 = arith.addi %parallel_loop3A_1028, %parallel_loop3A_1030 : vector<16xi32>
          %parallel_loop3A_1032 = vector.shape_cast %parallel_loop3A_1031 : vector<16xi32> to vector<16x1xi32>
          %parallel_loop3A_1033 = vector.shape_cast %parallel_loop3A_1032 : vector<16x1xi32> to vector<16xi32>
          %parallel_loop3A_1034 = tpu.dynamic_gather %parallel_loop3A_1018[%parallel_loop3A_1033] in [0] : vector<16xf32>, vector<16xi32> -> vector<16xf32>
          %parallel_loop3A_1035 = arith.constant 0 : i32
          %parallel_loop3A_1036 = vector.broadcast %parallel_loop3A_1035 : i32 to vector<16xi32>
          %parallel_loop3A_1037 = arith.constant 12 : i32
          %parallel_loop3A_1038 = vector.broadcast %parallel_loop3A_1037 : i32 to vector<16xi32>
          %parallel_loop3A_1039 = arith.addi %parallel_loop3A_1036, %parallel_loop3A_1038 : vector<16xi32>
          %parallel_loop3A_1040 = vector.shape_cast %parallel_loop3A_1039 : vector<16xi32> to vector<16x1xi32>
          %parallel_loop3A_1041 = vector.shape_cast %parallel_loop3A_1040 : vector<16x1xi32> to vector<16xi32>
          %parallel_loop3A_1042 = tpu.dynamic_gather %parallel_loop3A_1018[%parallel_loop3A_1041] in [0] : vector<16xf32>, vector<16xi32> -> vector<16xf32>
          %parallel_loop3A_1043 = arith.constant 0 : i32
          %parallel_loop3A_1044 = vector.broadcast %parallel_loop3A_1043 : i32 to vector<16xi32>
          %parallel_loop3A_1045 = arith.constant 13 : i32
          %parallel_loop3A_1046 = vector.broadcast %parallel_loop3A_1045 : i32 to vector<16xi32>
          %parallel_loop3A_1047 = arith.addi %parallel_loop3A_1044, %parallel_loop3A_1046 : vector<16xi32>
          %parallel_loop3A_1048 = vector.shape_cast %parallel_loop3A_1047 : vector<16xi32> to vector<16x1xi32>
          %parallel_loop3A_1049 = vector.shape_cast %parallel_loop3A_1048 : vector<16x1xi32> to vector<16xi32>
          %parallel_loop3A_1050 = tpu.dynamic_gather %parallel_loop3A_1018[%parallel_loop3A_1049] in [0] : vector<16xf32>, vector<16xi32> -> vector<16xf32>
          %parallel_loop3A_1051 = arith.constant 0 : i32
          %parallel_loop3A_1052 = vector.broadcast %parallel_loop3A_1051 : i32 to vector<16xi32>
          %parallel_loop3A_1053 = arith.constant 14 : i32
          %parallel_loop3A_1054 = vector.broadcast %parallel_loop3A_1053 : i32 to vector<16xi32>
          %parallel_loop3A_1055 = arith.addi %parallel_loop3A_1052, %parallel_loop3A_1054 : vector<16xi32>
          %parallel_loop3A_1056 = vector.shape_cast %parallel_loop3A_1055 : vector<16xi32> to vector<16x1xi32>
          %parallel_loop3A_1057 = vector.shape_cast %parallel_loop3A_1056 : vector<16x1xi32> to vector<16xi32>
          %parallel_loop3A_1058 = tpu.dynamic_gather %parallel_loop3A_1018[%parallel_loop3A_1057] in [0] : vector<16xf32>, vector<16xi32> -> vector<16xf32>
          %parallel_loop3A_1059 = arith.index_cast %parallel_loop3A_1014 : i32 to index
          %parallel_loop3A_1060 = arith.constant 0 : index
          %parallel_loop3A_1061 = tpu.vector_load %arg14[%parallel_loop3A_1059, %parallel_loop3A_1060] {strides = array<i32>} : memref<128x128xf32, #tpu.memory_space<vmem>>, vector<1x16xf32>,
          %parallel_loop3A_1062 = vector.shape_cast %parallel_loop3A_1061 : vector<1x16xf32> to vector<16xf32>
          %parallel_loop3A_1063 = arith.mulf %parallel_loop3A_1026, %parallel_loop3A_1062 : vector<16xf32>
          %parallel_loop3A_1064 = arith.addf %parallel_loop3A_974, %parallel_loop3A_1063 : vector<16xf32>
          %parallel_loop3A_1065 = arith.mulf %parallel_loop3A_1034, %parallel_loop3A_1062 : vector<16xf32>
          %parallel_loop3A_1066 = arith.addf %parallel_loop3A_975, %parallel_loop3A_1065 : vector<16xf32>
          %parallel_loop3A_1067 = arith.mulf %parallel_loop3A_1042, %parallel_loop3A_1062 : vector<16xf32>
          %parallel_loop3A_1068 = arith.addf %parallel_loop3A_976, %parallel_loop3A_1067 : vector<16xf32>
          %parallel_loop3A_1069 = arith.mulf %parallel_loop3A_1050, %parallel_loop3A_1062 : vector<16xf32>
          %parallel_loop3A_1070 = arith.addf %parallel_loop3A_977, %parallel_loop3A_1069 : vector<16xf32>
          %parallel_loop3A_1071 = arith.mulf %parallel_loop3A_1058, %parallel_loop3A_1062 : vector<16xf32>
          %parallel_loop3A_1072 = arith.addf %parallel_loop3A_978, %parallel_loop3A_1071 : vector<16xf32>
          %parallel_loop3A_1073 = arith.index_cast %parallel_loop3A_1014 : i32 to index
          %parallel_loop3A_1074 = arith.constant 16 : index
          %parallel_loop3A_1075 = tpu.vector_load %arg14[%parallel_loop3A_1073, %parallel_loop3A_1074] {strides = array<i32>} : memref<128x128xf32, #tpu.memory_space<vmem>>, vector<1x16xf32>,
          %parallel_loop3A_1076 = vector.shape_cast %parallel_loop3A_1075 : vector<1x16xf32> to vector<16xf32>
          %parallel_loop3A_1077 = arith.mulf %parallel_loop3A_1026, %parallel_loop3A_1076 : vector<16xf32>
          %parallel_loop3A_1078 = arith.addf %parallel_loop3A_979, %parallel_loop3A_1077 : vector<16xf32>
          %parallel_loop3A_1079 = arith.mulf %parallel_loop3A_1034, %parallel_loop3A_1076 : vector<16xf32>
          %parallel_loop3A_1080 = arith.addf %parallel_loop3A_980, %parallel_loop3A_1079 : vector<16xf32>
          %parallel_loop3A_1081 = arith.mulf %parallel_loop3A_1042, %parallel_loop3A_1076 : vector<16xf32>
          %parallel_loop3A_1082 = arith.addf %parallel_loop3A_981, %parallel_loop3A_1081 : vector<16xf32>
          %parallel_loop3A_1083 = arith.mulf %parallel_loop3A_1050, %parallel_loop3A_1076 : vector<16xf32>
          %parallel_loop3A_1084 = arith.addf %parallel_loop3A_982, %parallel_loop3A_1083 : vector<16xf32>
          %parallel_loop3A_1085 = arith.mulf %parallel_loop3A_1058, %parallel_loop3A_1076 : vector<16xf32>
          %parallel_loop3A_1086 = arith.addf %parallel_loop3A_983, %parallel_loop3A_1085 : vector<16xf32>
          %parallel_loop3A_1087 = arith.index_cast %parallel_loop3A_1014 : i32 to index
          %parallel_loop3A_1088 = arith.constant 32 : index
          %parallel_loop3A_1089 = tpu.vector_load %arg14[%parallel_loop3A_1087, %parallel_loop3A_1088] {strides = array<i32>} : memref<128x128xf32, #tpu.memory_space<vmem>>, vector<1x16xf32>,
          %parallel_loop3A_1090 = vector.shape_cast %parallel_loop3A_1089 : vector<1x16xf32> to vector<16xf32>
          %parallel_loop3A_1091 = arith.mulf %parallel_loop3A_1026, %parallel_loop3A_1090 : vector<16xf32>
          %parallel_loop3A_1092 = arith.addf %parallel_loop3A_984, %parallel_loop3A_1091 : vector<16xf32>
          %parallel_loop3A_1093 = arith.mulf %parallel_loop3A_1034, %parallel_loop3A_1090 : vector<16xf32>
          %parallel_loop3A_1094 = arith.addf %parallel_loop3A_985, %parallel_loop3A_1093 : vector<16xf32>
          %parallel_loop3A_1095 = arith.mulf %parallel_loop3A_1042, %parallel_loop3A_1090 : vector<16xf32>
          %parallel_loop3A_1096 = arith.addf %parallel_loop3A_986, %parallel_loop3A_1095 : vector<16xf32>
          %parallel_loop3A_1097 = arith.mulf %parallel_loop3A_1050, %parallel_loop3A_1090 : vector<16xf32>
          %parallel_loop3A_1098 = arith.addf %parallel_loop3A_987, %parallel_loop3A_1097 : vector<16xf32>
          %parallel_loop3A_1099 = arith.mulf %parallel_loop3A_1058, %parallel_loop3A_1090 : vector<16xf32>
          %parallel_loop3A_1100 = arith.addf %parallel_loop3A_988, %parallel_loop3A_1099 : vector<16xf32>
          %parallel_loop3A_1101 = arith.index_cast %parallel_loop3A_1014 : i32 to index
          %parallel_loop3A_1102 = arith.constant 48 : index
          %parallel_loop3A_1103 = tpu.vector_load %arg14[%parallel_loop3A_1101, %parallel_loop3A_1102] {strides = array<i32>} : memref<128x128xf32, #tpu.memory_space<vmem>>, vector<1x16xf32>,
          %parallel_loop3A_1104 = vector.shape_cast %parallel_loop3A_1103 : vector<1x16xf32> to vector<16xf32>
          %parallel_loop3A_1105 = arith.mulf %parallel_loop3A_1026, %parallel_loop3A_1104 : vector<16xf32>
          %parallel_loop3A_1106 = arith.addf %parallel_loop3A_989, %parallel_loop3A_1105 : vector<16xf32>
          %parallel_loop3A_1107 = arith.mulf %parallel_loop3A_1034, %parallel_loop3A_1104 : vector<16xf32>
          %parallel_loop3A_1108 = arith.addf %parallel_loop3A_990, %parallel_loop3A_1107 : vector<16xf32>
          %parallel_loop3A_1109 = arith.mulf %parallel_loop3A_1042, %parallel_loop3A_1104 : vector<16xf32>
          %parallel_loop3A_1110 = arith.addf %parallel_loop3A_991, %parallel_loop3A_1109 : vector<16xf32>
          %parallel_loop3A_1111 = arith.mulf %parallel_loop3A_1050, %parallel_loop3A_1104 : vector<16xf32>
          %parallel_loop3A_1112 = arith.addf %parallel_loop3A_992, %parallel_loop3A_1111 : vector<16xf32>
          %parallel_loop3A_1113 = arith.mulf %parallel_loop3A_1058, %parallel_loop3A_1104 : vector<16xf32>
          %parallel_loop3A_1114 = arith.addf %parallel_loop3A_993, %parallel_loop3A_1113 : vector<16xf32>
          %parallel_loop3A_1115 = arith.index_cast %parallel_loop3A_1014 : i32 to index
          %parallel_loop3A_1116 = arith.constant 64 : index
          %parallel_loop3A_1117 = tpu.vector_load %arg14[%parallel_loop3A_1115, %parallel_loop3A_1116] {strides = array<i32>} : memref<128x128xf32, #tpu.memory_space<vmem>>, vector<1x16xf32>,
          %parallel_loop3A_1118 = vector.shape_cast %parallel_loop3A_1117 : vector<1x16xf32> to vector<16xf32>
          %parallel_loop3A_1119 = arith.mulf %parallel_loop3A_1026, %parallel_loop3A_1118 : vector<16xf32>
          %parallel_loop3A_1120 = arith.addf %parallel_loop3A_994, %parallel_loop3A_1119 : vector<16xf32>
          %parallel_loop3A_1121 = arith.mulf %parallel_loop3A_1034, %parallel_loop3A_1118 : vector<16xf32>
          %parallel_loop3A_1122 = arith.addf %parallel_loop3A_995, %parallel_loop3A_1121 : vector<16xf32>
          %parallel_loop3A_1123 = arith.mulf %parallel_loop3A_1042, %parallel_loop3A_1118 : vector<16xf32>
          %parallel_loop3A_1124 = arith.addf %parallel_loop3A_996, %parallel_loop3A_1123 : vector<16xf32>
          %parallel_loop3A_1125 = arith.mulf %parallel_loop3A_1050, %parallel_loop3A_1118 : vector<16xf32>
          %parallel_loop3A_1126 = arith.addf %parallel_loop3A_997, %parallel_loop3A_1125 : vector<16xf32>
          %parallel_loop3A_1127 = arith.mulf %parallel_loop3A_1058, %parallel_loop3A_1118 : vector<16xf32>
          %parallel_loop3A_1128 = arith.addf %parallel_loop3A_998, %parallel_loop3A_1127 : vector<16xf32>
          %parallel_loop3A_1129 = arith.index_cast %parallel_loop3A_1014 : i32 to index
          %parallel_loop3A_1130 = arith.constant 80 : index
          %parallel_loop3A_1131 = tpu.vector_load %arg14[%parallel_loop3A_1129, %parallel_loop3A_1130] {strides = array<i32>} : memref<128x128xf32, #tpu.memory_space<vmem>>, vector<1x16xf32>,
          %parallel_loop3A_1132 = vector.shape_cast %parallel_loop3A_1131 : vector<1x16xf32> to vector<16xf32>
          %parallel_loop3A_1133 = arith.mulf %parallel_loop3A_1026, %parallel_loop3A_1132 : vector<16xf32>
          %parallel_loop3A_1134 = arith.addf %parallel_loop3A_999, %parallel_loop3A_1133 : vector<16xf32>
          %parallel_loop3A_1135 = arith.mulf %parallel_loop3A_1034, %parallel_loop3A_1132 : vector<16xf32>
          %parallel_loop3A_1136 = arith.addf %parallel_loop3A_1000, %parallel_loop3A_1135 : vector<16xf32>
          %parallel_loop3A_1137 = arith.mulf %parallel_loop3A_1042, %parallel_loop3A_1132 : vector<16xf32>
          %parallel_loop3A_1138 = arith.addf %parallel_loop3A_1001, %parallel_loop3A_1137 : vector<16xf32>
          %parallel_loop3A_1139 = arith.mulf %parallel_loop3A_1050, %parallel_loop3A_1132 : vector<16xf32>
          %parallel_loop3A_1140 = arith.addf %parallel_loop3A_1002, %parallel_loop3A_1139 : vector<16xf32>
          %parallel_loop3A_1141 = arith.mulf %parallel_loop3A_1058, %parallel_loop3A_1132 : vector<16xf32>
          %parallel_loop3A_1142 = arith.addf %parallel_loop3A_1003, %parallel_loop3A_1141 : vector<16xf32>
          %parallel_loop3A_1143 = arith.index_cast %parallel_loop3A_1014 : i32 to index
          %parallel_loop3A_1144 = arith.constant 96 : index
          %parallel_loop3A_1145 = tpu.vector_load %arg14[%parallel_loop3A_1143, %parallel_loop3A_1144] {strides = array<i32>} : memref<128x128xf32, #tpu.memory_space<vmem>>, vector<1x16xf32>,
          %parallel_loop3A_1146 = vector.shape_cast %parallel_loop3A_1145 : vector<1x16xf32> to vector<16xf32>
          %parallel_loop3A_1147 = arith.mulf %parallel_loop3A_1026, %parallel_loop3A_1146 : vector<16xf32>
          %parallel_loop3A_1148 = arith.addf %parallel_loop3A_1004, %parallel_loop3A_1147 : vector<16xf32>
          %parallel_loop3A_1149 = arith.mulf %parallel_loop3A_1034, %parallel_loop3A_1146 : vector<16xf32>
          %parallel_loop3A_1150 = arith.addf %parallel_loop3A_1005, %parallel_loop3A_1149 : vector<16xf32>
          %parallel_loop3A_1151 = arith.mulf %parallel_loop3A_1042, %parallel_loop3A_1146 : vector<16xf32>
          %parallel_loop3A_1152 = arith.addf %parallel_loop3A_1006, %parallel_loop3A_1151 : vector<16xf32>
          %parallel_loop3A_1153 = arith.mulf %parallel_loop3A_1050, %parallel_loop3A_1146 : vector<16xf32>
          %parallel_loop3A_1154 = arith.addf %parallel_loop3A_1007, %parallel_loop3A_1153 : vector<16xf32>
          %parallel_loop3A_1155 = arith.mulf %parallel_loop3A_1058, %parallel_loop3A_1146 : vector<16xf32>
          %parallel_loop3A_1156 = arith.addf %parallel_loop3A_1008, %parallel_loop3A_1155 : vector<16xf32>
          %parallel_loop3A_1157 = arith.index_cast %parallel_loop3A_1014 : i32 to index
          %parallel_loop3A_1158 = arith.constant 112 : index
          %parallel_loop3A_1159 = tpu.vector_load %arg14[%parallel_loop3A_1157, %parallel_loop3A_1158] {strides = array<i32>} : memref<128x128xf32, #tpu.memory_space<vmem>>, vector<1x16xf32>,
          %parallel_loop3A_1160 = vector.shape_cast %parallel_loop3A_1159 : vector<1x16xf32> to vector<16xf32>
          %parallel_loop3A_1161 = arith.mulf %parallel_loop3A_1026, %parallel_loop3A_1160 : vector<16xf32>
          %parallel_loop3A_1162 = arith.addf %parallel_loop3A_1009, %parallel_loop3A_1161 : vector<16xf32>
          %parallel_loop3A_1163 = arith.mulf %parallel_loop3A_1034, %parallel_loop3A_1160 : vector<16xf32>
          %parallel_loop3A_1164 = arith.addf %parallel_loop3A_1010, %parallel_loop3A_1163 : vector<16xf32>
          %parallel_loop3A_1165 = arith.mulf %parallel_loop3A_1042, %parallel_loop3A_1160 : vector<16xf32>
          %parallel_loop3A_1166 = arith.addf %parallel_loop3A_1011, %parallel_loop3A_1165 : vector<16xf32>
          %parallel_loop3A_1167 = arith.mulf %parallel_loop3A_1050, %parallel_loop3A_1160 : vector<16xf32>
          %parallel_loop3A_1168 = arith.addf %parallel_loop3A_1012, %parallel_loop3A_1167 : vector<16xf32>
          %parallel_loop3A_1169 = arith.mulf %parallel_loop3A_1058, %parallel_loop3A_1160 : vector<16xf32>
          %parallel_loop3A_1170 = arith.addf %parallel_loop3A_1013, %parallel_loop3A_1169 : vector<16xf32>
          scf.yield %parallel_loop3A_1064, %parallel_loop3A_1066, %parallel_loop3A_1068, %parallel_loop3A_1070, %parallel_loop3A_1072, %parallel_loop3A_1078, %parallel_loop3A_1080, %parallel_loop3A_1082, %parallel_loop3A_1084, %parallel_loop3A_1086, %parallel_loop3A_1092, %parallel_loop3A_1094, %parallel_loop3A_1096, %parallel_loop3A_1098, %parallel_loop3A_1100, %parallel_loop3A_1106, %parallel_loop3A_1108, %parallel_loop3A_1110, %parallel_loop3A_1112, %parallel_loop3A_1114, %parallel_loop3A_1120, %parallel_loop3A_1122, %parallel_loop3A_1124, %parallel_loop3A_1126, %parallel_loop3A_1128, %parallel_loop3A_1134, %parallel_loop3A_1136, %parallel_loop3A_1138, %parallel_loop3A_1140, %parallel_loop3A_1142, %parallel_loop3A_1148, %parallel_loop3A_1150, %parallel_loop3A_1152, %parallel_loop3A_1154, %parallel_loop3A_1156, %parallel_loop3A_1162, %parallel_loop3A_1164, %parallel_loop3A_1166, %parallel_loop3A_1168, %parallel_loop3A_1170 : vector<16xf32>, vector<16xf32>, vector<16xf32>, vector<16xf32>, vector<16xf32>, vector<16xf32>, vector<16xf32>, vector<16xf32>, vector<16xf32>, vector<16xf32>, vector<16xf32>, vector<16xf32>, vector<16xf32>, vector<16xf32>, vector<16xf32>, vector<16xf32>, vector<16xf32>, vector<16xf32>, vector<16xf32>, vector<16xf32>, vector<16xf32>, vector<16xf32>, vector<16xf32>, vector<16xf32>, vector<16xf32>, vector<16xf32>, vector<16xf32>, vector<16xf32>, vector<16xf32>, vector<16xf32>, vector<16xf32>, vector<16xf32>, vector<16xf32>, vector<16xf32>, vector<16xf32>, vector<16xf32>, vector<16xf32>, vector<16xf32>, vector<16xf32>, vector<16xf32>
        } {sc.loop_unroll_factor = 1 : i64, sc.parallel_access}
        %swap3A_772 = arith.index_cast %scan3A_228 : i32 to index
        %swap3A_773 = arith.constant 1280 : index
        %swap3A_774 = tpu.vector_load %arg25[%swap3A_772, %swap3A_773] {strides = array<i32>} : memref<4x2048xf32, #tpu.memory_space<vmem>>, vector<1x16xf32>,
        %swap3A_775 = vector.shape_cast %swap3A_774 : vector<1x16xf32> to vector<16xf32>
        %swap3A_776 = vector.shape_cast %parallel_loop3A_771#0 : vector<16xf32> to vector<1x16xf32>
        tpu.vector_store %arg25[%swap3A_772, %swap3A_773], %swap3A_776 {strides = array<i32>} : memref<4x2048xf32, #tpu.memory_space<vmem>>, vector<1x16xf32>,
        %swap3A_777 = arith.index_cast %scan3A_228 : i32 to index
        %swap3A_778 = arith.constant 1408 : index
        %swap3A_779 = tpu.vector_load %arg25[%swap3A_777, %swap3A_778] {strides = array<i32>} : memref<4x2048xf32, #tpu.memory_space<vmem>>, vector<1x16xf32>,
        %swap3A_780 = vector.shape_cast %swap3A_779 : vector<1x16xf32> to vector<16xf32>
        %swap3A_781 = vector.shape_cast %parallel_loop3A_771#1 : vector<16xf32> to vector<1x16xf32>
        tpu.vector_store %arg25[%swap3A_777, %swap3A_778], %swap3A_781 {strides = array<i32>} : memref<4x2048xf32, #tpu.memory_space<vmem>>, vector<1x16xf32>,
        %swap3A_782 = arith.index_cast %scan3A_228 : i32 to index
        %swap3A_783 = arith.constant 1536 : index
        %swap3A_784 = tpu.vector_load %arg25[%swap3A_782, %swap3A_783] {strides = array<i32>} : memref<4x2048xf32, #tpu.memory_space<vmem>>, vector<1x16xf32>,
        %swap3A_785 = vector.shape_cast %swap3A_784 : vector<1x16xf32> to vector<16xf32>
        %swap3A_786 = vector.shape_cast %parallel_loop3A_771#2 : vector<16xf32> to vector<1x16xf32>
        tpu.vector_store %arg25[%swap3A_782, %swap3A_783], %swap3A_786 {strides = array<i32>} : memref<4x2048xf32, #tpu.memory_space<vmem>>, vector<1x16xf32>,
        %swap3A_787 = arith.index_cast %scan3A_228 : i32 to index
        %swap3A_788 = arith.constant 1664 : index
        %swap3A_789 = tpu.vector_load %arg25[%swap3A_787, %swap3A_788] {strides = array<i32>} : memref<4x2048xf32, #tpu.memory_space<vmem>>, vector<1x16xf32>,
        %swap3A_790 = vector.shape_cast %swap3A_789 : vector<1x16xf32> to vector<16xf32>
        %swap3A_791 = vector.shape_cast %parallel_loop3A_771#3 : vector<16xf32> to vector<1x16xf32>
        tpu.vector_store %arg25[%swap3A_787, %swap3A_788], %swap3A_791 {strides = array<i32>} : memref<4x2048xf32, #tpu.memory_space<vmem>>, vector<1x16xf32>,
        %swap3A_792 = arith.index_cast %scan3A_228 : i32 to index
        %swap3A_793 = arith.constant 1792 : index
        %swap3A_794 = tpu.vector_load %arg25[%swap3A_792, %swap3A_793] {strides = array<i32>} : memref<4x2048xf32, #tpu.memory_space<vmem>>, vector<1x16xf32>,
        %swap3A_795 = vector.shape_cast %swap3A_794 : vector<1x16xf32> to vector<16xf32>
        %swap3A_796 = vector.shape_cast %parallel_loop3A_771#4 : vector<16xf32> to vector<1x16xf32>
        tpu.vector_store %arg25[%swap3A_792, %swap3A_793], %swap3A_796 {strides = array<i32>} : memref<4x2048xf32, #tpu.memory_space<vmem>>, vector<1x16xf32>,
        %swap3A_797 = arith.index_cast %scan3A_228 : i32 to index
        %swap3A_798 = arith.constant 1296 : index
        %swap3A_799 = tpu.vector_load %arg25[%swap3A_797, %swap3A_798] {strides = array<i32>} : memref<4x2048xf32, #tpu.memory_space<vmem>>, vector<1x16xf32>,
        %swap3A_800 = vector.shape_cast %swap3A_799 : vector<1x16xf32> to vector<16xf32>
        %swap3A_801 = vector.shape_cast %parallel_loop3A_771#5 : vector<16xf32> to vector<1x16xf32>
        tpu.vector_store %arg25[%swap3A_797, %swap3A_798], %swap3A_801 {strides = array<i32>} : memref<4x2048xf32, #tpu.memory_space<vmem>>, vector<1x16xf32>,
        %swap3A_802 = arith.index_cast %scan3A_228 : i32 to index
        %swap3A_803 = arith.constant 1424 : index
        %swap3A_804 = tpu.vector_load %arg25[%swap3A_802, %swap3A_803] {strides = array<i32>} : memref<4x2048xf32, #tpu.memory_space<vmem>>, vector<1x16xf32>,
        %swap3A_805 = vector.shape_cast %swap3A_804 : vector<1x16xf32> to vector<16xf32>
        %swap3A_806 = vector.shape_cast %parallel_loop3A_771#6 : vector<16xf32> to vector<1x16xf32>
        tpu.vector_store %arg25[%swap3A_802, %swap3A_803], %swap3A_806 {strides = array<i32>} : memref<4x2048xf32, #tpu.memory_space<vmem>>, vector<1x16xf32>,
        %swap3A_807 = arith.index_cast %scan3A_228 : i32 to index
        %swap3A_808 = arith.constant 1552 : index
        %swap3A_809 = tpu.vector_load %arg25[%swap3A_807, %swap3A_808] {strides = array<i32>} : memref<4x2048xf32, #tpu.memory_space<vmem>>, vector<1x16xf32>,
        %swap3A_810 = vector.shape_cast %swap3A_809 : vector<1x16xf32> to vector<16xf32>
        %swap3A_811 = vector.shape_cast %parallel_loop3A_771#7 : vector<16xf32> to vector<1x16xf32>
        tpu.vector_store %arg25[%swap3A_807, %swap3A_808], %swap3A_811 {strides = array<i32>} : memref<4x2048xf32, #tpu.memory_space<vmem>>, vector<1x16xf32>,
        %swap3A_812 = arith.index_cast %scan3A_228 : i32 to index
        %swap3A_813 = arith.constant 1680 : index
        %swap3A_814 = tpu.vector_load %arg25[%swap3A_812, %swap3A_813] {strides = array<i32>} : memref<4x2048xf32, #tpu.memory_space<vmem>>, vector<1x16xf32>,
        %swap3A_815 = vector.shape_cast %swap3A_814 : vector<1x16xf32> to vector<16xf32>
        %swap3A_816 = vector.shape_cast %parallel_loop3A_771#8 : vector<16xf32> to vector<1x16xf32>
        tpu.vector_store %arg25[%swap3A_812, %swap3A_813], %swap3A_816 {strides = array<i32>} : memref<4x2048xf32, #tpu.memory_space<vmem>>, vector<1x16xf32>,
        %swap3A_817 = arith.index_cast %scan3A_228 : i32 to index
        %swap3A_818 = arith.constant 1808 : index
        %swap3A_819 = tpu.vector_load %arg25[%swap3A_817, %swap3A_818] {strides = array<i32>} : memref<4x2048xf32, #tpu.memory_space<vmem>>, vector<1x16xf32>,
        %swap3A_820 = vector.shape_cast %swap3A_819 : vector<1x16xf32> to vector<16xf32>
        %swap3A_821 = vector.shape_cast %parallel_loop3A_771#9 : vector<16xf32> to vector<1x16xf32>
        tpu.vector_store %arg25[%swap3A_817, %swap3A_818], %swap3A_821 {strides = array<i32>} : memref<4x2048xf32, #tpu.memory_space<vmem>>, vector<1x16xf32>,
        %swap3A_822 = arith.index_cast %scan3A_228 : i32 to index
        %swap3A_823 = arith.constant 1312 : index
        %swap3A_824 = tpu.vector_load %arg25[%swap3A_822, %swap3A_823] {strides = array<i32>} : memref<4x2048xf32, #tpu.memory_space<vmem>>, vector<1x16xf32>,
        %swap3A_825 = vector.shape_cast %swap3A_824 : vector<1x16xf32> to vector<16xf32>
        %swap3A_826 = vector.shape_cast %parallel_loop3A_771#10 : vector<16xf32> to vector<1x16xf32>
        tpu.vector_store %arg25[%swap3A_822, %swap3A_823], %swap3A_826 {strides = array<i32>} : memref<4x2048xf32, #tpu.memory_space<vmem>>, vector<1x16xf32>,
        %swap3A_827 = arith.index_cast %scan3A_228 : i32 to index
        %swap3A_828 = arith.constant 1440 : index
        %swap3A_829 = tpu.vector_load %arg25[%swap3A_827, %swap3A_828] {strides = array<i32>} : memref<4x2048xf32, #tpu.memory_space<vmem>>, vector<1x16xf32>,
        %swap3A_830 = vector.shape_cast %swap3A_829 : vector<1x16xf32> to vector<16xf32>
        %swap3A_831 = vector.shape_cast %parallel_loop3A_771#11 : vector<16xf32> to vector<1x16xf32>
        tpu.vector_store %arg25[%swap3A_827, %swap3A_828], %swap3A_831 {strides = array<i32>} : memref<4x2048xf32, #tpu.memory_space<vmem>>, vector<1x16xf32>,
        %swap3A_832 = arith.index_cast %scan3A_228 : i32 to index
        %swap3A_833 = arith.constant 1568 : index
        %swap3A_834 = tpu.vector_load %arg25[%swap3A_832, %swap3A_833] {strides = array<i32>} : memref<4x2048xf32, #tpu.memory_space<vmem>>, vector<1x16xf32>,
        %swap3A_835 = vector.shape_cast %swap3A_834 : vector<1x16xf32> to vector<16xf32>
        %swap3A_836 = vector.shape_cast %parallel_loop3A_771#12 : vector<16xf32> to vector<1x16xf32>
        tpu.vector_store %arg25[%swap3A_832, %swap3A_833], %swap3A_836 {strides = array<i32>} : memref<4x2048xf32, #tpu.memory_space<vmem>>, vector<1x16xf32>,
        %swap3A_837 = arith.index_cast %scan3A_228 : i32 to index
        %swap3A_838 = arith.constant 1696 : index
        %swap3A_839 = tpu.vector_load %arg25[%swap3A_837, %swap3A_838] {strides = array<i32>} : memref<4x2048xf32, #tpu.memory_space<vmem>>, vector<1x16xf32>,
        %swap3A_840 = vector.shape_cast %swap3A_839 : vector<1x16xf32> to vector<16xf32>
        %swap3A_841 = vector.shape_cast %parallel_loop3A_771#13 : vector<16xf32> to vector<1x16xf32>
        tpu.vector_store %arg25[%swap3A_837, %swap3A_838], %swap3A_841 {strides = array<i32>} : memref<4x2048xf32, #tpu.memory_space<vmem>>, vector<1x16xf32>,
        %swap3A_842 = arith.index_cast %scan3A_228 : i32 to index
        %swap3A_843 = arith.constant 1824 : index
        %swap3A_844 = tpu.vector_load %arg25[%swap3A_842, %swap3A_843] {strides = array<i32>} : memref<4x2048xf32, #tpu.memory_space<vmem>>, vector<1x16xf32>,
        %swap3A_845 = vector.shape_cast %swap3A_844 : vector<1x16xf32> to vector<16xf32>
        %swap3A_846 = vector.shape_cast %parallel_loop3A_771#14 : vector<16xf32> to vector<1x16xf32>
        tpu.vector_store %arg25[%swap3A_842, %swap3A_843], %swap3A_846 {strides = array<i32>} : memref<4x2048xf32, #tpu.memory_space<vmem>>, vector<1x16xf32>,
        %swap3A_847 = arith.index_cast %scan3A_228 : i32 to index
        %swap3A_848 = arith.constant 1328 : index
        %swap3A_849 = tpu.vector_load %arg25[%swap3A_847, %swap3A_848] {strides = array<i32>} : memref<4x2048xf32, #tpu.memory_space<vmem>>, vector<1x16xf32>,
        %swap3A_850 = vector.shape_cast %swap3A_849 : vector<1x16xf32> to vector<16xf32>
        %swap3A_851 = vector.shape_cast %parallel_loop3A_771#15 : vector<16xf32> to vector<1x16xf32>
        tpu.vector_store %arg25[%swap3A_847, %swap3A_848], %swap3A_851 {strides = array<i32>} : memref<4x2048xf32, #tpu.memory_space<vmem>>, vector<1x16xf32>,
        %swap3A_852 = arith.index_cast %scan3A_228 : i32 to index
        %swap3A_853 = arith.constant 1456 : index
        %swap3A_854 = tpu.vector_load %arg25[%swap3A_852, %swap3A_853] {strides = array<i32>} : memref<4x2048xf32, #tpu.memory_space<vmem>>, vector<1x16xf32>,
        %swap3A_855 = vector.shape_cast %swap3A_854 : vector<1x16xf32> to vector<16xf32>
        %swap3A_856 = vector.shape_cast %parallel_loop3A_771#16 : vector<16xf32> to vector<1x16xf32>
        tpu.vector_store %arg25[%swap3A_852, %swap3A_853], %swap3A_856 {strides = array<i32>} : memref<4x2048xf32, #tpu.memory_space<vmem>>, vector<1x16xf32>,
        %swap3A_857 = arith.index_cast %scan3A_228 : i32 to index
        %swap3A_858 = arith.constant 1584 : index
        %swap3A_859 = tpu.vector_load %arg25[%swap3A_857, %swap3A_858] {strides = array<i32>} : memref<4x2048xf32, #tpu.memory_space<vmem>>, vector<1x16xf32>,
        %swap3A_860 = vector.shape_cast %swap3A_859 : vector<1x16xf32> to vector<16xf32>
        %swap3A_861 = vector.shape_cast %parallel_loop3A_771#17 : vector<16xf32> to vector<1x16xf32>
        tpu.vector_store %arg25[%swap3A_857, %swap3A_858], %swap3A_861 {strides = array<i32>} : memref<4x2048xf32, #tpu.memory_space<vmem>>, vector<1x16xf32>,
        %swap3A_862 = arith.index_cast %scan3A_228 : i32 to index
        %swap3A_863 = arith.constant 1712 : index
        %swap3A_864 = tpu.vector_load %arg25[%swap3A_862, %swap3A_863] {strides = array<i32>} : memref<4x2048xf32, #tpu.memory_space<vmem>>, vector<1x16xf32>,
        %swap3A_865 = vector.shape_cast %swap3A_864 : vector<1x16xf32> to vector<16xf32>
        %swap3A_866 = vector.shape_cast %parallel_loop3A_771#18 : vector<16xf32> to vector<1x16xf32>
        tpu.vector_store %arg25[%swap3A_862, %swap3A_863], %swap3A_866 {strides = array<i32>} : memref<4x2048xf32, #tpu.memory_space<vmem>>, vector<1x16xf32>,
        %swap3A_867 = arith.index_cast %scan3A_228 : i32 to index
        %swap3A_868 = arith.constant 1840 : index
        %swap3A_869 = tpu.vector_load %arg25[%swap3A_867, %swap3A_868] {strides = array<i32>} : memref<4x2048xf32, #tpu.memory_space<vmem>>, vector<1x16xf32>,
        %swap3A_870 = vector.shape_cast %swap3A_869 : vector<1x16xf32> to vector<16xf32>
        %swap3A_871 = vector.shape_cast %parallel_loop3A_771#19 : vector<16xf32> to vector<1x16xf32>
        tpu.vector_store %arg25[%swap3A_867, %swap3A_868], %swap3A_871 {strides = array<i32>} : memref<4x2048xf32, #tpu.memory_space<vmem>>, vector<1x16xf32>,
        %swap3A_872 = arith.index_cast %scan3A_228 : i32 to index
        %swap3A_873 = arith.constant 1344 : index
        %swap3A_874 = tpu.vector_load %arg25[%swap3A_872, %swap3A_873] {strides = array<i32>} : memref<4x2048xf32, #tpu.memory_space<vmem>>, vector<1x16xf32>,
        %swap3A_875 = vector.shape_cast %swap3A_874 : vector<1x16xf32> to vector<16xf32>
        %swap3A_876 = vector.shape_cast %parallel_loop3A_771#20 : vector<16xf32> to vector<1x16xf32>
        tpu.vector_store %arg25[%swap3A_872, %swap3A_873], %swap3A_876 {strides = array<i32>} : memref<4x2048xf32, #tpu.memory_space<vmem>>, vector<1x16xf32>,
        %swap3A_877 = arith.index_cast %scan3A_228 : i32 to index
        %swap3A_878 = arith.constant 1472 : index
        %swap3A_879 = tpu.vector_load %arg25[%swap3A_877, %swap3A_878] {strides = array<i32>} : memref<4x2048xf32, #tpu.memory_space<vmem>>, vector<1x16xf32>,
        %swap3A_880 = vector.shape_cast %swap3A_879 : vector<1x16xf32> to vector<16xf32>
        %swap3A_881 = vector.shape_cast %parallel_loop3A_771#21 : vector<16xf32> to vector<1x16xf32>
        tpu.vector_store %arg25[%swap3A_877, %swap3A_878], %swap3A_881 {strides = array<i32>} : memref<4x2048xf32, #tpu.memory_space<vmem>>, vector<1x16xf32>,
        %swap3A_882 = arith.index_cast %scan3A_228 : i32 to index
        %swap3A_883 = arith.constant 1600 : index
        %swap3A_884 = tpu.vector_load %arg25[%swap3A_882, %swap3A_883] {strides = array<i32>} : memref<4x2048xf32, #tpu.memory_space<vmem>>, vector<1x16xf32>,
        %swap3A_885 = vector.shape_cast %swap3A_884 : vector<1x16xf32> to vector<16xf32>
        %swap3A_886 = vector.shape_cast %parallel_loop3A_771#22 : vector<16xf32> to vector<1x16xf32>
        tpu.vector_store %arg25[%swap3A_882, %swap3A_883], %swap3A_886 {strides = array<i32>} : memref<4x2048xf32, #tpu.memory_space<vmem>>, vector<1x16xf32>,
        %swap3A_887 = arith.index_cast %scan3A_228 : i32 to index
        %swap3A_888 = arith.constant 1728 : index
        %swap3A_889 = tpu.vector_load %arg25[%swap3A_887, %swap3A_888] {strides = array<i32>} : memref<4x2048xf32, #tpu.memory_space<vmem>>, vector<1x16xf32>,
        %swap3A_890 = vector.shape_cast %swap3A_889 : vector<1x16xf32> to vector<16xf32>
        %swap3A_891 = vector.shape_cast %parallel_loop3A_771#23 : vector<16xf32> to vector<1x16xf32>
        tpu.vector_store %arg25[%swap3A_887, %swap3A_888], %swap3A_891 {strides = array<i32>} : memref<4x2048xf32, #tpu.memory_space<vmem>>, vector<1x16xf32>,
        %swap3A_892 = arith.index_cast %scan3A_228 : i32 to index
        %swap3A_893 = arith.constant 1856 : index
        %swap3A_894 = tpu.vector_load %arg25[%swap3A_892, %swap3A_893] {strides = array<i32>} : memref<4x2048xf32, #tpu.memory_space<vmem>>, vector<1x16xf32>,
        %swap3A_895 = vector.shape_cast %swap3A_894 : vector<1x16xf32> to vector<16xf32>
        %swap3A_896 = vector.shape_cast %parallel_loop3A_771#24 : vector<16xf32> to vector<1x16xf32>
        tpu.vector_store %arg25[%swap3A_892, %swap3A_893], %swap3A_896 {strides = array<i32>} : memref<4x2048xf32, #tpu.memory_space<vmem>>, vector<1x16xf32>,
        %swap3A_897 = arith.index_cast %scan3A_228 : i32 to index
        %swap3A_898 = arith.constant 1360 : index
        %swap3A_899 = tpu.vector_load %arg25[%swap3A_897, %swap3A_898] {strides = array<i32>} : memref<4x2048xf32, #tpu.memory_space<vmem>>, vector<1x16xf32>,
        %swap3A_900 = vector.shape_cast %swap3A_899 : vector<1x16xf32> to vector<16xf32>
        %swap3A_901 = vector.shape_cast %parallel_loop3A_771#25 : vector<16xf32> to vector<1x16xf32>
        tpu.vector_store %arg25[%swap3A_897, %swap3A_898], %swap3A_901 {strides = array<i32>} : memref<4x2048xf32, #tpu.memory_space<vmem>>, vector<1x16xf32>,
        %swap3A_902 = arith.index_cast %scan3A_228 : i32 to index
        %swap3A_903 = arith.constant 1488 : index
        %swap3A_904 = tpu.vector_load %arg25[%swap3A_902, %swap3A_903] {strides = array<i32>} : memref<4x2048xf32, #tpu.memory_space<vmem>>, vector<1x16xf32>,
        %swap3A_905 = vector.shape_cast %swap3A_904 : vector<1x16xf32> to vector<16xf32>
        %swap3A_906 = vector.shape_cast %parallel_loop3A_771#26 : vector<16xf32> to vector<1x16xf32>
        tpu.vector_store %arg25[%swap3A_902, %swap3A_903], %swap3A_906 {strides = array<i32>} : memref<4x2048xf32, #tpu.memory_space<vmem>>, vector<1x16xf32>,
        %swap3A_907 = arith.index_cast %scan3A_228 : i32 to index
        %swap3A_908 = arith.constant 1616 : index
        %swap3A_909 = tpu.vector_load %arg25[%swap3A_907, %swap3A_908] {strides = array<i32>} : memref<4x2048xf32, #tpu.memory_space<vmem>>, vector<1x16xf32>,
        %swap3A_910 = vector.shape_cast %swap3A_909 : vector<1x16xf32> to vector<16xf32>
        %swap3A_911 = vector.shape_cast %parallel_loop3A_771#27 : vector<16xf32> to vector<1x16xf32>
        tpu.vector_store %arg25[%swap3A_907, %swap3A_908], %swap3A_911 {strides = array<i32>} : memref<4x2048xf32, #tpu.memory_space<vmem>>, vector<1x16xf32>,
        %swap3A_912 = arith.index_cast %scan3A_228 : i32 to index
        %swap3A_913 = arith.constant 1744 : index
        %swap3A_914 = tpu.vector_load %arg25[%swap3A_912, %swap3A_913] {strides = array<i32>} : memref<4x2048xf32, #tpu.memory_space<vmem>>, vector<1x16xf32>,
        %swap3A_915 = vector.shape_cast %swap3A_914 : vector<1x16xf32> to vector<16xf32>
        %swap3A_916 = vector.shape_cast %parallel_loop3A_771#28 : vector<16xf32> to vector<1x16xf32>
        tpu.vector_store %arg25[%swap3A_912, %swap3A_913], %swap3A_916 {strides = array<i32>} : memref<4x2048xf32, #tpu.memory_space<vmem>>, vector<1x16xf32>,
        %swap3A_917 = arith.index_cast %scan3A_228 : i32 to index
        %swap3A_918 = arith.constant 1872 : index
        %swap3A_919 = tpu.vector_load %arg25[%swap3A_917, %swap3A_918] {strides = array<i32>} : memref<4x2048xf32, #tpu.memory_space<vmem>>, vector<1x16xf32>,
        %swap3A_920 = vector.shape_cast %swap3A_919 : vector<1x16xf32> to vector<16xf32>
        %swap3A_921 = vector.shape_cast %parallel_loop3A_771#29 : vector<16xf32> to vector<1x16xf32>
        tpu.vector_store %arg25[%swap3A_917, %swap3A_918], %swap3A_921 {strides = array<i32>} : memref<4x2048xf32, #tpu.memory_space<vmem>>, vector<1x16xf32>,
        %swap3A_922 = arith.index_cast %scan3A_228 : i32 to index
        %swap3A_923 = arith.constant 1376 : index
        %swap3A_924 = tpu.vector_load %arg25[%swap3A_922, %swap3A_923] {strides = array<i32>} : memref<4x2048xf32, #tpu.memory_space<vmem>>, vector<1x16xf32>,
        %swap3A_925 = vector.shape_cast %swap3A_924 : vector<1x16xf32> to vector<16xf32>
        %swap3A_926 = vector.shape_cast %parallel_loop3A_771#30 : vector<16xf32> to vector<1x16xf32>
        tpu.vector_store %arg25[%swap3A_922, %swap3A_923], %swap3A_926 {strides = array<i32>} : memref<4x2048xf32, #tpu.memory_space<vmem>>, vector<1x16xf32>,
        %swap3A_927 = arith.index_cast %scan3A_228 : i32 to index
        %swap3A_928 = arith.constant 1504 : index
        %swap3A_929 = tpu.vector_load %arg25[%swap3A_927, %swap3A_928] {strides = array<i32>} : memref<4x2048xf32, #tpu.memory_space<vmem>>, vector<1x16xf32>,
        %swap3A_930 = vector.shape_cast %swap3A_929 : vector<1x16xf32> to vector<16xf32>
        %swap3A_931 = vector.shape_cast %parallel_loop3A_771#31 : vector<16xf32> to vector<1x16xf32>
        tpu.vector_store %arg25[%swap3A_927, %swap3A_928], %swap3A_931 {strides = array<i32>} : memref<4x2048xf32, #tpu.memory_space<vmem>>, vector<1x16xf32>,
        %swap3A_932 = arith.index_cast %scan3A_228 : i32 to index
        %swap3A_933 = arith.constant 1632 : index
        %swap3A_934 = tpu.vector_load %arg25[%swap3A_932, %swap3A_933] {strides = array<i32>} : memref<4x2048xf32, #tpu.memory_space<vmem>>, vector<1x16xf32>,
        %swap3A_935 = vector.shape_cast %swap3A_934 : vector<1x16xf32> to vector<16xf32>
        %swap3A_936 = vector.shape_cast %parallel_loop3A_771#32 : vector<16xf32> to vector<1x16xf32>
        tpu.vector_store %arg25[%swap3A_932, %swap3A_933], %swap3A_936 {strides = array<i32>} : memref<4x2048xf32, #tpu.memory_space<vmem>>, vector<1x16xf32>,
        %swap3A_937 = arith.index_cast %scan3A_228 : i32 to index
        %swap3A_938 = arith.constant 1760 : index
        %swap3A_939 = tpu.vector_load %arg25[%swap3A_937, %swap3A_938] {strides = array<i32>} : memref<4x2048xf32, #tpu.memory_space<vmem>>, vector<1x16xf32>,
        %swap3A_940 = vector.shape_cast %swap3A_939 : vector<1x16xf32> to vector<16xf32>
        %swap3A_941 = vector.shape_cast %parallel_loop3A_771#33 : vector<16xf32> to vector<1x16xf32>
        tpu.vector_store %arg25[%swap3A_937, %swap3A_938], %swap3A_941 {strides = array<i32>} : memref<4x2048xf32, #tpu.memory_space<vmem>>, vector<1x16xf32>,
        %swap3A_942 = arith.index_cast %scan3A_228 : i32 to index
        %swap3A_943 = arith.constant 1888 : index
        %swap3A_944 = tpu.vector_load %arg25[%swap3A_942, %swap3A_943] {strides = array<i32>} : memref<4x2048xf32, #tpu.memory_space<vmem>>, vector<1x16xf32>,
        %swap3A_945 = vector.shape_cast %swap3A_944 : vector<1x16xf32> to vector<16xf32>
        %swap3A_946 = vector.shape_cast %parallel_loop3A_771#34 : vector<16xf32> to vector<1x16xf32>
        tpu.vector_store %arg25[%swap3A_942, %swap3A_943], %swap3A_946 {strides = array<i32>} : memref<4x2048xf32, #tpu.memory_space<vmem>>, vector<1x16xf32>,
        %swap3A_947 = arith.index_cast %scan3A_228 : i32 to index
        %swap3A_948 = arith.constant 1392 : index
        %swap3A_949 = tpu.vector_load %arg25[%swap3A_947, %swap3A_948] {strides = array<i32>} : memref<4x2048xf32, #tpu.memory_space<vmem>>, vector<1x16xf32>,
        %swap3A_950 = vector.shape_cast %swap3A_949 : vector<1x16xf32> to vector<16xf32>
        %swap3A_951 = vector.shape_cast %parallel_loop3A_771#35 : vector<16xf32> to vector<1x16xf32>
        tpu.vector_store %arg25[%swap3A_947, %swap3A_948], %swap3A_951 {strides = array<i32>} : memref<4x2048xf32, #tpu.memory_space<vmem>>, vector<1x16xf32>,
        %swap3A_952 = arith.index_cast %scan3A_228 : i32 to index
        %swap3A_953 = arith.constant 1520 : index
        %swap3A_954 = tpu.vector_load %arg25[%swap3A_952, %swap3A_953] {strides = array<i32>} : memref<4x2048xf32, #tpu.memory_space<vmem>>, vector<1x16xf32>,
        %swap3A_955 = vector.shape_cast %swap3A_954 : vector<1x16xf32> to vector<16xf32>
        %swap3A_956 = vector.shape_cast %parallel_loop3A_771#36 : vector<16xf32> to vector<1x16xf32>
        tpu.vector_store %arg25[%swap3A_952, %swap3A_953], %swap3A_956 {strides = array<i32>} : memref<4x2048xf32, #tpu.memory_space<vmem>>, vector<1x16xf32>,
        %swap3A_957 = arith.index_cast %scan3A_228 : i32 to index
        %swap3A_958 = arith.constant 1648 : index
        %swap3A_959 = tpu.vector_load %arg25[%swap3A_957, %swap3A_958] {strides = array<i32>} : memref<4x2048xf32, #tpu.memory_space<vmem>>, vector<1x16xf32>,
        %swap3A_960 = vector.shape_cast %swap3A_959 : vector<1x16xf32> to vector<16xf32>
        %swap3A_961 = vector.shape_cast %parallel_loop3A_771#37 : vector<16xf32> to vector<1x16xf32>
        tpu.vector_store %arg25[%swap3A_957, %swap3A_958], %swap3A_961 {strides = array<i32>} : memref<4x2048xf32, #tpu.memory_space<vmem>>, vector<1x16xf32>,
        %swap3A_962 = arith.index_cast %scan3A_228 : i32 to index
        %swap3A_963 = arith.constant 1776 : index
        %swap3A_964 = tpu.vector_load %arg25[%swap3A_962, %swap3A_963] {strides = array<i32>} : memref<4x2048xf32, #tpu.memory_space<vmem>>, vector<1x16xf32>,
        %swap3A_965 = vector.shape_cast %swap3A_964 : vector<1x16xf32> to vector<16xf32>
        %swap3A_966 = vector.shape_cast %parallel_loop3A_771#38 : vector<16xf32> to vector<1x16xf32>
        tpu.vector_store %arg25[%swap3A_962, %swap3A_963], %swap3A_966 {strides = array<i32>} : memref<4x2048xf32, #tpu.memory_space<vmem>>, vector<1x16xf32>,
        %swap3A_967 = arith.index_cast %scan3A_228 : i32 to index
        %swap3A_968 = arith.constant 1904 : index
        %swap3A_969 = tpu.vector_load %arg25[%swap3A_967, %swap3A_968] {strides = array<i32>} : memref<4x2048xf32, #tpu.memory_space<vmem>>, vector<1x16xf32>,
        %swap3A_970 = vector.shape_cast %swap3A_969 : vector<1x16xf32> to vector<16xf32>
        %swap3A_971 = vector.shape_cast %parallel_loop3A_771#39 : vector<16xf32> to vector<1x16xf32>
        tpu.vector_store %arg25[%swap3A_967, %swap3A_968], %swap3A_971 {strides = array<i32>} : memref<4x2048xf32, #tpu.memory_space<vmem>>, vector<1x16xf32>,
        %scan3A_972 = arith.constant 0 : i32
        scf.yield %scan3A_972 : i32
      }
      %scan3A_156 = arith.constant 4 : i32
      %mul3A_157 = arith.constant 4 : i32
      %mul3A_158 = arith.muli %mul3A_77, %mul3A_157 : i32
      %add3A_159 = arith.addi %mul3A_2, %mul3A_158 : i32
      %dma_start3A_160 = arith.constant 0 : i32
      %dma_start3A_161 = tpu.memref_slice %arg10[%add3A_159, %dma_start3A_160] : memref<10240x2048xf32, #tpu.memory_space<hbm>> -> memref<4x2048xf32, #tpu.memory_space<hbm>>
      %dma_start3A_162 = arith.constant 0 : i32
      %dma_start3A_163 = tpu.memref_slice %arg10[%add3A_159, %dma_start3A_162] : memref<10240x2048xf32, #tpu.memory_space<hbm>> -> memref<4x2048xf32, #tpu.memory_space<hbm>>
      tpu.enqueue_dma source(%arg25 : memref<4x2048xf32, #tpu.memory_space<vmem>>) target(%dma_start3A_163 : memref<4x2048xf32, #tpu.memory_space<hbm>>) target_semaphore(%arg29 : memref<!tpu.dma_semaphore, #tpu.memory_space<semaphore_mem>>)
      %add3A_164 = arith.constant 2 : i32
      %add3A_165 = arith.addi %mul3A_77, %add3A_164 : i32
      %lt3A = arith.constant 80 : i32
      %lt3A_166 = arith.cmpi slt, %add3A_165, %lt3A : i32
      %convert_element_type3A_167 = arith.extui %lt3A_166 : i1 to i32
      %cond3A_168 = arith.constant 0 : i32
      %cond3A_169 = arith.cmpi ne, %convert_element_type3A_167, %cond3A_168 : i32
      scf.if %cond3A_169 {
        %add3A_228 = arith.constant 2 : i32
        %add3A_229 = arith.addi %mul3A_77, %add3A_228 : i32
        %dma_start3A_230 = arith.constant 0 : i32
        %dma_start3A_231 = tpu.memref_slice %arg11[%add3A_229, %dma_start3A_230] : memref<80x128xi32, #tpu.memory_space<vmem>> -> memref<1x128xi32, #tpu.memory_space<vmem>>
        %dma_start3A_232 = tpu.memref_squeeze %dma_start3A_231 : memref<1x128xi32, #tpu.memory_space<vmem>> -> memref<128xi32, #tpu.memory_space<vmem>>
        %dma_start3A_233 = arith.constant 0 : i32
        %dma_start3A_234 = arith.constant 0 : i32
        %dma_start3A_235 = tpu.memref_slice %arg2[%dma_start3A_233, %dma_start3A_234] : memref<10000x128xf32, #tpu.memory_space<hbm>> -> memref<10000x128xf32, #tpu.memory_space<hbm>>
        tpu.enqueue_indirect_dma source(%dma_start3A_235 : memref<10000x128xf32, #tpu.memory_space<hbm>>) target(%arg14 : memref<128x128xf32, #tpu.memory_space<vmem>>) offsets(%dma_start3A_232 : memref<128xi32, #tpu.memory_space<vmem>>) semaphore(%arg27 : memref<!tpu.dma_semaphore, #tpu.memory_space<semaphore_mem>>)
        %dma_start3A_236 = arith.constant 0 : i32
        %dma_start3A_237 = tpu.memref_slice %arg16[%dma_start3A_236] : memref<144xf32, #tpu.memory_space<vmem>> -> memref<128xf32, #tpu.memory_space<vmem>>
        %dma_start3A_238 = arith.constant 0 : i32
        %dma_start3A_239 = tpu.memref_slice %arg11[%add3A_229, %dma_start3A_238] : memref<80x128xi32, #tpu.memory_space<vmem>> -> memref<1x128xi32, #tpu.memory_space<vmem>>
        %dma_start3A_240 = tpu.memref_squeeze %dma_start3A_239 : memref<1x128xi32, #tpu.memory_space<vmem>> -> memref<128xi32, #tpu.memory_space<vmem>>
        %dma_start3A_241 = arith.constant 0 : i32
        %dma_start3A_242 = tpu.memref_slice %arg3[%dma_start3A_241] : memref<10000xf32, #tpu.memory_space<hbm>> -> memref<10000xf32, #tpu.memory_space<hbm>>
        tpu.enqueue_indirect_dma source(%dma_start3A_242 : memref<10000xf32, #tpu.memory_space<hbm>>) target(%dma_start3A_237 : memref<128xf32, #tpu.memory_space<vmem>>) offsets(%dma_start3A_240 : memref<128xi32, #tpu.memory_space<vmem>>) semaphore(%arg27 : memref<!tpu.dma_semaphore, #tpu.memory_space<semaphore_mem>>)
        %dma_start3A_243 = arith.constant 0 : i32
        %dma_start3A_244 = tpu.memref_slice %arg17[%dma_start3A_243] : memref<144xf32, #tpu.memory_space<vmem>> -> memref<128xf32, #tpu.memory_space<vmem>>
        %dma_start3A_245 = arith.constant 0 : i32
        %dma_start3A_246 = tpu.memref_slice %arg11[%add3A_229, %dma_start3A_245] : memref<80x128xi32, #tpu.memory_space<vmem>> -> memref<1x128xi32, #tpu.memory_space<vmem>>
        %dma_start3A_247 = tpu.memref_squeeze %dma_start3A_246 : memref<1x128xi32, #tpu.memory_space<vmem>> -> memref<128xi32, #tpu.memory_space<vmem>>
        %dma_start3A_248 = arith.constant 0 : i32
        %dma_start3A_249 = tpu.memref_slice %arg4[%dma_start3A_248] : memref<10000xf32, #tpu.memory_space<hbm>> -> memref<10000xf32, #tpu.memory_space<hbm>>
        tpu.enqueue_indirect_dma source(%dma_start3A_249 : memref<10000xf32, #tpu.memory_space<hbm>>) target(%dma_start3A_244 : memref<128xf32, #tpu.memory_space<vmem>>) offsets(%dma_start3A_247 : memref<128xi32, #tpu.memory_space<vmem>>) semaphore(%arg27 : memref<!tpu.dma_semaphore, #tpu.memory_space<semaphore_mem>>)
        %dma_start3A_250 = arith.constant 0 : i32
        %dma_start3A_251 = tpu.memref_slice %arg18[%dma_start3A_250] : memref<144xf32, #tpu.memory_space<vmem>> -> memref<128xf32, #tpu.memory_space<vmem>>
        %dma_start3A_252 = arith.constant 0 : i32
        %dma_start3A_253 = tpu.memref_slice %arg11[%add3A_229, %dma_start3A_252] : memref<80x128xi32, #tpu.memory_space<vmem>> -> memref<1x128xi32, #tpu.memory_space<vmem>>
        %dma_start3A_254 = tpu.memref_squeeze %dma_start3A_253 : memref<1x128xi32, #tpu.memory_space<vmem>> -> memref<128xi32, #tpu.memory_space<vmem>>
        %dma_start3A_255 = arith.constant 0 : i32
        %dma_start3A_256 = tpu.memref_slice %arg5[%dma_start3A_255] : memref<10000xf32, #tpu.memory_space<hbm>> -> memref<10000xf32, #tpu.memory_space<hbm>>
        tpu.enqueue_indirect_dma source(%dma_start3A_256 : memref<10000xf32, #tpu.memory_space<hbm>>) target(%dma_start3A_251 : memref<128xf32, #tpu.memory_space<vmem>>) offsets(%dma_start3A_254 : memref<128xi32, #tpu.memory_space<vmem>>) semaphore(%arg27 : memref<!tpu.dma_semaphore, #tpu.memory_space<semaphore_mem>>)
        %dma_start3A_257 = arith.constant 0 : i32
        %dma_start3A_258 = tpu.memref_slice %arg22[%dma_start3A_257] : memref<144xf32, #tpu.memory_space<vmem>> -> memref<128xf32, #tpu.memory_space<vmem>>
        %dma_start3A_259 = arith.constant 0 : i32
        %dma_start3A_260 = tpu.memref_slice %arg11[%add3A_229, %dma_start3A_259] : memref<80x128xi32, #tpu.memory_space<vmem>> -> memref<1x128xi32, #tpu.memory_space<vmem>>
        %dma_start3A_261 = tpu.memref_squeeze %dma_start3A_260 : memref<1x128xi32, #tpu.memory_space<vmem>> -> memref<128xi32, #tpu.memory_space<vmem>>
        %dma_start3A_262 = arith.constant 0 : i32
        %dma_start3A_263 = tpu.memref_slice %arg6[%dma_start3A_262] : memref<10000xf32, #tpu.memory_space<hbm>> -> memref<10000xf32, #tpu.memory_space<hbm>>
        tpu.enqueue_indirect_dma source(%dma_start3A_263 : memref<10000xf32, #tpu.memory_space<hbm>>) target(%dma_start3A_258 : memref<128xf32, #tpu.memory_space<vmem>>) offsets(%dma_start3A_261 : memref<128xi32, #tpu.memory_space<vmem>>) semaphore(%arg27 : memref<!tpu.dma_semaphore, #tpu.memory_space<semaphore_mem>>)
      } else {
      }
      %add3A_170 = arith.constant 1 : i32
      %add3A_171 = arith.addi %mul3A_77, %add3A_170 : i32
      %dma_wait3A_172 = arith.constant 0 : i32
      %dma_wait3A_173 = tpu.memref_slice %arg11[%add3A_171, %dma_wait3A_172] : memref<80x128xi32, #tpu.memory_space<vmem>> -> memref<1x128xi32, #tpu.memory_space<vmem>>
      %dma_wait3A_174 = tpu.memref_squeeze %dma_wait3A_173 : memref<1x128xi32, #tpu.memory_space<vmem>> -> memref<128xi32, #tpu.memory_space<vmem>>
      %dma_wait3A_175 = arith.constant 0 : i32
      %dma_wait3A_176 = arith.constant 0 : i32
      %dma_wait3A_177 = tpu.memref_slice %arg2[%dma_wait3A_175, %dma_wait3A_176] : memref<10000x128xf32, #tpu.memory_space<hbm>> -> memref<10000x128xf32, #tpu.memory_space<hbm>>
      tpu.wait_indirect_dma semaphore(%arg28 : memref<!tpu.dma_semaphore, #tpu.memory_space<semaphore_mem>>) src(%dma_wait3A_177 : memref<10000x128xf32, #tpu.memory_space<hbm>>) dst(%arg15 : memref<128x128xf32, #tpu.memory_space<vmem>>)
      %dma_wait3A_178 = arith.constant 0 : i32
      %dma_wait3A_179 = tpu.memref_slice %arg19[%dma_wait3A_178] : memref<144xf32, #tpu.memory_space<vmem>> -> memref<128xf32, #tpu.memory_space<vmem>>
      %dma_wait3A_180 = arith.constant 0 : i32
      %dma_wait3A_181 = tpu.memref_slice %arg11[%add3A_171, %dma_wait3A_180] : memref<80x128xi32, #tpu.memory_space<vmem>> -> memref<1x128xi32, #tpu.memory_space<vmem>>
      %dma_wait3A_182 = tpu.memref_squeeze %dma_wait3A_181 : memref<1x128xi32, #tpu.memory_space<vmem>> -> memref<128xi32, #tpu.memory_space<vmem>>
      %dma_wait3A_183 = arith.constant 0 : i32
      %dma_wait3A_184 = tpu.memref_slice %arg3[%dma_wait3A_183] : memref<10000xf32, #tpu.memory_space<hbm>> -> memref<10000xf32, #tpu.memory_space<hbm>>
      tpu.wait_indirect_dma semaphore(%arg28 : memref<!tpu.dma_semaphore, #tpu.memory_space<semaphore_mem>>) src(%dma_wait3A_184 : memref<10000xf32, #tpu.memory_space<hbm>>) dst(%dma_wait3A_179 : memref<128xf32, #tpu.memory_space<vmem>>)
      %dma_wait3A_185 = arith.constant 0 : i32
      %dma_wait3A_186 = tpu.memref_slice %arg20[%dma_wait3A_185] : memref<144xf32, #tpu.memory_space<vmem>> -> memref<128xf32, #tpu.memory_space<vmem>>
      %dma_wait3A_187 = arith.constant 0 : i32
      %dma_wait3A_188 = tpu.memref_slice %arg11[%add3A_171, %dma_wait3A_187] : memref<80x128xi32, #tpu.memory_space<vmem>> -> memref<1x128xi32, #tpu.memory_space<vmem>>
      %dma_wait3A_189 = tpu.memref_squeeze %dma_wait3A_188 : memref<1x128xi32, #tpu.memory_space<vmem>> -> memref<128xi32, #tpu.memory_space<vmem>>
      %dma_wait3A_190 = arith.constant 0 : i32
      %dma_wait3A_191 = tpu.memref_slice %arg4[%dma_wait3A_190] : memref<10000xf32, #tpu.memory_space<hbm>> -> memref<10000xf32, #tpu.memory_space<hbm>>
      tpu.wait_indirect_dma semaphore(%arg28 : memref<!tpu.dma_semaphore, #tpu.memory_space<semaphore_mem>>) src(%dma_wait3A_191 : memref<10000xf32, #tpu.memory_space<hbm>>) dst(%dma_wait3A_186 : memref<128xf32, #tpu.memory_space<vmem>>)
      %dma_wait3A_192 = arith.constant 0 : i32
      %dma_wait3A_193 = tpu.memref_slice %arg21[%dma_wait3A_192] : memref<144xf32, #tpu.memory_space<vmem>> -> memref<128xf32, #tpu.memory_space<vmem>>
      %dma_wait3A_194 = arith.constant 0 : i32
      %dma_wait3A_195 = tpu.memref_slice %arg11[%add3A_171, %dma_wait3A_194] : memref<80x128xi32, #tpu.memory_space<vmem>> -> memref<1x128xi32, #tpu.memory_space<vmem>>
      %dma_wait3A_196 = tpu.memref_squeeze %dma_wait3A_195 : memref<1x128xi32, #tpu.memory_space<vmem>> -> memref<128xi32, #tpu.memory_space<vmem>>
      %dma_wait3A_197 = arith.constant 0 : i32
      %dma_wait3A_198 = tpu.memref_slice %arg5[%dma_wait3A_197] : memref<10000xf32, #tpu.memory_space<hbm>> -> memref<10000xf32, #tpu.memory_space<hbm>>
      tpu.wait_indirect_dma semaphore(%arg28 : memref<!tpu.dma_semaphore, #tpu.memory_space<semaphore_mem>>) src(%dma_wait3A_198 : memref<10000xf32, #tpu.memory_space<hbm>>) dst(%dma_wait3A_193 : memref<128xf32, #tpu.memory_space<vmem>>)
      %dma_wait3A_199 = arith.constant 0 : i32
      %dma_wait3A_200 = tpu.memref_slice %arg23[%dma_wait3A_199] : memref<144xf32, #tpu.memory_space<vmem>> -> memref<128xf32, #tpu.memory_space<vmem>>
      %dma_wait3A_201 = arith.constant 0 : i32
      %dma_wait3A_202 = tpu.memref_slice %arg11[%add3A_171, %dma_wait3A_201] : memref<80x128xi32, #tpu.memory_space<vmem>> -> memref<1x128xi32, #tpu.memory_space<vmem>>
      %dma_wait3A_203 = tpu.memref_squeeze %dma_wait3A_202 : memref<1x128xi32, #tpu.memory_space<vmem>> -> memref<128xi32, #tpu.memory_space<vmem>>
      %dma_wait3A_204 = arith.constant 0 : i32
      %dma_wait3A_205 = tpu.memref_slice %arg6[%dma_wait3A_204] : memref<10000xf32, #tpu.memory_space<hbm>> -> memref<10000xf32, #tpu.memory_space<hbm>>
      tpu.wait_indirect_dma semaphore(%arg28 : memref<!tpu.dma_semaphore, #tpu.memory_space<semaphore_mem>>) src(%dma_wait3A_205 : memref<10000xf32, #tpu.memory_space<hbm>>) dst(%dma_wait3A_200 : memref<128xf32, #tpu.memory_space<vmem>>)
      %add3A_206 = arith.constant 1 : i32
      %add3A_207 = arith.addi %mul3A_77, %add3A_206 : i32
      %ge3A_208 = arith.constant 2 : i32
      %ge3A_209 = arith.cmpi sge, %add3A_207, %ge3A_208 : i32
      %convert_element_type3A_210 = arith.extui %ge3A_209 : i1 to i32
      %cond3A_211 = arith.constant 0 : i32
      %cond3A_212 = arith.cmpi ne, %convert_element_type3A_210, %cond3A_211 : i32
      scf.if %cond3A_212 {
        %sub3A = arith.constant 2 : i32
        %sub3A_228 = arith.subi %add3A_207, %sub3A : i32
        %mul3A_229 = arith.constant 4 : i32
        %mul3A_230 = arith.muli %sub3A_228, %mul3A_229 : i32
        %add3A_231 = arith.addi %mul3A_2, %mul3A_230 : i32
        %dma_wait3A_232 = arith.constant 0 : i32
        %dma_wait3A_233 = tpu.memref_slice %arg10[%add3A_231, %dma_wait3A_232] : memref<10240x2048xf32, #tpu.memory_space<hbm>> -> memref<4x2048xf32, #tpu.memory_space<hbm>>
        %dma_wait3A_234 = arith.constant 0 : i32
        %dma_wait3A_235 = tpu.memref_slice %arg10[%add3A_231, %dma_wait3A_234] : memref<10240x2048xf32, #tpu.memory_space<hbm>> -> memref<4x2048xf32, #tpu.memory_space<hbm>>
        tpu.wait_dma2 semaphore(%arg30 : memref<!tpu.dma_semaphore, #tpu.memory_space<semaphore_mem>>) src(%arg26 : memref<4x2048xf32, #tpu.memory_space<vmem>>) dst(%dma_wait3A_235 : memref<4x2048xf32, #tpu.memory_space<hbm>>)
      } else {
      }
      %scan3A_213 = arith.constant 0 : i32
      %scan3A_214 = arith.constant 0 : i32
      %scan3A_215 = arith.constant 4 : i32
      %scan3A_216 = arith.addi %scan3A_214, %scan3A_215 : i32
      %scan3A_217 = arith.constant 1 : i32
      %scan3A_218 = scf.for %scan3A_228 = %scan3A_214 to %scan3A_216 step %scan3A_217 iter_args(%scan3A_229 = %scan3A_213) -> (i32)  : i32 {
        %mul3A_230 = arith.constant 4 : i32
        %mul3A_231 = arith.muli %add3A_207, %mul3A_230 : i32
        %add3A_232 = arith.addi %mul3A_231, %scan3A_228 : i32
        %get3A_233 = arith.index_cast %add3A_232 : i32 to index
        %get3A_234 = arith.constant 0 : index
        %get3A_235 = tpu.vector_load %arg12[%get3A_233, %get3A_234] {strides = array<i32>} : memref<320x16xf32, #tpu.memory_space<vmem>>, vector<1x16xf32>,
        %get3A_236 = vector.shape_cast %get3A_235 : vector<1x16xf32> to vector<16xf32>
        %broadcast_in_dim3A = arith.constant 0 : i32
        %broadcast_in_dim3A_237 = vector.broadcast %broadcast_in_dim3A : i32 to vector<16xi32>
        %add3A_238 = arith.constant 0 : i32
        %add3A_239 = vector.broadcast %add3A_238 : i32 to vector<16xi32>
        %add3A_240 = arith.addi %broadcast_in_dim3A_237, %add3A_239 : vector<16xi32>
        %broadcast_in_dim3A_241 = vector.shape_cast %add3A_240 : vector<16xi32> to vector<16x1xi32>
        %gather3A = vector.shape_cast %broadcast_in_dim3A_241 : vector<16x1xi32> to vector<16xi32>
        %gather3A_242 = tpu.dynamic_gather %get3A_236[%gather3A] in [0] : vector<16xf32>, vector<16xi32> -> vector<16xf32>
        %add3A_243 = arith.addf %get3A_8, %gather3A_242 : vector<16xf32>
        %broadcast_in_dim3A_244 = arith.constant 0 : i32
        %broadcast_in_dim3A_245 = vector.broadcast %broadcast_in_dim3A_244 : i32 to vector<16xi32>
        %add3A_246 = arith.constant 1 : i32
        %add3A_247 = vector.broadcast %add3A_246 : i32 to vector<16xi32>
        %add3A_248 = arith.addi %broadcast_in_dim3A_245, %add3A_247 : vector<16xi32>
        %broadcast_in_dim3A_249 = vector.shape_cast %add3A_248 : vector<16xi32> to vector<16x1xi32>
        %gather3A_250 = vector.shape_cast %broadcast_in_dim3A_249 : vector<16x1xi32> to vector<16xi32>
        %gather3A_251 = tpu.dynamic_gather %get3A_236[%gather3A_250] in [0] : vector<16xf32>, vector<16xi32> -> vector<16xf32>
        %add3A_252 = arith.addf %get3A_13, %gather3A_251 : vector<16xf32>
        %broadcast_in_dim3A_253 = arith.constant 0 : i32
        %broadcast_in_dim3A_254 = vector.broadcast %broadcast_in_dim3A_253 : i32 to vector<16xi32>
        %add3A_255 = arith.constant 2 : i32
        %add3A_256 = vector.broadcast %add3A_255 : i32 to vector<16xi32>
        %add3A_257 = arith.addi %broadcast_in_dim3A_254, %add3A_256 : vector<16xi32>
        %broadcast_in_dim3A_258 = vector.shape_cast %add3A_257 : vector<16xi32> to vector<16x1xi32>
        %gather3A_259 = vector.shape_cast %broadcast_in_dim3A_258 : vector<16x1xi32> to vector<16xi32>
        %gather3A_260 = tpu.dynamic_gather %get3A_236[%gather3A_259] in [0] : vector<16xf32>, vector<16xi32> -> vector<16xf32>
        %add3A_261 = arith.addf %get3A_18, %gather3A_260 : vector<16xf32>
        %mul3A_262 = arith.constant 32 : i32
        %mul3A_263 = arith.muli %scan3A_228, %mul3A_262 : i32
        %broadcast_in_dim3A_264 = arith.constant 0.000000e+00 : f32
        %broadcast_in_dim3A_265 = vector.broadcast %broadcast_in_dim3A_264 : f32 to vector<16xf32>
        %parallel_loop3A = arith.constant 0 : i32
        %parallel_loop3A_266 = arith.constant 32 : i32
        %parallel_loop3A_267 = arith.constant 2 : i32
        %parallel_loop3A_268 = arith.constant 0 : i32
        %parallel_loop3A_269 = scf.for %parallel_loop3A_973 = %parallel_loop3A to %parallel_loop3A_266 step %parallel_loop3A_267 iter_args(%parallel_loop3A_974 = %parallel_loop3A_268) -> (i32)  : i32 {
          %parallel_loop3A_975 = arith.constant 1 : i32
          %parallel_loop3A_976 = arith.addi %parallel_loop3A_973, %parallel_loop3A_975 : i32
          %parallel_loop3A_977 = arith.addi %mul3A_263, %parallel_loop3A_973 : i32
          %parallel_loop3A_978 = arith.index_cast %parallel_loop3A_977 : i32 to index
          %parallel_loop3A_979 = tpu.vector_load %arg19[%parallel_loop3A_978] {strides = array<i32>} : memref<144xf32, #tpu.memory_space<vmem>>, vector<16xf32>,
          %parallel_loop3A_980 = vector.shape_cast %parallel_loop3A_979 : vector<16xf32> to vector<16xf32>
          %parallel_loop3A_981 = arith.constant 0 : i32
          %parallel_loop3A_982 = vector.broadcast %parallel_loop3A_981 : i32 to vector<16xi32>
          %parallel_loop3A_983 = arith.constant 0 : i32
          %parallel_loop3A_984 = vector.broadcast %parallel_loop3A_983 : i32 to vector<16xi32>
          %parallel_loop3A_985 = arith.addi %parallel_loop3A_982, %parallel_loop3A_984 : vector<16xi32>
          %parallel_loop3A_986 = vector.shape_cast %parallel_loop3A_985 : vector<16xi32> to vector<16x1xi32>
          %parallel_loop3A_987 = vector.shape_cast %parallel_loop3A_986 : vector<16x1xi32> to vector<16xi32>
          %parallel_loop3A_988 = tpu.dynamic_gather %parallel_loop3A_980[%parallel_loop3A_987] in [0] : vector<16xf32>, vector<16xi32> -> vector<16xf32>
          %parallel_loop3A_989 = arith.subf %parallel_loop3A_988, %add3A_243 : vector<16xf32>
          %parallel_loop3A_990 = arith.index_cast %parallel_loop3A_977 : i32 to index
          %parallel_loop3A_991 = tpu.vector_load %arg20[%parallel_loop3A_990] {strides = array<i32>} : memref<144xf32, #tpu.memory_space<vmem>>, vector<16xf32>,
          %parallel_loop3A_992 = vector.shape_cast %parallel_loop3A_991 : vector<16xf32> to vector<16xf32>
          %parallel_loop3A_993 = arith.constant 0 : i32
          %parallel_loop3A_994 = vector.broadcast %parallel_loop3A_993 : i32 to vector<16xi32>
          %parallel_loop3A_995 = arith.constant 0 : i32
          %parallel_loop3A_996 = vector.broadcast %parallel_loop3A_995 : i32 to vector<16xi32>
          %parallel_loop3A_997 = arith.addi %parallel_loop3A_994, %parallel_loop3A_996 : vector<16xi32>
          %parallel_loop3A_998 = vector.shape_cast %parallel_loop3A_997 : vector<16xi32> to vector<16x1xi32>
          %parallel_loop3A_999 = vector.shape_cast %parallel_loop3A_998 : vector<16x1xi32> to vector<16xi32>
          %parallel_loop3A_1000 = tpu.dynamic_gather %parallel_loop3A_992[%parallel_loop3A_999] in [0] : vector<16xf32>, vector<16xi32> -> vector<16xf32>
          %parallel_loop3A_1001 = arith.subf %parallel_loop3A_1000, %add3A_252 : vector<16xf32>
          %parallel_loop3A_1002 = arith.index_cast %parallel_loop3A_977 : i32 to index
          %parallel_loop3A_1003 = tpu.vector_load %arg21[%parallel_loop3A_1002] {strides = array<i32>} : memref<144xf32, #tpu.memory_space<vmem>>, vector<16xf32>,
          %parallel_loop3A_1004 = vector.shape_cast %parallel_loop3A_1003 : vector<16xf32> to vector<16xf32>
          %parallel_loop3A_1005 = arith.constant 0 : i32
          %parallel_loop3A_1006 = vector.broadcast %parallel_loop3A_1005 : i32 to vector<16xi32>
          %parallel_loop3A_1007 = arith.constant 0 : i32
          %parallel_loop3A_1008 = vector.broadcast %parallel_loop3A_1007 : i32 to vector<16xi32>
          %parallel_loop3A_1009 = arith.addi %parallel_loop3A_1006, %parallel_loop3A_1008 : vector<16xi32>
          %parallel_loop3A_1010 = vector.shape_cast %parallel_loop3A_1009 : vector<16xi32> to vector<16x1xi32>
          %parallel_loop3A_1011 = vector.shape_cast %parallel_loop3A_1010 : vector<16x1xi32> to vector<16xi32>
          %parallel_loop3A_1012 = tpu.dynamic_gather %parallel_loop3A_1004[%parallel_loop3A_1011] in [0] : vector<16xf32>, vector<16xi32> -> vector<16xf32>
          %parallel_loop3A_1013 = arith.subf %parallel_loop3A_1012, %add3A_261 : vector<16xf32>
          %parallel_loop3A_1014 = arith.mulf %parallel_loop3A_989, %parallel_loop3A_989 : vector<16xf32>
          %parallel_loop3A_1015 = arith.mulf %parallel_loop3A_1001, %parallel_loop3A_1001 : vector<16xf32>
          %parallel_loop3A_1016 = arith.addf %parallel_loop3A_1014, %parallel_loop3A_1015 : vector<16xf32>
          %parallel_loop3A_1017 = arith.mulf %parallel_loop3A_1013, %parallel_loop3A_1013 : vector<16xf32>
          %parallel_loop3A_1018 = arith.addf %parallel_loop3A_1016, %parallel_loop3A_1017 : vector<16xf32>
          %parallel_loop3A_1019 = arith.constant 9.99999996E-13 : f32
          %parallel_loop3A_1020 = vector.broadcast %parallel_loop3A_1019 : f32 to vector<16xf32>
          %parallel_loop3A_1021 = arith.maximumf %parallel_loop3A_1018, %parallel_loop3A_1020 : vector<16xf32>
          %parallel_loop3A_1022 = tpu.bitcast %parallel_loop3A_1021 : vector<16xf32> -> vector<16xi32>
          %parallel_loop3A_1023 = arith.constant 1 : i32
          %parallel_loop3A_1024 = vector.broadcast %parallel_loop3A_1023 : i32 to vector<16xi32>
          %parallel_loop3A_1025 = arith.shrui %parallel_loop3A_1022, %parallel_loop3A_1024 : vector<16xi32>
          %parallel_loop3A_1026 = arith.constant 1597463007 : i32
          %parallel_loop3A_1027 = vector.broadcast %parallel_loop3A_1026 : i32 to vector<16xi32>
          %parallel_loop3A_1028 = arith.subi %parallel_loop3A_1027, %parallel_loop3A_1025 : vector<16xi32>
          %parallel_loop3A_1029 = tpu.bitcast %parallel_loop3A_1028 : vector<16xi32> -> vector<16xf32>
          %parallel_loop3A_1030 = arith.constant 5.000000e-01 : f32
          %parallel_loop3A_1031 = vector.broadcast %parallel_loop3A_1030 : f32 to vector<16xf32>
          %parallel_loop3A_1032 = arith.mulf %parallel_loop3A_1031, %parallel_loop3A_1021 : vector<16xf32>
          %parallel_loop3A_1033 = arith.mulf %parallel_loop3A_1032, %parallel_loop3A_1029 : vector<16xf32>
          %parallel_loop3A_1034 = arith.mulf %parallel_loop3A_1033, %parallel_loop3A_1029 : vector<16xf32>
          %parallel_loop3A_1035 = arith.constant 1.500000e+00 : f32
          %parallel_loop3A_1036 = vector.broadcast %parallel_loop3A_1035 : f32 to vector<16xf32>
          %parallel_loop3A_1037 = arith.subf %parallel_loop3A_1036, %parallel_loop3A_1034 : vector<16xf32>
          %parallel_loop3A_1038 = arith.mulf %parallel_loop3A_1029, %parallel_loop3A_1037 : vector<16xf32>
          %parallel_loop3A_1039 = arith.constant 5.000000e-01 : f32
          %parallel_loop3A_1040 = vector.broadcast %parallel_loop3A_1039 : f32 to vector<16xf32>
          %parallel_loop3A_1041 = arith.mulf %parallel_loop3A_1040, %parallel_loop3A_1021 : vector<16xf32>
          %parallel_loop3A_1042 = arith.mulf %parallel_loop3A_1041, %parallel_loop3A_1038 : vector<16xf32>
          %parallel_loop3A_1043 = arith.mulf %parallel_loop3A_1042, %parallel_loop3A_1038 : vector<16xf32>
          %parallel_loop3A_1044 = arith.constant 1.500000e+00 : f32
          %parallel_loop3A_1045 = vector.broadcast %parallel_loop3A_1044 : f32 to vector<16xf32>
          %parallel_loop3A_1046 = arith.subf %parallel_loop3A_1045, %parallel_loop3A_1043 : vector<16xf32>
          %parallel_loop3A_1047 = arith.mulf %parallel_loop3A_1038, %parallel_loop3A_1046 : vector<16xf32>
          %parallel_loop3A_1048 = arith.mulf %parallel_loop3A_1021, %parallel_loop3A_1047 : vector<16xf32>
          %parallel_loop3A_1049 = arith.constant 4.000000e-01 : f32
          %parallel_loop3A_1050 = vector.broadcast %parallel_loop3A_1049 : f32 to vector<16xf32>
          %parallel_loop3A_1051 = arith.mulf %parallel_loop3A_1048, %parallel_loop3A_1050 : vector<16xf32>
          %parallel_loop3A_1052 = arith.constant 1.000000e+00 : f32
          %parallel_loop3A_1053 = vector.broadcast %parallel_loop3A_1052 : f32 to vector<16xf32>
          %parallel_loop3A_1054 = arith.subf %parallel_loop3A_1053, %parallel_loop3A_1051 : vector<16xf32>
          %parallel_loop3A_1055 = arith.constant 0.000000e+00 : f32
          %parallel_loop3A_1056 = vector.broadcast %parallel_loop3A_1055 : f32 to vector<16xf32>
          %parallel_loop3A_1057 = arith.maximumf %parallel_loop3A_1054, %parallel_loop3A_1056 : vector<16xf32>
          %parallel_loop3A_1058 = arith.index_cast %parallel_loop3A_973 : i32 to index
          %parallel_loop3A_1059 = arith.constant 0 : index
          %parallel_loop3A_1060 = tpu.vector_load %arg24[%parallel_loop3A_1058, %parallel_loop3A_1059] {strides = array<i32>} : memref<32x16xf32, #tpu.memory_space<vmem>>, vector<1x16xf32>,
          %parallel_loop3A_1061 = vector.shape_cast %parallel_loop3A_1060 : vector<1x16xf32> to vector<16xf32>
          %parallel_loop3A_1062 = vector.shape_cast %parallel_loop3A_1057 : vector<16xf32> to vector<1x16xf32>
          tpu.vector_store %arg24[%parallel_loop3A_1058, %parallel_loop3A_1059], %parallel_loop3A_1062 {strides = array<i32>} : memref<32x16xf32, #tpu.memory_space<vmem>>, vector<1x16xf32>,
          %parallel_loop3A_1063 = arith.addi %mul3A_263, %parallel_loop3A_976 : i32
          %parallel_loop3A_1064 = arith.index_cast %parallel_loop3A_1063 : i32 to index
          %parallel_loop3A_1065 = tpu.vector_load %arg19[%parallel_loop3A_1064] {strides = array<i32>} : memref<144xf32, #tpu.memory_space<vmem>>, vector<16xf32>,
          %parallel_loop3A_1066 = vector.shape_cast %parallel_loop3A_1065 : vector<16xf32> to vector<16xf32>
          %parallel_loop3A_1067 = arith.constant 0 : i32
          %parallel_loop3A_1068 = vector.broadcast %parallel_loop3A_1067 : i32 to vector<16xi32>
          %parallel_loop3A_1069 = arith.constant 0 : i32
          %parallel_loop3A_1070 = vector.broadcast %parallel_loop3A_1069 : i32 to vector<16xi32>
          %parallel_loop3A_1071 = arith.addi %parallel_loop3A_1068, %parallel_loop3A_1070 : vector<16xi32>
          %parallel_loop3A_1072 = vector.shape_cast %parallel_loop3A_1071 : vector<16xi32> to vector<16x1xi32>
          %parallel_loop3A_1073 = vector.shape_cast %parallel_loop3A_1072 : vector<16x1xi32> to vector<16xi32>
          %parallel_loop3A_1074 = tpu.dynamic_gather %parallel_loop3A_1066[%parallel_loop3A_1073] in [0] : vector<16xf32>, vector<16xi32> -> vector<16xf32>
          %parallel_loop3A_1075 = arith.subf %parallel_loop3A_1074, %add3A_243 : vector<16xf32>
          %parallel_loop3A_1076 = arith.index_cast %parallel_loop3A_1063 : i32 to index
          %parallel_loop3A_1077 = tpu.vector_load %arg20[%parallel_loop3A_1076] {strides = array<i32>} : memref<144xf32, #tpu.memory_space<vmem>>, vector<16xf32>,
          %parallel_loop3A_1078 = vector.shape_cast %parallel_loop3A_1077 : vector<16xf32> to vector<16xf32>
          %parallel_loop3A_1079 = arith.constant 0 : i32
          %parallel_loop3A_1080 = vector.broadcast %parallel_loop3A_1079 : i32 to vector<16xi32>
          %parallel_loop3A_1081 = arith.constant 0 : i32
          %parallel_loop3A_1082 = vector.broadcast %parallel_loop3A_1081 : i32 to vector<16xi32>
          %parallel_loop3A_1083 = arith.addi %parallel_loop3A_1080, %parallel_loop3A_1082 : vector<16xi32>
          %parallel_loop3A_1084 = vector.shape_cast %parallel_loop3A_1083 : vector<16xi32> to vector<16x1xi32>
          %parallel_loop3A_1085 = vector.shape_cast %parallel_loop3A_1084 : vector<16x1xi32> to vector<16xi32>
          %parallel_loop3A_1086 = tpu.dynamic_gather %parallel_loop3A_1078[%parallel_loop3A_1085] in [0] : vector<16xf32>, vector<16xi32> -> vector<16xf32>
          %parallel_loop3A_1087 = arith.subf %parallel_loop3A_1086, %add3A_252 : vector<16xf32>
          %parallel_loop3A_1088 = arith.index_cast %parallel_loop3A_1063 : i32 to index
          %parallel_loop3A_1089 = tpu.vector_load %arg21[%parallel_loop3A_1088] {strides = array<i32>} : memref<144xf32, #tpu.memory_space<vmem>>, vector<16xf32>,
          %parallel_loop3A_1090 = vector.shape_cast %parallel_loop3A_1089 : vector<16xf32> to vector<16xf32>
          %parallel_loop3A_1091 = arith.constant 0 : i32
          %parallel_loop3A_1092 = vector.broadcast %parallel_loop3A_1091 : i32 to vector<16xi32>
          %parallel_loop3A_1093 = arith.constant 0 : i32
          %parallel_loop3A_1094 = vector.broadcast %parallel_loop3A_1093 : i32 to vector<16xi32>
          %parallel_loop3A_1095 = arith.addi %parallel_loop3A_1092, %parallel_loop3A_1094 : vector<16xi32>
          %parallel_loop3A_1096 = vector.shape_cast %parallel_loop3A_1095 : vector<16xi32> to vector<16x1xi32>
          %parallel_loop3A_1097 = vector.shape_cast %parallel_loop3A_1096 : vector<16x1xi32> to vector<16xi32>
          %parallel_loop3A_1098 = tpu.dynamic_gather %parallel_loop3A_1090[%parallel_loop3A_1097] in [0] : vector<16xf32>, vector<16xi32> -> vector<16xf32>
          %parallel_loop3A_1099 = arith.subf %parallel_loop3A_1098, %add3A_261 : vector<16xf32>
          %parallel_loop3A_1100 = arith.mulf %parallel_loop3A_1075, %parallel_loop3A_1075 : vector<16xf32>
          %parallel_loop3A_1101 = arith.mulf %parallel_loop3A_1087, %parallel_loop3A_1087 : vector<16xf32>
          %parallel_loop3A_1102 = arith.addf %parallel_loop3A_1100, %parallel_loop3A_1101 : vector<16xf32>
          %parallel_loop3A_1103 = arith.mulf %parallel_loop3A_1099, %parallel_loop3A_1099 : vector<16xf32>
          %parallel_loop3A_1104 = arith.addf %parallel_loop3A_1102, %parallel_loop3A_1103 : vector<16xf32>
          %parallel_loop3A_1105 = arith.constant 9.99999996E-13 : f32
          %parallel_loop3A_1106 = vector.broadcast %parallel_loop3A_1105 : f32 to vector<16xf32>
          %parallel_loop3A_1107 = arith.maximumf %parallel_loop3A_1104, %parallel_loop3A_1106 : vector<16xf32>
          %parallel_loop3A_1108 = tpu.bitcast %parallel_loop3A_1107 : vector<16xf32> -> vector<16xi32>
          %parallel_loop3A_1109 = arith.constant 1 : i32
          %parallel_loop3A_1110 = vector.broadcast %parallel_loop3A_1109 : i32 to vector<16xi32>
          %parallel_loop3A_1111 = arith.shrui %parallel_loop3A_1108, %parallel_loop3A_1110 : vector<16xi32>
          %parallel_loop3A_1112 = arith.constant 1597463007 : i32
          %parallel_loop3A_1113 = vector.broadcast %parallel_loop3A_1112 : i32 to vector<16xi32>
          %parallel_loop3A_1114 = arith.subi %parallel_loop3A_1113, %parallel_loop3A_1111 : vector<16xi32>
          %parallel_loop3A_1115 = tpu.bitcast %parallel_loop3A_1114 : vector<16xi32> -> vector<16xf32>
          %parallel_loop3A_1116 = arith.constant 5.000000e-01 : f32
          %parallel_loop3A_1117 = vector.broadcast %parallel_loop3A_1116 : f32 to vector<16xf32>
          %parallel_loop3A_1118 = arith.mulf %parallel_loop3A_1117, %parallel_loop3A_1107 : vector<16xf32>
          %parallel_loop3A_1119 = arith.mulf %parallel_loop3A_1118, %parallel_loop3A_1115 : vector<16xf32>
          %parallel_loop3A_1120 = arith.mulf %parallel_loop3A_1119, %parallel_loop3A_1115 : vector<16xf32>
          %parallel_loop3A_1121 = arith.constant 1.500000e+00 : f32
          %parallel_loop3A_1122 = vector.broadcast %parallel_loop3A_1121 : f32 to vector<16xf32>
          %parallel_loop3A_1123 = arith.subf %parallel_loop3A_1122, %parallel_loop3A_1120 : vector<16xf32>
          %parallel_loop3A_1124 = arith.mulf %parallel_loop3A_1115, %parallel_loop3A_1123 : vector<16xf32>
          %parallel_loop3A_1125 = arith.constant 5.000000e-01 : f32
          %parallel_loop3A_1126 = vector.broadcast %parallel_loop3A_1125 : f32 to vector<16xf32>
          %parallel_loop3A_1127 = arith.mulf %parallel_loop3A_1126, %parallel_loop3A_1107 : vector<16xf32>
          %parallel_loop3A_1128 = arith.mulf %parallel_loop3A_1127, %parallel_loop3A_1124 : vector<16xf32>
          %parallel_loop3A_1129 = arith.mulf %parallel_loop3A_1128, %parallel_loop3A_1124 : vector<16xf32>
          %parallel_loop3A_1130 = arith.constant 1.500000e+00 : f32
          %parallel_loop3A_1131 = vector.broadcast %parallel_loop3A_1130 : f32 to vector<16xf32>
          %parallel_loop3A_1132 = arith.subf %parallel_loop3A_1131, %parallel_loop3A_1129 : vector<16xf32>
          %parallel_loop3A_1133 = arith.mulf %parallel_loop3A_1124, %parallel_loop3A_1132 : vector<16xf32>
          %parallel_loop3A_1134 = arith.mulf %parallel_loop3A_1107, %parallel_loop3A_1133 : vector<16xf32>
          %parallel_loop3A_1135 = arith.constant 4.000000e-01 : f32
          %parallel_loop3A_1136 = vector.broadcast %parallel_loop3A_1135 : f32 to vector<16xf32>
          %parallel_loop3A_1137 = arith.mulf %parallel_loop3A_1134, %parallel_loop3A_1136 : vector<16xf32>
          %parallel_loop3A_1138 = arith.constant 1.000000e+00 : f32
          %parallel_loop3A_1139 = vector.broadcast %parallel_loop3A_1138 : f32 to vector<16xf32>
          %parallel_loop3A_1140 = arith.subf %parallel_loop3A_1139, %parallel_loop3A_1137 : vector<16xf32>
          %parallel_loop3A_1141 = arith.constant 0.000000e+00 : f32
          %parallel_loop3A_1142 = vector.broadcast %parallel_loop3A_1141 : f32 to vector<16xf32>
          %parallel_loop3A_1143 = arith.maximumf %parallel_loop3A_1140, %parallel_loop3A_1142 : vector<16xf32>
          %parallel_loop3A_1144 = arith.index_cast %parallel_loop3A_976 : i32 to index
          %parallel_loop3A_1145 = arith.constant 0 : index
          %parallel_loop3A_1146 = tpu.vector_load %arg24[%parallel_loop3A_1144, %parallel_loop3A_1145] {strides = array<i32>} : memref<32x16xf32, #tpu.memory_space<vmem>>, vector<1x16xf32>,
          %parallel_loop3A_1147 = vector.shape_cast %parallel_loop3A_1146 : vector<1x16xf32> to vector<16xf32>
          %parallel_loop3A_1148 = vector.shape_cast %parallel_loop3A_1143 : vector<16xf32> to vector<1x16xf32>
          tpu.vector_store %arg24[%parallel_loop3A_1144, %parallel_loop3A_1145], %parallel_loop3A_1148 {strides = array<i32>} : memref<32x16xf32, #tpu.memory_space<vmem>>, vector<1x16xf32>,
          scf.yield %parallel_loop3A_974 : i32
        } {sc.loop_unroll_factor = 1 : i64, sc.parallel_access}
        %get3A_270 = arith.index_cast %mul3A_263 : i32 to index
        %get3A_271 = tpu.vector_load %arg23[%get3A_270] {strides = array<i32>} : memref<144xf32, #tpu.memory_space<vmem>>, vector<16xf32>,
        %get3A_272 = vector.shape_cast %get3A_271 : vector<16xf32> to vector<16xf32>
        %add3A_273 = arith.constant 16 : i32
        %add3A_274 = arith.addi %mul3A_263, %add3A_273 : i32
        %get3A_275 = arith.index_cast %add3A_274 : i32 to index
        %get3A_276 = tpu.vector_load %arg23[%get3A_275] {strides = array<i32>} : memref<144xf32, #tpu.memory_space<vmem>>, vector<16xf32>,
        %get3A_277 = vector.shape_cast %get3A_276 : vector<16xf32> to vector<16xf32>
        %add3A_278 = arith.addf %get3A_272, %get3A_277 : vector<16xf32>
        %iota3A = tpu.iota {dimensions = array<i32: 0>} : vector<16xi32>
        %add3A_279 = arith.constant 8 : i32
        %add3A_280 = vector.broadcast %add3A_279 : i32 to vector<16xi32>
        %add3A_281 = arith.addi %iota3A, %add3A_280 : vector<16xi32>
        %and3A = arith.constant 15 : i32
        %and3A_282 = vector.broadcast %and3A : i32 to vector<16xi32>
        %and3A_283 = arith.andi %add3A_281, %and3A_282 : vector<16xi32>
        %broadcast_in_dim3A_284 = vector.shape_cast %and3A_283 : vector<16xi32> to vector<16x1xi32>
        %gather3A_285 = vector.shape_cast %broadcast_in_dim3A_284 : vector<16x1xi32> to vector<16xi32>
        %gather3A_286 = tpu.dynamic_gather %add3A_278[%gather3A_285] in [0] : vector<16xf32>, vector<16xi32> -> vector<16xf32>
        %add3A_287 = arith.addf %add3A_278, %gather3A_286 : vector<16xf32>
        %iota3A_288 = tpu.iota {dimensions = array<i32: 0>} : vector<16xi32>
        %add3A_289 = arith.constant 4 : i32
        %add3A_290 = vector.broadcast %add3A_289 : i32 to vector<16xi32>
        %add3A_291 = arith.addi %iota3A_288, %add3A_290 : vector<16xi32>
        %and3A_292 = arith.constant 15 : i32
        %and3A_293 = vector.broadcast %and3A_292 : i32 to vector<16xi32>
        %and3A_294 = arith.andi %add3A_291, %and3A_293 : vector<16xi32>
        %broadcast_in_dim3A_295 = vector.shape_cast %and3A_294 : vector<16xi32> to vector<16x1xi32>
        %gather3A_296 = vector.shape_cast %broadcast_in_dim3A_295 : vector<16x1xi32> to vector<16xi32>
        %gather3A_297 = tpu.dynamic_gather %add3A_287[%gather3A_296] in [0] : vector<16xf32>, vector<16xi32> -> vector<16xf32>
        %add3A_298 = arith.addf %add3A_287, %gather3A_297 : vector<16xf32>
        %iota3A_299 = tpu.iota {dimensions = array<i32: 0>} : vector<16xi32>
        %add3A_300 = arith.constant 2 : i32
        %add3A_301 = vector.broadcast %add3A_300 : i32 to vector<16xi32>
        %add3A_302 = arith.addi %iota3A_299, %add3A_301 : vector<16xi32>
        %and3A_303 = arith.constant 15 : i32
        %and3A_304 = vector.broadcast %and3A_303 : i32 to vector<16xi32>
        %and3A_305 = arith.andi %add3A_302, %and3A_304 : vector<16xi32>
        %broadcast_in_dim3A_306 = vector.shape_cast %and3A_305 : vector<16xi32> to vector<16x1xi32>
        %gather3A_307 = vector.shape_cast %broadcast_in_dim3A_306 : vector<16x1xi32> to vector<16xi32>
        %gather3A_308 = tpu.dynamic_gather %add3A_298[%gather3A_307] in [0] : vector<16xf32>, vector<16xi32> -> vector<16xf32>
        %add3A_309 = arith.addf %add3A_298, %gather3A_308 : vector<16xf32>
        %iota3A_310 = tpu.iota {dimensions = array<i32: 0>} : vector<16xi32>
        %add3A_311 = arith.constant 1 : i32
        %add3A_312 = vector.broadcast %add3A_311 : i32 to vector<16xi32>
        %add3A_313 = arith.addi %iota3A_310, %add3A_312 : vector<16xi32>
        %and3A_314 = arith.constant 15 : i32
        %and3A_315 = vector.broadcast %and3A_314 : i32 to vector<16xi32>
        %and3A_316 = arith.andi %add3A_313, %and3A_315 : vector<16xi32>
        %broadcast_in_dim3A_317 = vector.shape_cast %and3A_316 : vector<16xi32> to vector<16x1xi32>
        %gather3A_318 = vector.shape_cast %broadcast_in_dim3A_317 : vector<16x1xi32> to vector<16xi32>
        %gather3A_319 = tpu.dynamic_gather %add3A_309[%gather3A_318] in [0] : vector<16xf32>, vector<16xi32> -> vector<16xf32>
        %add3A_320 = arith.addf %add3A_309, %gather3A_319 : vector<16xf32>
        %max3A = arith.constant 1.000000e+00 : f32
        %max3A_321 = vector.broadcast %max3A : f32 to vector<16xf32>
        %max3A_322 = arith.maximumf %add3A_320, %max3A_321 : vector<16xf32>
        %bitcast_convert_type3A = tpu.bitcast %max3A_322 : vector<16xf32> -> vector<16xi32>
        %shift_right_logical3A = arith.constant 1 : i32
        %shift_right_logical3A_323 = vector.broadcast %shift_right_logical3A : i32 to vector<16xi32>
        %shift_right_logical3A_324 = arith.shrui %bitcast_convert_type3A, %shift_right_logical3A_323 : vector<16xi32>
        %sub3A = arith.constant 1597463007 : i32
        %sub3A_325 = vector.broadcast %sub3A : i32 to vector<16xi32>
        %sub3A_326 = arith.subi %sub3A_325, %shift_right_logical3A_324 : vector<16xi32>
        %bitcast_convert_type3A_327 = tpu.bitcast %sub3A_326 : vector<16xi32> -> vector<16xf32>
        %mul3A_328 = arith.constant 5.000000e-01 : f32
        %mul3A_329 = vector.broadcast %mul3A_328 : f32 to vector<16xf32>
        %mul3A_330 = arith.mulf %mul3A_329, %max3A_322 : vector<16xf32>
        %mul3A_331 = arith.mulf %mul3A_330, %bitcast_convert_type3A_327 : vector<16xf32>
        %mul3A_332 = arith.mulf %mul3A_331, %bitcast_convert_type3A_327 : vector<16xf32>
        %sub3A_333 = arith.constant 1.500000e+00 : f32
        %sub3A_334 = vector.broadcast %sub3A_333 : f32 to vector<16xf32>
        %sub3A_335 = arith.subf %sub3A_334, %mul3A_332 : vector<16xf32>
        %mul3A_336 = arith.mulf %bitcast_convert_type3A_327, %sub3A_335 : vector<16xf32>
        %mul3A_337 = arith.constant 5.000000e-01 : f32
        %mul3A_338 = vector.broadcast %mul3A_337 : f32 to vector<16xf32>
        %mul3A_339 = arith.mulf %mul3A_338, %max3A_322 : vector<16xf32>
        %mul3A_340 = arith.mulf %mul3A_339, %mul3A_336 : vector<16xf32>
        %mul3A_341 = arith.mulf %mul3A_340, %mul3A_336 : vector<16xf32>
        %sub3A_342 = arith.constant 1.500000e+00 : f32
        %sub3A_343 = vector.broadcast %sub3A_342 : f32 to vector<16xf32>
        %sub3A_344 = arith.subf %sub3A_343, %mul3A_341 : vector<16xf32>
        %mul3A_345 = arith.mulf %mul3A_336, %sub3A_344 : vector<16xf32>
        %mul3A_346 = arith.constant 5.000000e-01 : f32
        %mul3A_347 = vector.broadcast %mul3A_346 : f32 to vector<16xf32>
        %mul3A_348 = arith.mulf %mul3A_347, %max3A_322 : vector<16xf32>
        %mul3A_349 = arith.mulf %mul3A_348, %mul3A_345 : vector<16xf32>
        %mul3A_350 = arith.mulf %mul3A_349, %mul3A_345 : vector<16xf32>
        %sub3A_351 = arith.constant 1.500000e+00 : f32
        %sub3A_352 = vector.broadcast %sub3A_351 : f32 to vector<16xf32>
        %sub3A_353 = arith.subf %sub3A_352, %mul3A_350 : vector<16xf32>
        %mul3A_354 = arith.mulf %mul3A_345, %sub3A_353 : vector<16xf32>
        %mul3A_355 = arith.mulf %mul3A_354, %mul3A_354 : vector<16xf32>
        %swap3A = arith.index_cast %scan3A_228 : i32 to index
        %swap3A_356 = arith.constant 1920 : index
        %swap3A_357 = tpu.vector_load %arg26[%swap3A, %swap3A_356] {strides = array<i32>} : memref<4x2048xf32, #tpu.memory_space<vmem>>, vector<1x16xf32>,
        %swap3A_358 = vector.shape_cast %swap3A_357 : vector<1x16xf32> to vector<16xf32>
        %swap3A_359 = vector.shape_cast %mul3A_355 : vector<16xf32> to vector<1x16xf32>
        tpu.vector_store %arg26[%swap3A, %swap3A_356], %swap3A_359 {strides = array<i32>} : memref<4x2048xf32, #tpu.memory_space<vmem>>, vector<1x16xf32>,
        %parallel_loop3A_360 = arith.constant 0 : i32
        %parallel_loop3A_361 = arith.constant 32 : i32
        %parallel_loop3A_362 = arith.constant 1 : i32
        %parallel_loop3A_363:40 = scf.for %parallel_loop3A_973 = %parallel_loop3A_360 to %parallel_loop3A_361 step %parallel_loop3A_362 iter_args(%parallel_loop3A_974 = %broadcast_in_dim3A_265, %parallel_loop3A_975 = %broadcast_in_dim3A_265, %parallel_loop3A_976 = %broadcast_in_dim3A_265, %parallel_loop3A_977 = %broadcast_in_dim3A_265, %parallel_loop3A_978 = %broadcast_in_dim3A_265, %parallel_loop3A_979 = %broadcast_in_dim3A_265, %parallel_loop3A_980 = %broadcast_in_dim3A_265, %parallel_loop3A_981 = %broadcast_in_dim3A_265, %parallel_loop3A_982 = %broadcast_in_dim3A_265, %parallel_loop3A_983 = %broadcast_in_dim3A_265, %parallel_loop3A_984 = %broadcast_in_dim3A_265, %parallel_loop3A_985 = %broadcast_in_dim3A_265, %parallel_loop3A_986 = %broadcast_in_dim3A_265, %parallel_loop3A_987 = %broadcast_in_dim3A_265, %parallel_loop3A_988 = %broadcast_in_dim3A_265, %parallel_loop3A_989 = %broadcast_in_dim3A_265, %parallel_loop3A_990 = %broadcast_in_dim3A_265, %parallel_loop3A_991 = %broadcast_in_dim3A_265, %parallel_loop3A_992 = %broadcast_in_dim3A_265, %parallel_loop3A_993 = %broadcast_in_dim3A_265, %parallel_loop3A_994 = %broadcast_in_dim3A_265, %parallel_loop3A_995 = %broadcast_in_dim3A_265, %parallel_loop3A_996 = %broadcast_in_dim3A_265, %parallel_loop3A_997 = %broadcast_in_dim3A_265, %parallel_loop3A_998 = %broadcast_in_dim3A_265, %parallel_loop3A_999 = %broadcast_in_dim3A_265, %parallel_loop3A_1000 = %broadcast_in_dim3A_265, %parallel_loop3A_1001 = %broadcast_in_dim3A_265, %parallel_loop3A_1002 = %broadcast_in_dim3A_265, %parallel_loop3A_1003 = %broadcast_in_dim3A_265, %parallel_loop3A_1004 = %broadcast_in_dim3A_265, %parallel_loop3A_1005 = %broadcast_in_dim3A_265, %parallel_loop3A_1006 = %broadcast_in_dim3A_265, %parallel_loop3A_1007 = %broadcast_in_dim3A_265, %parallel_loop3A_1008 = %broadcast_in_dim3A_265, %parallel_loop3A_1009 = %broadcast_in_dim3A_265, %parallel_loop3A_1010 = %broadcast_in_dim3A_265, %parallel_loop3A_1011 = %broadcast_in_dim3A_265, %parallel_loop3A_1012 = %broadcast_in_dim3A_265, %parallel_loop3A_1013 = %broadcast_in_dim3A_265) -> (vector<16xf32>, vector<16xf32>, vector<16xf32>, vector<16xf32>, vector<16xf32>, vector<16xf32>, vector<16xf32>, vector<16xf32>, vector<16xf32>, vector<16xf32>, vector<16xf32>, vector<16xf32>, vector<16xf32>, vector<16xf32>, vector<16xf32>, vector<16xf32>, vector<16xf32>, vector<16xf32>, vector<16xf32>, vector<16xf32>, vector<16xf32>, vector<16xf32>, vector<16xf32>, vector<16xf32>, vector<16xf32>, vector<16xf32>, vector<16xf32>, vector<16xf32>, vector<16xf32>, vector<16xf32>, vector<16xf32>, vector<16xf32>, vector<16xf32>, vector<16xf32>, vector<16xf32>, vector<16xf32>, vector<16xf32>, vector<16xf32>, vector<16xf32>, vector<16xf32>)  : i32 {
          %parallel_loop3A_1014 = arith.addi %mul3A_263, %parallel_loop3A_973 : i32
          %parallel_loop3A_1015 = arith.index_cast %parallel_loop3A_973 : i32 to index
          %parallel_loop3A_1016 = arith.constant 0 : index
          %parallel_loop3A_1017 = tpu.vector_load %arg24[%parallel_loop3A_1015, %parallel_loop3A_1016] {strides = array<i32>} : memref<32x16xf32, #tpu.memory_space<vmem>>, vector<1x16xf32>,
          %parallel_loop3A_1018 = vector.shape_cast %parallel_loop3A_1017 : vector<1x16xf32> to vector<16xf32>
          %parallel_loop3A_1019 = arith.constant 0 : i32
          %parallel_loop3A_1020 = vector.broadcast %parallel_loop3A_1019 : i32 to vector<16xi32>
          %parallel_loop3A_1021 = arith.constant 0 : i32
          %parallel_loop3A_1022 = vector.broadcast %parallel_loop3A_1021 : i32 to vector<16xi32>
          %parallel_loop3A_1023 = arith.addi %parallel_loop3A_1020, %parallel_loop3A_1022 : vector<16xi32>
          %parallel_loop3A_1024 = vector.shape_cast %parallel_loop3A_1023 : vector<16xi32> to vector<16x1xi32>
          %parallel_loop3A_1025 = vector.shape_cast %parallel_loop3A_1024 : vector<16x1xi32> to vector<16xi32>
          %parallel_loop3A_1026 = tpu.dynamic_gather %parallel_loop3A_1018[%parallel_loop3A_1025] in [0] : vector<16xf32>, vector<16xi32> -> vector<16xf32>
          %parallel_loop3A_1027 = arith.constant 0 : i32
          %parallel_loop3A_1028 = vector.broadcast %parallel_loop3A_1027 : i32 to vector<16xi32>
          %parallel_loop3A_1029 = arith.constant 1 : i32
          %parallel_loop3A_1030 = vector.broadcast %parallel_loop3A_1029 : i32 to vector<16xi32>
          %parallel_loop3A_1031 = arith.addi %parallel_loop3A_1028, %parallel_loop3A_1030 : vector<16xi32>
          %parallel_loop3A_1032 = vector.shape_cast %parallel_loop3A_1031 : vector<16xi32> to vector<16x1xi32>
          %parallel_loop3A_1033 = vector.shape_cast %parallel_loop3A_1032 : vector<16x1xi32> to vector<16xi32>
          %parallel_loop3A_1034 = tpu.dynamic_gather %parallel_loop3A_1018[%parallel_loop3A_1033] in [0] : vector<16xf32>, vector<16xi32> -> vector<16xf32>
          %parallel_loop3A_1035 = arith.constant 0 : i32
          %parallel_loop3A_1036 = vector.broadcast %parallel_loop3A_1035 : i32 to vector<16xi32>
          %parallel_loop3A_1037 = arith.constant 2 : i32
          %parallel_loop3A_1038 = vector.broadcast %parallel_loop3A_1037 : i32 to vector<16xi32>
          %parallel_loop3A_1039 = arith.addi %parallel_loop3A_1036, %parallel_loop3A_1038 : vector<16xi32>
          %parallel_loop3A_1040 = vector.shape_cast %parallel_loop3A_1039 : vector<16xi32> to vector<16x1xi32>
          %parallel_loop3A_1041 = vector.shape_cast %parallel_loop3A_1040 : vector<16x1xi32> to vector<16xi32>
          %parallel_loop3A_1042 = tpu.dynamic_gather %parallel_loop3A_1018[%parallel_loop3A_1041] in [0] : vector<16xf32>, vector<16xi32> -> vector<16xf32>
          %parallel_loop3A_1043 = arith.constant 0 : i32
          %parallel_loop3A_1044 = vector.broadcast %parallel_loop3A_1043 : i32 to vector<16xi32>
          %parallel_loop3A_1045 = arith.constant 3 : i32
          %parallel_loop3A_1046 = vector.broadcast %parallel_loop3A_1045 : i32 to vector<16xi32>
          %parallel_loop3A_1047 = arith.addi %parallel_loop3A_1044, %parallel_loop3A_1046 : vector<16xi32>
          %parallel_loop3A_1048 = vector.shape_cast %parallel_loop3A_1047 : vector<16xi32> to vector<16x1xi32>
          %parallel_loop3A_1049 = vector.shape_cast %parallel_loop3A_1048 : vector<16x1xi32> to vector<16xi32>
          %parallel_loop3A_1050 = tpu.dynamic_gather %parallel_loop3A_1018[%parallel_loop3A_1049] in [0] : vector<16xf32>, vector<16xi32> -> vector<16xf32>
          %parallel_loop3A_1051 = arith.constant 0 : i32
          %parallel_loop3A_1052 = vector.broadcast %parallel_loop3A_1051 : i32 to vector<16xi32>
          %parallel_loop3A_1053 = arith.constant 4 : i32
          %parallel_loop3A_1054 = vector.broadcast %parallel_loop3A_1053 : i32 to vector<16xi32>
          %parallel_loop3A_1055 = arith.addi %parallel_loop3A_1052, %parallel_loop3A_1054 : vector<16xi32>
          %parallel_loop3A_1056 = vector.shape_cast %parallel_loop3A_1055 : vector<16xi32> to vector<16x1xi32>
          %parallel_loop3A_1057 = vector.shape_cast %parallel_loop3A_1056 : vector<16x1xi32> to vector<16xi32>
          %parallel_loop3A_1058 = tpu.dynamic_gather %parallel_loop3A_1018[%parallel_loop3A_1057] in [0] : vector<16xf32>, vector<16xi32> -> vector<16xf32>
          %parallel_loop3A_1059 = arith.index_cast %parallel_loop3A_1014 : i32 to index
          %parallel_loop3A_1060 = arith.constant 0 : index
          %parallel_loop3A_1061 = tpu.vector_load %arg15[%parallel_loop3A_1059, %parallel_loop3A_1060] {strides = array<i32>} : memref<128x128xf32, #tpu.memory_space<vmem>>, vector<1x16xf32>,
          %parallel_loop3A_1062 = vector.shape_cast %parallel_loop3A_1061 : vector<1x16xf32> to vector<16xf32>
          %parallel_loop3A_1063 = arith.mulf %parallel_loop3A_1026, %parallel_loop3A_1062 : vector<16xf32>
          %parallel_loop3A_1064 = arith.addf %parallel_loop3A_974, %parallel_loop3A_1063 : vector<16xf32>
          %parallel_loop3A_1065 = arith.mulf %parallel_loop3A_1034, %parallel_loop3A_1062 : vector<16xf32>
          %parallel_loop3A_1066 = arith.addf %parallel_loop3A_975, %parallel_loop3A_1065 : vector<16xf32>
          %parallel_loop3A_1067 = arith.mulf %parallel_loop3A_1042, %parallel_loop3A_1062 : vector<16xf32>
          %parallel_loop3A_1068 = arith.addf %parallel_loop3A_976, %parallel_loop3A_1067 : vector<16xf32>
          %parallel_loop3A_1069 = arith.mulf %parallel_loop3A_1050, %parallel_loop3A_1062 : vector<16xf32>
          %parallel_loop3A_1070 = arith.addf %parallel_loop3A_977, %parallel_loop3A_1069 : vector<16xf32>
          %parallel_loop3A_1071 = arith.mulf %parallel_loop3A_1058, %parallel_loop3A_1062 : vector<16xf32>
          %parallel_loop3A_1072 = arith.addf %parallel_loop3A_978, %parallel_loop3A_1071 : vector<16xf32>
          %parallel_loop3A_1073 = arith.index_cast %parallel_loop3A_1014 : i32 to index
          %parallel_loop3A_1074 = arith.constant 16 : index
          %parallel_loop3A_1075 = tpu.vector_load %arg15[%parallel_loop3A_1073, %parallel_loop3A_1074] {strides = array<i32>} : memref<128x128xf32, #tpu.memory_space<vmem>>, vector<1x16xf32>,
          %parallel_loop3A_1076 = vector.shape_cast %parallel_loop3A_1075 : vector<1x16xf32> to vector<16xf32>
          %parallel_loop3A_1077 = arith.mulf %parallel_loop3A_1026, %parallel_loop3A_1076 : vector<16xf32>
          %parallel_loop3A_1078 = arith.addf %parallel_loop3A_979, %parallel_loop3A_1077 : vector<16xf32>
          %parallel_loop3A_1079 = arith.mulf %parallel_loop3A_1034, %parallel_loop3A_1076 : vector<16xf32>
          %parallel_loop3A_1080 = arith.addf %parallel_loop3A_980, %parallel_loop3A_1079 : vector<16xf32>
          %parallel_loop3A_1081 = arith.mulf %parallel_loop3A_1042, %parallel_loop3A_1076 : vector<16xf32>
          %parallel_loop3A_1082 = arith.addf %parallel_loop3A_981, %parallel_loop3A_1081 : vector<16xf32>
          %parallel_loop3A_1083 = arith.mulf %parallel_loop3A_1050, %parallel_loop3A_1076 : vector<16xf32>
          %parallel_loop3A_1084 = arith.addf %parallel_loop3A_982, %parallel_loop3A_1083 : vector<16xf32>
          %parallel_loop3A_1085 = arith.mulf %parallel_loop3A_1058, %parallel_loop3A_1076 : vector<16xf32>
          %parallel_loop3A_1086 = arith.addf %parallel_loop3A_983, %parallel_loop3A_1085 : vector<16xf32>
          %parallel_loop3A_1087 = arith.index_cast %parallel_loop3A_1014 : i32 to index
          %parallel_loop3A_1088 = arith.constant 32 : index
          %parallel_loop3A_1089 = tpu.vector_load %arg15[%parallel_loop3A_1087, %parallel_loop3A_1088] {strides = array<i32>} : memref<128x128xf32, #tpu.memory_space<vmem>>, vector<1x16xf32>,
          %parallel_loop3A_1090 = vector.shape_cast %parallel_loop3A_1089 : vector<1x16xf32> to vector<16xf32>
          %parallel_loop3A_1091 = arith.mulf %parallel_loop3A_1026, %parallel_loop3A_1090 : vector<16xf32>
          %parallel_loop3A_1092 = arith.addf %parallel_loop3A_984, %parallel_loop3A_1091 : vector<16xf32>
          %parallel_loop3A_1093 = arith.mulf %parallel_loop3A_1034, %parallel_loop3A_1090 : vector<16xf32>
          %parallel_loop3A_1094 = arith.addf %parallel_loop3A_985, %parallel_loop3A_1093 : vector<16xf32>
          %parallel_loop3A_1095 = arith.mulf %parallel_loop3A_1042, %parallel_loop3A_1090 : vector<16xf32>
          %parallel_loop3A_1096 = arith.addf %parallel_loop3A_986, %parallel_loop3A_1095 : vector<16xf32>
          %parallel_loop3A_1097 = arith.mulf %parallel_loop3A_1050, %parallel_loop3A_1090 : vector<16xf32>
          %parallel_loop3A_1098 = arith.addf %parallel_loop3A_987, %parallel_loop3A_1097 : vector<16xf32>
          %parallel_loop3A_1099 = arith.mulf %parallel_loop3A_1058, %parallel_loop3A_1090 : vector<16xf32>
          %parallel_loop3A_1100 = arith.addf %parallel_loop3A_988, %parallel_loop3A_1099 : vector<16xf32>
          %parallel_loop3A_1101 = arith.index_cast %parallel_loop3A_1014 : i32 to index
          %parallel_loop3A_1102 = arith.constant 48 : index
          %parallel_loop3A_1103 = tpu.vector_load %arg15[%parallel_loop3A_1101, %parallel_loop3A_1102] {strides = array<i32>} : memref<128x128xf32, #tpu.memory_space<vmem>>, vector<1x16xf32>,
          %parallel_loop3A_1104 = vector.shape_cast %parallel_loop3A_1103 : vector<1x16xf32> to vector<16xf32>
          %parallel_loop3A_1105 = arith.mulf %parallel_loop3A_1026, %parallel_loop3A_1104 : vector<16xf32>
          %parallel_loop3A_1106 = arith.addf %parallel_loop3A_989, %parallel_loop3A_1105 : vector<16xf32>
          %parallel_loop3A_1107 = arith.mulf %parallel_loop3A_1034, %parallel_loop3A_1104 : vector<16xf32>
          %parallel_loop3A_1108 = arith.addf %parallel_loop3A_990, %parallel_loop3A_1107 : vector<16xf32>
          %parallel_loop3A_1109 = arith.mulf %parallel_loop3A_1042, %parallel_loop3A_1104 : vector<16xf32>
          %parallel_loop3A_1110 = arith.addf %parallel_loop3A_991, %parallel_loop3A_1109 : vector<16xf32>
          %parallel_loop3A_1111 = arith.mulf %parallel_loop3A_1050, %parallel_loop3A_1104 : vector<16xf32>
          %parallel_loop3A_1112 = arith.addf %parallel_loop3A_992, %parallel_loop3A_1111 : vector<16xf32>
          %parallel_loop3A_1113 = arith.mulf %parallel_loop3A_1058, %parallel_loop3A_1104 : vector<16xf32>
          %parallel_loop3A_1114 = arith.addf %parallel_loop3A_993, %parallel_loop3A_1113 : vector<16xf32>
          %parallel_loop3A_1115 = arith.index_cast %parallel_loop3A_1014 : i32 to index
          %parallel_loop3A_1116 = arith.constant 64 : index
          %parallel_loop3A_1117 = tpu.vector_load %arg15[%parallel_loop3A_1115, %parallel_loop3A_1116] {strides = array<i32>} : memref<128x128xf32, #tpu.memory_space<vmem>>, vector<1x16xf32>,
          %parallel_loop3A_1118 = vector.shape_cast %parallel_loop3A_1117 : vector<1x16xf32> to vector<16xf32>
          %parallel_loop3A_1119 = arith.mulf %parallel_loop3A_1026, %parallel_loop3A_1118 : vector<16xf32>
          %parallel_loop3A_1120 = arith.addf %parallel_loop3A_994, %parallel_loop3A_1119 : vector<16xf32>
          %parallel_loop3A_1121 = arith.mulf %parallel_loop3A_1034, %parallel_loop3A_1118 : vector<16xf32>
          %parallel_loop3A_1122 = arith.addf %parallel_loop3A_995, %parallel_loop3A_1121 : vector<16xf32>
          %parallel_loop3A_1123 = arith.mulf %parallel_loop3A_1042, %parallel_loop3A_1118 : vector<16xf32>
          %parallel_loop3A_1124 = arith.addf %parallel_loop3A_996, %parallel_loop3A_1123 : vector<16xf32>
          %parallel_loop3A_1125 = arith.mulf %parallel_loop3A_1050, %parallel_loop3A_1118 : vector<16xf32>
          %parallel_loop3A_1126 = arith.addf %parallel_loop3A_997, %parallel_loop3A_1125 : vector<16xf32>
          %parallel_loop3A_1127 = arith.mulf %parallel_loop3A_1058, %parallel_loop3A_1118 : vector<16xf32>
          %parallel_loop3A_1128 = arith.addf %parallel_loop3A_998, %parallel_loop3A_1127 : vector<16xf32>
          %parallel_loop3A_1129 = arith.index_cast %parallel_loop3A_1014 : i32 to index
          %parallel_loop3A_1130 = arith.constant 80 : index
          %parallel_loop3A_1131 = tpu.vector_load %arg15[%parallel_loop3A_1129, %parallel_loop3A_1130] {strides = array<i32>} : memref<128x128xf32, #tpu.memory_space<vmem>>, vector<1x16xf32>,
          %parallel_loop3A_1132 = vector.shape_cast %parallel_loop3A_1131 : vector<1x16xf32> to vector<16xf32>
          %parallel_loop3A_1133 = arith.mulf %parallel_loop3A_1026, %parallel_loop3A_1132 : vector<16xf32>
          %parallel_loop3A_1134 = arith.addf %parallel_loop3A_999, %parallel_loop3A_1133 : vector<16xf32>
          %parallel_loop3A_1135 = arith.mulf %parallel_loop3A_1034, %parallel_loop3A_1132 : vector<16xf32>
          %parallel_loop3A_1136 = arith.addf %parallel_loop3A_1000, %parallel_loop3A_1135 : vector<16xf32>
          %parallel_loop3A_1137 = arith.mulf %parallel_loop3A_1042, %parallel_loop3A_1132 : vector<16xf32>
          %parallel_loop3A_1138 = arith.addf %parallel_loop3A_1001, %parallel_loop3A_1137 : vector<16xf32>
          %parallel_loop3A_1139 = arith.mulf %parallel_loop3A_1050, %parallel_loop3A_1132 : vector<16xf32>
          %parallel_loop3A_1140 = arith.addf %parallel_loop3A_1002, %parallel_loop3A_1139 : vector<16xf32>
          %parallel_loop3A_1141 = arith.mulf %parallel_loop3A_1058, %parallel_loop3A_1132 : vector<16xf32>
          %parallel_loop3A_1142 = arith.addf %parallel_loop3A_1003, %parallel_loop3A_1141 : vector<16xf32>
          %parallel_loop3A_1143 = arith.index_cast %parallel_loop3A_1014 : i32 to index
          %parallel_loop3A_1144 = arith.constant 96 : index
          %parallel_loop3A_1145 = tpu.vector_load %arg15[%parallel_loop3A_1143, %parallel_loop3A_1144] {strides = array<i32>} : memref<128x128xf32, #tpu.memory_space<vmem>>, vector<1x16xf32>,
          %parallel_loop3A_1146 = vector.shape_cast %parallel_loop3A_1145 : vector<1x16xf32> to vector<16xf32>
          %parallel_loop3A_1147 = arith.mulf %parallel_loop3A_1026, %parallel_loop3A_1146 : vector<16xf32>
          %parallel_loop3A_1148 = arith.addf %parallel_loop3A_1004, %parallel_loop3A_1147 : vector<16xf32>
          %parallel_loop3A_1149 = arith.mulf %parallel_loop3A_1034, %parallel_loop3A_1146 : vector<16xf32>
          %parallel_loop3A_1150 = arith.addf %parallel_loop3A_1005, %parallel_loop3A_1149 : vector<16xf32>
          %parallel_loop3A_1151 = arith.mulf %parallel_loop3A_1042, %parallel_loop3A_1146 : vector<16xf32>
          %parallel_loop3A_1152 = arith.addf %parallel_loop3A_1006, %parallel_loop3A_1151 : vector<16xf32>
          %parallel_loop3A_1153 = arith.mulf %parallel_loop3A_1050, %parallel_loop3A_1146 : vector<16xf32>
          %parallel_loop3A_1154 = arith.addf %parallel_loop3A_1007, %parallel_loop3A_1153 : vector<16xf32>
          %parallel_loop3A_1155 = arith.mulf %parallel_loop3A_1058, %parallel_loop3A_1146 : vector<16xf32>
          %parallel_loop3A_1156 = arith.addf %parallel_loop3A_1008, %parallel_loop3A_1155 : vector<16xf32>
          %parallel_loop3A_1157 = arith.index_cast %parallel_loop3A_1014 : i32 to index
          %parallel_loop3A_1158 = arith.constant 112 : index
          %parallel_loop3A_1159 = tpu.vector_load %arg15[%parallel_loop3A_1157, %parallel_loop3A_1158] {strides = array<i32>} : memref<128x128xf32, #tpu.memory_space<vmem>>, vector<1x16xf32>,
          %parallel_loop3A_1160 = vector.shape_cast %parallel_loop3A_1159 : vector<1x16xf32> to vector<16xf32>
          %parallel_loop3A_1161 = arith.mulf %parallel_loop3A_1026, %parallel_loop3A_1160 : vector<16xf32>
          %parallel_loop3A_1162 = arith.addf %parallel_loop3A_1009, %parallel_loop3A_1161 : vector<16xf32>
          %parallel_loop3A_1163 = arith.mulf %parallel_loop3A_1034, %parallel_loop3A_1160 : vector<16xf32>
          %parallel_loop3A_1164 = arith.addf %parallel_loop3A_1010, %parallel_loop3A_1163 : vector<16xf32>
          %parallel_loop3A_1165 = arith.mulf %parallel_loop3A_1042, %parallel_loop3A_1160 : vector<16xf32>
          %parallel_loop3A_1166 = arith.addf %parallel_loop3A_1011, %parallel_loop3A_1165 : vector<16xf32>
          %parallel_loop3A_1167 = arith.mulf %parallel_loop3A_1050, %parallel_loop3A_1160 : vector<16xf32>
          %parallel_loop3A_1168 = arith.addf %parallel_loop3A_1012, %parallel_loop3A_1167 : vector<16xf32>
          %parallel_loop3A_1169 = arith.mulf %parallel_loop3A_1058, %parallel_loop3A_1160 : vector<16xf32>
          %parallel_loop3A_1170 = arith.addf %parallel_loop3A_1013, %parallel_loop3A_1169 : vector<16xf32>
          scf.yield %parallel_loop3A_1064, %parallel_loop3A_1066, %parallel_loop3A_1068, %parallel_loop3A_1070, %parallel_loop3A_1072, %parallel_loop3A_1078, %parallel_loop3A_1080, %parallel_loop3A_1082, %parallel_loop3A_1084, %parallel_loop3A_1086, %parallel_loop3A_1092, %parallel_loop3A_1094, %parallel_loop3A_1096, %parallel_loop3A_1098, %parallel_loop3A_1100, %parallel_loop3A_1106, %parallel_loop3A_1108, %parallel_loop3A_1110, %parallel_loop3A_1112, %parallel_loop3A_1114, %parallel_loop3A_1120, %parallel_loop3A_1122, %parallel_loop3A_1124, %parallel_loop3A_1126, %parallel_loop3A_1128, %parallel_loop3A_1134, %parallel_loop3A_1136, %parallel_loop3A_1138, %parallel_loop3A_1140, %parallel_loop3A_1142, %parallel_loop3A_1148, %parallel_loop3A_1150, %parallel_loop3A_1152, %parallel_loop3A_1154, %parallel_loop3A_1156, %parallel_loop3A_1162, %parallel_loop3A_1164, %parallel_loop3A_1166, %parallel_loop3A_1168, %parallel_loop3A_1170 : vector<16xf32>, vector<16xf32>, vector<16xf32>, vector<16xf32>, vector<16xf32>, vector<16xf32>, vector<16xf32>, vector<16xf32>, vector<16xf32>, vector<16xf32>, vector<16xf32>, vector<16xf32>, vector<16xf32>, vector<16xf32>, vector<16xf32>, vector<16xf32>, vector<16xf32>, vector<16xf32>, vector<16xf32>, vector<16xf32>, vector<16xf32>, vector<16xf32>, vector<16xf32>, vector<16xf32>, vector<16xf32>, vector<16xf32>, vector<16xf32>, vector<16xf32>, vector<16xf32>, vector<16xf32>, vector<16xf32>, vector<16xf32>, vector<16xf32>, vector<16xf32>, vector<16xf32>, vector<16xf32>, vector<16xf32>, vector<16xf32>, vector<16xf32>, vector<16xf32>
        } {sc.loop_unroll_factor = 1 : i64, sc.parallel_access}
        %swap3A_364 = arith.index_cast %scan3A_228 : i32 to index
        %swap3A_365 = arith.constant 0 : index
        %swap3A_366 = tpu.vector_load %arg26[%swap3A_364, %swap3A_365] {strides = array<i32>} : memref<4x2048xf32, #tpu.memory_space<vmem>>, vector<1x16xf32>,
        %swap3A_367 = vector.shape_cast %swap3A_366 : vector<1x16xf32> to vector<16xf32>
        %swap3A_368 = vector.shape_cast %parallel_loop3A_363#0 : vector<16xf32> to vector<1x16xf32>
        tpu.vector_store %arg26[%swap3A_364, %swap3A_365], %swap3A_368 {strides = array<i32>} : memref<4x2048xf32, #tpu.memory_space<vmem>>, vector<1x16xf32>,
        %swap3A_369 = arith.index_cast %scan3A_228 : i32 to index
        %swap3A_370 = arith.constant 128 : index
        %swap3A_371 = tpu.vector_load %arg26[%swap3A_369, %swap3A_370] {strides = array<i32>} : memref<4x2048xf32, #tpu.memory_space<vmem>>, vector<1x16xf32>,
        %swap3A_372 = vector.shape_cast %swap3A_371 : vector<1x16xf32> to vector<16xf32>
        %swap3A_373 = vector.shape_cast %parallel_loop3A_363#1 : vector<16xf32> to vector<1x16xf32>
        tpu.vector_store %arg26[%swap3A_369, %swap3A_370], %swap3A_373 {strides = array<i32>} : memref<4x2048xf32, #tpu.memory_space<vmem>>, vector<1x16xf32>,
        %swap3A_374 = arith.index_cast %scan3A_228 : i32 to index
        %swap3A_375 = arith.constant 256 : index
        %swap3A_376 = tpu.vector_load %arg26[%swap3A_374, %swap3A_375] {strides = array<i32>} : memref<4x2048xf32, #tpu.memory_space<vmem>>, vector<1x16xf32>,
        %swap3A_377 = vector.shape_cast %swap3A_376 : vector<1x16xf32> to vector<16xf32>
        %swap3A_378 = vector.shape_cast %parallel_loop3A_363#2 : vector<16xf32> to vector<1x16xf32>
        tpu.vector_store %arg26[%swap3A_374, %swap3A_375], %swap3A_378 {strides = array<i32>} : memref<4x2048xf32, #tpu.memory_space<vmem>>, vector<1x16xf32>,
        %swap3A_379 = arith.index_cast %scan3A_228 : i32 to index
        %swap3A_380 = arith.constant 384 : index
        %swap3A_381 = tpu.vector_load %arg26[%swap3A_379, %swap3A_380] {strides = array<i32>} : memref<4x2048xf32, #tpu.memory_space<vmem>>, vector<1x16xf32>,
        %swap3A_382 = vector.shape_cast %swap3A_381 : vector<1x16xf32> to vector<16xf32>
        %swap3A_383 = vector.shape_cast %parallel_loop3A_363#3 : vector<16xf32> to vector<1x16xf32>
        tpu.vector_store %arg26[%swap3A_379, %swap3A_380], %swap3A_383 {strides = array<i32>} : memref<4x2048xf32, #tpu.memory_space<vmem>>, vector<1x16xf32>,
        %swap3A_384 = arith.index_cast %scan3A_228 : i32 to index
        %swap3A_385 = arith.constant 512 : index
        %swap3A_386 = tpu.vector_load %arg26[%swap3A_384, %swap3A_385] {strides = array<i32>} : memref<4x2048xf32, #tpu.memory_space<vmem>>, vector<1x16xf32>,
        %swap3A_387 = vector.shape_cast %swap3A_386 : vector<1x16xf32> to vector<16xf32>
        %swap3A_388 = vector.shape_cast %parallel_loop3A_363#4 : vector<16xf32> to vector<1x16xf32>
        tpu.vector_store %arg26[%swap3A_384, %swap3A_385], %swap3A_388 {strides = array<i32>} : memref<4x2048xf32, #tpu.memory_space<vmem>>, vector<1x16xf32>,
        %swap3A_389 = arith.index_cast %scan3A_228 : i32 to index
        %swap3A_390 = arith.constant 16 : index
        %swap3A_391 = tpu.vector_load %arg26[%swap3A_389, %swap3A_390] {strides = array<i32>} : memref<4x2048xf32, #tpu.memory_space<vmem>>, vector<1x16xf32>,
        %swap3A_392 = vector.shape_cast %swap3A_391 : vector<1x16xf32> to vector<16xf32>
        %swap3A_393 = vector.shape_cast %parallel_loop3A_363#5 : vector<16xf32> to vector<1x16xf32>
        tpu.vector_store %arg26[%swap3A_389, %swap3A_390], %swap3A_393 {strides = array<i32>} : memref<4x2048xf32, #tpu.memory_space<vmem>>, vector<1x16xf32>,
        %swap3A_394 = arith.index_cast %scan3A_228 : i32 to index
        %swap3A_395 = arith.constant 144 : index
        %swap3A_396 = tpu.vector_load %arg26[%swap3A_394, %swap3A_395] {strides = array<i32>} : memref<4x2048xf32, #tpu.memory_space<vmem>>, vector<1x16xf32>,
        %swap3A_397 = vector.shape_cast %swap3A_396 : vector<1x16xf32> to vector<16xf32>
        %swap3A_398 = vector.shape_cast %parallel_loop3A_363#6 : vector<16xf32> to vector<1x16xf32>
        tpu.vector_store %arg26[%swap3A_394, %swap3A_395], %swap3A_398 {strides = array<i32>} : memref<4x2048xf32, #tpu.memory_space<vmem>>, vector<1x16xf32>,
        %swap3A_399 = arith.index_cast %scan3A_228 : i32 to index
        %swap3A_400 = arith.constant 272 : index
        %swap3A_401 = tpu.vector_load %arg26[%swap3A_399, %swap3A_400] {strides = array<i32>} : memref<4x2048xf32, #tpu.memory_space<vmem>>, vector<1x16xf32>,
        %swap3A_402 = vector.shape_cast %swap3A_401 : vector<1x16xf32> to vector<16xf32>
        %swap3A_403 = vector.shape_cast %parallel_loop3A_363#7 : vector<16xf32> to vector<1x16xf32>
        tpu.vector_store %arg26[%swap3A_399, %swap3A_400], %swap3A_403 {strides = array<i32>} : memref<4x2048xf32, #tpu.memory_space<vmem>>, vector<1x16xf32>,
        %swap3A_404 = arith.index_cast %scan3A_228 : i32 to index
        %swap3A_405 = arith.constant 400 : index
        %swap3A_406 = tpu.vector_load %arg26[%swap3A_404, %swap3A_405] {strides = array<i32>} : memref<4x2048xf32, #tpu.memory_space<vmem>>, vector<1x16xf32>,
        %swap3A_407 = vector.shape_cast %swap3A_406 : vector<1x16xf32> to vector<16xf32>
        %swap3A_408 = vector.shape_cast %parallel_loop3A_363#8 : vector<16xf32> to vector<1x16xf32>
        tpu.vector_store %arg26[%swap3A_404, %swap3A_405], %swap3A_408 {strides = array<i32>} : memref<4x2048xf32, #tpu.memory_space<vmem>>, vector<1x16xf32>,
        %swap3A_409 = arith.index_cast %scan3A_228 : i32 to index
        %swap3A_410 = arith.constant 528 : index
        %swap3A_411 = tpu.vector_load %arg26[%swap3A_409, %swap3A_410] {strides = array<i32>} : memref<4x2048xf32, #tpu.memory_space<vmem>>, vector<1x16xf32>,
        %swap3A_412 = vector.shape_cast %swap3A_411 : vector<1x16xf32> to vector<16xf32>
        %swap3A_413 = vector.shape_cast %parallel_loop3A_363#9 : vector<16xf32> to vector<1x16xf32>
        tpu.vector_store %arg26[%swap3A_409, %swap3A_410], %swap3A_413 {strides = array<i32>} : memref<4x2048xf32, #tpu.memory_space<vmem>>, vector<1x16xf32>,
        %swap3A_414 = arith.index_cast %scan3A_228 : i32 to index
        %swap3A_415 = arith.constant 32 : index
        %swap3A_416 = tpu.vector_load %arg26[%swap3A_414, %swap3A_415] {strides = array<i32>} : memref<4x2048xf32, #tpu.memory_space<vmem>>, vector<1x16xf32>,
        %swap3A_417 = vector.shape_cast %swap3A_416 : vector<1x16xf32> to vector<16xf32>
        %swap3A_418 = vector.shape_cast %parallel_loop3A_363#10 : vector<16xf32> to vector<1x16xf32>
        tpu.vector_store %arg26[%swap3A_414, %swap3A_415], %swap3A_418 {strides = array<i32>} : memref<4x2048xf32, #tpu.memory_space<vmem>>, vector<1x16xf32>,
        %swap3A_419 = arith.index_cast %scan3A_228 : i32 to index
        %swap3A_420 = arith.constant 160 : index
        %swap3A_421 = tpu.vector_load %arg26[%swap3A_419, %swap3A_420] {strides = array<i32>} : memref<4x2048xf32, #tpu.memory_space<vmem>>, vector<1x16xf32>,
        %swap3A_422 = vector.shape_cast %swap3A_421 : vector<1x16xf32> to vector<16xf32>
        %swap3A_423 = vector.shape_cast %parallel_loop3A_363#11 : vector<16xf32> to vector<1x16xf32>
        tpu.vector_store %arg26[%swap3A_419, %swap3A_420], %swap3A_423 {strides = array<i32>} : memref<4x2048xf32, #tpu.memory_space<vmem>>, vector<1x16xf32>,
        %swap3A_424 = arith.index_cast %scan3A_228 : i32 to index
        %swap3A_425 = arith.constant 288 : index
        %swap3A_426 = tpu.vector_load %arg26[%swap3A_424, %swap3A_425] {strides = array<i32>} : memref<4x2048xf32, #tpu.memory_space<vmem>>, vector<1x16xf32>,
        %swap3A_427 = vector.shape_cast %swap3A_426 : vector<1x16xf32> to vector<16xf32>
        %swap3A_428 = vector.shape_cast %parallel_loop3A_363#12 : vector<16xf32> to vector<1x16xf32>
        tpu.vector_store %arg26[%swap3A_424, %swap3A_425], %swap3A_428 {strides = array<i32>} : memref<4x2048xf32, #tpu.memory_space<vmem>>, vector<1x16xf32>,
        %swap3A_429 = arith.index_cast %scan3A_228 : i32 to index
        %swap3A_430 = arith.constant 416 : index
        %swap3A_431 = tpu.vector_load %arg26[%swap3A_429, %swap3A_430] {strides = array<i32>} : memref<4x2048xf32, #tpu.memory_space<vmem>>, vector<1x16xf32>,
        %swap3A_432 = vector.shape_cast %swap3A_431 : vector<1x16xf32> to vector<16xf32>
        %swap3A_433 = vector.shape_cast %parallel_loop3A_363#13 : vector<16xf32> to vector<1x16xf32>
        tpu.vector_store %arg26[%swap3A_429, %swap3A_430], %swap3A_433 {strides = array<i32>} : memref<4x2048xf32, #tpu.memory_space<vmem>>, vector<1x16xf32>,
        %swap3A_434 = arith.index_cast %scan3A_228 : i32 to index
        %swap3A_435 = arith.constant 544 : index
        %swap3A_436 = tpu.vector_load %arg26[%swap3A_434, %swap3A_435] {strides = array<i32>} : memref<4x2048xf32, #tpu.memory_space<vmem>>, vector<1x16xf32>,
        %swap3A_437 = vector.shape_cast %swap3A_436 : vector<1x16xf32> to vector<16xf32>
        %swap3A_438 = vector.shape_cast %parallel_loop3A_363#14 : vector<16xf32> to vector<1x16xf32>
        tpu.vector_store %arg26[%swap3A_434, %swap3A_435], %swap3A_438 {strides = array<i32>} : memref<4x2048xf32, #tpu.memory_space<vmem>>, vector<1x16xf32>,
        %swap3A_439 = arith.index_cast %scan3A_228 : i32 to index
        %swap3A_440 = arith.constant 48 : index
        %swap3A_441 = tpu.vector_load %arg26[%swap3A_439, %swap3A_440] {strides = array<i32>} : memref<4x2048xf32, #tpu.memory_space<vmem>>, vector<1x16xf32>,
        %swap3A_442 = vector.shape_cast %swap3A_441 : vector<1x16xf32> to vector<16xf32>
        %swap3A_443 = vector.shape_cast %parallel_loop3A_363#15 : vector<16xf32> to vector<1x16xf32>
        tpu.vector_store %arg26[%swap3A_439, %swap3A_440], %swap3A_443 {strides = array<i32>} : memref<4x2048xf32, #tpu.memory_space<vmem>>, vector<1x16xf32>,
        %swap3A_444 = arith.index_cast %scan3A_228 : i32 to index
        %swap3A_445 = arith.constant 176 : index
        %swap3A_446 = tpu.vector_load %arg26[%swap3A_444, %swap3A_445] {strides = array<i32>} : memref<4x2048xf32, #tpu.memory_space<vmem>>, vector<1x16xf32>,
        %swap3A_447 = vector.shape_cast %swap3A_446 : vector<1x16xf32> to vector<16xf32>
        %swap3A_448 = vector.shape_cast %parallel_loop3A_363#16 : vector<16xf32> to vector<1x16xf32>
        tpu.vector_store %arg26[%swap3A_444, %swap3A_445], %swap3A_448 {strides = array<i32>} : memref<4x2048xf32, #tpu.memory_space<vmem>>, vector<1x16xf32>,
        %swap3A_449 = arith.index_cast %scan3A_228 : i32 to index
        %swap3A_450 = arith.constant 304 : index
        %swap3A_451 = tpu.vector_load %arg26[%swap3A_449, %swap3A_450] {strides = array<i32>} : memref<4x2048xf32, #tpu.memory_space<vmem>>, vector<1x16xf32>,
        %swap3A_452 = vector.shape_cast %swap3A_451 : vector<1x16xf32> to vector<16xf32>
        %swap3A_453 = vector.shape_cast %parallel_loop3A_363#17 : vector<16xf32> to vector<1x16xf32>
        tpu.vector_store %arg26[%swap3A_449, %swap3A_450], %swap3A_453 {strides = array<i32>} : memref<4x2048xf32, #tpu.memory_space<vmem>>, vector<1x16xf32>,
        %swap3A_454 = arith.index_cast %scan3A_228 : i32 to index
        %swap3A_455 = arith.constant 432 : index
        %swap3A_456 = tpu.vector_load %arg26[%swap3A_454, %swap3A_455] {strides = array<i32>} : memref<4x2048xf32, #tpu.memory_space<vmem>>, vector<1x16xf32>,
        %swap3A_457 = vector.shape_cast %swap3A_456 : vector<1x16xf32> to vector<16xf32>
        %swap3A_458 = vector.shape_cast %parallel_loop3A_363#18 : vector<16xf32> to vector<1x16xf32>
        tpu.vector_store %arg26[%swap3A_454, %swap3A_455], %swap3A_458 {strides = array<i32>} : memref<4x2048xf32, #tpu.memory_space<vmem>>, vector<1x16xf32>,
        %swap3A_459 = arith.index_cast %scan3A_228 : i32 to index
        %swap3A_460 = arith.constant 560 : index
        %swap3A_461 = tpu.vector_load %arg26[%swap3A_459, %swap3A_460] {strides = array<i32>} : memref<4x2048xf32, #tpu.memory_space<vmem>>, vector<1x16xf32>,
        %swap3A_462 = vector.shape_cast %swap3A_461 : vector<1x16xf32> to vector<16xf32>
        %swap3A_463 = vector.shape_cast %parallel_loop3A_363#19 : vector<16xf32> to vector<1x16xf32>
        tpu.vector_store %arg26[%swap3A_459, %swap3A_460], %swap3A_463 {strides = array<i32>} : memref<4x2048xf32, #tpu.memory_space<vmem>>, vector<1x16xf32>,
        %swap3A_464 = arith.index_cast %scan3A_228 : i32 to index
        %swap3A_465 = arith.constant 64 : index
        %swap3A_466 = tpu.vector_load %arg26[%swap3A_464, %swap3A_465] {strides = array<i32>} : memref<4x2048xf32, #tpu.memory_space<vmem>>, vector<1x16xf32>,
        %swap3A_467 = vector.shape_cast %swap3A_466 : vector<1x16xf32> to vector<16xf32>
        %swap3A_468 = vector.shape_cast %parallel_loop3A_363#20 : vector<16xf32> to vector<1x16xf32>
        tpu.vector_store %arg26[%swap3A_464, %swap3A_465], %swap3A_468 {strides = array<i32>} : memref<4x2048xf32, #tpu.memory_space<vmem>>, vector<1x16xf32>,
        %swap3A_469 = arith.index_cast %scan3A_228 : i32 to index
        %swap3A_470 = arith.constant 192 : index
        %swap3A_471 = tpu.vector_load %arg26[%swap3A_469, %swap3A_470] {strides = array<i32>} : memref<4x2048xf32, #tpu.memory_space<vmem>>, vector<1x16xf32>,
        %swap3A_472 = vector.shape_cast %swap3A_471 : vector<1x16xf32> to vector<16xf32>
        %swap3A_473 = vector.shape_cast %parallel_loop3A_363#21 : vector<16xf32> to vector<1x16xf32>
        tpu.vector_store %arg26[%swap3A_469, %swap3A_470], %swap3A_473 {strides = array<i32>} : memref<4x2048xf32, #tpu.memory_space<vmem>>, vector<1x16xf32>,
        %swap3A_474 = arith.index_cast %scan3A_228 : i32 to index
        %swap3A_475 = arith.constant 320 : index
        %swap3A_476 = tpu.vector_load %arg26[%swap3A_474, %swap3A_475] {strides = array<i32>} : memref<4x2048xf32, #tpu.memory_space<vmem>>, vector<1x16xf32>,
        %swap3A_477 = vector.shape_cast %swap3A_476 : vector<1x16xf32> to vector<16xf32>
        %swap3A_478 = vector.shape_cast %parallel_loop3A_363#22 : vector<16xf32> to vector<1x16xf32>
        tpu.vector_store %arg26[%swap3A_474, %swap3A_475], %swap3A_478 {strides = array<i32>} : memref<4x2048xf32, #tpu.memory_space<vmem>>, vector<1x16xf32>,
        %swap3A_479 = arith.index_cast %scan3A_228 : i32 to index
        %swap3A_480 = arith.constant 448 : index
        %swap3A_481 = tpu.vector_load %arg26[%swap3A_479, %swap3A_480] {strides = array<i32>} : memref<4x2048xf32, #tpu.memory_space<vmem>>, vector<1x16xf32>,
        %swap3A_482 = vector.shape_cast %swap3A_481 : vector<1x16xf32> to vector<16xf32>
        %swap3A_483 = vector.shape_cast %parallel_loop3A_363#23 : vector<16xf32> to vector<1x16xf32>
        tpu.vector_store %arg26[%swap3A_479, %swap3A_480], %swap3A_483 {strides = array<i32>} : memref<4x2048xf32, #tpu.memory_space<vmem>>, vector<1x16xf32>,
        %swap3A_484 = arith.index_cast %scan3A_228 : i32 to index
        %swap3A_485 = arith.constant 576 : index
        %swap3A_486 = tpu.vector_load %arg26[%swap3A_484, %swap3A_485] {strides = array<i32>} : memref<4x2048xf32, #tpu.memory_space<vmem>>, vector<1x16xf32>,
        %swap3A_487 = vector.shape_cast %swap3A_486 : vector<1x16xf32> to vector<16xf32>
        %swap3A_488 = vector.shape_cast %parallel_loop3A_363#24 : vector<16xf32> to vector<1x16xf32>
        tpu.vector_store %arg26[%swap3A_484, %swap3A_485], %swap3A_488 {strides = array<i32>} : memref<4x2048xf32, #tpu.memory_space<vmem>>, vector<1x16xf32>,
        %swap3A_489 = arith.index_cast %scan3A_228 : i32 to index
        %swap3A_490 = arith.constant 80 : index
        %swap3A_491 = tpu.vector_load %arg26[%swap3A_489, %swap3A_490] {strides = array<i32>} : memref<4x2048xf32, #tpu.memory_space<vmem>>, vector<1x16xf32>,
        %swap3A_492 = vector.shape_cast %swap3A_491 : vector<1x16xf32> to vector<16xf32>
        %swap3A_493 = vector.shape_cast %parallel_loop3A_363#25 : vector<16xf32> to vector<1x16xf32>
        tpu.vector_store %arg26[%swap3A_489, %swap3A_490], %swap3A_493 {strides = array<i32>} : memref<4x2048xf32, #tpu.memory_space<vmem>>, vector<1x16xf32>,
        %swap3A_494 = arith.index_cast %scan3A_228 : i32 to index
        %swap3A_495 = arith.constant 208 : index
        %swap3A_496 = tpu.vector_load %arg26[%swap3A_494, %swap3A_495] {strides = array<i32>} : memref<4x2048xf32, #tpu.memory_space<vmem>>, vector<1x16xf32>,
        %swap3A_497 = vector.shape_cast %swap3A_496 : vector<1x16xf32> to vector<16xf32>
        %swap3A_498 = vector.shape_cast %parallel_loop3A_363#26 : vector<16xf32> to vector<1x16xf32>
        tpu.vector_store %arg26[%swap3A_494, %swap3A_495], %swap3A_498 {strides = array<i32>} : memref<4x2048xf32, #tpu.memory_space<vmem>>, vector<1x16xf32>,
        %swap3A_499 = arith.index_cast %scan3A_228 : i32 to index
        %swap3A_500 = arith.constant 336 : index
        %swap3A_501 = tpu.vector_load %arg26[%swap3A_499, %swap3A_500] {strides = array<i32>} : memref<4x2048xf32, #tpu.memory_space<vmem>>, vector<1x16xf32>,
        %swap3A_502 = vector.shape_cast %swap3A_501 : vector<1x16xf32> to vector<16xf32>
        %swap3A_503 = vector.shape_cast %parallel_loop3A_363#27 : vector<16xf32> to vector<1x16xf32>
        tpu.vector_store %arg26[%swap3A_499, %swap3A_500], %swap3A_503 {strides = array<i32>} : memref<4x2048xf32, #tpu.memory_space<vmem>>, vector<1x16xf32>,
        %swap3A_504 = arith.index_cast %scan3A_228 : i32 to index
        %swap3A_505 = arith.constant 464 : index
        %swap3A_506 = tpu.vector_load %arg26[%swap3A_504, %swap3A_505] {strides = array<i32>} : memref<4x2048xf32, #tpu.memory_space<vmem>>, vector<1x16xf32>,
        %swap3A_507 = vector.shape_cast %swap3A_506 : vector<1x16xf32> to vector<16xf32>
        %swap3A_508 = vector.shape_cast %parallel_loop3A_363#28 : vector<16xf32> to vector<1x16xf32>
        tpu.vector_store %arg26[%swap3A_504, %swap3A_505], %swap3A_508 {strides = array<i32>} : memref<4x2048xf32, #tpu.memory_space<vmem>>, vector<1x16xf32>,
        %swap3A_509 = arith.index_cast %scan3A_228 : i32 to index
        %swap3A_510 = arith.constant 592 : index
        %swap3A_511 = tpu.vector_load %arg26[%swap3A_509, %swap3A_510] {strides = array<i32>} : memref<4x2048xf32, #tpu.memory_space<vmem>>, vector<1x16xf32>,
        %swap3A_512 = vector.shape_cast %swap3A_511 : vector<1x16xf32> to vector<16xf32>
        %swap3A_513 = vector.shape_cast %parallel_loop3A_363#29 : vector<16xf32> to vector<1x16xf32>
        tpu.vector_store %arg26[%swap3A_509, %swap3A_510], %swap3A_513 {strides = array<i32>} : memref<4x2048xf32, #tpu.memory_space<vmem>>, vector<1x16xf32>,
        %swap3A_514 = arith.index_cast %scan3A_228 : i32 to index
        %swap3A_515 = arith.constant 96 : index
        %swap3A_516 = tpu.vector_load %arg26[%swap3A_514, %swap3A_515] {strides = array<i32>} : memref<4x2048xf32, #tpu.memory_space<vmem>>, vector<1x16xf32>,
        %swap3A_517 = vector.shape_cast %swap3A_516 : vector<1x16xf32> to vector<16xf32>
        %swap3A_518 = vector.shape_cast %parallel_loop3A_363#30 : vector<16xf32> to vector<1x16xf32>
        tpu.vector_store %arg26[%swap3A_514, %swap3A_515], %swap3A_518 {strides = array<i32>} : memref<4x2048xf32, #tpu.memory_space<vmem>>, vector<1x16xf32>,
        %swap3A_519 = arith.index_cast %scan3A_228 : i32 to index
        %swap3A_520 = arith.constant 224 : index
        %swap3A_521 = tpu.vector_load %arg26[%swap3A_519, %swap3A_520] {strides = array<i32>} : memref<4x2048xf32, #tpu.memory_space<vmem>>, vector<1x16xf32>,
        %swap3A_522 = vector.shape_cast %swap3A_521 : vector<1x16xf32> to vector<16xf32>
        %swap3A_523 = vector.shape_cast %parallel_loop3A_363#31 : vector<16xf32> to vector<1x16xf32>
        tpu.vector_store %arg26[%swap3A_519, %swap3A_520], %swap3A_523 {strides = array<i32>} : memref<4x2048xf32, #tpu.memory_space<vmem>>, vector<1x16xf32>,
        %swap3A_524 = arith.index_cast %scan3A_228 : i32 to index
        %swap3A_525 = arith.constant 352 : index
        %swap3A_526 = tpu.vector_load %arg26[%swap3A_524, %swap3A_525] {strides = array<i32>} : memref<4x2048xf32, #tpu.memory_space<vmem>>, vector<1x16xf32>,
        %swap3A_527 = vector.shape_cast %swap3A_526 : vector<1x16xf32> to vector<16xf32>
        %swap3A_528 = vector.shape_cast %parallel_loop3A_363#32 : vector<16xf32> to vector<1x16xf32>
        tpu.vector_store %arg26[%swap3A_524, %swap3A_525], %swap3A_528 {strides = array<i32>} : memref<4x2048xf32, #tpu.memory_space<vmem>>, vector<1x16xf32>,
        %swap3A_529 = arith.index_cast %scan3A_228 : i32 to index
        %swap3A_530 = arith.constant 480 : index
        %swap3A_531 = tpu.vector_load %arg26[%swap3A_529, %swap3A_530] {strides = array<i32>} : memref<4x2048xf32, #tpu.memory_space<vmem>>, vector<1x16xf32>,
        %swap3A_532 = vector.shape_cast %swap3A_531 : vector<1x16xf32> to vector<16xf32>
        %swap3A_533 = vector.shape_cast %parallel_loop3A_363#33 : vector<16xf32> to vector<1x16xf32>
        tpu.vector_store %arg26[%swap3A_529, %swap3A_530], %swap3A_533 {strides = array<i32>} : memref<4x2048xf32, #tpu.memory_space<vmem>>, vector<1x16xf32>,
        %swap3A_534 = arith.index_cast %scan3A_228 : i32 to index
        %swap3A_535 = arith.constant 608 : index
        %swap3A_536 = tpu.vector_load %arg26[%swap3A_534, %swap3A_535] {strides = array<i32>} : memref<4x2048xf32, #tpu.memory_space<vmem>>, vector<1x16xf32>,
        %swap3A_537 = vector.shape_cast %swap3A_536 : vector<1x16xf32> to vector<16xf32>
        %swap3A_538 = vector.shape_cast %parallel_loop3A_363#34 : vector<16xf32> to vector<1x16xf32>
        tpu.vector_store %arg26[%swap3A_534, %swap3A_535], %swap3A_538 {strides = array<i32>} : memref<4x2048xf32, #tpu.memory_space<vmem>>, vector<1x16xf32>,
        %swap3A_539 = arith.index_cast %scan3A_228 : i32 to index
        %swap3A_540 = arith.constant 112 : index
        %swap3A_541 = tpu.vector_load %arg26[%swap3A_539, %swap3A_540] {strides = array<i32>} : memref<4x2048xf32, #tpu.memory_space<vmem>>, vector<1x16xf32>,
        %swap3A_542 = vector.shape_cast %swap3A_541 : vector<1x16xf32> to vector<16xf32>
        %swap3A_543 = vector.shape_cast %parallel_loop3A_363#35 : vector<16xf32> to vector<1x16xf32>
        tpu.vector_store %arg26[%swap3A_539, %swap3A_540], %swap3A_543 {strides = array<i32>} : memref<4x2048xf32, #tpu.memory_space<vmem>>, vector<1x16xf32>,
        %swap3A_544 = arith.index_cast %scan3A_228 : i32 to index
        %swap3A_545 = arith.constant 240 : index
        %swap3A_546 = tpu.vector_load %arg26[%swap3A_544, %swap3A_545] {strides = array<i32>} : memref<4x2048xf32, #tpu.memory_space<vmem>>, vector<1x16xf32>,
        %swap3A_547 = vector.shape_cast %swap3A_546 : vector<1x16xf32> to vector<16xf32>
        %swap3A_548 = vector.shape_cast %parallel_loop3A_363#36 : vector<16xf32> to vector<1x16xf32>
        tpu.vector_store %arg26[%swap3A_544, %swap3A_545], %swap3A_548 {strides = array<i32>} : memref<4x2048xf32, #tpu.memory_space<vmem>>, vector<1x16xf32>,
        %swap3A_549 = arith.index_cast %scan3A_228 : i32 to index
        %swap3A_550 = arith.constant 368 : index
        %swap3A_551 = tpu.vector_load %arg26[%swap3A_549, %swap3A_550] {strides = array<i32>} : memref<4x2048xf32, #tpu.memory_space<vmem>>, vector<1x16xf32>,
        %swap3A_552 = vector.shape_cast %swap3A_551 : vector<1x16xf32> to vector<16xf32>
        %swap3A_553 = vector.shape_cast %parallel_loop3A_363#37 : vector<16xf32> to vector<1x16xf32>
        tpu.vector_store %arg26[%swap3A_549, %swap3A_550], %swap3A_553 {strides = array<i32>} : memref<4x2048xf32, #tpu.memory_space<vmem>>, vector<1x16xf32>,
        %swap3A_554 = arith.index_cast %scan3A_228 : i32 to index
        %swap3A_555 = arith.constant 496 : index
        %swap3A_556 = tpu.vector_load %arg26[%swap3A_554, %swap3A_555] {strides = array<i32>} : memref<4x2048xf32, #tpu.memory_space<vmem>>, vector<1x16xf32>,
        %swap3A_557 = vector.shape_cast %swap3A_556 : vector<1x16xf32> to vector<16xf32>
        %swap3A_558 = vector.shape_cast %parallel_loop3A_363#38 : vector<16xf32> to vector<1x16xf32>
        tpu.vector_store %arg26[%swap3A_554, %swap3A_555], %swap3A_558 {strides = array<i32>} : memref<4x2048xf32, #tpu.memory_space<vmem>>, vector<1x16xf32>,
        %swap3A_559 = arith.index_cast %scan3A_228 : i32 to index
        %swap3A_560 = arith.constant 624 : index
        %swap3A_561 = tpu.vector_load %arg26[%swap3A_559, %swap3A_560] {strides = array<i32>} : memref<4x2048xf32, #tpu.memory_space<vmem>>, vector<1x16xf32>,
        %swap3A_562 = vector.shape_cast %swap3A_561 : vector<1x16xf32> to vector<16xf32>
        %swap3A_563 = vector.shape_cast %parallel_loop3A_363#39 : vector<16xf32> to vector<1x16xf32>
        tpu.vector_store %arg26[%swap3A_559, %swap3A_560], %swap3A_563 {strides = array<i32>} : memref<4x2048xf32, #tpu.memory_space<vmem>>, vector<1x16xf32>,
        %parallel_loop3A_564 = arith.constant 0 : i32
        %parallel_loop3A_565 = arith.constant 32 : i32
        %parallel_loop3A_566 = arith.constant 1 : i32
        %parallel_loop3A_567:40 = scf.for %parallel_loop3A_973 = %parallel_loop3A_564 to %parallel_loop3A_565 step %parallel_loop3A_566 iter_args(%parallel_loop3A_974 = %broadcast_in_dim3A_265, %parallel_loop3A_975 = %broadcast_in_dim3A_265, %parallel_loop3A_976 = %broadcast_in_dim3A_265, %parallel_loop3A_977 = %broadcast_in_dim3A_265, %parallel_loop3A_978 = %broadcast_in_dim3A_265, %parallel_loop3A_979 = %broadcast_in_dim3A_265, %parallel_loop3A_980 = %broadcast_in_dim3A_265, %parallel_loop3A_981 = %broadcast_in_dim3A_265, %parallel_loop3A_982 = %broadcast_in_dim3A_265, %parallel_loop3A_983 = %broadcast_in_dim3A_265, %parallel_loop3A_984 = %broadcast_in_dim3A_265, %parallel_loop3A_985 = %broadcast_in_dim3A_265, %parallel_loop3A_986 = %broadcast_in_dim3A_265, %parallel_loop3A_987 = %broadcast_in_dim3A_265, %parallel_loop3A_988 = %broadcast_in_dim3A_265, %parallel_loop3A_989 = %broadcast_in_dim3A_265, %parallel_loop3A_990 = %broadcast_in_dim3A_265, %parallel_loop3A_991 = %broadcast_in_dim3A_265, %parallel_loop3A_992 = %broadcast_in_dim3A_265, %parallel_loop3A_993 = %broadcast_in_dim3A_265, %parallel_loop3A_994 = %broadcast_in_dim3A_265, %parallel_loop3A_995 = %broadcast_in_dim3A_265, %parallel_loop3A_996 = %broadcast_in_dim3A_265, %parallel_loop3A_997 = %broadcast_in_dim3A_265, %parallel_loop3A_998 = %broadcast_in_dim3A_265, %parallel_loop3A_999 = %broadcast_in_dim3A_265, %parallel_loop3A_1000 = %broadcast_in_dim3A_265, %parallel_loop3A_1001 = %broadcast_in_dim3A_265, %parallel_loop3A_1002 = %broadcast_in_dim3A_265, %parallel_loop3A_1003 = %broadcast_in_dim3A_265, %parallel_loop3A_1004 = %broadcast_in_dim3A_265, %parallel_loop3A_1005 = %broadcast_in_dim3A_265, %parallel_loop3A_1006 = %broadcast_in_dim3A_265, %parallel_loop3A_1007 = %broadcast_in_dim3A_265, %parallel_loop3A_1008 = %broadcast_in_dim3A_265, %parallel_loop3A_1009 = %broadcast_in_dim3A_265, %parallel_loop3A_1010 = %broadcast_in_dim3A_265, %parallel_loop3A_1011 = %broadcast_in_dim3A_265, %parallel_loop3A_1012 = %broadcast_in_dim3A_265, %parallel_loop3A_1013 = %broadcast_in_dim3A_265) -> (vector<16xf32>, vector<16xf32>, vector<16xf32>, vector<16xf32>, vector<16xf32>, vector<16xf32>, vector<16xf32>, vector<16xf32>, vector<16xf32>, vector<16xf32>, vector<16xf32>, vector<16xf32>, vector<16xf32>, vector<16xf32>, vector<16xf32>, vector<16xf32>, vector<16xf32>, vector<16xf32>, vector<16xf32>, vector<16xf32>, vector<16xf32>, vector<16xf32>, vector<16xf32>, vector<16xf32>, vector<16xf32>, vector<16xf32>, vector<16xf32>, vector<16xf32>, vector<16xf32>, vector<16xf32>, vector<16xf32>, vector<16xf32>, vector<16xf32>, vector<16xf32>, vector<16xf32>, vector<16xf32>, vector<16xf32>, vector<16xf32>, vector<16xf32>, vector<16xf32>)  : i32 {
          %parallel_loop3A_1014 = arith.addi %mul3A_263, %parallel_loop3A_973 : i32
          %parallel_loop3A_1015 = arith.index_cast %parallel_loop3A_973 : i32 to index
          %parallel_loop3A_1016 = arith.constant 0 : index
          %parallel_loop3A_1017 = tpu.vector_load %arg24[%parallel_loop3A_1015, %parallel_loop3A_1016] {strides = array<i32>} : memref<32x16xf32, #tpu.memory_space<vmem>>, vector<1x16xf32>,
          %parallel_loop3A_1018 = vector.shape_cast %parallel_loop3A_1017 : vector<1x16xf32> to vector<16xf32>
          %parallel_loop3A_1019 = arith.constant 0 : i32
          %parallel_loop3A_1020 = vector.broadcast %parallel_loop3A_1019 : i32 to vector<16xi32>
          %parallel_loop3A_1021 = arith.constant 5 : i32
          %parallel_loop3A_1022 = vector.broadcast %parallel_loop3A_1021 : i32 to vector<16xi32>
          %parallel_loop3A_1023 = arith.addi %parallel_loop3A_1020, %parallel_loop3A_1022 : vector<16xi32>
          %parallel_loop3A_1024 = vector.shape_cast %parallel_loop3A_1023 : vector<16xi32> to vector<16x1xi32>
          %parallel_loop3A_1025 = vector.shape_cast %parallel_loop3A_1024 : vector<16x1xi32> to vector<16xi32>
          %parallel_loop3A_1026 = tpu.dynamic_gather %parallel_loop3A_1018[%parallel_loop3A_1025] in [0] : vector<16xf32>, vector<16xi32> -> vector<16xf32>
          %parallel_loop3A_1027 = arith.constant 0 : i32
          %parallel_loop3A_1028 = vector.broadcast %parallel_loop3A_1027 : i32 to vector<16xi32>
          %parallel_loop3A_1029 = arith.constant 6 : i32
          %parallel_loop3A_1030 = vector.broadcast %parallel_loop3A_1029 : i32 to vector<16xi32>
          %parallel_loop3A_1031 = arith.addi %parallel_loop3A_1028, %parallel_loop3A_1030 : vector<16xi32>
          %parallel_loop3A_1032 = vector.shape_cast %parallel_loop3A_1031 : vector<16xi32> to vector<16x1xi32>
          %parallel_loop3A_1033 = vector.shape_cast %parallel_loop3A_1032 : vector<16x1xi32> to vector<16xi32>
          %parallel_loop3A_1034 = tpu.dynamic_gather %parallel_loop3A_1018[%parallel_loop3A_1033] in [0] : vector<16xf32>, vector<16xi32> -> vector<16xf32>
          %parallel_loop3A_1035 = arith.constant 0 : i32
          %parallel_loop3A_1036 = vector.broadcast %parallel_loop3A_1035 : i32 to vector<16xi32>
          %parallel_loop3A_1037 = arith.constant 7 : i32
          %parallel_loop3A_1038 = vector.broadcast %parallel_loop3A_1037 : i32 to vector<16xi32>
          %parallel_loop3A_1039 = arith.addi %parallel_loop3A_1036, %parallel_loop3A_1038 : vector<16xi32>
          %parallel_loop3A_1040 = vector.shape_cast %parallel_loop3A_1039 : vector<16xi32> to vector<16x1xi32>
          %parallel_loop3A_1041 = vector.shape_cast %parallel_loop3A_1040 : vector<16x1xi32> to vector<16xi32>
          %parallel_loop3A_1042 = tpu.dynamic_gather %parallel_loop3A_1018[%parallel_loop3A_1041] in [0] : vector<16xf32>, vector<16xi32> -> vector<16xf32>
          %parallel_loop3A_1043 = arith.constant 0 : i32
          %parallel_loop3A_1044 = vector.broadcast %parallel_loop3A_1043 : i32 to vector<16xi32>
          %parallel_loop3A_1045 = arith.constant 8 : i32
          %parallel_loop3A_1046 = vector.broadcast %parallel_loop3A_1045 : i32 to vector<16xi32>
          %parallel_loop3A_1047 = arith.addi %parallel_loop3A_1044, %parallel_loop3A_1046 : vector<16xi32>
          %parallel_loop3A_1048 = vector.shape_cast %parallel_loop3A_1047 : vector<16xi32> to vector<16x1xi32>
          %parallel_loop3A_1049 = vector.shape_cast %parallel_loop3A_1048 : vector<16x1xi32> to vector<16xi32>
          %parallel_loop3A_1050 = tpu.dynamic_gather %parallel_loop3A_1018[%parallel_loop3A_1049] in [0] : vector<16xf32>, vector<16xi32> -> vector<16xf32>
          %parallel_loop3A_1051 = arith.constant 0 : i32
          %parallel_loop3A_1052 = vector.broadcast %parallel_loop3A_1051 : i32 to vector<16xi32>
          %parallel_loop3A_1053 = arith.constant 9 : i32
          %parallel_loop3A_1054 = vector.broadcast %parallel_loop3A_1053 : i32 to vector<16xi32>
          %parallel_loop3A_1055 = arith.addi %parallel_loop3A_1052, %parallel_loop3A_1054 : vector<16xi32>
          %parallel_loop3A_1056 = vector.shape_cast %parallel_loop3A_1055 : vector<16xi32> to vector<16x1xi32>
          %parallel_loop3A_1057 = vector.shape_cast %parallel_loop3A_1056 : vector<16x1xi32> to vector<16xi32>
          %parallel_loop3A_1058 = tpu.dynamic_gather %parallel_loop3A_1018[%parallel_loop3A_1057] in [0] : vector<16xf32>, vector<16xi32> -> vector<16xf32>
          %parallel_loop3A_1059 = arith.index_cast %parallel_loop3A_1014 : i32 to index
          %parallel_loop3A_1060 = arith.constant 0 : index
          %parallel_loop3A_1061 = tpu.vector_load %arg15[%parallel_loop3A_1059, %parallel_loop3A_1060] {strides = array<i32>} : memref<128x128xf32, #tpu.memory_space<vmem>>, vector<1x16xf32>,
          %parallel_loop3A_1062 = vector.shape_cast %parallel_loop3A_1061 : vector<1x16xf32> to vector<16xf32>
          %parallel_loop3A_1063 = arith.mulf %parallel_loop3A_1026, %parallel_loop3A_1062 : vector<16xf32>
          %parallel_loop3A_1064 = arith.addf %parallel_loop3A_974, %parallel_loop3A_1063 : vector<16xf32>
          %parallel_loop3A_1065 = arith.mulf %parallel_loop3A_1034, %parallel_loop3A_1062 : vector<16xf32>
          %parallel_loop3A_1066 = arith.addf %parallel_loop3A_975, %parallel_loop3A_1065 : vector<16xf32>
          %parallel_loop3A_1067 = arith.mulf %parallel_loop3A_1042, %parallel_loop3A_1062 : vector<16xf32>
          %parallel_loop3A_1068 = arith.addf %parallel_loop3A_976, %parallel_loop3A_1067 : vector<16xf32>
          %parallel_loop3A_1069 = arith.mulf %parallel_loop3A_1050, %parallel_loop3A_1062 : vector<16xf32>
          %parallel_loop3A_1070 = arith.addf %parallel_loop3A_977, %parallel_loop3A_1069 : vector<16xf32>
          %parallel_loop3A_1071 = arith.mulf %parallel_loop3A_1058, %parallel_loop3A_1062 : vector<16xf32>
          %parallel_loop3A_1072 = arith.addf %parallel_loop3A_978, %parallel_loop3A_1071 : vector<16xf32>
          %parallel_loop3A_1073 = arith.index_cast %parallel_loop3A_1014 : i32 to index
          %parallel_loop3A_1074 = arith.constant 16 : index
          %parallel_loop3A_1075 = tpu.vector_load %arg15[%parallel_loop3A_1073, %parallel_loop3A_1074] {strides = array<i32>} : memref<128x128xf32, #tpu.memory_space<vmem>>, vector<1x16xf32>,
          %parallel_loop3A_1076 = vector.shape_cast %parallel_loop3A_1075 : vector<1x16xf32> to vector<16xf32>
          %parallel_loop3A_1077 = arith.mulf %parallel_loop3A_1026, %parallel_loop3A_1076 : vector<16xf32>
          %parallel_loop3A_1078 = arith.addf %parallel_loop3A_979, %parallel_loop3A_1077 : vector<16xf32>
          %parallel_loop3A_1079 = arith.mulf %parallel_loop3A_1034, %parallel_loop3A_1076 : vector<16xf32>
          %parallel_loop3A_1080 = arith.addf %parallel_loop3A_980, %parallel_loop3A_1079 : vector<16xf32>
          %parallel_loop3A_1081 = arith.mulf %parallel_loop3A_1042, %parallel_loop3A_1076 : vector<16xf32>
          %parallel_loop3A_1082 = arith.addf %parallel_loop3A_981, %parallel_loop3A_1081 : vector<16xf32>
          %parallel_loop3A_1083 = arith.mulf %parallel_loop3A_1050, %parallel_loop3A_1076 : vector<16xf32>
          %parallel_loop3A_1084 = arith.addf %parallel_loop3A_982, %parallel_loop3A_1083 : vector<16xf32>
          %parallel_loop3A_1085 = arith.mulf %parallel_loop3A_1058, %parallel_loop3A_1076 : vector<16xf32>
          %parallel_loop3A_1086 = arith.addf %parallel_loop3A_983, %parallel_loop3A_1085 : vector<16xf32>
          %parallel_loop3A_1087 = arith.index_cast %parallel_loop3A_1014 : i32 to index
          %parallel_loop3A_1088 = arith.constant 32 : index
          %parallel_loop3A_1089 = tpu.vector_load %arg15[%parallel_loop3A_1087, %parallel_loop3A_1088] {strides = array<i32>} : memref<128x128xf32, #tpu.memory_space<vmem>>, vector<1x16xf32>,
          %parallel_loop3A_1090 = vector.shape_cast %parallel_loop3A_1089 : vector<1x16xf32> to vector<16xf32>
          %parallel_loop3A_1091 = arith.mulf %parallel_loop3A_1026, %parallel_loop3A_1090 : vector<16xf32>
          %parallel_loop3A_1092 = arith.addf %parallel_loop3A_984, %parallel_loop3A_1091 : vector<16xf32>
          %parallel_loop3A_1093 = arith.mulf %parallel_loop3A_1034, %parallel_loop3A_1090 : vector<16xf32>
          %parallel_loop3A_1094 = arith.addf %parallel_loop3A_985, %parallel_loop3A_1093 : vector<16xf32>
          %parallel_loop3A_1095 = arith.mulf %parallel_loop3A_1042, %parallel_loop3A_1090 : vector<16xf32>
          %parallel_loop3A_1096 = arith.addf %parallel_loop3A_986, %parallel_loop3A_1095 : vector<16xf32>
          %parallel_loop3A_1097 = arith.mulf %parallel_loop3A_1050, %parallel_loop3A_1090 : vector<16xf32>
          %parallel_loop3A_1098 = arith.addf %parallel_loop3A_987, %parallel_loop3A_1097 : vector<16xf32>
          %parallel_loop3A_1099 = arith.mulf %parallel_loop3A_1058, %parallel_loop3A_1090 : vector<16xf32>
          %parallel_loop3A_1100 = arith.addf %parallel_loop3A_988, %parallel_loop3A_1099 : vector<16xf32>
          %parallel_loop3A_1101 = arith.index_cast %parallel_loop3A_1014 : i32 to index
          %parallel_loop3A_1102 = arith.constant 48 : index
          %parallel_loop3A_1103 = tpu.vector_load %arg15[%parallel_loop3A_1101, %parallel_loop3A_1102] {strides = array<i32>} : memref<128x128xf32, #tpu.memory_space<vmem>>, vector<1x16xf32>,
          %parallel_loop3A_1104 = vector.shape_cast %parallel_loop3A_1103 : vector<1x16xf32> to vector<16xf32>
          %parallel_loop3A_1105 = arith.mulf %parallel_loop3A_1026, %parallel_loop3A_1104 : vector<16xf32>
          %parallel_loop3A_1106 = arith.addf %parallel_loop3A_989, %parallel_loop3A_1105 : vector<16xf32>
          %parallel_loop3A_1107 = arith.mulf %parallel_loop3A_1034, %parallel_loop3A_1104 : vector<16xf32>
          %parallel_loop3A_1108 = arith.addf %parallel_loop3A_990, %parallel_loop3A_1107 : vector<16xf32>
          %parallel_loop3A_1109 = arith.mulf %parallel_loop3A_1042, %parallel_loop3A_1104 : vector<16xf32>
          %parallel_loop3A_1110 = arith.addf %parallel_loop3A_991, %parallel_loop3A_1109 : vector<16xf32>
          %parallel_loop3A_1111 = arith.mulf %parallel_loop3A_1050, %parallel_loop3A_1104 : vector<16xf32>
          %parallel_loop3A_1112 = arith.addf %parallel_loop3A_992, %parallel_loop3A_1111 : vector<16xf32>
          %parallel_loop3A_1113 = arith.mulf %parallel_loop3A_1058, %parallel_loop3A_1104 : vector<16xf32>
          %parallel_loop3A_1114 = arith.addf %parallel_loop3A_993, %parallel_loop3A_1113 : vector<16xf32>
          %parallel_loop3A_1115 = arith.index_cast %parallel_loop3A_1014 : i32 to index
          %parallel_loop3A_1116 = arith.constant 64 : index
          %parallel_loop3A_1117 = tpu.vector_load %arg15[%parallel_loop3A_1115, %parallel_loop3A_1116] {strides = array<i32>} : memref<128x128xf32, #tpu.memory_space<vmem>>, vector<1x16xf32>,
          %parallel_loop3A_1118 = vector.shape_cast %parallel_loop3A_1117 : vector<1x16xf32> to vector<16xf32>
          %parallel_loop3A_1119 = arith.mulf %parallel_loop3A_1026, %parallel_loop3A_1118 : vector<16xf32>
          %parallel_loop3A_1120 = arith.addf %parallel_loop3A_994, %parallel_loop3A_1119 : vector<16xf32>
          %parallel_loop3A_1121 = arith.mulf %parallel_loop3A_1034, %parallel_loop3A_1118 : vector<16xf32>
          %parallel_loop3A_1122 = arith.addf %parallel_loop3A_995, %parallel_loop3A_1121 : vector<16xf32>
          %parallel_loop3A_1123 = arith.mulf %parallel_loop3A_1042, %parallel_loop3A_1118 : vector<16xf32>
          %parallel_loop3A_1124 = arith.addf %parallel_loop3A_996, %parallel_loop3A_1123 : vector<16xf32>
          %parallel_loop3A_1125 = arith.mulf %parallel_loop3A_1050, %parallel_loop3A_1118 : vector<16xf32>
          %parallel_loop3A_1126 = arith.addf %parallel_loop3A_997, %parallel_loop3A_1125 : vector<16xf32>
          %parallel_loop3A_1127 = arith.mulf %parallel_loop3A_1058, %parallel_loop3A_1118 : vector<16xf32>
          %parallel_loop3A_1128 = arith.addf %parallel_loop3A_998, %parallel_loop3A_1127 : vector<16xf32>
          %parallel_loop3A_1129 = arith.index_cast %parallel_loop3A_1014 : i32 to index
          %parallel_loop3A_1130 = arith.constant 80 : index
          %parallel_loop3A_1131 = tpu.vector_load %arg15[%parallel_loop3A_1129, %parallel_loop3A_1130] {strides = array<i32>} : memref<128x128xf32, #tpu.memory_space<vmem>>, vector<1x16xf32>,
          %parallel_loop3A_1132 = vector.shape_cast %parallel_loop3A_1131 : vector<1x16xf32> to vector<16xf32>
          %parallel_loop3A_1133 = arith.mulf %parallel_loop3A_1026, %parallel_loop3A_1132 : vector<16xf32>
          %parallel_loop3A_1134 = arith.addf %parallel_loop3A_999, %parallel_loop3A_1133 : vector<16xf32>
          %parallel_loop3A_1135 = arith.mulf %parallel_loop3A_1034, %parallel_loop3A_1132 : vector<16xf32>
          %parallel_loop3A_1136 = arith.addf %parallel_loop3A_1000, %parallel_loop3A_1135 : vector<16xf32>
          %parallel_loop3A_1137 = arith.mulf %parallel_loop3A_1042, %parallel_loop3A_1132 : vector<16xf32>
          %parallel_loop3A_1138 = arith.addf %parallel_loop3A_1001, %parallel_loop3A_1137 : vector<16xf32>
          %parallel_loop3A_1139 = arith.mulf %parallel_loop3A_1050, %parallel_loop3A_1132 : vector<16xf32>
          %parallel_loop3A_1140 = arith.addf %parallel_loop3A_1002, %parallel_loop3A_1139 : vector<16xf32>
          %parallel_loop3A_1141 = arith.mulf %parallel_loop3A_1058, %parallel_loop3A_1132 : vector<16xf32>
          %parallel_loop3A_1142 = arith.addf %parallel_loop3A_1003, %parallel_loop3A_1141 : vector<16xf32>
          %parallel_loop3A_1143 = arith.index_cast %parallel_loop3A_1014 : i32 to index
          %parallel_loop3A_1144 = arith.constant 96 : index
          %parallel_loop3A_1145 = tpu.vector_load %arg15[%parallel_loop3A_1143, %parallel_loop3A_1144] {strides = array<i32>} : memref<128x128xf32, #tpu.memory_space<vmem>>, vector<1x16xf32>,
          %parallel_loop3A_1146 = vector.shape_cast %parallel_loop3A_1145 : vector<1x16xf32> to vector<16xf32>
          %parallel_loop3A_1147 = arith.mulf %parallel_loop3A_1026, %parallel_loop3A_1146 : vector<16xf32>
          %parallel_loop3A_1148 = arith.addf %parallel_loop3A_1004, %parallel_loop3A_1147 : vector<16xf32>
          %parallel_loop3A_1149 = arith.mulf %parallel_loop3A_1034, %parallel_loop3A_1146 : vector<16xf32>
          %parallel_loop3A_1150 = arith.addf %parallel_loop3A_1005, %parallel_loop3A_1149 : vector<16xf32>
          %parallel_loop3A_1151 = arith.mulf %parallel_loop3A_1042, %parallel_loop3A_1146 : vector<16xf32>
          %parallel_loop3A_1152 = arith.addf %parallel_loop3A_1006, %parallel_loop3A_1151 : vector<16xf32>
          %parallel_loop3A_1153 = arith.mulf %parallel_loop3A_1050, %parallel_loop3A_1146 : vector<16xf32>
          %parallel_loop3A_1154 = arith.addf %parallel_loop3A_1007, %parallel_loop3A_1153 : vector<16xf32>
          %parallel_loop3A_1155 = arith.mulf %parallel_loop3A_1058, %parallel_loop3A_1146 : vector<16xf32>
          %parallel_loop3A_1156 = arith.addf %parallel_loop3A_1008, %parallel_loop3A_1155 : vector<16xf32>
          %parallel_loop3A_1157 = arith.index_cast %parallel_loop3A_1014 : i32 to index
          %parallel_loop3A_1158 = arith.constant 112 : index
          %parallel_loop3A_1159 = tpu.vector_load %arg15[%parallel_loop3A_1157, %parallel_loop3A_1158] {strides = array<i32>} : memref<128x128xf32, #tpu.memory_space<vmem>>, vector<1x16xf32>,
          %parallel_loop3A_1160 = vector.shape_cast %parallel_loop3A_1159 : vector<1x16xf32> to vector<16xf32>
          %parallel_loop3A_1161 = arith.mulf %parallel_loop3A_1026, %parallel_loop3A_1160 : vector<16xf32>
          %parallel_loop3A_1162 = arith.addf %parallel_loop3A_1009, %parallel_loop3A_1161 : vector<16xf32>
          %parallel_loop3A_1163 = arith.mulf %parallel_loop3A_1034, %parallel_loop3A_1160 : vector<16xf32>
          %parallel_loop3A_1164 = arith.addf %parallel_loop3A_1010, %parallel_loop3A_1163 : vector<16xf32>
          %parallel_loop3A_1165 = arith.mulf %parallel_loop3A_1042, %parallel_loop3A_1160 : vector<16xf32>
          %parallel_loop3A_1166 = arith.addf %parallel_loop3A_1011, %parallel_loop3A_1165 : vector<16xf32>
          %parallel_loop3A_1167 = arith.mulf %parallel_loop3A_1050, %parallel_loop3A_1160 : vector<16xf32>
          %parallel_loop3A_1168 = arith.addf %parallel_loop3A_1012, %parallel_loop3A_1167 : vector<16xf32>
          %parallel_loop3A_1169 = arith.mulf %parallel_loop3A_1058, %parallel_loop3A_1160 : vector<16xf32>
          %parallel_loop3A_1170 = arith.addf %parallel_loop3A_1013, %parallel_loop3A_1169 : vector<16xf32>
          scf.yield %parallel_loop3A_1064, %parallel_loop3A_1066, %parallel_loop3A_1068, %parallel_loop3A_1070, %parallel_loop3A_1072, %parallel_loop3A_1078, %parallel_loop3A_1080, %parallel_loop3A_1082, %parallel_loop3A_1084, %parallel_loop3A_1086, %parallel_loop3A_1092, %parallel_loop3A_1094, %parallel_loop3A_1096, %parallel_loop3A_1098, %parallel_loop3A_1100, %parallel_loop3A_1106, %parallel_loop3A_1108, %parallel_loop3A_1110, %parallel_loop3A_1112, %parallel_loop3A_1114, %parallel_loop3A_1120, %parallel_loop3A_1122, %parallel_loop3A_1124, %parallel_loop3A_1126, %parallel_loop3A_1128, %parallel_loop3A_1134, %parallel_loop3A_1136, %parallel_loop3A_1138, %parallel_loop3A_1140, %parallel_loop3A_1142, %parallel_loop3A_1148, %parallel_loop3A_1150, %parallel_loop3A_1152, %parallel_loop3A_1154, %parallel_loop3A_1156, %parallel_loop3A_1162, %parallel_loop3A_1164, %parallel_loop3A_1166, %parallel_loop3A_1168, %parallel_loop3A_1170 : vector<16xf32>, vector<16xf32>, vector<16xf32>, vector<16xf32>, vector<16xf32>, vector<16xf32>, vector<16xf32>, vector<16xf32>, vector<16xf32>, vector<16xf32>, vector<16xf32>, vector<16xf32>, vector<16xf32>, vector<16xf32>, vector<16xf32>, vector<16xf32>, vector<16xf32>, vector<16xf32>, vector<16xf32>, vector<16xf32>, vector<16xf32>, vector<16xf32>, vector<16xf32>, vector<16xf32>, vector<16xf32>, vector<16xf32>, vector<16xf32>, vector<16xf32>, vector<16xf32>, vector<16xf32>, vector<16xf32>, vector<16xf32>, vector<16xf32>, vector<16xf32>, vector<16xf32>, vector<16xf32>, vector<16xf32>, vector<16xf32>, vector<16xf32>, vector<16xf32>
        } {sc.loop_unroll_factor = 1 : i64, sc.parallel_access}
        %swap3A_568 = arith.index_cast %scan3A_228 : i32 to index
        %swap3A_569 = arith.constant 640 : index
        %swap3A_570 = tpu.vector_load %arg26[%swap3A_568, %swap3A_569] {strides = array<i32>} : memref<4x2048xf32, #tpu.memory_space<vmem>>, vector<1x16xf32>,
        %swap3A_571 = vector.shape_cast %swap3A_570 : vector<1x16xf32> to vector<16xf32>
        %swap3A_572 = vector.shape_cast %parallel_loop3A_567#0 : vector<16xf32> to vector<1x16xf32>
        tpu.vector_store %arg26[%swap3A_568, %swap3A_569], %swap3A_572 {strides = array<i32>} : memref<4x2048xf32, #tpu.memory_space<vmem>>, vector<1x16xf32>,
        %swap3A_573 = arith.index_cast %scan3A_228 : i32 to index
        %swap3A_574 = arith.constant 768 : index
        %swap3A_575 = tpu.vector_load %arg26[%swap3A_573, %swap3A_574] {strides = array<i32>} : memref<4x2048xf32, #tpu.memory_space<vmem>>, vector<1x16xf32>,
        %swap3A_576 = vector.shape_cast %swap3A_575 : vector<1x16xf32> to vector<16xf32>
        %swap3A_577 = vector.shape_cast %parallel_loop3A_567#1 : vector<16xf32> to vector<1x16xf32>
        tpu.vector_store %arg26[%swap3A_573, %swap3A_574], %swap3A_577 {strides = array<i32>} : memref<4x2048xf32, #tpu.memory_space<vmem>>, vector<1x16xf32>,
        %swap3A_578 = arith.index_cast %scan3A_228 : i32 to index
        %swap3A_579 = arith.constant 896 : index
        %swap3A_580 = tpu.vector_load %arg26[%swap3A_578, %swap3A_579] {strides = array<i32>} : memref<4x2048xf32, #tpu.memory_space<vmem>>, vector<1x16xf32>,
        %swap3A_581 = vector.shape_cast %swap3A_580 : vector<1x16xf32> to vector<16xf32>
        %swap3A_582 = vector.shape_cast %parallel_loop3A_567#2 : vector<16xf32> to vector<1x16xf32>
        tpu.vector_store %arg26[%swap3A_578, %swap3A_579], %swap3A_582 {strides = array<i32>} : memref<4x2048xf32, #tpu.memory_space<vmem>>, vector<1x16xf32>,
        %swap3A_583 = arith.index_cast %scan3A_228 : i32 to index
        %swap3A_584 = arith.constant 1024 : index
        %swap3A_585 = tpu.vector_load %arg26[%swap3A_583, %swap3A_584] {strides = array<i32>} : memref<4x2048xf32, #tpu.memory_space<vmem>>, vector<1x16xf32>,
        %swap3A_586 = vector.shape_cast %swap3A_585 : vector<1x16xf32> to vector<16xf32>
        %swap3A_587 = vector.shape_cast %parallel_loop3A_567#3 : vector<16xf32> to vector<1x16xf32>
        tpu.vector_store %arg26[%swap3A_583, %swap3A_584], %swap3A_587 {strides = array<i32>} : memref<4x2048xf32, #tpu.memory_space<vmem>>, vector<1x16xf32>,
        %swap3A_588 = arith.index_cast %scan3A_228 : i32 to index
        %swap3A_589 = arith.constant 1152 : index
        %swap3A_590 = tpu.vector_load %arg26[%swap3A_588, %swap3A_589] {strides = array<i32>} : memref<4x2048xf32, #tpu.memory_space<vmem>>, vector<1x16xf32>,
        %swap3A_591 = vector.shape_cast %swap3A_590 : vector<1x16xf32> to vector<16xf32>
        %swap3A_592 = vector.shape_cast %parallel_loop3A_567#4 : vector<16xf32> to vector<1x16xf32>
        tpu.vector_store %arg26[%swap3A_588, %swap3A_589], %swap3A_592 {strides = array<i32>} : memref<4x2048xf32, #tpu.memory_space<vmem>>, vector<1x16xf32>,
        %swap3A_593 = arith.index_cast %scan3A_228 : i32 to index
        %swap3A_594 = arith.constant 656 : index
        %swap3A_595 = tpu.vector_load %arg26[%swap3A_593, %swap3A_594] {strides = array<i32>} : memref<4x2048xf32, #tpu.memory_space<vmem>>, vector<1x16xf32>,
        %swap3A_596 = vector.shape_cast %swap3A_595 : vector<1x16xf32> to vector<16xf32>
        %swap3A_597 = vector.shape_cast %parallel_loop3A_567#5 : vector<16xf32> to vector<1x16xf32>
        tpu.vector_store %arg26[%swap3A_593, %swap3A_594], %swap3A_597 {strides = array<i32>} : memref<4x2048xf32, #tpu.memory_space<vmem>>, vector<1x16xf32>,
        %swap3A_598 = arith.index_cast %scan3A_228 : i32 to index
        %swap3A_599 = arith.constant 784 : index
        %swap3A_600 = tpu.vector_load %arg26[%swap3A_598, %swap3A_599] {strides = array<i32>} : memref<4x2048xf32, #tpu.memory_space<vmem>>, vector<1x16xf32>,
        %swap3A_601 = vector.shape_cast %swap3A_600 : vector<1x16xf32> to vector<16xf32>
        %swap3A_602 = vector.shape_cast %parallel_loop3A_567#6 : vector<16xf32> to vector<1x16xf32>
        tpu.vector_store %arg26[%swap3A_598, %swap3A_599], %swap3A_602 {strides = array<i32>} : memref<4x2048xf32, #tpu.memory_space<vmem>>, vector<1x16xf32>,
        %swap3A_603 = arith.index_cast %scan3A_228 : i32 to index
        %swap3A_604 = arith.constant 912 : index
        %swap3A_605 = tpu.vector_load %arg26[%swap3A_603, %swap3A_604] {strides = array<i32>} : memref<4x2048xf32, #tpu.memory_space<vmem>>, vector<1x16xf32>,
        %swap3A_606 = vector.shape_cast %swap3A_605 : vector<1x16xf32> to vector<16xf32>
        %swap3A_607 = vector.shape_cast %parallel_loop3A_567#7 : vector<16xf32> to vector<1x16xf32>
        tpu.vector_store %arg26[%swap3A_603, %swap3A_604], %swap3A_607 {strides = array<i32>} : memref<4x2048xf32, #tpu.memory_space<vmem>>, vector<1x16xf32>,
        %swap3A_608 = arith.index_cast %scan3A_228 : i32 to index
        %swap3A_609 = arith.constant 1040 : index
        %swap3A_610 = tpu.vector_load %arg26[%swap3A_608, %swap3A_609] {strides = array<i32>} : memref<4x2048xf32, #tpu.memory_space<vmem>>, vector<1x16xf32>,
        %swap3A_611 = vector.shape_cast %swap3A_610 : vector<1x16xf32> to vector<16xf32>
        %swap3A_612 = vector.shape_cast %parallel_loop3A_567#8 : vector<16xf32> to vector<1x16xf32>
        tpu.vector_store %arg26[%swap3A_608, %swap3A_609], %swap3A_612 {strides = array<i32>} : memref<4x2048xf32, #tpu.memory_space<vmem>>, vector<1x16xf32>,
        %swap3A_613 = arith.index_cast %scan3A_228 : i32 to index
        %swap3A_614 = arith.constant 1168 : index
        %swap3A_615 = tpu.vector_load %arg26[%swap3A_613, %swap3A_614] {strides = array<i32>} : memref<4x2048xf32, #tpu.memory_space<vmem>>, vector<1x16xf32>,
        %swap3A_616 = vector.shape_cast %swap3A_615 : vector<1x16xf32> to vector<16xf32>
        %swap3A_617 = vector.shape_cast %parallel_loop3A_567#9 : vector<16xf32> to vector<1x16xf32>
        tpu.vector_store %arg26[%swap3A_613, %swap3A_614], %swap3A_617 {strides = array<i32>} : memref<4x2048xf32, #tpu.memory_space<vmem>>, vector<1x16xf32>,
        %swap3A_618 = arith.index_cast %scan3A_228 : i32 to index
        %swap3A_619 = arith.constant 672 : index
        %swap3A_620 = tpu.vector_load %arg26[%swap3A_618, %swap3A_619] {strides = array<i32>} : memref<4x2048xf32, #tpu.memory_space<vmem>>, vector<1x16xf32>,
        %swap3A_621 = vector.shape_cast %swap3A_620 : vector<1x16xf32> to vector<16xf32>
        %swap3A_622 = vector.shape_cast %parallel_loop3A_567#10 : vector<16xf32> to vector<1x16xf32>
        tpu.vector_store %arg26[%swap3A_618, %swap3A_619], %swap3A_622 {strides = array<i32>} : memref<4x2048xf32, #tpu.memory_space<vmem>>, vector<1x16xf32>,
        %swap3A_623 = arith.index_cast %scan3A_228 : i32 to index
        %swap3A_624 = arith.constant 800 : index
        %swap3A_625 = tpu.vector_load %arg26[%swap3A_623, %swap3A_624] {strides = array<i32>} : memref<4x2048xf32, #tpu.memory_space<vmem>>, vector<1x16xf32>,
        %swap3A_626 = vector.shape_cast %swap3A_625 : vector<1x16xf32> to vector<16xf32>
        %swap3A_627 = vector.shape_cast %parallel_loop3A_567#11 : vector<16xf32> to vector<1x16xf32>
        tpu.vector_store %arg26[%swap3A_623, %swap3A_624], %swap3A_627 {strides = array<i32>} : memref<4x2048xf32, #tpu.memory_space<vmem>>, vector<1x16xf32>,
        %swap3A_628 = arith.index_cast %scan3A_228 : i32 to index
        %swap3A_629 = arith.constant 928 : index
        %swap3A_630 = tpu.vector_load %arg26[%swap3A_628, %swap3A_629] {strides = array<i32>} : memref<4x2048xf32, #tpu.memory_space<vmem>>, vector<1x16xf32>,
        %swap3A_631 = vector.shape_cast %swap3A_630 : vector<1x16xf32> to vector<16xf32>
        %swap3A_632 = vector.shape_cast %parallel_loop3A_567#12 : vector<16xf32> to vector<1x16xf32>
        tpu.vector_store %arg26[%swap3A_628, %swap3A_629], %swap3A_632 {strides = array<i32>} : memref<4x2048xf32, #tpu.memory_space<vmem>>, vector<1x16xf32>,
        %swap3A_633 = arith.index_cast %scan3A_228 : i32 to index
        %swap3A_634 = arith.constant 1056 : index
        %swap3A_635 = tpu.vector_load %arg26[%swap3A_633, %swap3A_634] {strides = array<i32>} : memref<4x2048xf32, #tpu.memory_space<vmem>>, vector<1x16xf32>,
        %swap3A_636 = vector.shape_cast %swap3A_635 : vector<1x16xf32> to vector<16xf32>
        %swap3A_637 = vector.shape_cast %parallel_loop3A_567#13 : vector<16xf32> to vector<1x16xf32>
        tpu.vector_store %arg26[%swap3A_633, %swap3A_634], %swap3A_637 {strides = array<i32>} : memref<4x2048xf32, #tpu.memory_space<vmem>>, vector<1x16xf32>,
        %swap3A_638 = arith.index_cast %scan3A_228 : i32 to index
        %swap3A_639 = arith.constant 1184 : index
        %swap3A_640 = tpu.vector_load %arg26[%swap3A_638, %swap3A_639] {strides = array<i32>} : memref<4x2048xf32, #tpu.memory_space<vmem>>, vector<1x16xf32>,
        %swap3A_641 = vector.shape_cast %swap3A_640 : vector<1x16xf32> to vector<16xf32>
        %swap3A_642 = vector.shape_cast %parallel_loop3A_567#14 : vector<16xf32> to vector<1x16xf32>
        tpu.vector_store %arg26[%swap3A_638, %swap3A_639], %swap3A_642 {strides = array<i32>} : memref<4x2048xf32, #tpu.memory_space<vmem>>, vector<1x16xf32>,
        %swap3A_643 = arith.index_cast %scan3A_228 : i32 to index
        %swap3A_644 = arith.constant 688 : index
        %swap3A_645 = tpu.vector_load %arg26[%swap3A_643, %swap3A_644] {strides = array<i32>} : memref<4x2048xf32, #tpu.memory_space<vmem>>, vector<1x16xf32>,
        %swap3A_646 = vector.shape_cast %swap3A_645 : vector<1x16xf32> to vector<16xf32>
        %swap3A_647 = vector.shape_cast %parallel_loop3A_567#15 : vector<16xf32> to vector<1x16xf32>
        tpu.vector_store %arg26[%swap3A_643, %swap3A_644], %swap3A_647 {strides = array<i32>} : memref<4x2048xf32, #tpu.memory_space<vmem>>, vector<1x16xf32>,
        %swap3A_648 = arith.index_cast %scan3A_228 : i32 to index
        %swap3A_649 = arith.constant 816 : index
        %swap3A_650 = tpu.vector_load %arg26[%swap3A_648, %swap3A_649] {strides = array<i32>} : memref<4x2048xf32, #tpu.memory_space<vmem>>, vector<1x16xf32>,
        %swap3A_651 = vector.shape_cast %swap3A_650 : vector<1x16xf32> to vector<16xf32>
        %swap3A_652 = vector.shape_cast %parallel_loop3A_567#16 : vector<16xf32> to vector<1x16xf32>
        tpu.vector_store %arg26[%swap3A_648, %swap3A_649], %swap3A_652 {strides = array<i32>} : memref<4x2048xf32, #tpu.memory_space<vmem>>, vector<1x16xf32>,
        %swap3A_653 = arith.index_cast %scan3A_228 : i32 to index
        %swap3A_654 = arith.constant 944 : index
        %swap3A_655 = tpu.vector_load %arg26[%swap3A_653, %swap3A_654] {strides = array<i32>} : memref<4x2048xf32, #tpu.memory_space<vmem>>, vector<1x16xf32>,
        %swap3A_656 = vector.shape_cast %swap3A_655 : vector<1x16xf32> to vector<16xf32>
        %swap3A_657 = vector.shape_cast %parallel_loop3A_567#17 : vector<16xf32> to vector<1x16xf32>
        tpu.vector_store %arg26[%swap3A_653, %swap3A_654], %swap3A_657 {strides = array<i32>} : memref<4x2048xf32, #tpu.memory_space<vmem>>, vector<1x16xf32>,
        %swap3A_658 = arith.index_cast %scan3A_228 : i32 to index
        %swap3A_659 = arith.constant 1072 : index
        %swap3A_660 = tpu.vector_load %arg26[%swap3A_658, %swap3A_659] {strides = array<i32>} : memref<4x2048xf32, #tpu.memory_space<vmem>>, vector<1x16xf32>,
        %swap3A_661 = vector.shape_cast %swap3A_660 : vector<1x16xf32> to vector<16xf32>
        %swap3A_662 = vector.shape_cast %parallel_loop3A_567#18 : vector<16xf32> to vector<1x16xf32>
        tpu.vector_store %arg26[%swap3A_658, %swap3A_659], %swap3A_662 {strides = array<i32>} : memref<4x2048xf32, #tpu.memory_space<vmem>>, vector<1x16xf32>,
        %swap3A_663 = arith.index_cast %scan3A_228 : i32 to index
        %swap3A_664 = arith.constant 1200 : index
        %swap3A_665 = tpu.vector_load %arg26[%swap3A_663, %swap3A_664] {strides = array<i32>} : memref<4x2048xf32, #tpu.memory_space<vmem>>, vector<1x16xf32>,
        %swap3A_666 = vector.shape_cast %swap3A_665 : vector<1x16xf32> to vector<16xf32>
        %swap3A_667 = vector.shape_cast %parallel_loop3A_567#19 : vector<16xf32> to vector<1x16xf32>
        tpu.vector_store %arg26[%swap3A_663, %swap3A_664], %swap3A_667 {strides = array<i32>} : memref<4x2048xf32, #tpu.memory_space<vmem>>, vector<1x16xf32>,
        %swap3A_668 = arith.index_cast %scan3A_228 : i32 to index
        %swap3A_669 = arith.constant 704 : index
        %swap3A_670 = tpu.vector_load %arg26[%swap3A_668, %swap3A_669] {strides = array<i32>} : memref<4x2048xf32, #tpu.memory_space<vmem>>, vector<1x16xf32>,
        %swap3A_671 = vector.shape_cast %swap3A_670 : vector<1x16xf32> to vector<16xf32>
        %swap3A_672 = vector.shape_cast %parallel_loop3A_567#20 : vector<16xf32> to vector<1x16xf32>
        tpu.vector_store %arg26[%swap3A_668, %swap3A_669], %swap3A_672 {strides = array<i32>} : memref<4x2048xf32, #tpu.memory_space<vmem>>, vector<1x16xf32>,
        %swap3A_673 = arith.index_cast %scan3A_228 : i32 to index
        %swap3A_674 = arith.constant 832 : index
        %swap3A_675 = tpu.vector_load %arg26[%swap3A_673, %swap3A_674] {strides = array<i32>} : memref<4x2048xf32, #tpu.memory_space<vmem>>, vector<1x16xf32>,
        %swap3A_676 = vector.shape_cast %swap3A_675 : vector<1x16xf32> to vector<16xf32>
        %swap3A_677 = vector.shape_cast %parallel_loop3A_567#21 : vector<16xf32> to vector<1x16xf32>
        tpu.vector_store %arg26[%swap3A_673, %swap3A_674], %swap3A_677 {strides = array<i32>} : memref<4x2048xf32, #tpu.memory_space<vmem>>, vector<1x16xf32>,
        %swap3A_678 = arith.index_cast %scan3A_228 : i32 to index
        %swap3A_679 = arith.constant 960 : index
        %swap3A_680 = tpu.vector_load %arg26[%swap3A_678, %swap3A_679] {strides = array<i32>} : memref<4x2048xf32, #tpu.memory_space<vmem>>, vector<1x16xf32>,
        %swap3A_681 = vector.shape_cast %swap3A_680 : vector<1x16xf32> to vector<16xf32>
        %swap3A_682 = vector.shape_cast %parallel_loop3A_567#22 : vector<16xf32> to vector<1x16xf32>
        tpu.vector_store %arg26[%swap3A_678, %swap3A_679], %swap3A_682 {strides = array<i32>} : memref<4x2048xf32, #tpu.memory_space<vmem>>, vector<1x16xf32>,
        %swap3A_683 = arith.index_cast %scan3A_228 : i32 to index
        %swap3A_684 = arith.constant 1088 : index
        %swap3A_685 = tpu.vector_load %arg26[%swap3A_683, %swap3A_684] {strides = array<i32>} : memref<4x2048xf32, #tpu.memory_space<vmem>>, vector<1x16xf32>,
        %swap3A_686 = vector.shape_cast %swap3A_685 : vector<1x16xf32> to vector<16xf32>
        %swap3A_687 = vector.shape_cast %parallel_loop3A_567#23 : vector<16xf32> to vector<1x16xf32>
        tpu.vector_store %arg26[%swap3A_683, %swap3A_684], %swap3A_687 {strides = array<i32>} : memref<4x2048xf32, #tpu.memory_space<vmem>>, vector<1x16xf32>,
        %swap3A_688 = arith.index_cast %scan3A_228 : i32 to index
        %swap3A_689 = arith.constant 1216 : index
        %swap3A_690 = tpu.vector_load %arg26[%swap3A_688, %swap3A_689] {strides = array<i32>} : memref<4x2048xf32, #tpu.memory_space<vmem>>, vector<1x16xf32>,
        %swap3A_691 = vector.shape_cast %swap3A_690 : vector<1x16xf32> to vector<16xf32>
        %swap3A_692 = vector.shape_cast %parallel_loop3A_567#24 : vector<16xf32> to vector<1x16xf32>
        tpu.vector_store %arg26[%swap3A_688, %swap3A_689], %swap3A_692 {strides = array<i32>} : memref<4x2048xf32, #tpu.memory_space<vmem>>, vector<1x16xf32>,
        %swap3A_693 = arith.index_cast %scan3A_228 : i32 to index
        %swap3A_694 = arith.constant 720 : index
        %swap3A_695 = tpu.vector_load %arg26[%swap3A_693, %swap3A_694] {strides = array<i32>} : memref<4x2048xf32, #tpu.memory_space<vmem>>, vector<1x16xf32>,
        %swap3A_696 = vector.shape_cast %swap3A_695 : vector<1x16xf32> to vector<16xf32>
        %swap3A_697 = vector.shape_cast %parallel_loop3A_567#25 : vector<16xf32> to vector<1x16xf32>
        tpu.vector_store %arg26[%swap3A_693, %swap3A_694], %swap3A_697 {strides = array<i32>} : memref<4x2048xf32, #tpu.memory_space<vmem>>, vector<1x16xf32>,
        %swap3A_698 = arith.index_cast %scan3A_228 : i32 to index
        %swap3A_699 = arith.constant 848 : index
        %swap3A_700 = tpu.vector_load %arg26[%swap3A_698, %swap3A_699] {strides = array<i32>} : memref<4x2048xf32, #tpu.memory_space<vmem>>, vector<1x16xf32>,
        %swap3A_701 = vector.shape_cast %swap3A_700 : vector<1x16xf32> to vector<16xf32>
        %swap3A_702 = vector.shape_cast %parallel_loop3A_567#26 : vector<16xf32> to vector<1x16xf32>
        tpu.vector_store %arg26[%swap3A_698, %swap3A_699], %swap3A_702 {strides = array<i32>} : memref<4x2048xf32, #tpu.memory_space<vmem>>, vector<1x16xf32>,
        %swap3A_703 = arith.index_cast %scan3A_228 : i32 to index
        %swap3A_704 = arith.constant 976 : index
        %swap3A_705 = tpu.vector_load %arg26[%swap3A_703, %swap3A_704] {strides = array<i32>} : memref<4x2048xf32, #tpu.memory_space<vmem>>, vector<1x16xf32>,
        %swap3A_706 = vector.shape_cast %swap3A_705 : vector<1x16xf32> to vector<16xf32>
        %swap3A_707 = vector.shape_cast %parallel_loop3A_567#27 : vector<16xf32> to vector<1x16xf32>
        tpu.vector_store %arg26[%swap3A_703, %swap3A_704], %swap3A_707 {strides = array<i32>} : memref<4x2048xf32, #tpu.memory_space<vmem>>, vector<1x16xf32>,
        %swap3A_708 = arith.index_cast %scan3A_228 : i32 to index
        %swap3A_709 = arith.constant 1104 : index
        %swap3A_710 = tpu.vector_load %arg26[%swap3A_708, %swap3A_709] {strides = array<i32>} : memref<4x2048xf32, #tpu.memory_space<vmem>>, vector<1x16xf32>,
        %swap3A_711 = vector.shape_cast %swap3A_710 : vector<1x16xf32> to vector<16xf32>
        %swap3A_712 = vector.shape_cast %parallel_loop3A_567#28 : vector<16xf32> to vector<1x16xf32>
        tpu.vector_store %arg26[%swap3A_708, %swap3A_709], %swap3A_712 {strides = array<i32>} : memref<4x2048xf32, #tpu.memory_space<vmem>>, vector<1x16xf32>,
        %swap3A_713 = arith.index_cast %scan3A_228 : i32 to index
        %swap3A_714 = arith.constant 1232 : index
        %swap3A_715 = tpu.vector_load %arg26[%swap3A_713, %swap3A_714] {strides = array<i32>} : memref<4x2048xf32, #tpu.memory_space<vmem>>, vector<1x16xf32>,
        %swap3A_716 = vector.shape_cast %swap3A_715 : vector<1x16xf32> to vector<16xf32>
        %swap3A_717 = vector.shape_cast %parallel_loop3A_567#29 : vector<16xf32> to vector<1x16xf32>
        tpu.vector_store %arg26[%swap3A_713, %swap3A_714], %swap3A_717 {strides = array<i32>} : memref<4x2048xf32, #tpu.memory_space<vmem>>, vector<1x16xf32>,
        %swap3A_718 = arith.index_cast %scan3A_228 : i32 to index
        %swap3A_719 = arith.constant 736 : index
        %swap3A_720 = tpu.vector_load %arg26[%swap3A_718, %swap3A_719] {strides = array<i32>} : memref<4x2048xf32, #tpu.memory_space<vmem>>, vector<1x16xf32>,
        %swap3A_721 = vector.shape_cast %swap3A_720 : vector<1x16xf32> to vector<16xf32>
        %swap3A_722 = vector.shape_cast %parallel_loop3A_567#30 : vector<16xf32> to vector<1x16xf32>
        tpu.vector_store %arg26[%swap3A_718, %swap3A_719], %swap3A_722 {strides = array<i32>} : memref<4x2048xf32, #tpu.memory_space<vmem>>, vector<1x16xf32>,
        %swap3A_723 = arith.index_cast %scan3A_228 : i32 to index
        %swap3A_724 = arith.constant 864 : index
        %swap3A_725 = tpu.vector_load %arg26[%swap3A_723, %swap3A_724] {strides = array<i32>} : memref<4x2048xf32, #tpu.memory_space<vmem>>, vector<1x16xf32>,
        %swap3A_726 = vector.shape_cast %swap3A_725 : vector<1x16xf32> to vector<16xf32>
        %swap3A_727 = vector.shape_cast %parallel_loop3A_567#31 : vector<16xf32> to vector<1x16xf32>
        tpu.vector_store %arg26[%swap3A_723, %swap3A_724], %swap3A_727 {strides = array<i32>} : memref<4x2048xf32, #tpu.memory_space<vmem>>, vector<1x16xf32>,
        %swap3A_728 = arith.index_cast %scan3A_228 : i32 to index
        %swap3A_729 = arith.constant 992 : index
        %swap3A_730 = tpu.vector_load %arg26[%swap3A_728, %swap3A_729] {strides = array<i32>} : memref<4x2048xf32, #tpu.memory_space<vmem>>, vector<1x16xf32>,
        %swap3A_731 = vector.shape_cast %swap3A_730 : vector<1x16xf32> to vector<16xf32>
        %swap3A_732 = vector.shape_cast %parallel_loop3A_567#32 : vector<16xf32> to vector<1x16xf32>
        tpu.vector_store %arg26[%swap3A_728, %swap3A_729], %swap3A_732 {strides = array<i32>} : memref<4x2048xf32, #tpu.memory_space<vmem>>, vector<1x16xf32>,
        %swap3A_733 = arith.index_cast %scan3A_228 : i32 to index
        %swap3A_734 = arith.constant 1120 : index
        %swap3A_735 = tpu.vector_load %arg26[%swap3A_733, %swap3A_734] {strides = array<i32>} : memref<4x2048xf32, #tpu.memory_space<vmem>>, vector<1x16xf32>,
        %swap3A_736 = vector.shape_cast %swap3A_735 : vector<1x16xf32> to vector<16xf32>
        %swap3A_737 = vector.shape_cast %parallel_loop3A_567#33 : vector<16xf32> to vector<1x16xf32>
        tpu.vector_store %arg26[%swap3A_733, %swap3A_734], %swap3A_737 {strides = array<i32>} : memref<4x2048xf32, #tpu.memory_space<vmem>>, vector<1x16xf32>,
        %swap3A_738 = arith.index_cast %scan3A_228 : i32 to index
        %swap3A_739 = arith.constant 1248 : index
        %swap3A_740 = tpu.vector_load %arg26[%swap3A_738, %swap3A_739] {strides = array<i32>} : memref<4x2048xf32, #tpu.memory_space<vmem>>, vector<1x16xf32>,
        %swap3A_741 = vector.shape_cast %swap3A_740 : vector<1x16xf32> to vector<16xf32>
        %swap3A_742 = vector.shape_cast %parallel_loop3A_567#34 : vector<16xf32> to vector<1x16xf32>
        tpu.vector_store %arg26[%swap3A_738, %swap3A_739], %swap3A_742 {strides = array<i32>} : memref<4x2048xf32, #tpu.memory_space<vmem>>, vector<1x16xf32>,
        %swap3A_743 = arith.index_cast %scan3A_228 : i32 to index
        %swap3A_744 = arith.constant 752 : index
        %swap3A_745 = tpu.vector_load %arg26[%swap3A_743, %swap3A_744] {strides = array<i32>} : memref<4x2048xf32, #tpu.memory_space<vmem>>, vector<1x16xf32>,
        %swap3A_746 = vector.shape_cast %swap3A_745 : vector<1x16xf32> to vector<16xf32>
        %swap3A_747 = vector.shape_cast %parallel_loop3A_567#35 : vector<16xf32> to vector<1x16xf32>
        tpu.vector_store %arg26[%swap3A_743, %swap3A_744], %swap3A_747 {strides = array<i32>} : memref<4x2048xf32, #tpu.memory_space<vmem>>, vector<1x16xf32>,
        %swap3A_748 = arith.index_cast %scan3A_228 : i32 to index
        %swap3A_749 = arith.constant 880 : index
        %swap3A_750 = tpu.vector_load %arg26[%swap3A_748, %swap3A_749] {strides = array<i32>} : memref<4x2048xf32, #tpu.memory_space<vmem>>, vector<1x16xf32>,
        %swap3A_751 = vector.shape_cast %swap3A_750 : vector<1x16xf32> to vector<16xf32>
        %swap3A_752 = vector.shape_cast %parallel_loop3A_567#36 : vector<16xf32> to vector<1x16xf32>
        tpu.vector_store %arg26[%swap3A_748, %swap3A_749], %swap3A_752 {strides = array<i32>} : memref<4x2048xf32, #tpu.memory_space<vmem>>, vector<1x16xf32>,
        %swap3A_753 = arith.index_cast %scan3A_228 : i32 to index
        %swap3A_754 = arith.constant 1008 : index
        %swap3A_755 = tpu.vector_load %arg26[%swap3A_753, %swap3A_754] {strides = array<i32>} : memref<4x2048xf32, #tpu.memory_space<vmem>>, vector<1x16xf32>,
        %swap3A_756 = vector.shape_cast %swap3A_755 : vector<1x16xf32> to vector<16xf32>
        %swap3A_757 = vector.shape_cast %parallel_loop3A_567#37 : vector<16xf32> to vector<1x16xf32>
        tpu.vector_store %arg26[%swap3A_753, %swap3A_754], %swap3A_757 {strides = array<i32>} : memref<4x2048xf32, #tpu.memory_space<vmem>>, vector<1x16xf32>,
        %swap3A_758 = arith.index_cast %scan3A_228 : i32 to index
        %swap3A_759 = arith.constant 1136 : index
        %swap3A_760 = tpu.vector_load %arg26[%swap3A_758, %swap3A_759] {strides = array<i32>} : memref<4x2048xf32, #tpu.memory_space<vmem>>, vector<1x16xf32>,
        %swap3A_761 = vector.shape_cast %swap3A_760 : vector<1x16xf32> to vector<16xf32>
        %swap3A_762 = vector.shape_cast %parallel_loop3A_567#38 : vector<16xf32> to vector<1x16xf32>
        tpu.vector_store %arg26[%swap3A_758, %swap3A_759], %swap3A_762 {strides = array<i32>} : memref<4x2048xf32, #tpu.memory_space<vmem>>, vector<1x16xf32>,
        %swap3A_763 = arith.index_cast %scan3A_228 : i32 to index
        %swap3A_764 = arith.constant 1264 : index
        %swap3A_765 = tpu.vector_load %arg26[%swap3A_763, %swap3A_764] {strides = array<i32>} : memref<4x2048xf32, #tpu.memory_space<vmem>>, vector<1x16xf32>,
        %swap3A_766 = vector.shape_cast %swap3A_765 : vector<1x16xf32> to vector<16xf32>
        %swap3A_767 = vector.shape_cast %parallel_loop3A_567#39 : vector<16xf32> to vector<1x16xf32>
        tpu.vector_store %arg26[%swap3A_763, %swap3A_764], %swap3A_767 {strides = array<i32>} : memref<4x2048xf32, #tpu.memory_space<vmem>>, vector<1x16xf32>,
        %parallel_loop3A_768 = arith.constant 0 : i32
        %parallel_loop3A_769 = arith.constant 32 : i32
        %parallel_loop3A_770 = arith.constant 1 : i32
        %parallel_loop3A_771:40 = scf.for %parallel_loop3A_973 = %parallel_loop3A_768 to %parallel_loop3A_769 step %parallel_loop3A_770 iter_args(%parallel_loop3A_974 = %broadcast_in_dim3A_265, %parallel_loop3A_975 = %broadcast_in_dim3A_265, %parallel_loop3A_976 = %broadcast_in_dim3A_265, %parallel_loop3A_977 = %broadcast_in_dim3A_265, %parallel_loop3A_978 = %broadcast_in_dim3A_265, %parallel_loop3A_979 = %broadcast_in_dim3A_265, %parallel_loop3A_980 = %broadcast_in_dim3A_265, %parallel_loop3A_981 = %broadcast_in_dim3A_265, %parallel_loop3A_982 = %broadcast_in_dim3A_265, %parallel_loop3A_983 = %broadcast_in_dim3A_265, %parallel_loop3A_984 = %broadcast_in_dim3A_265, %parallel_loop3A_985 = %broadcast_in_dim3A_265, %parallel_loop3A_986 = %broadcast_in_dim3A_265, %parallel_loop3A_987 = %broadcast_in_dim3A_265, %parallel_loop3A_988 = %broadcast_in_dim3A_265, %parallel_loop3A_989 = %broadcast_in_dim3A_265, %parallel_loop3A_990 = %broadcast_in_dim3A_265, %parallel_loop3A_991 = %broadcast_in_dim3A_265, %parallel_loop3A_992 = %broadcast_in_dim3A_265, %parallel_loop3A_993 = %broadcast_in_dim3A_265, %parallel_loop3A_994 = %broadcast_in_dim3A_265, %parallel_loop3A_995 = %broadcast_in_dim3A_265, %parallel_loop3A_996 = %broadcast_in_dim3A_265, %parallel_loop3A_997 = %broadcast_in_dim3A_265, %parallel_loop3A_998 = %broadcast_in_dim3A_265, %parallel_loop3A_999 = %broadcast_in_dim3A_265, %parallel_loop3A_1000 = %broadcast_in_dim3A_265, %parallel_loop3A_1001 = %broadcast_in_dim3A_265, %parallel_loop3A_1002 = %broadcast_in_dim3A_265, %parallel_loop3A_1003 = %broadcast_in_dim3A_265, %parallel_loop3A_1004 = %broadcast_in_dim3A_265, %parallel_loop3A_1005 = %broadcast_in_dim3A_265, %parallel_loop3A_1006 = %broadcast_in_dim3A_265, %parallel_loop3A_1007 = %broadcast_in_dim3A_265, %parallel_loop3A_1008 = %broadcast_in_dim3A_265, %parallel_loop3A_1009 = %broadcast_in_dim3A_265, %parallel_loop3A_1010 = %broadcast_in_dim3A_265, %parallel_loop3A_1011 = %broadcast_in_dim3A_265, %parallel_loop3A_1012 = %broadcast_in_dim3A_265, %parallel_loop3A_1013 = %broadcast_in_dim3A_265) -> (vector<16xf32>, vector<16xf32>, vector<16xf32>, vector<16xf32>, vector<16xf32>, vector<16xf32>, vector<16xf32>, vector<16xf32>, vector<16xf32>, vector<16xf32>, vector<16xf32>, vector<16xf32>, vector<16xf32>, vector<16xf32>, vector<16xf32>, vector<16xf32>, vector<16xf32>, vector<16xf32>, vector<16xf32>, vector<16xf32>, vector<16xf32>, vector<16xf32>, vector<16xf32>, vector<16xf32>, vector<16xf32>, vector<16xf32>, vector<16xf32>, vector<16xf32>, vector<16xf32>, vector<16xf32>, vector<16xf32>, vector<16xf32>, vector<16xf32>, vector<16xf32>, vector<16xf32>, vector<16xf32>, vector<16xf32>, vector<16xf32>, vector<16xf32>, vector<16xf32>)  : i32 {
          %parallel_loop3A_1014 = arith.addi %mul3A_263, %parallel_loop3A_973 : i32
          %parallel_loop3A_1015 = arith.index_cast %parallel_loop3A_973 : i32 to index
          %parallel_loop3A_1016 = arith.constant 0 : index
          %parallel_loop3A_1017 = tpu.vector_load %arg24[%parallel_loop3A_1015, %parallel_loop3A_1016] {strides = array<i32>} : memref<32x16xf32, #tpu.memory_space<vmem>>, vector<1x16xf32>,
          %parallel_loop3A_1018 = vector.shape_cast %parallel_loop3A_1017 : vector<1x16xf32> to vector<16xf32>
          %parallel_loop3A_1019 = arith.constant 0 : i32
          %parallel_loop3A_1020 = vector.broadcast %parallel_loop3A_1019 : i32 to vector<16xi32>
          %parallel_loop3A_1021 = arith.constant 10 : i32
          %parallel_loop3A_1022 = vector.broadcast %parallel_loop3A_1021 : i32 to vector<16xi32>
          %parallel_loop3A_1023 = arith.addi %parallel_loop3A_1020, %parallel_loop3A_1022 : vector<16xi32>
          %parallel_loop3A_1024 = vector.shape_cast %parallel_loop3A_1023 : vector<16xi32> to vector<16x1xi32>
          %parallel_loop3A_1025 = vector.shape_cast %parallel_loop3A_1024 : vector<16x1xi32> to vector<16xi32>
          %parallel_loop3A_1026 = tpu.dynamic_gather %parallel_loop3A_1018[%parallel_loop3A_1025] in [0] : vector<16xf32>, vector<16xi32> -> vector<16xf32>
          %parallel_loop3A_1027 = arith.constant 0 : i32
          %parallel_loop3A_1028 = vector.broadcast %parallel_loop3A_1027 : i32 to vector<16xi32>
          %parallel_loop3A_1029 = arith.constant 11 : i32
          %parallel_loop3A_1030 = vector.broadcast %parallel_loop3A_1029 : i32 to vector<16xi32>
          %parallel_loop3A_1031 = arith.addi %parallel_loop3A_1028, %parallel_loop3A_1030 : vector<16xi32>
          %parallel_loop3A_1032 = vector.shape_cast %parallel_loop3A_1031 : vector<16xi32> to vector<16x1xi32>
          %parallel_loop3A_1033 = vector.shape_cast %parallel_loop3A_1032 : vector<16x1xi32> to vector<16xi32>
          %parallel_loop3A_1034 = tpu.dynamic_gather %parallel_loop3A_1018[%parallel_loop3A_1033] in [0] : vector<16xf32>, vector<16xi32> -> vector<16xf32>
          %parallel_loop3A_1035 = arith.constant 0 : i32
          %parallel_loop3A_1036 = vector.broadcast %parallel_loop3A_1035 : i32 to vector<16xi32>
          %parallel_loop3A_1037 = arith.constant 12 : i32
          %parallel_loop3A_1038 = vector.broadcast %parallel_loop3A_1037 : i32 to vector<16xi32>
          %parallel_loop3A_1039 = arith.addi %parallel_loop3A_1036, %parallel_loop3A_1038 : vector<16xi32>
          %parallel_loop3A_1040 = vector.shape_cast %parallel_loop3A_1039 : vector<16xi32> to vector<16x1xi32>
          %parallel_loop3A_1041 = vector.shape_cast %parallel_loop3A_1040 : vector<16x1xi32> to vector<16xi32>
          %parallel_loop3A_1042 = tpu.dynamic_gather %parallel_loop3A_1018[%parallel_loop3A_1041] in [0] : vector<16xf32>, vector<16xi32> -> vector<16xf32>
          %parallel_loop3A_1043 = arith.constant 0 : i32
          %parallel_loop3A_1044 = vector.broadcast %parallel_loop3A_1043 : i32 to vector<16xi32>
          %parallel_loop3A_1045 = arith.constant 13 : i32
          %parallel_loop3A_1046 = vector.broadcast %parallel_loop3A_1045 : i32 to vector<16xi32>
          %parallel_loop3A_1047 = arith.addi %parallel_loop3A_1044, %parallel_loop3A_1046 : vector<16xi32>
          %parallel_loop3A_1048 = vector.shape_cast %parallel_loop3A_1047 : vector<16xi32> to vector<16x1xi32>
          %parallel_loop3A_1049 = vector.shape_cast %parallel_loop3A_1048 : vector<16x1xi32> to vector<16xi32>
          %parallel_loop3A_1050 = tpu.dynamic_gather %parallel_loop3A_1018[%parallel_loop3A_1049] in [0] : vector<16xf32>, vector<16xi32> -> vector<16xf32>
          %parallel_loop3A_1051 = arith.constant 0 : i32
          %parallel_loop3A_1052 = vector.broadcast %parallel_loop3A_1051 : i32 to vector<16xi32>
          %parallel_loop3A_1053 = arith.constant 14 : i32
          %parallel_loop3A_1054 = vector.broadcast %parallel_loop3A_1053 : i32 to vector<16xi32>
          %parallel_loop3A_1055 = arith.addi %parallel_loop3A_1052, %parallel_loop3A_1054 : vector<16xi32>
          %parallel_loop3A_1056 = vector.shape_cast %parallel_loop3A_1055 : vector<16xi32> to vector<16x1xi32>
          %parallel_loop3A_1057 = vector.shape_cast %parallel_loop3A_1056 : vector<16x1xi32> to vector<16xi32>
          %parallel_loop3A_1058 = tpu.dynamic_gather %parallel_loop3A_1018[%parallel_loop3A_1057] in [0] : vector<16xf32>, vector<16xi32> -> vector<16xf32>
          %parallel_loop3A_1059 = arith.index_cast %parallel_loop3A_1014 : i32 to index
          %parallel_loop3A_1060 = arith.constant 0 : index
          %parallel_loop3A_1061 = tpu.vector_load %arg15[%parallel_loop3A_1059, %parallel_loop3A_1060] {strides = array<i32>} : memref<128x128xf32, #tpu.memory_space<vmem>>, vector<1x16xf32>,
          %parallel_loop3A_1062 = vector.shape_cast %parallel_loop3A_1061 : vector<1x16xf32> to vector<16xf32>
          %parallel_loop3A_1063 = arith.mulf %parallel_loop3A_1026, %parallel_loop3A_1062 : vector<16xf32>
          %parallel_loop3A_1064 = arith.addf %parallel_loop3A_974, %parallel_loop3A_1063 : vector<16xf32>
          %parallel_loop3A_1065 = arith.mulf %parallel_loop3A_1034, %parallel_loop3A_1062 : vector<16xf32>
          %parallel_loop3A_1066 = arith.addf %parallel_loop3A_975, %parallel_loop3A_1065 : vector<16xf32>
          %parallel_loop3A_1067 = arith.mulf %parallel_loop3A_1042, %parallel_loop3A_1062 : vector<16xf32>
          %parallel_loop3A_1068 = arith.addf %parallel_loop3A_976, %parallel_loop3A_1067 : vector<16xf32>
          %parallel_loop3A_1069 = arith.mulf %parallel_loop3A_1050, %parallel_loop3A_1062 : vector<16xf32>
          %parallel_loop3A_1070 = arith.addf %parallel_loop3A_977, %parallel_loop3A_1069 : vector<16xf32>
          %parallel_loop3A_1071 = arith.mulf %parallel_loop3A_1058, %parallel_loop3A_1062 : vector<16xf32>
          %parallel_loop3A_1072 = arith.addf %parallel_loop3A_978, %parallel_loop3A_1071 : vector<16xf32>
          %parallel_loop3A_1073 = arith.index_cast %parallel_loop3A_1014 : i32 to index
          %parallel_loop3A_1074 = arith.constant 16 : index
          %parallel_loop3A_1075 = tpu.vector_load %arg15[%parallel_loop3A_1073, %parallel_loop3A_1074] {strides = array<i32>} : memref<128x128xf32, #tpu.memory_space<vmem>>, vector<1x16xf32>,
          %parallel_loop3A_1076 = vector.shape_cast %parallel_loop3A_1075 : vector<1x16xf32> to vector<16xf32>
          %parallel_loop3A_1077 = arith.mulf %parallel_loop3A_1026, %parallel_loop3A_1076 : vector<16xf32>
          %parallel_loop3A_1078 = arith.addf %parallel_loop3A_979, %parallel_loop3A_1077 : vector<16xf32>
          %parallel_loop3A_1079 = arith.mulf %parallel_loop3A_1034, %parallel_loop3A_1076 : vector<16xf32>
          %parallel_loop3A_1080 = arith.addf %parallel_loop3A_980, %parallel_loop3A_1079 : vector<16xf32>
          %parallel_loop3A_1081 = arith.mulf %parallel_loop3A_1042, %parallel_loop3A_1076 : vector<16xf32>
          %parallel_loop3A_1082 = arith.addf %parallel_loop3A_981, %parallel_loop3A_1081 : vector<16xf32>
          %parallel_loop3A_1083 = arith.mulf %parallel_loop3A_1050, %parallel_loop3A_1076 : vector<16xf32>
          %parallel_loop3A_1084 = arith.addf %parallel_loop3A_982, %parallel_loop3A_1083 : vector<16xf32>
          %parallel_loop3A_1085 = arith.mulf %parallel_loop3A_1058, %parallel_loop3A_1076 : vector<16xf32>
          %parallel_loop3A_1086 = arith.addf %parallel_loop3A_983, %parallel_loop3A_1085 : vector<16xf32>
          %parallel_loop3A_1087 = arith.index_cast %parallel_loop3A_1014 : i32 to index
          %parallel_loop3A_1088 = arith.constant 32 : index
          %parallel_loop3A_1089 = tpu.vector_load %arg15[%parallel_loop3A_1087, %parallel_loop3A_1088] {strides = array<i32>} : memref<128x128xf32, #tpu.memory_space<vmem>>, vector<1x16xf32>,
          %parallel_loop3A_1090 = vector.shape_cast %parallel_loop3A_1089 : vector<1x16xf32> to vector<16xf32>
          %parallel_loop3A_1091 = arith.mulf %parallel_loop3A_1026, %parallel_loop3A_1090 : vector<16xf32>
          %parallel_loop3A_1092 = arith.addf %parallel_loop3A_984, %parallel_loop3A_1091 : vector<16xf32>
          %parallel_loop3A_1093 = arith.mulf %parallel_loop3A_1034, %parallel_loop3A_1090 : vector<16xf32>
          %parallel_loop3A_1094 = arith.addf %parallel_loop3A_985, %parallel_loop3A_1093 : vector<16xf32>
          %parallel_loop3A_1095 = arith.mulf %parallel_loop3A_1042, %parallel_loop3A_1090 : vector<16xf32>
          %parallel_loop3A_1096 = arith.addf %parallel_loop3A_986, %parallel_loop3A_1095 : vector<16xf32>
          %parallel_loop3A_1097 = arith.mulf %parallel_loop3A_1050, %parallel_loop3A_1090 : vector<16xf32>
          %parallel_loop3A_1098 = arith.addf %parallel_loop3A_987, %parallel_loop3A_1097 : vector<16xf32>
          %parallel_loop3A_1099 = arith.mulf %parallel_loop3A_1058, %parallel_loop3A_1090 : vector<16xf32>
          %parallel_loop3A_1100 = arith.addf %parallel_loop3A_988, %parallel_loop3A_1099 : vector<16xf32>
          %parallel_loop3A_1101 = arith.index_cast %parallel_loop3A_1014 : i32 to index
          %parallel_loop3A_1102 = arith.constant 48 : index
          %parallel_loop3A_1103 = tpu.vector_load %arg15[%parallel_loop3A_1101, %parallel_loop3A_1102] {strides = array<i32>} : memref<128x128xf32, #tpu.memory_space<vmem>>, vector<1x16xf32>,
          %parallel_loop3A_1104 = vector.shape_cast %parallel_loop3A_1103 : vector<1x16xf32> to vector<16xf32>
          %parallel_loop3A_1105 = arith.mulf %parallel_loop3A_1026, %parallel_loop3A_1104 : vector<16xf32>
          %parallel_loop3A_1106 = arith.addf %parallel_loop3A_989, %parallel_loop3A_1105 : vector<16xf32>
          %parallel_loop3A_1107 = arith.mulf %parallel_loop3A_1034, %parallel_loop3A_1104 : vector<16xf32>
          %parallel_loop3A_1108 = arith.addf %parallel_loop3A_990, %parallel_loop3A_1107 : vector<16xf32>
          %parallel_loop3A_1109 = arith.mulf %parallel_loop3A_1042, %parallel_loop3A_1104 : vector<16xf32>
          %parallel_loop3A_1110 = arith.addf %parallel_loop3A_991, %parallel_loop3A_1109 : vector<16xf32>
          %parallel_loop3A_1111 = arith.mulf %parallel_loop3A_1050, %parallel_loop3A_1104 : vector<16xf32>
          %parallel_loop3A_1112 = arith.addf %parallel_loop3A_992, %parallel_loop3A_1111 : vector<16xf32>
          %parallel_loop3A_1113 = arith.mulf %parallel_loop3A_1058, %parallel_loop3A_1104 : vector<16xf32>
          %parallel_loop3A_1114 = arith.addf %parallel_loop3A_993, %parallel_loop3A_1113 : vector<16xf32>
          %parallel_loop3A_1115 = arith.index_cast %parallel_loop3A_1014 : i32 to index
          %parallel_loop3A_1116 = arith.constant 64 : index
          %parallel_loop3A_1117 = tpu.vector_load %arg15[%parallel_loop3A_1115, %parallel_loop3A_1116] {strides = array<i32>} : memref<128x128xf32, #tpu.memory_space<vmem>>, vector<1x16xf32>,
          %parallel_loop3A_1118 = vector.shape_cast %parallel_loop3A_1117 : vector<1x16xf32> to vector<16xf32>
          %parallel_loop3A_1119 = arith.mulf %parallel_loop3A_1026, %parallel_loop3A_1118 : vector<16xf32>
          %parallel_loop3A_1120 = arith.addf %parallel_loop3A_994, %parallel_loop3A_1119 : vector<16xf32>
          %parallel_loop3A_1121 = arith.mulf %parallel_loop3A_1034, %parallel_loop3A_1118 : vector<16xf32>
          %parallel_loop3A_1122 = arith.addf %parallel_loop3A_995, %parallel_loop3A_1121 : vector<16xf32>
          %parallel_loop3A_1123 = arith.mulf %parallel_loop3A_1042, %parallel_loop3A_1118 : vector<16xf32>
          %parallel_loop3A_1124 = arith.addf %parallel_loop3A_996, %parallel_loop3A_1123 : vector<16xf32>
          %parallel_loop3A_1125 = arith.mulf %parallel_loop3A_1050, %parallel_loop3A_1118 : vector<16xf32>
          %parallel_loop3A_1126 = arith.addf %parallel_loop3A_997, %parallel_loop3A_1125 : vector<16xf32>
          %parallel_loop3A_1127 = arith.mulf %parallel_loop3A_1058, %parallel_loop3A_1118 : vector<16xf32>
          %parallel_loop3A_1128 = arith.addf %parallel_loop3A_998, %parallel_loop3A_1127 : vector<16xf32>
          %parallel_loop3A_1129 = arith.index_cast %parallel_loop3A_1014 : i32 to index
          %parallel_loop3A_1130 = arith.constant 80 : index
          %parallel_loop3A_1131 = tpu.vector_load %arg15[%parallel_loop3A_1129, %parallel_loop3A_1130] {strides = array<i32>} : memref<128x128xf32, #tpu.memory_space<vmem>>, vector<1x16xf32>,
          %parallel_loop3A_1132 = vector.shape_cast %parallel_loop3A_1131 : vector<1x16xf32> to vector<16xf32>
          %parallel_loop3A_1133 = arith.mulf %parallel_loop3A_1026, %parallel_loop3A_1132 : vector<16xf32>
          %parallel_loop3A_1134 = arith.addf %parallel_loop3A_999, %parallel_loop3A_1133 : vector<16xf32>
          %parallel_loop3A_1135 = arith.mulf %parallel_loop3A_1034, %parallel_loop3A_1132 : vector<16xf32>
          %parallel_loop3A_1136 = arith.addf %parallel_loop3A_1000, %parallel_loop3A_1135 : vector<16xf32>
          %parallel_loop3A_1137 = arith.mulf %parallel_loop3A_1042, %parallel_loop3A_1132 : vector<16xf32>
          %parallel_loop3A_1138 = arith.addf %parallel_loop3A_1001, %parallel_loop3A_1137 : vector<16xf32>
          %parallel_loop3A_1139 = arith.mulf %parallel_loop3A_1050, %parallel_loop3A_1132 : vector<16xf32>
          %parallel_loop3A_1140 = arith.addf %parallel_loop3A_1002, %parallel_loop3A_1139 : vector<16xf32>
          %parallel_loop3A_1141 = arith.mulf %parallel_loop3A_1058, %parallel_loop3A_1132 : vector<16xf32>
          %parallel_loop3A_1142 = arith.addf %parallel_loop3A_1003, %parallel_loop3A_1141 : vector<16xf32>
          %parallel_loop3A_1143 = arith.index_cast %parallel_loop3A_1014 : i32 to index
          %parallel_loop3A_1144 = arith.constant 96 : index
          %parallel_loop3A_1145 = tpu.vector_load %arg15[%parallel_loop3A_1143, %parallel_loop3A_1144] {strides = array<i32>} : memref<128x128xf32, #tpu.memory_space<vmem>>, vector<1x16xf32>,
          %parallel_loop3A_1146 = vector.shape_cast %parallel_loop3A_1145 : vector<1x16xf32> to vector<16xf32>
          %parallel_loop3A_1147 = arith.mulf %parallel_loop3A_1026, %parallel_loop3A_1146 : vector<16xf32>
          %parallel_loop3A_1148 = arith.addf %parallel_loop3A_1004, %parallel_loop3A_1147 : vector<16xf32>
          %parallel_loop3A_1149 = arith.mulf %parallel_loop3A_1034, %parallel_loop3A_1146 : vector<16xf32>
          %parallel_loop3A_1150 = arith.addf %parallel_loop3A_1005, %parallel_loop3A_1149 : vector<16xf32>
          %parallel_loop3A_1151 = arith.mulf %parallel_loop3A_1042, %parallel_loop3A_1146 : vector<16xf32>
          %parallel_loop3A_1152 = arith.addf %parallel_loop3A_1006, %parallel_loop3A_1151 : vector<16xf32>
          %parallel_loop3A_1153 = arith.mulf %parallel_loop3A_1050, %parallel_loop3A_1146 : vector<16xf32>
          %parallel_loop3A_1154 = arith.addf %parallel_loop3A_1007, %parallel_loop3A_1153 : vector<16xf32>
          %parallel_loop3A_1155 = arith.mulf %parallel_loop3A_1058, %parallel_loop3A_1146 : vector<16xf32>
          %parallel_loop3A_1156 = arith.addf %parallel_loop3A_1008, %parallel_loop3A_1155 : vector<16xf32>
          %parallel_loop3A_1157 = arith.index_cast %parallel_loop3A_1014 : i32 to index
          %parallel_loop3A_1158 = arith.constant 112 : index
          %parallel_loop3A_1159 = tpu.vector_load %arg15[%parallel_loop3A_1157, %parallel_loop3A_1158] {strides = array<i32>} : memref<128x128xf32, #tpu.memory_space<vmem>>, vector<1x16xf32>,
          %parallel_loop3A_1160 = vector.shape_cast %parallel_loop3A_1159 : vector<1x16xf32> to vector<16xf32>
          %parallel_loop3A_1161 = arith.mulf %parallel_loop3A_1026, %parallel_loop3A_1160 : vector<16xf32>
          %parallel_loop3A_1162 = arith.addf %parallel_loop3A_1009, %parallel_loop3A_1161 : vector<16xf32>
          %parallel_loop3A_1163 = arith.mulf %parallel_loop3A_1034, %parallel_loop3A_1160 : vector<16xf32>
          %parallel_loop3A_1164 = arith.addf %parallel_loop3A_1010, %parallel_loop3A_1163 : vector<16xf32>
          %parallel_loop3A_1165 = arith.mulf %parallel_loop3A_1042, %parallel_loop3A_1160 : vector<16xf32>
          %parallel_loop3A_1166 = arith.addf %parallel_loop3A_1011, %parallel_loop3A_1165 : vector<16xf32>
          %parallel_loop3A_1167 = arith.mulf %parallel_loop3A_1050, %parallel_loop3A_1160 : vector<16xf32>
          %parallel_loop3A_1168 = arith.addf %parallel_loop3A_1012, %parallel_loop3A_1167 : vector<16xf32>
          %parallel_loop3A_1169 = arith.mulf %parallel_loop3A_1058, %parallel_loop3A_1160 : vector<16xf32>
          %parallel_loop3A_1170 = arith.addf %parallel_loop3A_1013, %parallel_loop3A_1169 : vector<16xf32>
          scf.yield %parallel_loop3A_1064, %parallel_loop3A_1066, %parallel_loop3A_1068, %parallel_loop3A_1070, %parallel_loop3A_1072, %parallel_loop3A_1078, %parallel_loop3A_1080, %parallel_loop3A_1082, %parallel_loop3A_1084, %parallel_loop3A_1086, %parallel_loop3A_1092, %parallel_loop3A_1094, %parallel_loop3A_1096, %parallel_loop3A_1098, %parallel_loop3A_1100, %parallel_loop3A_1106, %parallel_loop3A_1108, %parallel_loop3A_1110, %parallel_loop3A_1112, %parallel_loop3A_1114, %parallel_loop3A_1120, %parallel_loop3A_1122, %parallel_loop3A_1124, %parallel_loop3A_1126, %parallel_loop3A_1128, %parallel_loop3A_1134, %parallel_loop3A_1136, %parallel_loop3A_1138, %parallel_loop3A_1140, %parallel_loop3A_1142, %parallel_loop3A_1148, %parallel_loop3A_1150, %parallel_loop3A_1152, %parallel_loop3A_1154, %parallel_loop3A_1156, %parallel_loop3A_1162, %parallel_loop3A_1164, %parallel_loop3A_1166, %parallel_loop3A_1168, %parallel_loop3A_1170 : vector<16xf32>, vector<16xf32>, vector<16xf32>, vector<16xf32>, vector<16xf32>, vector<16xf32>, vector<16xf32>, vector<16xf32>, vector<16xf32>, vector<16xf32>, vector<16xf32>, vector<16xf32>, vector<16xf32>, vector<16xf32>, vector<16xf32>, vector<16xf32>, vector<16xf32>, vector<16xf32>, vector<16xf32>, vector<16xf32>, vector<16xf32>, vector<16xf32>, vector<16xf32>, vector<16xf32>, vector<16xf32>, vector<16xf32>, vector<16xf32>, vector<16xf32>, vector<16xf32>, vector<16xf32>, vector<16xf32>, vector<16xf32>, vector<16xf32>, vector<16xf32>, vector<16xf32>, vector<16xf32>, vector<16xf32>, vector<16xf32>, vector<16xf32>, vector<16xf32>
        } {sc.loop_unroll_factor = 1 : i64, sc.parallel_access}
        %swap3A_772 = arith.index_cast %scan3A_228 : i32 to index
        %swap3A_773 = arith.constant 1280 : index
        %swap3A_774 = tpu.vector_load %arg26[%swap3A_772, %swap3A_773] {strides = array<i32>} : memref<4x2048xf32, #tpu.memory_space<vmem>>, vector<1x16xf32>,
        %swap3A_775 = vector.shape_cast %swap3A_774 : vector<1x16xf32> to vector<16xf32>
        %swap3A_776 = vector.shape_cast %parallel_loop3A_771#0 : vector<16xf32> to vector<1x16xf32>
        tpu.vector_store %arg26[%swap3A_772, %swap3A_773], %swap3A_776 {strides = array<i32>} : memref<4x2048xf32, #tpu.memory_space<vmem>>, vector<1x16xf32>,
        %swap3A_777 = arith.index_cast %scan3A_228 : i32 to index
        %swap3A_778 = arith.constant 1408 : index
        %swap3A_779 = tpu.vector_load %arg26[%swap3A_777, %swap3A_778] {strides = array<i32>} : memref<4x2048xf32, #tpu.memory_space<vmem>>, vector<1x16xf32>,
        %swap3A_780 = vector.shape_cast %swap3A_779 : vector<1x16xf32> to vector<16xf32>
        %swap3A_781 = vector.shape_cast %parallel_loop3A_771#1 : vector<16xf32> to vector<1x16xf32>
        tpu.vector_store %arg26[%swap3A_777, %swap3A_778], %swap3A_781 {strides = array<i32>} : memref<4x2048xf32, #tpu.memory_space<vmem>>, vector<1x16xf32>,
        %swap3A_782 = arith.index_cast %scan3A_228 : i32 to index
        %swap3A_783 = arith.constant 1536 : index
        %swap3A_784 = tpu.vector_load %arg26[%swap3A_782, %swap3A_783] {strides = array<i32>} : memref<4x2048xf32, #tpu.memory_space<vmem>>, vector<1x16xf32>,
        %swap3A_785 = vector.shape_cast %swap3A_784 : vector<1x16xf32> to vector<16xf32>
        %swap3A_786 = vector.shape_cast %parallel_loop3A_771#2 : vector<16xf32> to vector<1x16xf32>
        tpu.vector_store %arg26[%swap3A_782, %swap3A_783], %swap3A_786 {strides = array<i32>} : memref<4x2048xf32, #tpu.memory_space<vmem>>, vector<1x16xf32>,
        %swap3A_787 = arith.index_cast %scan3A_228 : i32 to index
        %swap3A_788 = arith.constant 1664 : index
        %swap3A_789 = tpu.vector_load %arg26[%swap3A_787, %swap3A_788] {strides = array<i32>} : memref<4x2048xf32, #tpu.memory_space<vmem>>, vector<1x16xf32>,
        %swap3A_790 = vector.shape_cast %swap3A_789 : vector<1x16xf32> to vector<16xf32>
        %swap3A_791 = vector.shape_cast %parallel_loop3A_771#3 : vector<16xf32> to vector<1x16xf32>
        tpu.vector_store %arg26[%swap3A_787, %swap3A_788], %swap3A_791 {strides = array<i32>} : memref<4x2048xf32, #tpu.memory_space<vmem>>, vector<1x16xf32>,
        %swap3A_792 = arith.index_cast %scan3A_228 : i32 to index
        %swap3A_793 = arith.constant 1792 : index
        %swap3A_794 = tpu.vector_load %arg26[%swap3A_792, %swap3A_793] {strides = array<i32>} : memref<4x2048xf32, #tpu.memory_space<vmem>>, vector<1x16xf32>,
        %swap3A_795 = vector.shape_cast %swap3A_794 : vector<1x16xf32> to vector<16xf32>
        %swap3A_796 = vector.shape_cast %parallel_loop3A_771#4 : vector<16xf32> to vector<1x16xf32>
        tpu.vector_store %arg26[%swap3A_792, %swap3A_793], %swap3A_796 {strides = array<i32>} : memref<4x2048xf32, #tpu.memory_space<vmem>>, vector<1x16xf32>,
        %swap3A_797 = arith.index_cast %scan3A_228 : i32 to index
        %swap3A_798 = arith.constant 1296 : index
        %swap3A_799 = tpu.vector_load %arg26[%swap3A_797, %swap3A_798] {strides = array<i32>} : memref<4x2048xf32, #tpu.memory_space<vmem>>, vector<1x16xf32>,
        %swap3A_800 = vector.shape_cast %swap3A_799 : vector<1x16xf32> to vector<16xf32>
        %swap3A_801 = vector.shape_cast %parallel_loop3A_771#5 : vector<16xf32> to vector<1x16xf32>
        tpu.vector_store %arg26[%swap3A_797, %swap3A_798], %swap3A_801 {strides = array<i32>} : memref<4x2048xf32, #tpu.memory_space<vmem>>, vector<1x16xf32>,
        %swap3A_802 = arith.index_cast %scan3A_228 : i32 to index
        %swap3A_803 = arith.constant 1424 : index
        %swap3A_804 = tpu.vector_load %arg26[%swap3A_802, %swap3A_803] {strides = array<i32>} : memref<4x2048xf32, #tpu.memory_space<vmem>>, vector<1x16xf32>,
        %swap3A_805 = vector.shape_cast %swap3A_804 : vector<1x16xf32> to vector<16xf32>
        %swap3A_806 = vector.shape_cast %parallel_loop3A_771#6 : vector<16xf32> to vector<1x16xf32>
        tpu.vector_store %arg26[%swap3A_802, %swap3A_803], %swap3A_806 {strides = array<i32>} : memref<4x2048xf32, #tpu.memory_space<vmem>>, vector<1x16xf32>,
        %swap3A_807 = arith.index_cast %scan3A_228 : i32 to index
        %swap3A_808 = arith.constant 1552 : index
        %swap3A_809 = tpu.vector_load %arg26[%swap3A_807, %swap3A_808] {strides = array<i32>} : memref<4x2048xf32, #tpu.memory_space<vmem>>, vector<1x16xf32>,
        %swap3A_810 = vector.shape_cast %swap3A_809 : vector<1x16xf32> to vector<16xf32>
        %swap3A_811 = vector.shape_cast %parallel_loop3A_771#7 : vector<16xf32> to vector<1x16xf32>
        tpu.vector_store %arg26[%swap3A_807, %swap3A_808], %swap3A_811 {strides = array<i32>} : memref<4x2048xf32, #tpu.memory_space<vmem>>, vector<1x16xf32>,
        %swap3A_812 = arith.index_cast %scan3A_228 : i32 to index
        %swap3A_813 = arith.constant 1680 : index
        %swap3A_814 = tpu.vector_load %arg26[%swap3A_812, %swap3A_813] {strides = array<i32>} : memref<4x2048xf32, #tpu.memory_space<vmem>>, vector<1x16xf32>,
        %swap3A_815 = vector.shape_cast %swap3A_814 : vector<1x16xf32> to vector<16xf32>
        %swap3A_816 = vector.shape_cast %parallel_loop3A_771#8 : vector<16xf32> to vector<1x16xf32>
        tpu.vector_store %arg26[%swap3A_812, %swap3A_813], %swap3A_816 {strides = array<i32>} : memref<4x2048xf32, #tpu.memory_space<vmem>>, vector<1x16xf32>,
        %swap3A_817 = arith.index_cast %scan3A_228 : i32 to index
        %swap3A_818 = arith.constant 1808 : index
        %swap3A_819 = tpu.vector_load %arg26[%swap3A_817, %swap3A_818] {strides = array<i32>} : memref<4x2048xf32, #tpu.memory_space<vmem>>, vector<1x16xf32>,
        %swap3A_820 = vector.shape_cast %swap3A_819 : vector<1x16xf32> to vector<16xf32>
        %swap3A_821 = vector.shape_cast %parallel_loop3A_771#9 : vector<16xf32> to vector<1x16xf32>
        tpu.vector_store %arg26[%swap3A_817, %swap3A_818], %swap3A_821 {strides = array<i32>} : memref<4x2048xf32, #tpu.memory_space<vmem>>, vector<1x16xf32>,
        %swap3A_822 = arith.index_cast %scan3A_228 : i32 to index
        %swap3A_823 = arith.constant 1312 : index
        %swap3A_824 = tpu.vector_load %arg26[%swap3A_822, %swap3A_823] {strides = array<i32>} : memref<4x2048xf32, #tpu.memory_space<vmem>>, vector<1x16xf32>,
        %swap3A_825 = vector.shape_cast %swap3A_824 : vector<1x16xf32> to vector<16xf32>
        %swap3A_826 = vector.shape_cast %parallel_loop3A_771#10 : vector<16xf32> to vector<1x16xf32>
        tpu.vector_store %arg26[%swap3A_822, %swap3A_823], %swap3A_826 {strides = array<i32>} : memref<4x2048xf32, #tpu.memory_space<vmem>>, vector<1x16xf32>,
        %swap3A_827 = arith.index_cast %scan3A_228 : i32 to index
        %swap3A_828 = arith.constant 1440 : index
        %swap3A_829 = tpu.vector_load %arg26[%swap3A_827, %swap3A_828] {strides = array<i32>} : memref<4x2048xf32, #tpu.memory_space<vmem>>, vector<1x16xf32>,
        %swap3A_830 = vector.shape_cast %swap3A_829 : vector<1x16xf32> to vector<16xf32>
        %swap3A_831 = vector.shape_cast %parallel_loop3A_771#11 : vector<16xf32> to vector<1x16xf32>
        tpu.vector_store %arg26[%swap3A_827, %swap3A_828], %swap3A_831 {strides = array<i32>} : memref<4x2048xf32, #tpu.memory_space<vmem>>, vector<1x16xf32>,
        %swap3A_832 = arith.index_cast %scan3A_228 : i32 to index
        %swap3A_833 = arith.constant 1568 : index
        %swap3A_834 = tpu.vector_load %arg26[%swap3A_832, %swap3A_833] {strides = array<i32>} : memref<4x2048xf32, #tpu.memory_space<vmem>>, vector<1x16xf32>,
        %swap3A_835 = vector.shape_cast %swap3A_834 : vector<1x16xf32> to vector<16xf32>
        %swap3A_836 = vector.shape_cast %parallel_loop3A_771#12 : vector<16xf32> to vector<1x16xf32>
        tpu.vector_store %arg26[%swap3A_832, %swap3A_833], %swap3A_836 {strides = array<i32>} : memref<4x2048xf32, #tpu.memory_space<vmem>>, vector<1x16xf32>,
        %swap3A_837 = arith.index_cast %scan3A_228 : i32 to index
        %swap3A_838 = arith.constant 1696 : index
        %swap3A_839 = tpu.vector_load %arg26[%swap3A_837, %swap3A_838] {strides = array<i32>} : memref<4x2048xf32, #tpu.memory_space<vmem>>, vector<1x16xf32>,
        %swap3A_840 = vector.shape_cast %swap3A_839 : vector<1x16xf32> to vector<16xf32>
        %swap3A_841 = vector.shape_cast %parallel_loop3A_771#13 : vector<16xf32> to vector<1x16xf32>
        tpu.vector_store %arg26[%swap3A_837, %swap3A_838], %swap3A_841 {strides = array<i32>} : memref<4x2048xf32, #tpu.memory_space<vmem>>, vector<1x16xf32>,
        %swap3A_842 = arith.index_cast %scan3A_228 : i32 to index
        %swap3A_843 = arith.constant 1824 : index
        %swap3A_844 = tpu.vector_load %arg26[%swap3A_842, %swap3A_843] {strides = array<i32>} : memref<4x2048xf32, #tpu.memory_space<vmem>>, vector<1x16xf32>,
        %swap3A_845 = vector.shape_cast %swap3A_844 : vector<1x16xf32> to vector<16xf32>
        %swap3A_846 = vector.shape_cast %parallel_loop3A_771#14 : vector<16xf32> to vector<1x16xf32>
        tpu.vector_store %arg26[%swap3A_842, %swap3A_843], %swap3A_846 {strides = array<i32>} : memref<4x2048xf32, #tpu.memory_space<vmem>>, vector<1x16xf32>,
        %swap3A_847 = arith.index_cast %scan3A_228 : i32 to index
        %swap3A_848 = arith.constant 1328 : index
        %swap3A_849 = tpu.vector_load %arg26[%swap3A_847, %swap3A_848] {strides = array<i32>} : memref<4x2048xf32, #tpu.memory_space<vmem>>, vector<1x16xf32>,
        %swap3A_850 = vector.shape_cast %swap3A_849 : vector<1x16xf32> to vector<16xf32>
        %swap3A_851 = vector.shape_cast %parallel_loop3A_771#15 : vector<16xf32> to vector<1x16xf32>
        tpu.vector_store %arg26[%swap3A_847, %swap3A_848], %swap3A_851 {strides = array<i32>} : memref<4x2048xf32, #tpu.memory_space<vmem>>, vector<1x16xf32>,
        %swap3A_852 = arith.index_cast %scan3A_228 : i32 to index
        %swap3A_853 = arith.constant 1456 : index
        %swap3A_854 = tpu.vector_load %arg26[%swap3A_852, %swap3A_853] {strides = array<i32>} : memref<4x2048xf32, #tpu.memory_space<vmem>>, vector<1x16xf32>,
        %swap3A_855 = vector.shape_cast %swap3A_854 : vector<1x16xf32> to vector<16xf32>
        %swap3A_856 = vector.shape_cast %parallel_loop3A_771#16 : vector<16xf32> to vector<1x16xf32>
        tpu.vector_store %arg26[%swap3A_852, %swap3A_853], %swap3A_856 {strides = array<i32>} : memref<4x2048xf32, #tpu.memory_space<vmem>>, vector<1x16xf32>,
        %swap3A_857 = arith.index_cast %scan3A_228 : i32 to index
        %swap3A_858 = arith.constant 1584 : index
        %swap3A_859 = tpu.vector_load %arg26[%swap3A_857, %swap3A_858] {strides = array<i32>} : memref<4x2048xf32, #tpu.memory_space<vmem>>, vector<1x16xf32>,
        %swap3A_860 = vector.shape_cast %swap3A_859 : vector<1x16xf32> to vector<16xf32>
        %swap3A_861 = vector.shape_cast %parallel_loop3A_771#17 : vector<16xf32> to vector<1x16xf32>
        tpu.vector_store %arg26[%swap3A_857, %swap3A_858], %swap3A_861 {strides = array<i32>} : memref<4x2048xf32, #tpu.memory_space<vmem>>, vector<1x16xf32>,
        %swap3A_862 = arith.index_cast %scan3A_228 : i32 to index
        %swap3A_863 = arith.constant 1712 : index
        %swap3A_864 = tpu.vector_load %arg26[%swap3A_862, %swap3A_863] {strides = array<i32>} : memref<4x2048xf32, #tpu.memory_space<vmem>>, vector<1x16xf32>,
        %swap3A_865 = vector.shape_cast %swap3A_864 : vector<1x16xf32> to vector<16xf32>
        %swap3A_866 = vector.shape_cast %parallel_loop3A_771#18 : vector<16xf32> to vector<1x16xf32>
        tpu.vector_store %arg26[%swap3A_862, %swap3A_863], %swap3A_866 {strides = array<i32>} : memref<4x2048xf32, #tpu.memory_space<vmem>>, vector<1x16xf32>,
        %swap3A_867 = arith.index_cast %scan3A_228 : i32 to index
        %swap3A_868 = arith.constant 1840 : index
        %swap3A_869 = tpu.vector_load %arg26[%swap3A_867, %swap3A_868] {strides = array<i32>} : memref<4x2048xf32, #tpu.memory_space<vmem>>, vector<1x16xf32>,
        %swap3A_870 = vector.shape_cast %swap3A_869 : vector<1x16xf32> to vector<16xf32>
        %swap3A_871 = vector.shape_cast %parallel_loop3A_771#19 : vector<16xf32> to vector<1x16xf32>
        tpu.vector_store %arg26[%swap3A_867, %swap3A_868], %swap3A_871 {strides = array<i32>} : memref<4x2048xf32, #tpu.memory_space<vmem>>, vector<1x16xf32>,
        %swap3A_872 = arith.index_cast %scan3A_228 : i32 to index
        %swap3A_873 = arith.constant 1344 : index
        %swap3A_874 = tpu.vector_load %arg26[%swap3A_872, %swap3A_873] {strides = array<i32>} : memref<4x2048xf32, #tpu.memory_space<vmem>>, vector<1x16xf32>,
        %swap3A_875 = vector.shape_cast %swap3A_874 : vector<1x16xf32> to vector<16xf32>
        %swap3A_876 = vector.shape_cast %parallel_loop3A_771#20 : vector<16xf32> to vector<1x16xf32>
        tpu.vector_store %arg26[%swap3A_872, %swap3A_873], %swap3A_876 {strides = array<i32>} : memref<4x2048xf32, #tpu.memory_space<vmem>>, vector<1x16xf32>,
        %swap3A_877 = arith.index_cast %scan3A_228 : i32 to index
        %swap3A_878 = arith.constant 1472 : index
        %swap3A_879 = tpu.vector_load %arg26[%swap3A_877, %swap3A_878] {strides = array<i32>} : memref<4x2048xf32, #tpu.memory_space<vmem>>, vector<1x16xf32>,
        %swap3A_880 = vector.shape_cast %swap3A_879 : vector<1x16xf32> to vector<16xf32>
        %swap3A_881 = vector.shape_cast %parallel_loop3A_771#21 : vector<16xf32> to vector<1x16xf32>
        tpu.vector_store %arg26[%swap3A_877, %swap3A_878], %swap3A_881 {strides = array<i32>} : memref<4x2048xf32, #tpu.memory_space<vmem>>, vector<1x16xf32>,
        %swap3A_882 = arith.index_cast %scan3A_228 : i32 to index
        %swap3A_883 = arith.constant 1600 : index
        %swap3A_884 = tpu.vector_load %arg26[%swap3A_882, %swap3A_883] {strides = array<i32>} : memref<4x2048xf32, #tpu.memory_space<vmem>>, vector<1x16xf32>,
        %swap3A_885 = vector.shape_cast %swap3A_884 : vector<1x16xf32> to vector<16xf32>
        %swap3A_886 = vector.shape_cast %parallel_loop3A_771#22 : vector<16xf32> to vector<1x16xf32>
        tpu.vector_store %arg26[%swap3A_882, %swap3A_883], %swap3A_886 {strides = array<i32>} : memref<4x2048xf32, #tpu.memory_space<vmem>>, vector<1x16xf32>,
        %swap3A_887 = arith.index_cast %scan3A_228 : i32 to index
        %swap3A_888 = arith.constant 1728 : index
        %swap3A_889 = tpu.vector_load %arg26[%swap3A_887, %swap3A_888] {strides = array<i32>} : memref<4x2048xf32, #tpu.memory_space<vmem>>, vector<1x16xf32>,
        %swap3A_890 = vector.shape_cast %swap3A_889 : vector<1x16xf32> to vector<16xf32>
        %swap3A_891 = vector.shape_cast %parallel_loop3A_771#23 : vector<16xf32> to vector<1x16xf32>
        tpu.vector_store %arg26[%swap3A_887, %swap3A_888], %swap3A_891 {strides = array<i32>} : memref<4x2048xf32, #tpu.memory_space<vmem>>, vector<1x16xf32>,
        %swap3A_892 = arith.index_cast %scan3A_228 : i32 to index
        %swap3A_893 = arith.constant 1856 : index
        %swap3A_894 = tpu.vector_load %arg26[%swap3A_892, %swap3A_893] {strides = array<i32>} : memref<4x2048xf32, #tpu.memory_space<vmem>>, vector<1x16xf32>,
        %swap3A_895 = vector.shape_cast %swap3A_894 : vector<1x16xf32> to vector<16xf32>
        %swap3A_896 = vector.shape_cast %parallel_loop3A_771#24 : vector<16xf32> to vector<1x16xf32>
        tpu.vector_store %arg26[%swap3A_892, %swap3A_893], %swap3A_896 {strides = array<i32>} : memref<4x2048xf32, #tpu.memory_space<vmem>>, vector<1x16xf32>,
        %swap3A_897 = arith.index_cast %scan3A_228 : i32 to index
        %swap3A_898 = arith.constant 1360 : index
        %swap3A_899 = tpu.vector_load %arg26[%swap3A_897, %swap3A_898] {strides = array<i32>} : memref<4x2048xf32, #tpu.memory_space<vmem>>, vector<1x16xf32>,
        %swap3A_900 = vector.shape_cast %swap3A_899 : vector<1x16xf32> to vector<16xf32>
        %swap3A_901 = vector.shape_cast %parallel_loop3A_771#25 : vector<16xf32> to vector<1x16xf32>
        tpu.vector_store %arg26[%swap3A_897, %swap3A_898], %swap3A_901 {strides = array<i32>} : memref<4x2048xf32, #tpu.memory_space<vmem>>, vector<1x16xf32>,
        %swap3A_902 = arith.index_cast %scan3A_228 : i32 to index
        %swap3A_903 = arith.constant 1488 : index
        %swap3A_904 = tpu.vector_load %arg26[%swap3A_902, %swap3A_903] {strides = array<i32>} : memref<4x2048xf32, #tpu.memory_space<vmem>>, vector<1x16xf32>,
        %swap3A_905 = vector.shape_cast %swap3A_904 : vector<1x16xf32> to vector<16xf32>
        %swap3A_906 = vector.shape_cast %parallel_loop3A_771#26 : vector<16xf32> to vector<1x16xf32>
        tpu.vector_store %arg26[%swap3A_902, %swap3A_903], %swap3A_906 {strides = array<i32>} : memref<4x2048xf32, #tpu.memory_space<vmem>>, vector<1x16xf32>,
        %swap3A_907 = arith.index_cast %scan3A_228 : i32 to index
        %swap3A_908 = arith.constant 1616 : index
        %swap3A_909 = tpu.vector_load %arg26[%swap3A_907, %swap3A_908] {strides = array<i32>} : memref<4x2048xf32, #tpu.memory_space<vmem>>, vector<1x16xf32>,
        %swap3A_910 = vector.shape_cast %swap3A_909 : vector<1x16xf32> to vector<16xf32>
        %swap3A_911 = vector.shape_cast %parallel_loop3A_771#27 : vector<16xf32> to vector<1x16xf32>
        tpu.vector_store %arg26[%swap3A_907, %swap3A_908], %swap3A_911 {strides = array<i32>} : memref<4x2048xf32, #tpu.memory_space<vmem>>, vector<1x16xf32>,
        %swap3A_912 = arith.index_cast %scan3A_228 : i32 to index
        %swap3A_913 = arith.constant 1744 : index
        %swap3A_914 = tpu.vector_load %arg26[%swap3A_912, %swap3A_913] {strides = array<i32>} : memref<4x2048xf32, #tpu.memory_space<vmem>>, vector<1x16xf32>,
        %swap3A_915 = vector.shape_cast %swap3A_914 : vector<1x16xf32> to vector<16xf32>
        %swap3A_916 = vector.shape_cast %parallel_loop3A_771#28 : vector<16xf32> to vector<1x16xf32>
        tpu.vector_store %arg26[%swap3A_912, %swap3A_913], %swap3A_916 {strides = array<i32>} : memref<4x2048xf32, #tpu.memory_space<vmem>>, vector<1x16xf32>,
        %swap3A_917 = arith.index_cast %scan3A_228 : i32 to index
        %swap3A_918 = arith.constant 1872 : index
        %swap3A_919 = tpu.vector_load %arg26[%swap3A_917, %swap3A_918] {strides = array<i32>} : memref<4x2048xf32, #tpu.memory_space<vmem>>, vector<1x16xf32>,
        %swap3A_920 = vector.shape_cast %swap3A_919 : vector<1x16xf32> to vector<16xf32>
        %swap3A_921 = vector.shape_cast %parallel_loop3A_771#29 : vector<16xf32> to vector<1x16xf32>
        tpu.vector_store %arg26[%swap3A_917, %swap3A_918], %swap3A_921 {strides = array<i32>} : memref<4x2048xf32, #tpu.memory_space<vmem>>, vector<1x16xf32>,
        %swap3A_922 = arith.index_cast %scan3A_228 : i32 to index
        %swap3A_923 = arith.constant 1376 : index
        %swap3A_924 = tpu.vector_load %arg26[%swap3A_922, %swap3A_923] {strides = array<i32>} : memref<4x2048xf32, #tpu.memory_space<vmem>>, vector<1x16xf32>,
        %swap3A_925 = vector.shape_cast %swap3A_924 : vector<1x16xf32> to vector<16xf32>
        %swap3A_926 = vector.shape_cast %parallel_loop3A_771#30 : vector<16xf32> to vector<1x16xf32>
        tpu.vector_store %arg26[%swap3A_922, %swap3A_923], %swap3A_926 {strides = array<i32>} : memref<4x2048xf32, #tpu.memory_space<vmem>>, vector<1x16xf32>,
        %swap3A_927 = arith.index_cast %scan3A_228 : i32 to index
        %swap3A_928 = arith.constant 1504 : index
        %swap3A_929 = tpu.vector_load %arg26[%swap3A_927, %swap3A_928] {strides = array<i32>} : memref<4x2048xf32, #tpu.memory_space<vmem>>, vector<1x16xf32>,
        %swap3A_930 = vector.shape_cast %swap3A_929 : vector<1x16xf32> to vector<16xf32>
        %swap3A_931 = vector.shape_cast %parallel_loop3A_771#31 : vector<16xf32> to vector<1x16xf32>
        tpu.vector_store %arg26[%swap3A_927, %swap3A_928], %swap3A_931 {strides = array<i32>} : memref<4x2048xf32, #tpu.memory_space<vmem>>, vector<1x16xf32>,
        %swap3A_932 = arith.index_cast %scan3A_228 : i32 to index
        %swap3A_933 = arith.constant 1632 : index
        %swap3A_934 = tpu.vector_load %arg26[%swap3A_932, %swap3A_933] {strides = array<i32>} : memref<4x2048xf32, #tpu.memory_space<vmem>>, vector<1x16xf32>,
        %swap3A_935 = vector.shape_cast %swap3A_934 : vector<1x16xf32> to vector<16xf32>
        %swap3A_936 = vector.shape_cast %parallel_loop3A_771#32 : vector<16xf32> to vector<1x16xf32>
        tpu.vector_store %arg26[%swap3A_932, %swap3A_933], %swap3A_936 {strides = array<i32>} : memref<4x2048xf32, #tpu.memory_space<vmem>>, vector<1x16xf32>,
        %swap3A_937 = arith.index_cast %scan3A_228 : i32 to index
        %swap3A_938 = arith.constant 1760 : index
        %swap3A_939 = tpu.vector_load %arg26[%swap3A_937, %swap3A_938] {strides = array<i32>} : memref<4x2048xf32, #tpu.memory_space<vmem>>, vector<1x16xf32>,
        %swap3A_940 = vector.shape_cast %swap3A_939 : vector<1x16xf32> to vector<16xf32>
        %swap3A_941 = vector.shape_cast %parallel_loop3A_771#33 : vector<16xf32> to vector<1x16xf32>
        tpu.vector_store %arg26[%swap3A_937, %swap3A_938], %swap3A_941 {strides = array<i32>} : memref<4x2048xf32, #tpu.memory_space<vmem>>, vector<1x16xf32>,
        %swap3A_942 = arith.index_cast %scan3A_228 : i32 to index
        %swap3A_943 = arith.constant 1888 : index
        %swap3A_944 = tpu.vector_load %arg26[%swap3A_942, %swap3A_943] {strides = array<i32>} : memref<4x2048xf32, #tpu.memory_space<vmem>>, vector<1x16xf32>,
        %swap3A_945 = vector.shape_cast %swap3A_944 : vector<1x16xf32> to vector<16xf32>
        %swap3A_946 = vector.shape_cast %parallel_loop3A_771#34 : vector<16xf32> to vector<1x16xf32>
        tpu.vector_store %arg26[%swap3A_942, %swap3A_943], %swap3A_946 {strides = array<i32>} : memref<4x2048xf32, #tpu.memory_space<vmem>>, vector<1x16xf32>,
        %swap3A_947 = arith.index_cast %scan3A_228 : i32 to index
        %swap3A_948 = arith.constant 1392 : index
        %swap3A_949 = tpu.vector_load %arg26[%swap3A_947, %swap3A_948] {strides = array<i32>} : memref<4x2048xf32, #tpu.memory_space<vmem>>, vector<1x16xf32>,
        %swap3A_950 = vector.shape_cast %swap3A_949 : vector<1x16xf32> to vector<16xf32>
        %swap3A_951 = vector.shape_cast %parallel_loop3A_771#35 : vector<16xf32> to vector<1x16xf32>
        tpu.vector_store %arg26[%swap3A_947, %swap3A_948], %swap3A_951 {strides = array<i32>} : memref<4x2048xf32, #tpu.memory_space<vmem>>, vector<1x16xf32>,
        %swap3A_952 = arith.index_cast %scan3A_228 : i32 to index
        %swap3A_953 = arith.constant 1520 : index
        %swap3A_954 = tpu.vector_load %arg26[%swap3A_952, %swap3A_953] {strides = array<i32>} : memref<4x2048xf32, #tpu.memory_space<vmem>>, vector<1x16xf32>,
        %swap3A_955 = vector.shape_cast %swap3A_954 : vector<1x16xf32> to vector<16xf32>
        %swap3A_956 = vector.shape_cast %parallel_loop3A_771#36 : vector<16xf32> to vector<1x16xf32>
        tpu.vector_store %arg26[%swap3A_952, %swap3A_953], %swap3A_956 {strides = array<i32>} : memref<4x2048xf32, #tpu.memory_space<vmem>>, vector<1x16xf32>,
        %swap3A_957 = arith.index_cast %scan3A_228 : i32 to index
        %swap3A_958 = arith.constant 1648 : index
        %swap3A_959 = tpu.vector_load %arg26[%swap3A_957, %swap3A_958] {strides = array<i32>} : memref<4x2048xf32, #tpu.memory_space<vmem>>, vector<1x16xf32>,
        %swap3A_960 = vector.shape_cast %swap3A_959 : vector<1x16xf32> to vector<16xf32>
        %swap3A_961 = vector.shape_cast %parallel_loop3A_771#37 : vector<16xf32> to vector<1x16xf32>
        tpu.vector_store %arg26[%swap3A_957, %swap3A_958], %swap3A_961 {strides = array<i32>} : memref<4x2048xf32, #tpu.memory_space<vmem>>, vector<1x16xf32>,
        %swap3A_962 = arith.index_cast %scan3A_228 : i32 to index
        %swap3A_963 = arith.constant 1776 : index
        %swap3A_964 = tpu.vector_load %arg26[%swap3A_962, %swap3A_963] {strides = array<i32>} : memref<4x2048xf32, #tpu.memory_space<vmem>>, vector<1x16xf32>,
        %swap3A_965 = vector.shape_cast %swap3A_964 : vector<1x16xf32> to vector<16xf32>
        %swap3A_966 = vector.shape_cast %parallel_loop3A_771#38 : vector<16xf32> to vector<1x16xf32>
        tpu.vector_store %arg26[%swap3A_962, %swap3A_963], %swap3A_966 {strides = array<i32>} : memref<4x2048xf32, #tpu.memory_space<vmem>>, vector<1x16xf32>,
        %swap3A_967 = arith.index_cast %scan3A_228 : i32 to index
        %swap3A_968 = arith.constant 1904 : index
        %swap3A_969 = tpu.vector_load %arg26[%swap3A_967, %swap3A_968] {strides = array<i32>} : memref<4x2048xf32, #tpu.memory_space<vmem>>, vector<1x16xf32>,
        %swap3A_970 = vector.shape_cast %swap3A_969 : vector<1x16xf32> to vector<16xf32>
        %swap3A_971 = vector.shape_cast %parallel_loop3A_771#39 : vector<16xf32> to vector<1x16xf32>
        tpu.vector_store %arg26[%swap3A_967, %swap3A_968], %swap3A_971 {strides = array<i32>} : memref<4x2048xf32, #tpu.memory_space<vmem>>, vector<1x16xf32>,
        %scan3A_972 = arith.constant 0 : i32
        scf.yield %scan3A_972 : i32
      }
      %scan3A_219 = arith.constant 4 : i32
      %mul3A_220 = arith.constant 4 : i32
      %mul3A_221 = arith.muli %add3A_207, %mul3A_220 : i32
      %add3A_222 = arith.addi %mul3A_2, %mul3A_221 : i32
      %dma_start3A_223 = arith.constant 0 : i32
      %dma_start3A_224 = tpu.memref_slice %arg10[%add3A_222, %dma_start3A_223] : memref<10240x2048xf32, #tpu.memory_space<hbm>> -> memref<4x2048xf32, #tpu.memory_space<hbm>>
      %dma_start3A_225 = arith.constant 0 : i32
      %dma_start3A_226 = tpu.memref_slice %arg10[%add3A_222, %dma_start3A_225] : memref<10240x2048xf32, #tpu.memory_space<hbm>> -> memref<4x2048xf32, #tpu.memory_space<hbm>>
      tpu.enqueue_dma source(%arg26 : memref<4x2048xf32, #tpu.memory_space<vmem>>) target(%dma_start3A_226 : memref<4x2048xf32, #tpu.memory_space<hbm>>) target_semaphore(%arg30 : memref<!tpu.dma_semaphore, #tpu.memory_space<semaphore_mem>>)
      %scan3A_227 = arith.constant 0 : i32
      scf.yield %scan3A_227 : i32
    }
    %scan3A_62 = arith.constant 40 : i32
    %add3A_63 = arith.constant 312 : i32
    %add3A_64 = arith.addi %mul3A_2, %add3A_63 : i32
    %dma_wait3A = arith.constant 0 : i32
    %dma_wait3A_65 = tpu.memref_slice %arg10[%add3A_64, %dma_wait3A] : memref<10240x2048xf32, #tpu.memory_space<hbm>> -> memref<4x2048xf32, #tpu.memory_space<hbm>>
    %dma_wait3A_66 = arith.constant 0 : i32
    %dma_wait3A_67 = tpu.memref_slice %arg10[%add3A_64, %dma_wait3A_66] : memref<10240x2048xf32, #tpu.memory_space<hbm>> -> memref<4x2048xf32, #tpu.memory_space<hbm>>
    tpu.wait_dma2 semaphore(%arg29 : memref<!tpu.dma_semaphore, #tpu.memory_space<semaphore_mem>>) src(%arg25 : memref<4x2048xf32, #tpu.memory_space<vmem>>) dst(%dma_wait3A_67 : memref<4x2048xf32, #tpu.memory_space<hbm>>)
    %add3A_68 = arith.constant 316 : i32
    %add3A_69 = arith.addi %mul3A_2, %add3A_68 : i32
    %dma_wait3A_70 = arith.constant 0 : i32
    %dma_wait3A_71 = tpu.memref_slice %arg10[%add3A_69, %dma_wait3A_70] : memref<10240x2048xf32, #tpu.memory_space<hbm>> -> memref<4x2048xf32, #tpu.memory_space<hbm>>
    %dma_wait3A_72 = arith.constant 0 : i32
    %dma_wait3A_73 = tpu.memref_slice %arg10[%add3A_69, %dma_wait3A_72] : memref<10240x2048xf32, #tpu.memory_space<hbm>> -> memref<4x2048xf32, #tpu.memory_space<hbm>>
    tpu.wait_dma2 semaphore(%arg30 : memref<!tpu.dma_semaphore, #tpu.memory_space<semaphore_mem>>) src(%arg26 : memref<4x2048xf32, #tpu.memory_space<vmem>>) dst(%dma_wait3A_73 : memref<4x2048xf32, #tpu.memory_space<hbm>>)
    return
  }
}

module attributes {stable_mosaic.version = 14 : i64} {
  func.func @mm(%arg0: i32, %arg1: memref<512x2048xf32, #tpu.memory_space<vmem>>, %arg2: memref<1920x128xf32, #tpu.memory_space<vmem>>, %arg3: memref<512x128xf32, #tpu.memory_space<vmem>>) attributes {dimension_semantics = [#tpu.dimension_semantics<arbitrary>], iteration_bounds = array<i64: 20>, scalar_prefetch = 0 : i64, scratch_operands = 0 : i64, tpu.core_type = #tpu.core_type<tc>, window_params = [{transform_indices = @transform_0, window_bounds = array<i64: 512, 2048>}, {pipeline_mode = #tpu.pipeline_mode<synchronous>, transform_indices = @transform_1, window_bounds = array<i64: 1920, 128>}, {transform_indices = @transform_2, window_bounds = array<i64: 512, 128>}]} {
    %get3A = arith.constant 0 : index
    %get3A_0 = arith.constant 0 : index
    %get3A_1 = vector.load %arg1[%get3A, %get3A_0] : memref<512x2048xf32, #tpu.memory_space<vmem>>, vector<512x1920xf32>
    %get3A_2 = arith.constant 0 : index
    %get3A_3 = arith.constant 0 : index
    %get3A_4 = vector.load %arg2[%get3A_2, %get3A_3] : memref<1920x128xf32, #tpu.memory_space<vmem>>, vector<1920x128xf32>
    %dot_general3A = arith.constant dense<0.000000e+00> : vector<512x128xf32>
    %dot_general3A_5 = tpu.matmul %get3A_1, %get3A_4, %dot_general3A {dimension_numbers = #tpu.dot_dimension_numbers<[1], [0], [0], [1], [0, 0, 1, 1], [], []>, transpose_lhs_hint = false} : vector<512x1920xf32>, vector<1920x128xf32>, vector<512x128xf32> -> vector<512x128xf32>
    %get3A_6 = arith.constant 0 : index
    %get3A_7 = arith.constant 1920 : index
    %get3A_8 = vector.load %arg1[%get3A_6, %get3A_7] : memref<512x2048xf32, #tpu.memory_space<vmem>>, vector<512x1xf32>
    %mul3A = vector.broadcast %get3A_8 : vector<512x1xf32> to vector<512x128xf32>
    %mul3A_9 = arith.mulf %dot_general3A_5, %mul3A : vector<512x128xf32>
    %swap3A = arith.constant 0 : index
    %swap3A_10 = arith.constant 0 : index
    %swap3A_11 = vector.load %arg3[%swap3A, %swap3A_10] : memref<512x128xf32, #tpu.memory_space<vmem>>, vector<512x128xf32>
    tpu.vector_store %arg3[%swap3A, %swap3A_10], %mul3A_9 {strides = array<i32>} : memref<512x128xf32, #tpu.memory_space<vmem>>, vector<512x128xf32>,
    return
  }
  func.func @transform_0(%arg0: i32) -> (i32, i32) {
    %c0_i32 = arith.constant 0 : i32
    %c0_i32_0 = arith.constant 0 : i32
    return %arg0, %c0_i32 : i32, i32
  }
  func.func @transform_1(%arg0: i32) -> (i32, i32) {
    %c0_i32 = arith.constant 0 : i32
    %c0_i32_0 = arith.constant 0 : i32
    %c0_i32_1 = arith.constant 0 : i32
    return %c0_i32, %c0_i32_0 : i32, i32
  }
  func.func @transform_2(%arg0: i32) -> (i32, i32) {
    %c0_i32 = arith.constant 0 : i32
    %c0_i32_0 = arith.constant 0 : i32
    return %arg0, %c0_i32 : i32, i32
  }
}

</mosaic_0001>

<sc_bundles>
// kernel: kernel.4.cloned.1.call-start
scs
__scs_entry_jumppad:
0x0: {  	(pc) =	sbr.rel $0x88, $3  }
0x1: {  	(tag) =	ssettag $0x0;
	lr =	simm.s32 $0x1  }
0x2: {  	[smem:$0x3F9B] =	sst lr;
	_ =	strace $0xD0000000  }
0x3: {  	_ = 	snop  }
0x4: {  	_ = 	snop  }
0x5: {  	_ = 	snop  }
0x6: {  	_ = 	snop  }
0x7: {  	_ = 	snop  }
__scs_overlays_trampoline_lowered:
0x8: {  	[smem:$0x3FAA] =	sst s0  }
0x9: {  	[smem:$0x3FAB] =	sst s1  }
0xa: {  	[smem:$0x3FAC] =	sst s2  }
0xb: {  	[smem:$0x3FAD] =	sst s3  }
0xc: {  	[smem:$0x3FAE] =	sst s4  }
0xd: {  	[smem:$0x3FAF] =	sst s5  }
0xe: {  	[smem:$0x3FB0] =	sst s6  }
0xf: {  	[smem:$0x3FB1] =	sst s7  }
0x10: {  	[smem:$0x3FB2] =	sst s8  }
0x11: {  	[smem:$0x3FB3] =	sst s9;
	s0 =	simm.s32 @!p0 $0x0  }
0x12: {  	s1 =	sld [smem:$0x3F99];
	s0 =	simm.s32 @p0 $0x1  }
0x13: {  	[smem:$0x3FB4] =	sst s0;
	s0 =	simm.s32 @!p1 $0x0  }
0x14: {  	s2 =	sld [smem:$0x3F98];
	s0 =	simm.s32 @p1 $0x1  }
0x15: {  	[smem:$0x3FB5] =	sst s0;
	s0 =	simm.s32 @!p2 $0x0  }
0x16: {  	s3 =	sld [smem:$0x3FDB];
	s0 =	simm.s32 @p2 $0x1  }
0x17: {  	s4 =	simm.s32 $0x1BF5;
	[smem:$0x3FB7] =	sst s0  }
0x18: {  	s0 =	sld [smem:$0x3F9A];
	_ =	swait.ge [sflag:s4], $0x0  }
0x19: {  	s7 =	sld [smem:$0x3F9B]  }
0x1a: {  	s8 =	sadd.s32 $0xFFFFE003, lr  }
0x1b: {  	s9 =	sadd.s32 $0xFFFFFEF7, lr;
	s5 =	simm.s32 $0xFFFFFFFF;
	p2 =	slt.u32 s8, $0xFFFFF086  }
0x1c: {  	p1 =	slt.u32 s9, $0xF7A;
	s5 =	simm.s32 @!p2 $0x0  }
0x1d: {  	s5 =	simm.s32 @p1 $0x1;
	p0 =	seq.s32 s7, s2  }
0x1e: {  	s7 =	smul.u32 @!p0 $0xF7A, s2;
	p2 =	seq.s32 @!p0 s5, $0x0  }
0x1f: {  	s9 =	smul.u32 $0xF7A, s1;
	s8 =	simm.s32 @!p0 $0x1BF5;
	p2 =	por !p2, p0  }
0x20: {  	[sflag:s8] =	ssyncset.s32 @!p0 $0xFFFFF086;
	s6 =	sadd.s32 @!p0 s3, s7;
	s7 =	simm.s32 @!p0 $0x108  }
0x21: {  	s3 =	sadd.s32 s3, s9;
	s6 =	sadd.s32 @!p0 $0x88, s6;
	s7 =	simm.s32 @p2 $0x1082  }
0x22: {  	[simem:s7], [sflag:s8] =	dma.local @!p0 [hbm:s6], $0xF7A  }
0x23: {  	s9 =	sor.u32 $0xD0000000, s2;
	s6 =	simm.s32 $0x108;
	_ =	swait.ge @!p0 [sflag:s8], $0x0  }
0x24: {  	s3 =	sadd.s32 $0x88, s3;
	s6 =	simm.s32 @!p1 $0x1082;
	[sflag:s4] =	ssyncset.s32 $0xFFFFF086  }
0x25: {  	[simem:s6], [sflag:s4] =	dma.local [hbm:s3], $0xF7A  }
0x26: {  	[smem:$0x3F9B] =	sst s1;
	(tag) =	ssettag s2;
	_ =	strace s9  }
0x27: {  	s1 =	sld [smem:$0x3FAB]  }
0x28: {  	s2 =	sld [smem:$0x3FAC]  }
0x29: {  	s4 =	sld [smem:$0x3FAE]  }
0x2a: {  	p0 =	seq.s32 s5, $0x0;
	s5 =	sld [smem:$0x3FAF]  }
0x2b: {  	s6 =	sld [smem:$0x3FB0]  }
0x2c: {  	s7 =	sld [smem:$0x3FB1]  }
0x2d: {  	s3 =	simm.s32 $0x108;
	s8 =	sld [smem:$0x3FB2]  }
0x2e: {  	s3 =	simm.s32 @!p0 $0x1082;
	s9 =	sld [smem:$0x3FB3]  }
0x2f: {  	lr =	sadd.s32 s0, s3;
	s0 =	sld [smem:$0x3FAA]  }
0x30: {  	s3 =	sld [smem:$0x3FAD]  }
0x31: {  	[smem:$0x3FB6] =	sst s10  }
0x32: {  	s10 =	sld [smem:$0x3FB4];
	_ =	sdelay $0x3  }
0x33: {  	p0 =	seq.s32 s10, $0x1;
	s10 =	sld [smem:$0x3FB6];
	_ =	sdelay $0x3  }
0x34: {  	[smem:$0x3FB6] =	sst s10  }
0x35: {  	s10 =	sld [smem:$0x3FB5];
	_ =	sdelay $0x3  }
0x36: {  	p1 =	seq.s32 s10, $0x1;
	s10 =	sld [smem:$0x3FB6];
	_ =	sdelay $0x3  }
0x37: {  	[smem:$0x3FB6] =	sst s10  }
0x38: {  	s10 =	sld [smem:$0x3FB7]  }
0x39: {  	_ = 	snop;
	(pc) =	sbr.ind lr, $3  }
0x3a: {  	_ = 	snop  }
0x3b: {  	_ = 	snop  }
0x3c: {  	p2 =	seq.s32 s10, $0x1;
	s10 =	sld [smem:$0x3FB6]  }
0x3d: {  	_ =	shalt  }
0x3e: {  	_ =	shalt  }
0x3f: {  	_ =	shalt  }
0x40: {  	_ =	shalt  }
0x41: {  	_ =	shalt  }
0x42: {  	_ =	shalt  }
0x43: {  	_ =	shalt  }
0x44: {  	_ =	shalt  }
0x45: {  	_ =	shalt  }
0x46: {  	_ =	shalt  }
0x47: {  	_ =	shalt  }
0x48: {  	_ =	shalt  }
0x49: {  	_ =	shalt  }
0x4a: {  	_ =	shalt  }
0x4b: {  	_ =	shalt  }
0x4c: {  	_ =	shalt  }
0x4d: {  	_ =	shalt  }
0x4e: {  	_ =	shalt  }
0x4f: {  	_ =	shalt  }
0x50: {  	_ =	shalt  }
0x51: {  	_ =	shalt  }
0x52: {  	_ =	shalt  }
0x53: {  	_ =	shalt  }
0x54: {  	_ =	shalt  }
0x55: {  	_ =	shalt  }
0x56: {  	_ =	shalt  }
0x57: {  	_ =	shalt  }
0x58: {  	_ =	shalt  }
0x59: {  	_ =	shalt  }
0x5a: {  	_ =	shalt  }
0x5b: {  	_ =	shalt  }
0x5c: {  	_ =	shalt  }
0x5d: {  	_ =	shalt  }
0x5e: {  	_ =	shalt  }
0x5f: {  	_ =	shalt  }
0x60: {  	_ =	shalt  }
0x61: {  	_ =	shalt  }
0x62: {  	_ =	shalt  }
0x63: {  	_ =	shalt  }
0x64: {  	_ =	shalt  }
0x65: {  	_ =	shalt  }
0x66: {  	_ =	shalt  }
0x67: {  	_ =	shalt  }
0x68: {  	_ =	shalt  }
0x69: {  	_ =	shalt  }
0x6a: {  	_ =	shalt  }
0x6b: {  	_ =	shalt  }
0x6c: {  	_ =	shalt  }
0x6d: {  	_ =	shalt  }
0x6e: {  	_ =	shalt  }
0x6f: {  	_ =	shalt  }
0x70: {  	_ =	shalt  }
0x71: {  	_ =	shalt  }
0x72: {  	_ =	shalt  }
0x73: {  	_ =	shalt  }
0x74: {  	_ =	shalt  }
0x75: {  	_ =	shalt  }
0x76: {  	_ =	shalt  }
0x77: {  	_ =	shalt  }
0x78: {  	_ =	shalt  }
0x79: {  	_ =	shalt  }
0x7a: {  	_ =	shalt  }
0x7b: {  	_ =	shalt  }
0x7c: {  	_ =	shalt  }
0x7d: {  	_ =	shalt  }
0x7e: {  	_ =	shalt  }
0x7f: {  	_ =	shalt  }
0x80: {  	_ =	shalt  }
0x81: {  	_ =	shalt  }
0x82: {  	_ =	shalt  }
0x83: {  	_ =	shalt  }
0x84: {  	_ =	shalt  }
0x85: {  	_ =	shalt  }
0x86: {  	_ =	shalt  }
0x87: {  	_ =	shalt  }
.Lfunc_end0:
.L_simem_size_0:
called_computation_lowered:
.L_overlay_start_0:
0x88: {  	s2 =	sld [smem:$0x3FD9]  }
0x89: {  	s3 =	sld [smem:$0x3FFE];
	_ =	sdelay $0x1  }
0x8a: {  	s1 =	srdreg.scid  }
0x8b: {  	s0 =	sand.u32 $0x1, s1  }
0x8c: {  	s17 =	sshll.u32 s0, $0xA;
	s2 =	sadd.s32 s3, s2  }
0x8d: {  	s2 =	sadd.s32 s2, s17  }
0x8e: {  	[smem:$0x3FC2] =	sst s2  }
0x8f: {  	_ = 	snop  }
0x90: {  	s2 =	sld [smem:$0x3FC9]  }
0x91: {  	s18 =	sld [smem:$0x3FD0];
	(tm) =	ssettm $0x1  }
0x92: {  	s4 =	sld [smem:$0x3FFB];
	_ =	sdelay $0x3  }
0x93: {  	_ =	strace s4  }
0x94: {  	s4 =	sld [smem:$0x3FFC];
	_ =	sdelay $0x3  }
0x95: {  	_ =	strace s4  }
0x96: {  	s4 =	sld [smem:$0x3FFD];
	_ =	sdelay $0x3  }
0x97: {  	_ =	strace s4  }
0x98: {  	_ =	strace $0x8FFFFFFF  }
0x99: {  	s19 =	sld [smem:$0x3FDB];
	_ =	sdelay $0x1  }
0x9a: {  	s5 =	simm.s32 $_scs_section_size  }
0x9b: {  	s6 =	simm.s32 $_size__tile_overlayer_lowered;
	s7 =	simm.s32 $_tile_overlayer_lowered  }
0x9c: {  	s22 =	simm.s32 $0x1BFF;
	s21 =	sshll.u32 s7, $0x1;
	s4 =	sadd.s32 s5, s19  }
0x9d: {  	s8 =	simm.s32 $0x0;
	s20 =	sshll.u32 s6, $0x1;
	s6 =	sadd.s32 s21, s4  }
0x9e: {  	[timem:s8], [sflag:s22] =	dma.local [hbm:s6], s20  }
0x9f: {  	_ =	swait.ge [sflag:s22], s20  }
0xa0: {  	s5 =	ssub.s32 $0x0, s20;
	[sflag:s22] =	ssyncset.done $0x0  }
0xa1: {  	[sflag:s22] =	ssyncadd.s32 s5;
	_ =	sdelay $0x1  }
0xa2: {  	s23 =	simm.s32 $0x1B8B  }
0xa3: {  	_ =	swait.ge [sflag:s23], $0x1  }
0xa4: {  	[sflag:s23] =	ssyncset.done $0x0  }
0xa5: {  	s25 =	simm.s32 $0x1B8E;
	s24 =	sld [smem:$0x3FFE];
	[sflag:s23] =	ssyncadd.s32 $0xFFFFFFFF  }
0xa6: {  	s26 =	simm.s32 $execute0_lowered;
	[smem:$0x3FD2] =	sst s25  }
0xa7: {  	s6 =	sshll.u32 s26, $0x1;
	_ =	strace $0x80000046;
	[dreg:$0x1] =	wrdreg $0xFFFFFFFF  }
0xa8: {  	s28 =	simm.s32 $_size_execute0_lowered;
	s4 =	sadd.s32 s4, s6;
	[dreg:$0x0] =	wrdreg $0x0  }
0xa9: {  	s6 =	sshll.u32 s28, $0x1;
	[dreg:$0x2] =	wrdreg s4  }
0xaa: {  	[dreg:$0x3] =	wrdreg s6  }
0xab: {  	[dreg:$0x4] =	wrdreg $0xC0  }
0xac: {  	_ =	task [dreg:s8], $0x5FFFF  }
0xad: {  	[dreg:$0x1] =	wrdreg $0xFFFFFFFF  }
0xae: {  	[dreg:$0x0] =	wrdreg $0x60  }
0xaf: {  	[dreg:$0x2] =	wrdreg s2  }
0xb0: {  	[dreg:$0x3] =	wrdreg s24  }
0xb1: {  	[dreg:$0x4] =	wrdreg s18  }
0xb2: {  	[dreg:$0x5] =	wrdreg $0x9  }
0xb3: {  	_ =	task.clear_ibuf [dreg:s8], $0x6FFFF;
	_ =	strace $0x90000046  }
0xb4: {  	s29 =	simm.s32 $0x9;
	_ =	strace $0x80000048  }
0xb5: {  	_ =	swait.ge [sflag:s29], $0x1  }
0xb6: {  	[sflag:s29] =	ssyncadd.s32 $0xFFFFFFFF  }
0xb7: {  	_ =	strace $0x90000048  }
0xb8: {  	_ =	sfence  }
0xb9: {  	s30 =	sld [smem:$0x0];
	_ =	sdelay $0x2  }
0xba: {  	s31 =	sshll.u32 s1, $0xD;
	s1 =	sshrl.u32 s1, $0x2  }
0xbb: {  	s3 =	sand.u32 $0x4000, s31;
	s1 =	sadd.s32 s1, s30  }
0xbc: {  	s0 =	sor.u32 s3, s0;
	s1 =	sshll.u32 s1, $0x11  }
0xbd: {  	s0 =	sor.u32 s1, s0  }
0xbe: {  	s0 =	sadd.s32 $0x8F2B, s0  }
0xbf: {  	[sflag:s0] =	ssyncadd.remote.s32 $0x1  }
0xc0: {  	_ =	sfence.sel $0xFFFF  }
0xc1: {  	[dreg:$0x0] =	wrdreg $0xFFFFFFFF;
	(pc) =	sbr.abs _section_cstart, $3  }
0xc2: {  	[dreg:$0x1] =	wrdreg $0xFFFFFFFF  }
0xc3: {  	_ =	task.clear_ibuf [dreg:s8], $0x2FFFF;
	_ =	strace $0x9FFFFFFF  }
0xc4: {  	(tm) =	ssettm $0x7FFFFFFF  }
0xc5: {  	_ =	shalt  }
tec
execute0_lowered:
.L_overlay_start_1:
0x0: {  	(tag) =	ssettag $0x1  }
0x1: {  	s6 =	rddreg [dreg:$0x1]  }
0x2: {  	s0 =	rddreg [dreg:$0x2];
	v0 =	vimm.s32 $0xFEDCBA98;
	v1 =	vimm.s32 $0x76543210  }
0x3: {  	s3 =	simm.s32 $0x0;
	s1 =	srdreg.scid;
	s2 =	stileid.u32;
	v3 =	vimm.s32 $0x3210FEDC;
	v4 =	vimm.s32 $0xBA987654;
	v5 =	vimm.s32 $0x10FEDCBA  }
0x4: {  	v6 =	vimm.s32 $0x98765432;
	v7 =	vimm.s32 $0xFEDCBA9;
	[smem:$0x7FF] =	sst s3;
	s1 =	sand.u32 $0x1, s1;
	s21 =	sadd.s32 $0x1200, s6  }
0x5: {  	v8 =	vimm.s32 $0x87654321;
	v0 =	vunpack.c.l.s4.s8 v0;
	s22 =	sadd.s32 $0xC00, s6;
	_ =	strace $0x80000047;
	[dreg:$0x4] =	wrdreg s21  }
0x6: {  	s2 =	sshll.u32 s2, $0x1;
	v1 =	vunpack.c.l.s4.s8 v1;
	s4 =	sadd.s32 $0x600, s6;
	v3 =	vunpack.c.l.s4.s8 v3;
	v4 =	vunpack.c.l.s4.s8 v4;
	[dreg:$0x5] =	wrdreg s22  }
0x7: {  	s24 =	sadd.s32 $0x29800, s6;
	v5 =	vunpack.c.l.s4.s8 v5;
	v6 =	vunpack.c.l.s4.s8 v6;
	v7 =	vunpack.c.l.s4.s8 v7;
	s2 =	sor.u32 s1, s2;
	[dreg:$0x6] =	wrdreg s4  }
0x8: {  	s5 =	sadd.s32 $0x29A00, s6;
	v8 =	vunpack.c.l.s4.s8 v8;
	[dreg:$0x7] =	wrdreg s24;
	s25 =	smul.u32 $0x500, s2;
	v3 =	vunpack.c.0.s8.s32 v3;
	v4 =	vunpack.c.0.s8.s32 v4  }
0x9: {  	s30 =	sadd.s32 $0x29A40, s6;
	[dreg:$0x8] =	wrdreg s5;
	v2 =	vunpack.c.0.s8.s32 v0;
	s7 =	smul.u32 $0x28, s2;
	v5 =	vunpack.c.0.s8.s32 v5;
	v6 =	vunpack.c.0.s8.s32 v6  }
0xa: {  	s1 =	ssub.s32 $0x2, s1;
	[dreg:$0xd] =	wrdreg s30;
	s29 =	smul.u32 $0xA0000, s2;
	v7 =	vunpack.c.0.s8.s32 v7;
	v8 =	vunpack.c.0.s8.s32 v8;
	v61 =	vcombine.low v4, v3  }
0xb: {  	s23 =	smul.u32 $0x1400, s2;
	v1 =	vunpack.c.0.s8.s32 v1;
	s26 =	sshrl.u32 s1, $0x1;
	[dreg:$0x9] =	wrdreg s7;
	v62 =	vcombine.low v6, v5  }
0xc: {  	s1 =	ssub.s32 s1, s26;
	v2 =	vand.u32 $0xF, v2;
	s0 =	sadd.s32 s0, s25;
	[dreg:$0xc] =	wrdreg s29;
	v63 =	vcombine.low v8, v7;
	[tilespmem:$0x1FFD0] =	vst v61  }
0xd: {  	s3 =	sadd.s32 s23, s6;
	s31 =	smax.u32 s1, $0x1;
	[dreg:$0xa] =	wrdreg s0;
	v60 =	vcombine.low v2, v1;
	[tilespmem:$0x1FFE0] =	vst v62  }
0xe: {  	v29 =	vimm.s32 $0x0;
	v30 =	vimm.s32 $0x1;
	s28 =	sadd.s32 $0x1800, s3;
	[dreg:$0xe] =	wrdreg s31;
	[tilespmem:$0x1FFF0] =	vst v63  }
0xf: {  	v31 =	vimm.s32 $0x2;
	v32 =	vimm.s32 $0x3;
	v33 =	vimm.s32 $0x4;
	s2 =	simm.s32 $0x0;
	[dreg:$0xb] =	wrdreg s28;
	[tilespmem:$0x1FFC0] =	vst v60  }
.LBB2_1:
0x10: {  	[dreg:$0xf] =	wrdreg s2  }
0x11: {  	s1 =	simm.s32 $0x0;
	s0 =	rddreg [dreg:$0xa];
	s16 =	simm.s32 $0x5  }
0x12: {  	[tilespmem:s1], [sflag:$0x5] =	stream.linear.gather [hbm4b:s0+s1], $0x2800, $0x38;
	[tilespmem:$0x1A200] =	vst v63  }
0x13: {  	_ =	swait.ge [sflag:s16], $0x2800  }
0x14: {  	[sflag:s16] =	ssyncset.done $0x0  }
0x15: {  	s3 =	simm.s32 $0x2800;
	s17 =	rddreg [dreg:$0xb];
	[sflag:s16] =	ssyncadd.s32 $0xFFFFD800  }
0x16: {  	[tilespmem:s3], [sflag:$0x5] =	stream.linear.gather [hbm4b:s17+s1], $0xA000, $0x38;
	[tilespmem:$0x1A200] =	vst v63  }
0x17: {  	_ =	swait.ge [sflag:s16], $0xA000  }
0x18: {  	[sflag:s16] =	ssyncset.done $0x0  }
0x19: {  	s19 =	simm.s32 $0xC800;
	s18 =	rddreg [dreg:$0x7];
	[sflag:s16] =	ssyncadd.s32 $0xFFFF6000  }
0x1a: {  	[tilespmem:s19], [sflag:$0x5] =	stream.linear.gather [hbm4b:s18+s1], $0x200, $0x38;
	[tilespmem:$0x1A200] =	vst v63  }
0x1b: {  	_ =	swait.ge [sflag:s16], $0x200  }
0x1c: {  	[sflag:s16] =	ssyncset.done $0x0  }
0x1d: {  	[sflag:s16] =	ssyncadd.s32 $0xFFFFFE00  }
0x1e: {  	v0 =	vld [tilespmem:$0xC800]  }
0x1f: {  	s21 =	simm.s32 $0x80;
	s22 =	simm.s32 $0xCA00;
	v62 =	vld [tilespmem:$0xC880];
	s20 =	rddreg [dreg:$0x0]  }
0x20: {  	v63 =	vld [tilespmem:$0xC900];
	[tilespmem:s22], [sflag:$0x1] =	stream.indirect.gather [hbm4b:s20+s21], $0x80, s1, s21, $0xb8  }
0x21: {  	s24 =	simm.s32 $0x14A00;
	s23 =	rddreg [dreg:$0x4]  }
0x22: {  	[tilespmem:s24], [sflag:$0x1] =	stream.indirect.gather [hbm4b:s23+s21], $0x1, s1, s21, $0xb8;
	[tilespmem:$0x1A200] =	vst v63  }
0x23: {  	s26 =	simm.s32 $0x14B00;
	s25 =	rddreg [dreg:$0x5];
	[tilespmem:$0x1FF90] =	vst v0  }
0x24: {  	[tilespmem:s26], [sflag:$0x1] =	stream.indirect.gather [hbm4b:s25+s21], $0x1, s1, s21, $0xb8;
	[tilespmem:$0x1A200] =	vst v63  }
0x25: {  	s29 =	simm.s32 $0x14C00;
	s28 =	rddreg [dreg:$0x6];
	[tilespmem:$0x1FFA0] =	vst v62  }
0x26: {  	[tilespmem:s29], [sflag:$0x1] =	stream.indirect.gather [hbm4b:s28+s21], $0x1, s1, s21, $0xb8;
	[tilespmem:$0x1A200] =	vst v63  }
0x27: {  	s31 =	simm.s32 $0x15000;
	s4 =	simm.s32 $0x0;
	s30 =	rddreg [dreg:$0x1];
	[tilespmem:$0x1FFB0] =	vst v63  }
0x28: {  	[tilespmem:s31], [sflag:$0x1] =	stream.indirect.gather [hbm4b:s30+s21], $0x1, s1, s21, $0xb8;
	[tilespmem:$0x1A200] =	vst v63  }
.LBB2_2:
0x29: {  	s0 =	sshllo.u32 s4, $0x1;
	s1 =	rddreg [dreg:$0x0]  }
0x2a: {  	[dreg:$0x11] =	wrdreg s0;
	s0 =	sshll.u32 s0, $0x7  }
0x2b: {  	s2 =	simm.s32 $0x80;
	s3 =	simm.s32 $0x10A00;
	s0 =	sand.u32 $0x3FFFFF80, s0  }
0x2c: {  	[tilespmem:s3], [sflag:$0x2] =	stream.indirect.gather [hbm4b:s1+s2], $0x80, s0, s2, $0xb8;
	[tilespmem:$0x1A200] =	vst v63  }
0x2d: {  	s20 =	rddreg [dreg:$0x4];
	s21 =	simm.s32 $0x14D00  }
0x2e: {  	[tilespmem:s21], [sflag:$0x2] =	stream.indirect.gather [hbm4b:s20+s2], $0x1, s0, s2, $0xb8;
	[tilespmem:$0x1A200] =	vst v63  }
0x2f: {  	s22 =	rddreg [dreg:$0x5];
	s23 =	simm.s32 $0x14E00  }
0x30: {  	[tilespmem:s23], [sflag:$0x2] =	stream.indirect.gather [hbm4b:s22+s2], $0x1, s0, s2, $0xb8;
	[tilespmem:$0x1A200] =	vst v63  }
0x31: {  	s24 =	rddreg [dreg:$0x6];
	s25 =	simm.s32 $0x14F00  }
0x32: {  	[tilespmem:s25], [sflag:$0x2] =	stream.indirect.gather [hbm4b:s24+s2], $0x1, s0, s2, $0xb8;
	[tilespmem:$0x1A200] =	vst v63  }
0x33: {  	s26 =	rddreg [dreg:$0x1];
	s28 =	simm.s32 $0x15100;
	s29 =	simm.s32 $0x1  }
0x34: {  	[tilespmem:s28], [sflag:$0x2] =	stream.indirect.gather [hbm4b:s26+s2], $0x1, s0, s2, $0xb8;
	[tilespmem:$0x1A200] =	vst v63  }
0x35: {  	_ =	swait.ge [sflag:s29], $0x4000  }
0x36: {  	[sflag:s29] =	ssyncset.done $0x0  }
0x37: {  	[sflag:s29] =	ssyncadd.s32 $0xFFFFC000  }
0x38: {  	_ =	swait.ge [sflag:s29], $0x80  }
0x39: {  	[sflag:s29] =	ssyncset.done $0x0  }
0x3a: {  	[sflag:s29] =	ssyncadd.s32 $0xFFFFFF80  }
0x3b: {  	_ =	swait.ge [sflag:s29], $0x80  }
0x3c: {  	[sflag:s29] =	ssyncset.done $0x0  }
0x3d: {  	[sflag:s29] =	ssyncadd.s32 $0xFFFFFF80  }
0x3e: {  	_ =	swait.ge [sflag:s29], $0x80  }
0x3f: {  	[sflag:s29] =	ssyncset.done $0x0  }
0x40: {  	[sflag:s29] =	ssyncadd.s32 $0xFFFFFF80  }
0x41: {  	_ =	swait.ge [sflag:s29], $0x80  }
0x42: {  	p0 =	seq.s32 s4, $0x0;
	[sflag:s29] =	ssyncset.done $0x0  }
0x43: {  	s0 =	simm.s32 @!p0 $0x3;
	[sflag:s29] =	ssyncadd.s32 $0xFFFFFF80  }
0x44: {  	s30 =	sshll.u32 s4, $0xA;
	_ =	swait.ge @!p0 [sflag:s0], $0x2000  }
0x45: {  	s31 =	sand.u32 $0x3FFFFC00, s30;
	[sflag:s0] =	ssyncset.done @!p0 $0x0  }
0x46: {  	[sflag:s0] =	ssyncadd.s32 @!p0 $0xFFFFE000;
	s0 =	sadd.s32 $0x2800, s31  }
0x47: {  	s11 =	simm.s32 $0x0;
	s12 =	simm.s32 $0x14C01;
	s15 =	simm.s32 $0x14B01;
	v0 =	vmov s0  }
0x48: {  	s21 =	simm.s32 $0x14A01;
	s2 =	simm.s32 $0xCA40;
	[dreg:$0x10] =	wrdreg s4;
	[tilespmem:$0x1FF80] =	vst v0  }
.LBB2_3:
0x49: {  	v0 =	vld [tilespmem:$0x1FF80];
	_ =	sdelay $0x5  }
0x4a: {  	s0 =	sshll.u32 s11, $0x9  }
0x4b: {  	s4 =	sshrl.u32 s0, $0x2  }
0x4c: {  	v1 =	vld.idx.msk [tilespmem:v0+s4+$0x0 ss:$0x1], $0xffff;
	_ =	sdelay $0x1  }
0x4d: {  	v0 =	vld [tilespmem:$0x1FF90];
	_ =	sdelay $0x2  }
0x4e: {  	v4 =	vperm.xlane v1, v29;
	_ =	sdelay $0x1  }
0x4f: {  	v23 =	vadd.f32 v4, v0;
	v0 =	vld [tilespmem:$0x1FFA0]  }
0x50: {  	[dreg:$0x12] =	wrdreg s2  }
0x51: {  	v3 =	vld [tilespmem:s21+$0xFFFFFFFF]  }
0x52: {  	v2 =	vld [tilespmem:s15+$0xFFFFFFFF];
	v6 =	vperm.xlane v1, v30  }
0x53: {  	v5 =	vld [tilespmem:s12+$0xFFFFFFFF]  }
0x54: {  	v24 =	vadd.f32 v6, v0;
	v0 =	vld [tilespmem:$0x1FFB0];
	_ =	sdelay $0x1  }
0x55: {  	v3 =	vperm.xlane v3, v29  }
0x56: {  	s13 =	sadd.s32 $0x2, s21;
	v2 =	vperm.xlane v2, v29;
	v1 =	vperm.xlane v1, v31  }
0x57: {  	s24 =	sadd.s32 $0x2, s15;
	v4 =	vperm.xlane v5, v29;
	v5 =	vld [tilespmem:s13+$0xFFFFFFFF];
	v3 =	vsub.f32 v3, v23  }
0x58: {  	s14 =	sadd.s32 $0x2, s12;
	v2 =	vsub.f32 v2, v24;
	v25 =	vadd.f32 v1, v0;
	v1 =	vld [tilespmem:s24+$0xFFFFFFFF]  }
0x59: {  	v6 =	vld [tilespmem:s14+$0xFFFFFFFF]  }
0x5a: {  	v3 =	vmul.f32 v3, v3;
	v2 =	vmul.f32 v2, v2;
	v4 =	vsub.f32 v4, v25;
	_ =	sdelay $0x1  }
0x5b: {  	s20 =	sadd.s32 $0x2, s24;
	v2 =	vadd.f32 v2, v3;
	v3 =	vmul.f32 v4, v4;
	v4 =	vperm.xlane v5, v29  }
0x5c: {  	v5 =	vld [tilespmem:s20+$0xFFFFFFFF];
	v1 =	vperm.xlane v1, v29  }
0x5d: {  	v2 =	vadd.f32 v3, v2;
	v3 =	vsub.f32 v4, v23;
	v4 =	vperm.xlane v6, v29  }
0x5e: {  	s1 =	sadd.s32 $0x2, s13;
	v1 =	vsub.f32 v1, v24  }
0x5f: {  	v6 =	vld [tilespmem:s1+$0xFFFFFFFF];
	v2 =	vmax.f32 v2, $9.999999960e-13;
	v4 =	vsub.f32 v4, v25;
	v3 =	vmul.f32 v3, v3  }
0x60: {  	v1 =	vmul.f32 v1, v1;
	v7 =	vshrl.u32 v2, $0x1;
	v8 =	vmul.f32 $5.000000000e-01, v2  }
0x61: {  	s10 =	sadd.s32 $0x2, s14;
	v5 =	vperm.xlane v5, v29;
	v7 =	vsub.s32 $0x5F3759DF, v7  }
0x62: {  	v1 =	vadd.f32 v1, v3;
	v3 =	vmul.f32 v4, v4;
	v4 =	vld [tilespmem:s10+$0xFFFFFFFF];
	v9 =	vmul.f32 v7, v8  }
0x63: {  	s28 =	sadd.s32 $0x2, s1;
	v5 =	vsub.f32 v5, v24  }
0x64: {  	s25 =	sadd.s32 $0x2, s20;
	v10 =	vld [tilespmem:s28+$0xFFFFFFFF];
	v1 =	vadd.f32 v3, v1;
	v3 =	vperm.xlane v6, v29;
	v6 =	vmul.f32 v7, v9  }
0x65: {  	v9 =	vld [tilespmem:s25+$0xFFFFFFFF];
	v5 =	vmul.f32 v5, v5  }
0x66: {  	v1 =	vmax.f32 v1, $9.999999960e-13;
	v3 =	vsub.f32 v3, v23;
	v6 =	vsub.f32 $1.500000000e+00, v6  }
0x67: {  	v4 =	vperm.xlane v4, v29;
	v11 =	vshrl.u32 v1, $0x1;
	v12 =	vmul.f32 $5.000000000e-01, v1  }
0x68: {  	s26 =	sadd.s32 $0x2, s10;
	v3 =	vmul.f32 v3, v3;
	v6 =	vmul.f32 v7, v6;
	v7 =	vsub.s32 $0x5F3759DF, v11  }
0x69: {  	v13 =	vld [tilespmem:s26+$0xFFFFFFFF];
	v4 =	vsub.f32 v4, v25;
	v11 =	vmul.f32 v7, v12  }
0x6a: {  	v9 =	vperm.xlane v9, v29;
	v3 =	vadd.f32 v5, v3;
	v5 =	vperm.xlane v10, v29  }
0x6b: {  	s30 =	sadd.s32 $0x2, s25;
	v8 =	vmul.f32 v6, v8;
	v4 =	vmul.f32 v4, v4  }
0x6c: {  	v10 =	vmul.f32 v7, v11;
	v9 =	vsub.f32 v9, v24;
	v11 =	vld [tilespmem:s30+$0xFFFFFFFF]  }
0x6d: {  	v8 =	vmul.f32 v8, v6;
	v3 =	vadd.f32 v4, v3;
	v4 =	vsub.f32 v5, v23  }
0x6e: {  	v5 =	vperm.xlane v13, v29;
	v10 =	vsub.f32 $1.500000000e+00, v10;
	v9 =	vmul.f32 v9, v9  }
0x6f: {  	v8 =	vsub.f32 $1.500000000e+00, v8;
	v3 =	vmax.f32 v3, $9.999999960e-13;
	v4 =	vmul.f32 v4, v4  }
0x70: {  	v5 =	vsub.f32 v5, v25;
	v7 =	vmul.f32 v7, v10;
	v48 =	vmul.f32 $5.000000000e-01, v3  }
0x71: {  	s9 =	sadd.s32 $0x2, s28;
	v10 =	vshrl.u32 v3, $0x1;
	v6 =	vmul.f32 v8, v6;
	v11 =	vperm.xlane v11, v29  }
0x72: {  	v4 =	vadd.f32 v9, v4;
	v5 =	vmul.f32 v5, v5;
	v9 =	vld [tilespmem:s9+$0xFFFFFFFF];
	v8 =	vsub.s32 $0x5F3759DF, v10  }
0x73: {  	s17 =	sadd.s32 $0x2, s26;
	v10 =	vmul.f32 v7, v12;
	v49 =	vmul.f32 v8, v48  }
0x74: {  	v2 =	vmul.f32 v6, v2;
	v11 =	vsub.f32 v11, v24;
	v4 =	vadd.f32 v5, v4;
	v5 =	vld [tilespmem:s17+$0xFFFFFFFF]  }
0x75: {  	v6 =	vmul.f32 v10, v7;
	v10 =	vmul.f32 v8, v49  }
0x76: {  	v11 =	vmul.f32 v11, v11;
	v2 =	vmul.f32 $4.000000060e-01, v2  }
0x77: {  	v4 =	vmax.f32 v4, $9.999999960e-13;
	v6 =	vsub.f32 $1.500000000e+00, v6;
	v9 =	vperm.xlane v9, v29  }
0x78: {  	v50 =	vshrl.u32 v4, $0x1;
	v10 =	vsub.f32 $1.500000000e+00, v10;
	v2 =	vsub.f32 $1.000000000e+00, v2  }
0x79: {  	v14 =	vmul.f32 $5.000000000e-01, v4;
	v9 =	vsub.f32 v9, v23;
	v5 =	vperm.xlane v5, v29  }
0x7a: {  	s16 =	simm.s32 $0x15280;
	v12 =	vsub.s32 $0x5F3759DF, v50;
	v8 =	vmul.f32 v8, v10;
	v2 =	vmax.f32 v2, $0.0e+00  }
0x7b: {  	v10 =	vmul.f32 v12, v14;
	[tilespmem:s16+$0xFFFFFF80] =	vst v2;
	v5 =	vsub.f32 v5, v25;
	v9 =	vmul.f32 v9, v9  }
0x7c: {  	v6 =	vmul.f32 v6, v7;
	v13 =	vmul.f32 v8, v48;
	v53 =	vld [tilespmem:s21+$0x0]  }
0x7d: {  	v10 =	vmul.f32 v12, v10;
	v9 =	vadd.f32 v11, v9;
	v5 =	vmul.f32 v5, v5  }
0x7e: {  	s3 =	sadd.s32 $0x2, s9;
	v1 =	vmul.f32 v6, v1;
	v15 =	vld [tilespmem:s12+$0x0];
	v11 =	vmul.f32 v13, v8  }
0x7f: {  	s5 =	sadd.s32 $0x2, s30;
	v10 =	vsub.f32 $1.500000000e+00, v10;
	v5 =	vadd.f32 v5, v9;
	v9 =	vld [tilespmem:s3+$0xFFFFFFFF]  }
0x80: {  	v1 =	vmul.f32 $4.000000060e-01, v1;
	v7 =	vsub.f32 $1.500000000e+00, v11;
	v11 =	vld [tilespmem:s5+$0xFFFFFFFF]  }
0x81: {  	s0 =	sadd.s32 $0x2, s17;
	v54 =	vld [tilespmem:s15+$0x0];
	v10 =	vmul.f32 v12, v10;
	v12 =	vperm.xlane v53, v29;
	v5 =	vmax.f32 v5, $9.999999960e-13  }
0x82: {  	v7 =	vmul.f32 v7, v8;
	v8 =	vld [tilespmem:s0+$0xFFFFFFFF];
	v51 =	vshrl.u32 v5, $0x1;
	v52 =	vmul.f32 $5.000000000e-01, v5  }
0x83: {  	v15 =	vperm.xlane v15, v29;
	v2 =	vmul.f32 v10, v14;
	v6 =	vsub.s32 $0x5F3759DF, v51  }
0x84: {  	v1 =	vsub.f32 $1.000000000e+00, v1;
	v3 =	vmul.f32 v7, v3;
	v7 =	vmul.f32 v6, v52  }
0x85: {  	v9 =	vperm.xlane v9, v29;
	v11 =	vperm.xlane v11, v29  }
0x86: {  	v1 =	vmax.f32 v1, $0.0e+00;
	v14 =	vperm.xlane v54, v29;
	v7 =	vmul.f32 v6, v7  }
0x87: {  	v9 =	vsub.f32 v9, v23;
	v8 =	vperm.xlane v8, v29;
	v11 =	vsub.f32 v11, v24  }
0x88: {  	v2 =	vmul.f32 v2, v10;
	v55 =	vsub.f32 v14, v24;
	v7 =	vsub.f32 $1.500000000e+00, v7  }
0x89: {  	v9 =	vmul.f32 v9, v9;
	v8 =	vsub.f32 v8, v25;
	v11 =	vmul.f32 v11, v11  }
0x8a: {  	s23 =	simm.s32 $0x15380;
	v2 =	vsub.f32 $1.500000000e+00, v2;
	v6 =	vmul.f32 v6, v7;
	v7 =	vsub.f32 v12, v23  }
0x8b: {  	[tilespmem:s23+$0xFFFFFF80] =	vst v1;
	v8 =	vmul.f32 v8, v8;
	v9 =	vadd.f32 v11, v9;
	v11 =	vmul.f32 v55, v55  }
0x8c: {  	v56 =	vsub.f32 v15, v25;
	v59 =	vld [tilespmem:s14+$0x0];
	v13 =	vmul.f32 v6, v52;
	v7 =	vmul.f32 v7, v7  }
0x8d: {  	v2 =	vmul.f32 v2, v10;
	v8 =	vadd.f32 v8, v9  }
0x8e: {  	s19 =	sadd.s32 $0x2, s3;
	v9 =	vmul.f32 v56, v56;
	v10 =	vmul.f32 v13, v6;
	v7 =	vadd.f32 v11, v7  }
0x8f: {  	v4 =	vmul.f32 v2, v4;
	v2 =	vmul.f32 $4.000000060e-01, v3;
	v3 =	vld [tilespmem:s19+$0xFFFFFFFF]  }
0x90: {  	s7 =	sadd.s32 $0x2, s5;
	v26 =	vmax.f32 v8, $9.999999960e-13;
	v10 =	vsub.f32 $1.500000000e+00, v10;
	v7 =	vadd.f32 v9, v7  }
0x91: {  	v14 =	vperm.xlane v59, v29;
	v8 =	vld [tilespmem:s7+$0xFFFFFFFF];
	v11 =	vmul.f32 $5.000000000e-01, v26;
	v9 =	vshrl.u32 v26, $0x1  }
0x92: {  	s6 =	sadd.s32 $0x2, s0;
	v9 =	vsub.s32 $0x5F3759DF, v9;
	v1 =	vmul.f32 v10, v6;
	v27 =	vmax.f32 v7, $9.999999960e-13  }
0x93: {  	v57 =	vld [tilespmem:s6+$0xFFFFFFFF];
	v6 =	vmul.f32 v9, v11;
	v10 =	vshrl.u32 v27, $0x1;
	v58 =	vmul.f32 $5.000000000e-01, v27  }
0x94: {  	v3 =	vperm.xlane v3, v29;
	v7 =	vld [tilespmem:s13+$0x0];
	v28 =	vmul.f32 v1, v5;
	v5 =	vsub.s32 $0x5F3759DF, v10  }
0x95: {  	v6 =	vmul.f32 v9, v6;
	v10 =	vld [tilespmem:s24+$0x0];
	v60 =	vmul.f32 v5, v58  }
0x96: {  	v3 =	vsub.f32 v3, v23;
	v1 =	vmul.f32 $4.000000060e-01, v4;
	v4 =	vperm.xlane v8, v29  }
0x97: {  	v2 =	vsub.f32 $1.000000000e+00, v2;
	v6 =	vsub.f32 $1.500000000e+00, v6;
	v61 =	vmul.f32 v5, v60  }
0x98: {  	v62 =	vmul.f32 v3, v3;
	v8 =	vperm.xlane v57, v29;
	v4 =	vsub.f32 v4, v24  }
0x99: {  	v7 =	vperm.xlane v7, v29;
	v3 =	vmul.f32 v9, v6;
	v6 =	vsub.f32 $1.500000000e+00, v61  }
0x9a: {  	v8 =	vsub.f32 v8, v25;
	v9 =	vmul.f32 v4, v4;
	v10 =	vperm.xlane v10, v29  }
0x9b: {  	v63 =	vsub.f32 v7, v23;
	v7 =	vmul.f32 v3, v11;
	v4 =	vmul.f32 v5, v6  }
0x9c: {  	s29 =	sshll.u32 s11, $0x5;
	s2 =	simm.s32 $0x15580;
	v8 =	vmul.f32 v8, v8;
	v9 =	vadd.f32 v9, v62;
	v11 =	vsub.f32 v10, v24  }
0x9d: {  	s8 =	simm.s32 $0xC;
	s31 =	sadd.s32 $0x2, s6;
	s18 =	sadd.s32 $0x2, s7;
	v5 =	vsub.f32 v14, v25;
	v6 =	vmul.f32 v7, v3;
	v7 =	vmul.f32 v4, v58  }
0x9e: {  	s14 =	simm.s32 $0x15480;
	s13 =	simm.s32 $0x15680;
	s24 =	sadd.s32 $0x2, s19;
	v10 =	vadd.f32 v8, v9;
	v8 =	vmul.f32 v63, v63;
	v9 =	vmul.f32 v11, v11  }
.LBB2_4:
0x9f: {  	v11 =	vld [tilespmem:s18+$0xFFFFFFFF];
	s8 =	sadd.s32 $0x2, s8;
	v6 =	vsub.f32 $1.500000000e+00, v6;
	v5 =	vmul.f32 v5, v5;
	v7 =	vmul.f32 v7, v4;
	s22 =	smov.u32 s16;
	s16 =	smov.u32 s23  }
0xa0: {  	v2 =	vmax.f32 v2, $0.0e+00;
	s23 =	smov.u32 s14;
	s14 =	smov.u32 s2;
	v12 =	vld [tilespmem:s31+$0xFFFFFFFF];
	p1 =	slt.u32 s8, $0x1E;
	v10 =	vmax.f32 v10, $9.999999960e-13;
	v8 =	vadd.f32 v9, v8  }
0xa1: {  	s2 =	smov.u32 s13;
	v9 =	vld [tilespmem:s24+$0xFFFFFFFF];
	v13 =	vshrl.u32 v10, $0x1;
	v14 =	vmul.f32 $5.000000000e-01, v10;
	[tilespmem:s23+$0xFFFFFF80] =	vst v2;
	v7 =	vsub.f32 $1.500000000e+00, v7  }
0xa2: {  	v3 =	vmul.f32 v6, v3;
	v13 =	vsub.s32 $0x5F3759DF, v13;
	v6 =	vld [tilespmem:s10+$0x0];
	v5 =	vadd.f32 v5, v8;
	s10 =	smov.u32 s26;
	s26 =	smov.u32 s17;
	s17 =	smov.u32 s0  }
0xa3: {  	v2 =	vsub.f32 $1.000000000e+00, v1;
	s0 =	smov.u32 s6;
	s6 =	smov.u32 s31;
	v8 =	vmul.f32 v13, v14;
	v15 =	vld [tilespmem:s1+$0x0];
	v4 =	vmul.f32 v7, v4;
	s1 =	smov.u32 s28  }
0xa4: {  	v1 =	vmul.f32 $4.000000060e-01, v28;
	v28 =	vmul.f32 v3, v26;
	v26 =	vmovc v10;
	s28 =	smov.u32 s9;
	s9 =	smov.u32 s3;
	s3 =	smov.u32 s19;
	v3 =	vmax.f32 v5, $9.999999960e-13  }
0xa5: {  	s13 =	sadd.s32 $0x100, s13;
	s19 =	smov.u32 s24;
	v5 =	vmul.f32 v13, v8;
	v7 =	vshrl.u32 v3, $0x1;
	v8 =	vmul.f32 $5.000000000e-01, v3  }
0xa6: {  	v4 =	vmul.f32 v4, v27;
	v27 =	vmovc v3;
	v9 =	vperm.xlane v9, v29;
	v7 =	vsub.s32 $0x5F3759DF, v7  }
0xa7: {  	v3 =	vperm.xlane v11, v29;
	v5 =	vsub.f32 $1.500000000e+00, v5;
	v10 =	vld [tilespmem:s20+$0x0];
	v11 =	vmul.f32 v7, v8;
	s20 =	smov.u32 s25;
	s25 =	smov.u32 s30;
	s30 =	smov.u32 s5  }
0xa8: {  	v12 =	vperm.xlane v12, v29;
	v4 =	vmul.f32 $4.000000060e-01, v4;
	s5 =	smov.u32 s7;
	s7 =	smov.u32 s18;
	v9 =	vsub.f32 v9, v23  }
0xa9: {  	v16 =	vsub.f32 v3, v24;
	v15 =	vperm.xlane v15, v29;
	v11 =	vmul.f32 v7, v11  }
0xaa: {  	v12 =	vsub.f32 v12, v25;
	v6 =	vperm.xlane v6, v29;
	v9 =	vmul.f32 v9, v9  }
0xab: {  	v3 =	vmul.f32 v13, v5;
	v13 =	vsub.f32 v15, v23;
	v11 =	vsub.f32 $1.500000000e+00, v11  }
.Ltmp0:
0xac: {  	v15 =	vmul.f32 v16, v16;
	v16 =	vsub.f32 $1.000000000e+00, v4;
	v10 =	vperm.xlane v10, v29;
	(pc) =	sbr.rel @p1 .LBB2_4-.Ltmp0, $4  }
0xad: {  	v5 =	vsub.f32 v6, v25;
	v14 =	vmul.f32 v3, v14;
	v4 =	vmul.f32 v7, v11  }
0xae: {  	v9 =	vadd.f32 v15, v9;
	v11 =	vmul.f32 v12, v12;
	v12 =	vsub.f32 v10, v24  }
0xaf: {  	v6 =	vmul.f32 v14, v3;
	v14 =	vmax.f32 v16, $0.0e+00;
	v7 =	vmul.f32 v4, v8  }
0xb0: {  	s31 =	sadd.s32 $0x2, s31;
	s24 =	sadd.s32 $0x2, s24;
	s18 =	sadd.s32 $0x2, s18;
	v10 =	vadd.f32 v11, v9;
	v8 =	vmul.f32 v13, v13;
	v9 =	vmul.f32 v12, v12;
	[tilespmem:s22+$0x0] =	vst v14  }
0xb1: {  	_ = 	snop  }
0xb2: {  	v2 =	vmax.f32 v2, $0.0e+00;
	v10 =	vmax.f32 v10, $9.999999960e-13  }
0xb3: {  	[tilespmem:s14+$0xFFFFFF80] =	vst v2;
	v11 =	vshrl.u32 v10, $0x1;
	v12 =	vmul.f32 $5.000000000e-01, v10  }
0xb4: {  	v14 =	vld [tilespmem:s20+$0x0];
	v2 =	vsub.s32 $0x5F3759DF, v11  }
0xb5: {  	v7 =	vmul.f32 v7, v4;
	v11 =	vld [tilespmem:s1+$0x0];
	v13 =	vmul.f32 v2, v12  }
0xb6: {  	v5 =	vmul.f32 v5, v5;
	v6 =	vsub.f32 $1.500000000e+00, v6;
	v8 =	vadd.f32 v9, v8  }
0xb7: {  	v9 =	vld [tilespmem:s10+$0x0];
	v7 =	vsub.f32 $1.500000000e+00, v7;
	v13 =	vmul.f32 v2, v13  }
0xb8: {  	v3 =	vmul.f32 v6, v3;
	v5 =	vadd.f32 v5, v8  }
0xb9: {  	v6 =	vsub.f32 $1.000000000e+00, v1;
	v4 =	vmul.f32 v7, v4;
	v8 =	vsub.f32 $1.500000000e+00, v13  }
0xba: {  	v1 =	vmax.f32 v5, $9.999999960e-13;
	v5 =	vperm.xlane v11, v29;
	v11 =	vperm.xlane v14, v29  }
0xbb: {  	v3 =	vmul.f32 v3, v26;
	v7 =	vshrl.u32 v1, $0x1;
	v2 =	vmul.f32 v2, v8  }
0xbc: {  	v8 =	vperm.xlane v9, v29;
	v5 =	vsub.f32 v5, v23;
	v9 =	vsub.f32 v11, v24  }
0xbd: {  	v7 =	vsub.s32 $0x5F3759DF, v7;
	v11 =	vmul.f32 $5.000000000e-01, v1;
	v12 =	vmul.f32 v2, v12  }
0xbe: {  	v8 =	vsub.f32 v8, v25;
	v5 =	vmul.f32 v5, v5;
	v9 =	vmul.f32 v9, v9  }
0xbf: {  	v6 =	vmax.f32 v6, $0.0e+00;
	v13 =	vmul.f32 v7, v11;
	v12 =	vmul.f32 v12, v2  }
0xc0: {  	[tilespmem:s2+$0xFFFFFF80] =	vst v6;
	v8 =	vmul.f32 v8, v8;
	v5 =	vadd.f32 v9, v5;
	v9 =	vmul.f32 $4.000000060e-01, v28  }
0xc1: {  	v3 =	vmul.f32 $4.000000060e-01, v3;
	v6 =	vmul.f32 v7, v13;
	v13 =	vld [tilespmem:s25+$0x0];
	v12 =	vsub.f32 $1.500000000e+00, v12  }
0xc2: {  	v5 =	vadd.f32 v8, v5;
	v8 =	vld [tilespmem:s28+$0x0];
	v9 =	vsub.f32 $1.000000000e+00, v9  }
0xc3: {  	v4 =	vmul.f32 v4, v27;
	v3 =	vsub.f32 $1.000000000e+00, v3;
	v6 =	vsub.f32 $1.500000000e+00, v6  }
0xc4: {  	v2 =	vmul.f32 v12, v2;
	v5 =	vmax.f32 v5, $9.999999960e-13;
	v12 =	vld [tilespmem:s26+$0x0];
	v9 =	vmax.f32 v9, $0.0e+00  }
0xc5: {  	v6 =	vmul.f32 v7, v6;
	v14 =	vshrl.u32 v5, $0x1;
	v15 =	vmul.f32 $5.000000000e-01, v5;
	[tilespmem:s13+$0xFFFFFF80] =	vst v9  }
0xc6: {  	v13 =	vperm.xlane v13, v29;
	v2 =	vmul.f32 v2, v10;
	v7 =	vsub.s32 $0x5F3759DF, v14;
	v10 =	vld [tilespmem:s9+$0x0]  }
0xc7: {  	v14 =	vld [tilespmem:s30+$0x0];
	v9 =	vmul.f32 v7, v15;
	v8 =	vperm.xlane v8, v29  }
0xc8: {  	v3 =	vmax.f32 v3, $0.0e+00;
	v13 =	vsub.f32 v13, v24;
	v2 =	vmul.f32 $4.000000060e-01, v2  }
0xc9: {  	v16 =	vld [tilespmem:s17+$0x0];
	v9 =	vmul.f32 v7, v9;
	v12 =	vperm.xlane v12, v29;
	v8 =	vsub.f32 v8, v23  }
0xca: {  	s28 =	sadd.s32 $0x100, s13;
	v11 =	vmul.f32 v6, v11;
	v13 =	vmul.f32 v13, v13;
	v2 =	vsub.f32 $1.000000000e+00, v2  }
0xcb: {  	[tilespmem:s28+$0xFFFFFF80] =	vst v3;
	v9 =	vsub.f32 $1.500000000e+00, v9;
	v12 =	vsub.f32 v12, v25;
	v8 =	vmul.f32 v8, v8  }
0xcc: {  	s30 =	sadd.s32 $0x100, s28;
	v3 =	vperm.xlane v10, v29;
	v10 =	vperm.xlane v14, v29;
	v14 =	vld [tilespmem:s3+$0x0];
	v2 =	vmax.f32 v2, $0.0e+00  }
0xcd: {  	v7 =	vmul.f32 v7, v9;
	v9 =	vmul.f32 v12, v12;
	v8 =	vadd.f32 v13, v8;
	v12 =	vld [tilespmem:s5+$0x0];
	[tilespmem:s30+$0xFFFFFF80] =	vst v2  }
0xce: {  	v2 =	vperm.xlane v16, v29;
	v3 =	vsub.f32 v3, v23;
	v10 =	vsub.f32 v10, v24;
	v13 =	vld [tilespmem:s19+$0x0]  }
0xcf: {  	v4 =	vmul.f32 $4.000000060e-01, v4;
	v11 =	vmul.f32 v11, v6;
	v8 =	vadd.f32 v9, v8;
	v9 =	vld [tilespmem:s7+$0x0]  }
0xd0: {  	v16 =	vld [tilespmem:s0+$0x0];
	v2 =	vsub.f32 v2, v25;
	v3 =	vmul.f32 v3, v3;
	v10 =	vmul.f32 v10, v10  }
0xd1: {  	v17 =	vld [tilespmem:s6+$0x0];
	v15 =	vmul.f32 v7, v15;
	v14 =	vperm.xlane v14, v29  }
0xd2: {  	v8 =	vmax.f32 v8, $9.999999960e-13;
	v2 =	vmul.f32 v2, v2;
	v3 =	vadd.f32 v10, v3  }
0xd3: {  	v15 =	vmul.f32 v15, v7;
	v10 =	vshrl.u32 v8, $0x1;
	v12 =	vperm.xlane v12, v29  }
0xd4: {  	v2 =	vadd.f32 v2, v3;
	v3 =	vperm.xlane v13, v29;
	v9 =	vperm.xlane v9, v29  }
0xd5: {  	v14 =	vsub.f32 v14, v23;
	v13 =	vperm.xlane v16, v29;
	v12 =	vsub.f32 v12, v24  }
0xd6: {  	v16 =	vperm.xlane v17, v29;
	v3 =	vsub.f32 v3, v23;
	v9 =	vsub.f32 v9, v24  }
0xd7: {  	v14 =	vmul.f32 v14, v14;
	v13 =	vsub.f32 v13, v25;
	v12 =	vmul.f32 v12, v12  }
0xd8: {  	v16 =	vsub.f32 v16, v25;
	v3 =	vmul.f32 v3, v3;
	v9 =	vmul.f32 v9, v9  }
0xd9: {  	v17 =	vmul.f32 $5.000000000e-01, v8;
	v13 =	vmul.f32 v13, v13;
	v12 =	vadd.f32 v12, v14  }
0xda: {  	v2 =	vmax.f32 v2, $9.999999960e-13;
	v14 =	vmul.f32 v16, v16;
	v3 =	vadd.f32 v9, v3  }
0xdb: {  	v16 =	vmul.f32 $5.000000000e-01, v2;
	v9 =	vshrl.u32 v2, $0x1;
	v12 =	vadd.f32 v13, v12  }
0xdc: {  	v10 =	vsub.s32 $0x5F3759DF, v10;
	v9 =	vsub.s32 $0x5F3759DF, v9;
	v3 =	vadd.f32 v14, v3  }
0xdd: {  	v13 =	vmul.f32 v10, v17;
	v14 =	vmul.f32 v9, v16;
	v12 =	vmax.f32 v12, $9.999999960e-13  }
0xde: {  	v19 =	vshrl.u32 v12, $0x1;
	v20 =	vmul.f32 $5.000000000e-01, v12;
	v3 =	vmax.f32 v3, $9.999999960e-13  }
0xdf: {  	v19 =	vsub.s32 $0x5F3759DF, v19;
	v21 =	vshrl.u32 v3, $0x1;
	v22 =	vmul.f32 $5.000000000e-01, v3  }
0xe0: {  	v13 =	vmul.f32 v10, v13;
	v23 =	vmul.f32 v19, v20;
	v21 =	vsub.s32 $0x5F3759DF, v21  }
0xe1: {  	v14 =	vmul.f32 v9, v14;
	v24 =	vmul.f32 v21, v22  }
0xe2: {  	v11 =	vsub.f32 $1.500000000e+00, v11;
	v13 =	vsub.f32 $1.500000000e+00, v13;
	v23 =	vmul.f32 v19, v23  }
0xe3: {  	v15 =	vsub.f32 $1.500000000e+00, v15;
	v14 =	vsub.f32 $1.500000000e+00, v14;
	v24 =	vmul.f32 v21, v24  }
0xe4: {  	v6 =	vmul.f32 v11, v6;
	v10 =	vmul.f32 v10, v13;
	v11 =	vsub.f32 $1.500000000e+00, v23  }
0xe5: {  	v7 =	vmul.f32 v15, v7;
	v9 =	vmul.f32 v9, v14;
	v13 =	vsub.f32 $1.500000000e+00, v24  }
0xe6: {  	v14 =	vmul.f32 v10, v17;
	v11 =	vmul.f32 v19, v11  }
0xe7: {  	v15 =	vmul.f32 v9, v16;
	v13 =	vmul.f32 v21, v13  }
0xe8: {  	v14 =	vmul.f32 v14, v10;
	v16 =	vmul.f32 v11, v20  }
0xe9: {  	v4 =	vsub.f32 $1.000000000e+00, v4;
	v15 =	vmul.f32 v15, v9;
	v17 =	vmul.f32 v13, v22  }
0xea: {  	v1 =	vmul.f32 v6, v1;
	v6 =	vsub.f32 $1.500000000e+00, v14;
	v14 =	vmul.f32 v16, v11  }
0xeb: {  	v5 =	vmul.f32 v7, v5;
	v7 =	vsub.f32 $1.500000000e+00, v15;
	v15 =	vmul.f32 v17, v13  }
0xec: {  	v1 =	vmul.f32 $4.000000060e-01, v1;
	v6 =	vmul.f32 v6, v10;
	v10 =	vsub.f32 $1.500000000e+00, v14  }
0xed: {  	v5 =	vmul.f32 $4.000000060e-01, v5;
	v7 =	vmul.f32 v7, v9;
	v9 =	vsub.f32 $1.500000000e+00, v15  }
0xee: {  	v6 =	vmul.f32 v6, v8;
	v8 =	vmul.f32 v10, v11  }
0xef: {  	v4 =	vmax.f32 v4, $0.0e+00;
	v2 =	vmul.f32 v7, v2;
	v7 =	vmul.f32 v9, v13  }
0xf0: {  	v1 =	vsub.f32 $1.000000000e+00, v1;
	v6 =	vmul.f32 $4.000000060e-01, v6;
	v8 =	vmul.f32 v8, v12  }
0xf1: {  	v5 =	vsub.f32 $1.000000000e+00, v5;
	v2 =	vmul.f32 $4.000000060e-01, v2;
	v3 =	vmul.f32 v7, v3  }
0xf2: {  	[tilespmem:s16+$0x0] =	vst v4;
	v1 =	vmax.f32 v1, $0.0e+00;
	v4 =	vsub.f32 $1.000000000e+00, v6;
	v6 =	vmul.f32 $4.000000060e-01, v8  }
0xf3: {  	[tilespmem:s23+$0x0] =	vst v1;
	v1 =	vmax.f32 v5, $0.0e+00;
	v2 =	vsub.f32 $1.000000000e+00, v2;
	v3 =	vmul.f32 $4.000000060e-01, v3  }
0xf4: {  	[tilespmem:s14+$0x0] =	vst v1;
	v1 =	vmax.f32 v4, $0.0e+00;
	v4 =	vsub.f32 $1.000000000e+00, v6  }
0xf5: {  	[tilespmem:s2+$0x0] =	vst v1;
	v1 =	vmax.f32 v2, $0.0e+00;
	v2 =	vsub.f32 $1.000000000e+00, v3  }
0xf6: {  	[tilespmem:s13+$0x0] =	vst v1;
	v1 =	vmax.f32 v4, $0.0e+00  }
0xf7: {  	[tilespmem:s28+$0x0] =	vst v1;
	v1 =	vmax.f32 v2, $0.0e+00  }
0xf8: {  	[tilespmem:s30+$0x0] =	vst v1  }
0xf9: {  	v1 =	vld [tilespmem:s29+$0x15000]  }
0xfa: {  	v2 =	vld [tilespmem:s29+$0x15010];
	_ =	sdelay $0x1  }
0xfb: {  	v0 =	vld [tilespmem:$0x1FFC0];
	_ =	sdelay $0x2  }
0xfc: {  	v1 =	vadd.f32 v2, v1;
	_ =	sdelay $0x1  }
0xfd: {  	v2 =	vperm.xlane v1, v0;
	v0 =	vld [tilespmem:$0x1FFD0];
	_ =	sdelay $0x2  }
0xfe: {  	v1 =	vadd.f32 v2, v1;
	_ =	sdelay $0x1  }
0xff: {  	v2 =	vperm.xlane v1, v0;
	v0 =	vld [tilespmem:$0x1FFE0];
	_ =	sdelay $0x2  }
0x100: {  	v1 =	vadd.f32 v2, v1;
	_ =	sdelay $0x1  }
0x101: {  	v2 =	vperm.xlane v1, v0;
	v0 =	vld [tilespmem:$0x1FFF0];
	_ =	sdelay $0x2  }
0x102: {  	v1 =	vadd.f32 v2, v1;
	_ =	sdelay $0x1  }
0x103: {  	v2 =	vperm.xlane v1, v0;
	_ =	sdelay $0x1  }
0x104: {  	v1 =	vadd.f32 v2, v1;
	_ =	sdelay $0x1  }
0x105: {  	v1 =	vmax.f32 v1, $1.000000000e+00  }
0x106: {  	v2 =	vshrl.u32 v1, $0x1;
	v1 =	vmul.f32 $5.000000000e-01, v1  }
0x107: {  	v2 =	vsub.s32 $0x5F3759DF, v2  }
0x108: {  	v3 =	vmul.f32 v2, v1;
	_ =	sdelay $0x1  }
0x109: {  	v3 =	vmul.f32 v2, v3;
	_ =	sdelay $0x1  }
0x10a: {  	v3 =	vsub.f32 $1.500000000e+00, v3;
	_ =	sdelay $0x1  }
0x10b: {  	v2 =	vmul.f32 v2, v3;
	_ =	sdelay $0x1  }
0x10c: {  	v3 =	vmul.f32 v2, v1;
	_ =	sdelay $0x1  }
0x10d: {  	v3 =	vmul.f32 v3, v2;
	_ =	sdelay $0x1  }
0x10e: {  	v3 =	vsub.f32 $1.500000000e+00, v3;
	_ =	sdelay $0x1  }
0x10f: {  	v2 =	vmul.f32 v3, v2;
	_ =	sdelay $0x1  }
0x110: {  	v1 =	vmul.f32 v2, v1;
	_ =	sdelay $0x1  }
0x111: {  	v1 =	vmul.f32 v1, v2;
	_ =	sdelay $0x1  }
0x112: {  	v1 =	vsub.f32 $1.500000000e+00, v1;
	_ =	sdelay $0x1  }
0x113: {  	s2 =	rddreg [dreg:$0x12];
	v1 =	vmul.f32 v1, v2  }
0x114: {  	v23 =	vmov s2  }
0x115: {  	v1 =	vmul.f32 v1, v1;
	_ =	sdelay $0x1  }
0x116: {  	s31 =	simm.s32 $0x0;
	[tilespmem:s4+$0x18000] =	vst v1  }
0x117: {  	v1 =	vld [tilespmem:s31+$0x15200]  }
0x118: {  	v24 =	vld.idx.msk [tilespmem:v23+s31+$0x20 ss:$0x1], $0xffff  }
0x119: {  	v40 =	vld.idx.msk [tilespmem:v23+s31+$0xFFFFFFF0 ss:$0x1], $0xffff  }
0x11a: {  	v58 =	vld.idx.msk [tilespmem:v23+s31+$0xFFFFFFD0 ss:$0x1], $0xffff  }
0x11b: {  	v18 =	vimm.f32 $0.0e+00;
	v48 =	vld.idx.msk [tilespmem:v23+s31+$0xFFFFFFE0 ss:$0x1], $0xffff  }
0x11c: {  	v62 =	vimm.f32 $0.0e+00;
	v38 =	vimm.f32 $0.0e+00;
	v57 =	vimm.f32 $0.0e+00;
	v28 =	vld.idx.msk [tilespmem:v23+s31+$0x0 ss:$0x1], $0xffff  }
0x11d: {  	v56 =	vimm.f32 $0.0e+00;
	v54 =	vimm.f32 $0.0e+00;
	v27 =	vld.idx.msk [tilespmem:v23+s31+$0x30 ss:$0x1], $0xffff;
	v26 =	vperm.xlane v1, v31  }
0x11e: {  	v61 =	vimm.f32 $0.0e+00;
	v42 =	vperm.xlane v1, v33;
	v36 =	vperm.xlane v1, v29  }
0x11f: {  	v59 =	vimm.f32 $0.0e+00;
	v6 =	vld.idx.msk [tilespmem:v23+s31+$0xFFFFFFC0 ss:$0x1], $0xffff;
	v39 =	vperm.xlane v1, v30;
	v29 =	vperm.xlane v1, v32  }
0x120: {  	v19 =	vimm.f32 $0.0e+00;
	v1 =	vmul.f32 v24, v42;
	v2 =	vmul.f32 v58, v42  }
0x121: {  	v21 =	vimm.f32 $0.0e+00;
	v3 =	vmul.f32 v48, v36;
	v4 =	vmul.f32 v40, v42  }
0x122: {  	v22 =	vimm.f32 $0.0e+00;
	v5 =	vmul.f32 v28, v36;
	v49 =	vmul.f32 v27, v42  }
0x123: {  	v10 =	vimm.f32 $0.0e+00;
	v12 =	vmul.f32 v58, v36;
	v51 =	vmul.f32 v24, v39  }
0x124: {  	v11 =	vimm.f32 $0.0e+00;
	v7 =	vmul.f32 v27, v26;
	v13 =	vmul.f32 v6, v26  }
0x125: {  	v9 =	vimm.f32 $0.0e+00;
	v8 =	vmul.f32 v40, v39;
	v15 =	vmul.f32 v6, v29  }
0x126: {  	v0 =	vimm.f32 $0.0e+00;
	v17 =	vmul.f32 v58, v29;
	v14 =	vmul.f32 v40, v26  }
0x127: {  	v16 =	vmul.f32 v48, v39;
	v25 =	vadd.f32 v1, v18;
	v43 =	vadd.f32 v2, v18  }
0x128: {  	v50 =	vld.idx.msk [tilespmem:v23+s31+$0x10 ss:$0x1], $0xffff;
	v1 =	vmul.f32 v28, v26;
	v45 =	vadd.f32 v3, v18;
	v32 =	vadd.f32 v5, v18  }
0x129: {  	v2 =	vmul.f32 v28, v42;
	v3 =	vmul.f32 v48, v26;
	v35 =	vadd.f32 v4, v18  }
0x12a: {  	v4 =	vmul.f32 v27, v36;
	v5 =	vmul.f32 v27, v39;
	v60 =	vadd.f32 v8, v18  }
0x12b: {  	v41 =	vadd.f32 v7, v18;
	v7 =	vimm.f32 $0.0e+00;
	v8 =	vimm.f32 $0.0e+00  }
0x12c: {  	v33 =	vadd.f32 v1, v18;
	v1 =	vmul.f32 v48, v29;
	v34 =	vadd.f32 v2, v18  }
0x12d: {  	v2 =	vmul.f32 v6, v39;
	v52 =	vadd.f32 v3, v18;
	v3 =	vmul.f32 v50, v39  }
0x12e: {  	v30 =	vadd.f32 v5, v18;
	v5 =	vmul.f32 v50, v36;
	v31 =	vadd.f32 v4, v18  }
0x12f: {  	v4 =	vmul.f32 v50, v26;
	v55 =	vadd.f32 v1, v18;
	v63 =	vadd.f32 v2, v18  }
0x130: {  	v2 =	vmul.f32 v6, v42;
	v37 =	vadd.f32 v3, v18;
	v3 =	vmul.f32 v50, v29  }
0x131: {  	v46 =	vadd.f32 v5, v18;
	v5 =	vmul.f32 v58, v26;
	v47 =	vadd.f32 v4, v18  }
0x132: {  	v4 =	vimm.f32 $0.0e+00;
	v2 =	vadd.f32 v2, v18;
	v44 =	vadd.f32 v3, v18  }
0x133: {  	s0 =	simm.s32 $0x200;
	[tilespmem:$0x1FF70] =	vst v0;
	v20 =	vadd.f32 v5, v18;
	v3 =	vimm.f32 $0.0e+00;
	v5 =	vimm.f32 $0.0e+00  }
.LBB2_6:
0x134: {  	_ = 	snop  }
0x135: {  	v62 =	vadd.f32 v14, v62  }
0x136: {  	v14 =	vmul.f32 v40, v29;
	v7 =	vadd.f32 v15, v7;
	v15 =	vmul.f32 v28, v39  }
0x137: {  	s1 =	sshra.s32 s0, $0x2;
	v21 =	vadd.f32 v16, v21;
	v16 =	vmul.f32 v48, v42;
	v38 =	vadd.f32 v49, v38  }
0x138: {  	v0 =	vld.idx.msk [tilespmem:v23+s1+$0x30 ss:$0x1], $0xffff;
	v42 =	vmul.f32 v50, v42;
	v48 =	vmul.f32 v24, v29  }
0x139: {  	v49 =	vmovc v46;
	v11 =	vadd.f32 v13, v11;
	v13 =	vmul.f32 v58, v39;
	v8 =	vadd.f32 v12, v8  }
0x13a: {  	v46 =	vmovc v44;
	v12 =	vmul.f32 v24, v26;
	v3 =	vadd.f32 v14, v3;
	v18 =	vadd.f32 v17, v18  }
0x13b: {  	v44 =	vmovc v38;
	v54 =	vadd.f32 v48, v54;
	v22 =	vadd.f32 v16, v22;
	v16 =	vld [tilespmem:$0x1FF70];
	v38 =	vmovc v35;
	v35 =	vmov v33  }
0x13c: {  	v33 =	vmovc v31;
	v31 =	vmov v25;
	v25 =	vld [tilespmem:s1+$0x15200];
	[tilespmem:$0x1FF60] =	vst v18;
	v18 =	vmul.f32 v6, v36;
	v6 =	vmul.f32 v24, v36  }
0x13d: {  	v53 =	vld.idx.msk [tilespmem:v23+s1+$0xFFFFFFF0 ss:$0x1], $0xffff;
	v5 =	vadd.f32 v15, v5;
	v15 =	vmul.f32 v28, v29;
	v9 =	vadd.f32 v13, v9  }
0x13e: {  	v1 =	vld.idx.msk [tilespmem:v23+s1+$0xFFFFFFD0 ss:$0x1], $0xffff;
	v14 =	vmul.f32 v27, v29;
	v61 =	vadd.f32 v42, v61;
	v59 =	vadd.f32 v12, v59  }
0x13f: {  	v17 =	vld.idx.msk [tilespmem:v23+s1+$0x20 ss:$0x1], $0xffff;
	v19 =	vadd.f32 v15, v19;
	v27 =	vmovc v0;
	v0 =	vimm.s32 $0x2;
	v57 =	vadd.f32 v6, v57  }
0x140: {  	v10 =	vadd.f32 v18, v10;
	v16 =	vadd.f32 v14, v16;
	v6 =	vmovc v51;
	v51 =	vmovc v47;
	v47 =	vmov v45  }
0x141: {  	v45 =	vmovc v43;
	v43 =	vmovc v37;
	v37 =	vmov v34;
	v26 =	vperm.xlane v25, v0;
	v0 =	vimm.s32 $0x4  }
0x142: {  	v48 =	vld.idx.msk [tilespmem:v23+s1+$0xFFFFFFE0 ss:$0x1], $0xffff;
	v34 =	vmovc v32;
	v32 =	vmovc v30;
	v30 =	vmul.f32 v40, v36;
	v42 =	vperm.xlane v25, v0;
	v0 =	vimm.s32 $0x0  }
0x143: {  	v28 =	vld.idx.msk [tilespmem:v23+s1+$0x0 ss:$0x1], $0xffff;
	v58 =	vmovc v1;
	v56 =	vadd.f32 v6, v56;
	v36 =	vperm.xlane v25, v0;
	v0 =	vimm.s32 $0x1  }
0x144: {  	v40 =	vmovc v53;
	v4 =	vadd.f32 v30, v4;
	v18 =	vmul.f32 v27, v26;
	v39 =	vperm.xlane v25, v0  }
0x145: {  	v24 =	vmovc v17;
	v53 =	vmovc v47;
	v0 =	vimm.s32 $0x3;
	v1 =	vmul.f32 v58, v42;
	v13 =	vmul.f32 v40, v42  }
0x146: {  	v50 =	vld.idx.msk [tilespmem:v23+s1+$0x10 ss:$0x1], $0xffff;
	v29 =	vperm.xlane v25, v0;
	v25 =	vmovc v31;
	v31 =	vmovc v33;
	v33 =	vmov v35;
	v35 =	vmov v38  }
0x147: {  	v6 =	vld.idx.msk [tilespmem:v23+s1+$0xFFFFFFC0 ss:$0x1], $0xffff;
	v38 =	vmovc v44;
	v44 =	vmovc v46;
	v46 =	vmov v49;
	v0 =	vmul.f32 v24, v42;
	v30 =	vmov v32  }
0x148: {  	v32 =	vmovc v34;
	v34 =	vmovc v37;
	v49 =	vmov v45;
	v12 =	vmul.f32 v48, v36;
	v14 =	vmul.f32 v28, v36  }
0x149: {  	v37 =	vmovc v43;
	v41 =	vadd.f32 v18, v41;
	v43 =	vadd.f32 v1, v49;
	v49 =	vmul.f32 v27, v42  }
0x14a: {  	v47 =	vmovc v51;
	v1 =	vmul.f32 v28, v42;
	v35 =	vadd.f32 v13, v35;
	v51 =	vmul.f32 v24, v39  }
0x14b: {  	[tilespmem:$0x1FF70] =	vst v16;
	v16 =	vmul.f32 v40, v39;
	v25 =	vadd.f32 v0, v25;
	v0 =	vmul.f32 v28, v26  }
0x14c: {  	v45 =	vadd.f32 v12, v53;
	v12 =	vmul.f32 v48, v26;
	v13 =	vmul.f32 v6, v39  }
0x14d: {  	v32 =	vadd.f32 v14, v32;
	v14 =	vmul.f32 v50, v39;
	v15 =	vmul.f32 v6, v29  }
0x14e: {  	v17 =	vmul.f32 v58, v29;
	v33 =	vadd.f32 v0, v33;
	v0 =	vmul.f32 v48, v29  }
0x14f: {  	v34 =	vadd.f32 v1, v34;
	v1 =	vmul.f32 v27, v36;
	v60 =	vadd.f32 v16, v60  }
0x150: {  	v16 =	vmul.f32 v48, v39;
	v55 =	vadd.f32 v0, v55;
	v0 =	vmul.f32 v27, v39  }
0x151: {  	p1 =	sne.s32 s0, $0x3E00;
	v52 =	vadd.f32 v12, v52;
	v12 =	vmul.f32 v58, v36;
	v63 =	vadd.f32 v13, v63  }
.Ltmp1:
0x152: {  	v13 =	vmul.f32 v6, v42;
	v30 =	vadd.f32 v0, v30;
	v0 =	vmul.f32 v50, v36;
	(pc) =	sbr.rel @p1 .LBB2_6-.Ltmp1, $4  }
0x153: {  	v37 =	vadd.f32 v14, v37;
	v14 =	vmul.f32 v50, v29;
	v31 =	vadd.f32 v1, v31  }
0x154: {  	v1 =	vmul.f32 v58, v26;
	v46 =	vadd.f32 v0, v46;
	v0 =	vmul.f32 v50, v26  }
0x155: {  	v2 =	vadd.f32 v13, v2;
	v13 =	vmul.f32 v6, v26;
	v44 =	vadd.f32 v14, v44  }
0x156: {  	s0 =	sadd.s32 $0x200, s0;
	v18 =	vld [tilespmem:$0x1FF60];
	v14 =	vmul.f32 v40, v26;
	v20 =	vadd.f32 v1, v20;
	v47 =	vadd.f32 v0, v47  }
0x157: {  	[tilespmem:s4+$0x16400] =	vst v63  }
0x158: {  	[tilespmem:s4+$0x16A00] =	vst v2  }
0x159: {  	[tilespmem:s4+$0x16A10] =	vst v43  }
0x15a: {  	[tilespmem:s4+$0x16220] =	vst v45  }
0x15b: {  	[tilespmem:s4+$0x16620] =	vst v52  }
0x15c: {  	[tilespmem:s4+$0x16820] =	vst v55  }
0x15d: {  	[tilespmem:s4+$0x16430] =	vst v60  }
0x15e: {  	v0 =	vmul.f32 v6, v36;
	[tilespmem:s4+$0x16A30] =	vst v35  }
0x15f: {  	v1 =	vadd.f32 v13, v11;
	[tilespmem:s4+$0x16240] =	vst v32  }
0x160: {  	[tilespmem:s4+$0x16640] =	vst v33;
	v0 =	vadd.f32 v0, v10  }
0x161: {  	[tilespmem:s4+$0x16600] =	vst v1;
	v1 =	vadd.f32 v12, v8  }
0x162: {  	v6 =	vmul.f32 v58, v39;
	[tilespmem:s4+$0x16200] =	vst v0;
	v0 =	vadd.f32 v15, v7  }
0x163: {  	[tilespmem:s4+$0x16210] =	vst v1;
	v1 =	vadd.f32 v17, v18  }
0x164: {  	[tilespmem:s4+$0x16800] =	vst v0;
	v0 =	vadd.f32 v6, v9  }
0x165: {  	[tilespmem:s4+$0x16810] =	vst v1  }
0x166: {  	v2 =	vmul.f32 v40, v36;
	v1 =	vmul.f32 v48, v42;
	[tilespmem:s4+$0x16410] =	vst v0;
	v0 =	vadd.f32 v16, v21  }
0x167: {  	[tilespmem:s4+$0x16A40] =	vst v34  }
0x168: {  	[tilespmem:s4+$0x16420] =	vst v0;
	v0 =	vadd.f32 v1, v22;
	v1 =	vadd.f32 v2, v4;
	v2 =	vmul.f32 v40, v29  }
0x169: {  	[tilespmem:s4+$0x16250] =	vst v46  }
0x16a: {  	[tilespmem:s4+$0x16230] =	vst v1;
	v1 =	vadd.f32 v2, v3  }
0x16b: {  	[tilespmem:s4+$0x16450] =	vst v37  }
0x16c: {  	[tilespmem:s4+$0x16830] =	vst v1;
	v1 =	vmul.f32 v28, v29  }
0x16d: {  	[tilespmem:s4+$0x16850] =	vst v44  }
0x16e: {  	[tilespmem:s4+$0x16A60] =	vst v25;
	v1 =	vadd.f32 v1, v19  }
0x16f: {  	[tilespmem:s4+$0x16A20] =	vst v0;
	v0 =	vadd.f32 v14, v62;
	v2 =	vmul.f32 v28, v39  }
0x170: {  	[tilespmem:s4+$0x16840] =	vst v1;
	v1 =	vmul.f32 v24, v36  }
0x171: {  	[tilespmem:s4+$0x16630] =	vst v0;
	v0 =	vadd.f32 v2, v5  }
0x172: {  	[tilespmem:s4+$0x16270] =	vst v31;
	v3 =	vmul.f32 v24, v29;
	v1 =	vadd.f32 v1, v57  }
0x173: {  	[tilespmem:s4+$0x16440] =	vst v0;
	v0 =	vmul.f32 v50, v42  }
0x174: {  	[tilespmem:s4+$0x16260] =	vst v1;
	v1 =	vadd.f32 v3, v54  }
0x175: {  	[tilespmem:s4+$0x16470] =	vst v30;
	v2 =	vmul.f32 v24, v26;
	v0 =	vadd.f32 v0, v61  }
0x176: {  	[tilespmem:s4+$0x16860] =	vst v1;
	v1 =	vld [tilespmem:$0x1FF70]  }
0x177: {  	[tilespmem:s4+$0x16A50] =	vst v0;
	v0 =	vadd.f32 v2, v59  }
0x178: {  	[tilespmem:s4+$0x16670] =	vst v41  }
0x179: {  	[tilespmem:s4+$0x16660] =	vst v0;
	v0 =	vmul.f32 v27, v29  }
0x17a: {  	[tilespmem:s4+$0x16610] =	vst v20;
	v4 =	vadd.f32 v51, v56  }
0x17b: {  	[tilespmem:s4+$0x16650] =	vst v47;
	v0 =	vadd.f32 v0, v1  }
0x17c: {  	[tilespmem:s4+$0x16460] =	vst v4;
	v1 =	vadd.f32 v49, v38  }
0x17d: {  	[tilespmem:s4+$0x16870] =	vst v0  }
0x17e: {  	s0 =	simm.s32 $0x0;
	[tilespmem:s4+$0x16A70] =	vst v1  }
0x17f: {  	v0 =	vld [tilespmem:s0+$0x15200]  }
0x180: {  	v24 =	vld.idx.msk [tilespmem:v23+s0+$0x20 ss:$0x1], $0xffff  }
0x181: {  	v11 =	vimm.f32 $0.0e+00;
	v10 =	vimm.f32 $0.0e+00;
	v8 =	vimm.f32 $0.0e+00;
	v6 =	vld.idx.msk [tilespmem:v23+s0+$0xFFFFFFC0 ss:$0x1], $0xffff  }
0x182: {  	v18 =	vimm.f32 $0.0e+00;
	v9 =	vimm.f32 $0.0e+00;
	v21 =	vimm.f32 $0.0e+00;
	v40 =	vld.idx.msk [tilespmem:v23+s0+$0xFFFFFFF0 ss:$0x1], $0xffff  }
0x183: {  	v56 =	vimm.f32 $0.0e+00;
	v22 =	vimm.f32 $0.0e+00;
	v1 =	vimm.s32 $0x7;
	v27 =	vld.idx.msk [tilespmem:v23+s0+$0x30 ss:$0x1], $0xffff  }
0x184: {  	v62 =	vimm.f32 $0.0e+00;
	v58 =	vld.idx.msk [tilespmem:v23+s0+$0xFFFFFFD0 ss:$0x1], $0xffff;
	v26 =	vperm.xlane v0, v1;
	v1 =	vimm.s32 $0x9  }
0x185: {  	v19 =	vimm.f32 $0.0e+00;
	v48 =	vld.idx.msk [tilespmem:v23+s0+$0xFFFFFFE0 ss:$0x1], $0xffff;
	v42 =	vperm.xlane v0, v1;
	v1 =	vimm.s32 $0x5  }
0x186: {  	v28 =	vld.idx.msk [tilespmem:v23+s0+$0x0 ss:$0x1], $0xffff;
	v36 =	vperm.xlane v0, v1;
	v1 =	vimm.s32 $0x6;
	v13 =	vmul.f32 v6, v26  }
0x187: {  	v61 =	vimm.f32 $0.0e+00;
	v14 =	vmul.f32 v40, v26;
	v39 =	vperm.xlane v0, v1  }
0x188: {  	v1 =	vimm.s32 $0x8;
	v3 =	vmul.f32 v40, v42;
	v49 =	vmul.f32 v27, v42  }
0x189: {  	v57 =	vimm.f32 $0.0e+00;
	v29 =	vperm.xlane v0, v1;
	v0 =	vmul.f32 v24, v42  }
0x18a: {  	v59 =	vimm.f32 $0.0e+00;
	v1 =	vmul.f32 v58, v42;
	v2 =	vmul.f32 v48, v36  }
0x18b: {  	v54 =	vimm.f32 $0.0e+00;
	v50 =	vld.idx.msk [tilespmem:v23+s0+$0x10 ss:$0x1], $0xffff;
	v4 =	vmul.f32 v28, v36;
	v12 =	vmul.f32 v58, v36  }
0x18c: {  	v35 =	vadd.f32 v3, v18;
	v3 =	vmul.f32 v27, v36;
	v51 =	vmul.f32 v24, v39  }
0x18d: {  	v38 =	vimm.f32 $0.0e+00;
	v7 =	vmul.f32 v40, v39;
	v16 =	vmul.f32 v48, v39  }
0x18e: {  	v25 =	vadd.f32 v0, v18;
	v43 =	vadd.f32 v1, v18;
	v0 =	vmul.f32 v28, v26  }
0x18f: {  	v45 =	vadd.f32 v2, v18;
	v1 =	vmul.f32 v28, v42;
	v2 =	vmul.f32 v48, v26  }
0x190: {  	v32 =	vadd.f32 v4, v18;
	v4 =	vmul.f32 v6, v42;
	v5 =	vmul.f32 v50, v29  }
0x191: {  	v15 =	vmul.f32 v6, v29;
	v33 =	vadd.f32 v0, v18;
	v0 =	vmul.f32 v48, v29  }
0x192: {  	v17 =	vmul.f32 v58, v29;
	v31 =	vadd.f32 v3, v18;
	v3 =	vmul.f32 v58, v26  }
0x193: {  	v60 =	vadd.f32 v7, v18;
	v55 =	vadd.f32 v0, v18;
	v0 =	vmul.f32 v27, v39  }
0x194: {  	v7 =	vimm.f32 $0.0e+00;
	v34 =	vadd.f32 v1, v18;
	v1 =	vmul.f32 v6, v39  }
0x195: {  	v52 =	vadd.f32 v2, v18;
	v30 =	vadd.f32 v0, v18;
	v0 =	vmul.f32 v50, v36  }
0x196: {  	v2 =	vmul.f32 v50, v39;
	v44 =	vadd.f32 v5, v18;
	v5 =	vimm.f32 $0.0e+00  }
0x197: {  	v20 =	vadd.f32 v3, v18;
	v46 =	vadd.f32 v0, v18;
	v0 =	vmul.f32 v50, v26  }
0x198: {  	v37 =	vadd.f32 v2, v18;
	v2 =	vadd.f32 v4, v18;
	v4 =	vmul.f32 v27, v26  }
0x199: {  	v3 =	vimm.f32 $0.0e+00;
	v47 =	vadd.f32 v0, v18;
	v0 =	vimm.f32 $0.0e+00  }
0x19a: {  	s0 =	simm.s32 $0x200;
	v63 =	vadd.f32 v1, v18;
	v41 =	vadd.f32 v4, v18;
	v4 =	vimm.f32 $0.0e+00;
	[tilespmem:$0x1FF50] =	vst v0  }
.LBB2_8:
0x19b: {  	v0 =	vmul.f32 v40, v29  }
0x19c: {  	s1 =	sshra.s32 s0, $0x2;
	v62 =	vadd.f32 v14, v62;
	v7 =	vadd.f32 v15, v7;
	v15 =	vmul.f32 v28, v39  }
0x19d: {  	v14 =	vld.idx.msk [tilespmem:v23+s1+$0x20 ss:$0x1], $0xffff;
	v21 =	vadd.f32 v16, v21;
	v16 =	vmul.f32 v48, v42;
	v42 =	vmul.f32 v50, v42  }
0x19e: {  	v53 =	vld.idx.msk [tilespmem:v23+s1+$0xFFFFFFF0 ss:$0x1], $0xffff;
	v48 =	vmul.f32 v24, v29;
	v38 =	vadd.f32 v49, v38;
	v11 =	vadd.f32 v13, v11  }
0x19f: {  	v49 =	vmovc v46;
	v13 =	vmul.f32 v58, v39;
	v8 =	vadd.f32 v12, v8;
	v3 =	vadd.f32 v0, v3  }
0x1a0: {  	v46 =	vmovc v44;
	v12 =	vmul.f32 v24, v26;
	v54 =	vadd.f32 v48, v54;
	v5 =	vadd.f32 v15, v5  }
0x1a1: {  	v1 =	vld.idx.msk [tilespmem:v23+s1+$0xFFFFFFD0 ss:$0x1], $0xffff;
	v18 =	vadd.f32 v17, v18;
	v17 =	vmul.f32 v6, v36;
	v6 =	vmul.f32 v24, v36  }
0x1a2: {  	v44 =	vmovc v38;
	v15 =	vmul.f32 v28, v29;
	v22 =	vadd.f32 v16, v22;
	v16 =	vld [tilespmem:$0x1FF50];
	v9 =	vadd.f32 v13, v9  }
0x1a3: {  	v61 =	vadd.f32 v42, v61;
	v38 =	vmovc v35;
	v35 =	vmovc v33;
	v33 =	vmov v31;
	v31 =	vmov v25;
	v25 =	vld [tilespmem:s1+$0x15200]  }
0x1a4: {  	v59 =	vadd.f32 v12, v59;
	v19 =	vadd.f32 v15, v19;
	[tilespmem:$0x1FF40] =	vst v18;
	v18 =	vld.idx.msk [tilespmem:v23+s1+$0x30 ss:$0x1], $0xffff  }
0x1a5: {  	v0 =	vmul.f32 v27, v29;
	v57 =	vadd.f32 v6, v57;
	v10 =	vadd.f32 v17, v10;
	v6 =	vmovc v51  }
0x1a6: {  	v51 =	vmovc v47;
	v47 =	vmovc v45;
	v45 =	vmov v43;
	v43 =	vmov v37;
	v37 =	vmov v34  }
0x1a7: {  	v34 =	vmovc v32;
	v32 =	vmovc v30;
	v30 =	vmul.f32 v40, v36;
	v16 =	vadd.f32 v0, v16;
	v0 =	vimm.s32 $0x7  }
0x1a8: {  	v48 =	vld.idx.msk [tilespmem:v23+s1+$0xFFFFFFE0 ss:$0x1], $0xffff;
	v56 =	vadd.f32 v6, v56;
	v26 =	vperm.xlane v25, v0;
	v0 =	vimm.s32 $0x9  }
0x1a9: {  	v28 =	vld.idx.msk [tilespmem:v23+s1+$0x0 ss:$0x1], $0xffff;
	v24 =	vmovc v14;
	v4 =	vadd.f32 v30, v4;
	v27 =	vmovc v18;
	v42 =	vperm.xlane v25, v0;
	v0 =	vimm.s32 $0x5  }
0x1aa: {  	v58 =	vmovc v1;
	v40 =	vmovc v53;
	v36 =	vperm.xlane v25, v0;
	v0 =	vimm.s32 $0x6;
	v18 =	vmul.f32 v27, v26  }
0x1ab: {  	v6 =	vld.idx.msk [tilespmem:v23+s1+$0xFFFFFFC0 ss:$0x1], $0xffff;
	v53 =	vmovc v47;
	v30 =	vmovc v32;
	v39 =	vperm.xlane v25, v0;
	v0 =	vimm.s32 $0x8;
	v1 =	vmul.f32 v58, v42  }
0x1ac: {  	v32 =	vmovc v34;
	v34 =	vmovc v37;
	v13 =	vmul.f32 v40, v42;
	v29 =	vperm.xlane v25, v0;
	v25 =	vmov v31  }
0x1ad: {  	v50 =	vld.idx.msk [tilespmem:v23+s1+$0x10 ss:$0x1], $0xffff;
	v31 =	vmovc v33;
	v33 =	vmovc v35;
	v35 =	vmov v38;
	v38 =	vmov v44;
	v0 =	vmul.f32 v24, v42  }
0x1ae: {  	v44 =	vmovc v46;
	v46 =	vmovc v49;
	v49 =	vmov v45;
	v12 =	vmul.f32 v48, v36;
	v14 =	vmul.f32 v28, v36  }
0x1af: {  	v37 =	vmovc v43;
	v41 =	vadd.f32 v18, v41;
	v43 =	vadd.f32 v1, v49;
	v49 =	vmul.f32 v27, v42  }
0x1b0: {  	[tilespmem:$0x1FF50] =	vst v16;
	v1 =	vmul.f32 v28, v42;
	v35 =	vadd.f32 v13, v35;
	v13 =	vmul.f32 v6, v39  }
0x1b1: {  	v47 =	vmovc v51;
	v51 =	vmul.f32 v24, v39;
	v16 =	vmul.f32 v40, v39;
	v25 =	vadd.f32 v0, v25  }
0x1b2: {  	v0 =	vmul.f32 v28, v26;
	v45 =	vadd.f32 v12, v53;
	v12 =	vmul.f32 v48, v26  }
0x1b3: {  	v32 =	vadd.f32 v14, v32;
	v14 =	vmul.f32 v50, v39;
	v15 =	vmul.f32 v6, v29  }
0x1b4: {  	v17 =	vmul.f32 v58, v29;
	v33 =	vadd.f32 v0, v33;
	v0 =	vmul.f32 v48, v29  }
0x1b5: {  	v34 =	vadd.f32 v1, v34;
	v1 =	vmul.f32 v27, v36;
	v63 =	vadd.f32 v13, v63  }
0x1b6: {  	v13 =	vmul.f32 v6, v42;
	v55 =	vadd.f32 v0, v55;
	v0 =	vmul.f32 v27, v39  }
0x1b7: {  	p1 =	sne.s32 s0, $0x3E00;
	v60 =	vadd.f32 v16, v60;
	v16 =	vmul.f32 v48, v39;
	v52 =	vadd.f32 v12, v52  }
.Ltmp2:
0x1b8: {  	v12 =	vmul.f32 v58, v36;
	v30 =	vadd.f32 v0, v30;
	v0 =	vmul.f32 v50, v36;
	(pc) =	sbr.rel @p1 .LBB2_8-.Ltmp2, $4  }
0x1b9: {  	v37 =	vadd.f32 v14, v37;
	v14 =	vmul.f32 v50, v29;
	v31 =	vadd.f32 v1, v31  }
0x1ba: {  	v1 =	vmul.f32 v58, v26;
	v46 =	vadd.f32 v0, v46;
	v0 =	vmul.f32 v50, v26  }
0x1bb: {  	v2 =	vadd.f32 v13, v2;
	v13 =	vmul.f32 v6, v26;
	v44 =	vadd.f32 v14, v44  }
0x1bc: {  	s0 =	sadd.s32 $0x200, s0;
	v18 =	vld [tilespmem:$0x1FF40];
	v14 =	vmul.f32 v40, v26;
	v20 =	vadd.f32 v1, v20;
	v47 =	vadd.f32 v0, v47  }
0x1bd: {  	[tilespmem:s4+$0x16E00] =	vst v63  }
0x1be: {  	[tilespmem:s4+$0x17400] =	vst v2  }
0x1bf: {  	[tilespmem:s4+$0x17410] =	vst v43  }
0x1c0: {  	[tilespmem:s4+$0x16C20] =	vst v45  }
0x1c1: {  	[tilespmem:s4+$0x17020] =	vst v52  }
0x1c2: {  	[tilespmem:s4+$0x17220] =	vst v55  }
0x1c3: {  	[tilespmem:s4+$0x16E30] =	vst v60  }
0x1c4: {  	v0 =	vmul.f32 v6, v36;
	[tilespmem:s4+$0x17430] =	vst v35  }
0x1c5: {  	v1 =	vadd.f32 v13, v11;
	[tilespmem:s4+$0x16C40] =	vst v32  }
0x1c6: {  	[tilespmem:s4+$0x17040] =	vst v33;
	v0 =	vadd.f32 v0, v10  }
0x1c7: {  	[tilespmem:s4+$0x17000] =	vst v1;
	v1 =	vadd.f32 v12, v8  }
0x1c8: {  	v6 =	vmul.f32 v58, v39;
	[tilespmem:s4+$0x16C00] =	vst v0;
	v0 =	vadd.f32 v15, v7  }
0x1c9: {  	[tilespmem:s4+$0x16C10] =	vst v1;
	v1 =	vadd.f32 v17, v18  }
0x1ca: {  	[tilespmem:s4+$0x17200] =	vst v0;
	v0 =	vadd.f32 v6, v9  }
0x1cb: {  	[tilespmem:s4+$0x17210] =	vst v1  }
0x1cc: {  	v2 =	vmul.f32 v40, v36;
	v1 =	vmul.f32 v48, v42;
	[tilespmem:s4+$0x16E10] =	vst v0;
	v0 =	vadd.f32 v16, v21  }
0x1cd: {  	[tilespmem:s4+$0x17440] =	vst v34  }
0x1ce: {  	[tilespmem:s4+$0x16E20] =	vst v0;
	v0 =	vadd.f32 v1, v22;
	v1 =	vadd.f32 v2, v4;
	v2 =	vmul.f32 v40, v29  }
0x1cf: {  	[tilespmem:s4+$0x16C50] =	vst v46  }
0x1d0: {  	[tilespmem:s4+$0x16C30] =	vst v1;
	v1 =	vadd.f32 v2, v3  }
0x1d1: {  	[tilespmem:s4+$0x16E50] =	vst v37  }
0x1d2: {  	[tilespmem:s4+$0x17230] =	vst v1;
	v1 =	vmul.f32 v28, v29  }
0x1d3: {  	[tilespmem:s4+$0x17250] =	vst v44  }
0x1d4: {  	[tilespmem:s4+$0x17460] =	vst v25;
	v1 =	vadd.f32 v1, v19  }
0x1d5: {  	[tilespmem:s4+$0x17420] =	vst v0;
	v0 =	vadd.f32 v14, v62;
	v2 =	vmul.f32 v28, v39  }
0x1d6: {  	[tilespmem:s4+$0x17240] =	vst v1;
	v1 =	vmul.f32 v24, v36  }
0x1d7: {  	[tilespmem:s4+$0x17030] =	vst v0;
	v0 =	vadd.f32 v2, v5  }
0x1d8: {  	[tilespmem:s4+$0x16C70] =	vst v31;
	v3 =	vmul.f32 v24, v29;
	v1 =	vadd.f32 v1, v57  }
0x1d9: {  	[tilespmem:s4+$0x16E40] =	vst v0;
	v0 =	vmul.f32 v50, v42  }
0x1da: {  	[tilespmem:s4+$0x16C60] =	vst v1;
	v1 =	vadd.f32 v3, v54  }
0x1db: {  	[tilespmem:s4+$0x16E70] =	vst v30;
	v2 =	vmul.f32 v24, v26;
	v0 =	vadd.f32 v0, v61  }
0x1dc: {  	[tilespmem:s4+$0x17260] =	vst v1;
	v1 =	vld [tilespmem:$0x1FF50]  }
0x1dd: {  	[tilespmem:s4+$0x17450] =	vst v0;
	v0 =	vadd.f32 v2, v59  }
0x1de: {  	[tilespmem:s4+$0x17070] =	vst v41  }
0x1df: {  	[tilespmem:s4+$0x17060] =	vst v0;
	v0 =	vmul.f32 v27, v29  }
0x1e0: {  	[tilespmem:s4+$0x17010] =	vst v20;
	v4 =	vadd.f32 v51, v56  }
0x1e1: {  	[tilespmem:s4+$0x17050] =	vst v47;
	v0 =	vadd.f32 v0, v1  }
0x1e2: {  	[tilespmem:s4+$0x16E60] =	vst v4;
	v1 =	vadd.f32 v49, v38  }
0x1e3: {  	[tilespmem:s4+$0x17270] =	vst v0  }
0x1e4: {  	s0 =	simm.s32 $0x0;
	[tilespmem:s4+$0x17470] =	vst v1  }
0x1e5: {  	v0 =	vld [tilespmem:s0+$0x15200]  }
0x1e6: {  	v24 =	vld.idx.msk [tilespmem:v23+s0+$0x20 ss:$0x1], $0xffff  }
0x1e7: {  	v11 =	vimm.f32 $0.0e+00;
	v10 =	vimm.f32 $0.0e+00;
	v8 =	vimm.f32 $0.0e+00;
	v6 =	vld.idx.msk [tilespmem:v23+s0+$0xFFFFFFC0 ss:$0x1], $0xffff  }
0x1e8: {  	v18 =	vimm.f32 $0.0e+00;
	v9 =	vimm.f32 $0.0e+00;
	v21 =	vimm.f32 $0.0e+00;
	v40 =	vld.idx.msk [tilespmem:v23+s0+$0xFFFFFFF0 ss:$0x1], $0xffff  }
0x1e9: {  	v56 =	vimm.f32 $0.0e+00;
	v22 =	vimm.f32 $0.0e+00;
	v1 =	vimm.s32 $0xC;
	v27 =	vld.idx.msk [tilespmem:v23+s0+$0x30 ss:$0x1], $0xffff  }
0x1ea: {  	v62 =	vimm.f32 $0.0e+00;
	v58 =	vld.idx.msk [tilespmem:v23+s0+$0xFFFFFFD0 ss:$0x1], $0xffff;
	v26 =	vperm.xlane v0, v1;
	v1 =	vimm.s32 $0xE  }
0x1eb: {  	v19 =	vimm.f32 $0.0e+00;
	v48 =	vld.idx.msk [tilespmem:v23+s0+$0xFFFFFFE0 ss:$0x1], $0xffff;
	v42 =	vperm.xlane v0, v1;
	v1 =	vimm.s32 $0xA  }
0x1ec: {  	v28 =	vld.idx.msk [tilespmem:v23+s0+$0x0 ss:$0x1], $0xffff;
	v36 =	vperm.xlane v0, v1;
	v1 =	vimm.s32 $0xB;
	v13 =	vmul.f32 v6, v26  }
0x1ed: {  	v61 =	vimm.f32 $0.0e+00;
	v14 =	vmul.f32 v40, v26;
	v39 =	vperm.xlane v0, v1  }
0x1ee: {  	v1 =	vimm.s32 $0xD;
	v3 =	vmul.f32 v40, v42;
	v49 =	vmul.f32 v27, v42  }
0x1ef: {  	v57 =	vimm.f32 $0.0e+00;
	v29 =	vperm.xlane v0, v1;
	v0 =	vmul.f32 v24, v42  }
0x1f0: {  	v59 =	vimm.f32 $0.0e+00;
	v1 =	vmul.f32 v58, v42;
	v2 =	vmul.f32 v48, v36  }
0x1f1: {  	v54 =	vimm.f32 $0.0e+00;
	v50 =	vld.idx.msk [tilespmem:v23+s0+$0x10 ss:$0x1], $0xffff;
	v4 =	vmul.f32 v28, v36;
	v12 =	vmul.f32 v58, v36  }
0x1f2: {  	v35 =	vadd.f32 v3, v18;
	v3 =	vmul.f32 v27, v36;
	v51 =	vmul.f32 v24, v39  }
0x1f3: {  	v38 =	vimm.f32 $0.0e+00;
	v7 =	vmul.f32 v40, v39;
	v16 =	vmul.f32 v48, v39  }
0x1f4: {  	v25 =	vadd.f32 v0, v18;
	v43 =	vadd.f32 v1, v18;
	v0 =	vmul.f32 v28, v26  }
0x1f5: {  	v45 =	vadd.f32 v2, v18;
	v1 =	vmul.f32 v28, v42;
	v2 =	vmul.f32 v48, v26  }
0x1f6: {  	v32 =	vadd.f32 v4, v18;
	v4 =	vmul.f32 v6, v42;
	v5 =	vmul.f32 v50, v29  }
0x1f7: {  	v15 =	vmul.f32 v6, v29;
	v33 =	vadd.f32 v0, v18;
	v0 =	vmul.f32 v48, v29  }
0x1f8: {  	v17 =	vmul.f32 v58, v29;
	v31 =	vadd.f32 v3, v18;
	v3 =	vmul.f32 v58, v26  }
0x1f9: {  	v60 =	vadd.f32 v7, v18;
	v55 =	vadd.f32 v0, v18;
	v0 =	vmul.f32 v27, v39  }
0x1fa: {  	v7 =	vimm.f32 $0.0e+00;
	v34 =	vadd.f32 v1, v18;
	v1 =	vmul.f32 v6, v39  }
0x1fb: {  	v52 =	vadd.f32 v2, v18;
	v30 =	vadd.f32 v0, v18;
	v0 =	vmul.f32 v50, v36  }
0x1fc: {  	v2 =	vmul.f32 v50, v39;
	v44 =	vadd.f32 v5, v18;
	v5 =	vimm.f32 $0.0e+00  }
0x1fd: {  	v20 =	vadd.f32 v3, v18;
	v46 =	vadd.f32 v0, v18;
	v0 =	vmul.f32 v50, v26  }
0x1fe: {  	v37 =	vadd.f32 v2, v18;
	v2 =	vadd.f32 v4, v18;
	v4 =	vmul.f32 v27, v26  }
0x1ff: {  	v3 =	vimm.f32 $0.0e+00;
	v47 =	vadd.f32 v0, v18;
	v0 =	vimm.f32 $0.0e+00  }
0x200: {  	s0 =	simm.s32 $0x200;
	v63 =	vadd.f32 v1, v18;
	v41 =	vadd.f32 v4, v18;
	v4 =	vimm.f32 $0.0e+00;
	[tilespmem:$0x1FF30] =	vst v0  }
.LBB2_10:
0x201: {  	v0 =	vmul.f32 v40, v29;
	v62 =	vadd.f32 v14, v62;
	v7 =	vadd.f32 v15, v7  }
0x202: {  	s1 =	sshra.s32 s0, $0x2;
	v15 =	vmul.f32 v28, v39;
	v21 =	vadd.f32 v16, v21;
	v16 =	vmul.f32 v48, v42  }
0x203: {  	v14 =	vld.idx.msk [tilespmem:v23+s1+$0x20 ss:$0x1], $0xffff;
	v42 =	vmul.f32 v50, v42;
	v48 =	vmul.f32 v24, v29;
	v38 =	vadd.f32 v49, v38  }
0x204: {  	v53 =	vld.idx.msk [tilespmem:v23+s1+$0xFFFFFFF0 ss:$0x1], $0xffff;
	v11 =	vadd.f32 v13, v11;
	v13 =	vmul.f32 v58, v39;
	v8 =	vadd.f32 v12, v8  }
0x205: {  	v49 =	vmovc v46;
	v12 =	vmul.f32 v24, v26;
	v3 =	vadd.f32 v0, v3;
	v54 =	vadd.f32 v48, v54  }
0x206: {  	v1 =	vld.idx.msk [tilespmem:v23+s1+$0xFFFFFFD0 ss:$0x1], $0xffff;
	v0 =	vmul.f32 v27, v29;
	v5 =	vadd.f32 v15, v5;
	v22 =	vadd.f32 v16, v22  }
0x207: {  	v46 =	vmovc v44;
	v16 =	vld [tilespmem:$0x1FF30];
	v18 =	vadd.f32 v17, v18;
	v17 =	vmul.f32 v6, v36;
	v6 =	vmul.f32 v24, v36  }
0x208: {  	v44 =	vmovc v38;
	v15 =	vmul.f32 v28, v29;
	v9 =	vadd.f32 v13, v9;
	v61 =	vadd.f32 v42, v61  }
0x209: {  	v59 =	vadd.f32 v12, v59;
	v38 =	vmovc v35;
	v35 =	vmovc v33;
	v33 =	vmov v31;
	v31 =	vmov v25;
	v25 =	vld [tilespmem:s1+$0x15200]  }
0x20a: {  	v48 =	vld.idx.msk [tilespmem:v23+s1+$0xFFFFFFE0 ss:$0x1], $0xffff;
	v13 =	vimm.s32 $0xB;
	v19 =	vadd.f32 v15, v19;
	v57 =	vadd.f32 v6, v57  }
0x20b: {  	v28 =	vld.idx.msk [tilespmem:v23+s1+$0x0 ss:$0x1], $0xffff;
	[tilespmem:$0x1FF20] =	vst v18;
	v10 =	vadd.f32 v17, v10;
	v24 =	vmovc v14;
	v14 =	vimm.s32 $0xC;
	v6 =	vmovc v51;
	v51 =	vmov v47  }
0x20c: {  	v18 =	vld.idx.msk [tilespmem:v23+s1+$0x30 ss:$0x1], $0xffff;
	v47 =	vmovc v45;
	v45 =	vmovc v43;
	v43 =	vmov v37;
	v37 =	vmov v34;
	v16 =	vadd.f32 v0, v16  }
0x20d: {  	v34 =	vmovc v32;
	v32 =	vmovc v30;
	v30 =	vmul.f32 v40, v36;
	v0 =	vimm.s32 $0xA;
	v56 =	vadd.f32 v6, v56  }
0x20e: {  	[tilespmem:$0x1FF30] =	vst v16;
	v16 =	vimm.s32 $0xE;
	v26 =	vperm.xlane v25, v14;
	v36 =	vperm.xlane v25, v0  }
0x20f: {  	v50 =	vld.idx.msk [tilespmem:v23+s1+$0x10 ss:$0x1], $0xffff;
	v58 =	vmovc v1;
	v40 =	vmovc v53;
	v39 =	vperm.xlane v25, v13;
	v0 =	vimm.s32 $0xD;
	v42 =	vperm.xlane v25, v16  }
0x210: {  	v6 =	vld.idx.msk [tilespmem:v23+s1+$0xFFFFFFC0 ss:$0x1], $0xffff;
	v4 =	vadd.f32 v30, v4;
	v29 =	vperm.xlane v25, v0;
	v12 =	vmul.f32 v48, v36  }
0x211: {  	v53 =	vmovc v47;
	v27 =	vmovc v18;
	v47 =	vmov v51;
	v14 =	vmul.f32 v28, v36;
	v51 =	vmul.f32 v24, v39  }
0x212: {  	v25 =	vmovc v31;
	v31 =	vmovc v33;
	v33 =	vmov v35;
	v18 =	vmul.f32 v27, v26;
	v16 =	vmul.f32 v40, v39  }
0x213: {  	v35 =	vmovc v38;
	v38 =	vmovc v44;
	v44 =	vmov v46;
	v0 =	vmul.f32 v24, v42;
	v1 =	vmul.f32 v58, v42  }
0x214: {  	v46 =	vmovc v49;
	v30 =	vmovc v32;
	v32 =	vmov v34;
	v13 =	vmul.f32 v40, v42;
	v17 =	vmul.f32 v58, v29  }
0x215: {  	v49 =	vmovc v45;
	v45 =	vadd.f32 v12, v53;
	v32 =	vadd.f32 v14, v32;
	v12 =	vmul.f32 v48, v26  }
0x216: {  	v14 =	vmul.f32 v50, v39;
	v15 =	vmul.f32 v6, v29;
	v60 =	vadd.f32 v16, v60  }
0x217: {  	v34 =	vmovc v37;
	v16 =	vmul.f32 v48, v39;
	v25 =	vadd.f32 v0, v25;
	v0 =	vmul.f32 v28, v26  }
0x218: {  	v37 =	vmovc v43;
	v41 =	vadd.f32 v18, v41;
	v43 =	vadd.f32 v1, v49;
	v49 =	vmul.f32 v27, v42  }
0x219: {  	v1 =	vmul.f32 v28, v42;
	v33 =	vadd.f32 v0, v33;
	v0 =	vmul.f32 v48, v29  }
0x21a: {  	v35 =	vadd.f32 v13, v35;
	v13 =	vmul.f32 v6, v39;
	v52 =	vadd.f32 v12, v52  }
0x21b: {  	v12 =	vmul.f32 v58, v36;
	v55 =	vadd.f32 v0, v55;
	v0 =	vmul.f32 v27, v39  }
0x21c: {  	p1 =	sne.s32 s0, $0x3E00;
	v37 =	vadd.f32 v14, v37;
	v34 =	vadd.f32 v1, v34;
	v1 =	vmul.f32 v27, v36  }
.Ltmp3:
0x21d: {  	v14 =	vmul.f32 v50, v29;
	v30 =	vadd.f32 v0, v30;
	v0 =	vmul.f32 v50, v36;
	(pc) =	sbr.rel @p1 .LBB2_10-.Ltmp3, $4  }
0x21e: {  	v63 =	vadd.f32 v13, v63;
	v13 =	vmul.f32 v6, v42;
	v31 =	vadd.f32 v1, v31  }
0x21f: {  	v1 =	vmul.f32 v58, v26;
	v46 =	vadd.f32 v0, v46;
	v0 =	vmul.f32 v50, v26  }
0x220: {  	v44 =	vadd.f32 v14, v44;
	v14 =	vmul.f32 v40, v26;
	v2 =	vadd.f32 v13, v2  }
0x221: {  	s0 =	sadd.s32 $0x200, s0;
	v18 =	vld [tilespmem:$0x1FF20];
	v13 =	vmul.f32 v6, v26;
	v20 =	vadd.f32 v1, v20;
	v47 =	vadd.f32 v0, v47  }
0x222: {  	[tilespmem:s4+$0x17800] =	vst v63  }
0x223: {  	[tilespmem:s4+$0x17E00] =	vst v2  }
0x224: {  	[tilespmem:s4+$0x17E10] =	vst v43  }
0x225: {  	[tilespmem:s4+$0x17620] =	vst v45  }
0x226: {  	[tilespmem:s4+$0x17A20] =	vst v52  }
0x227: {  	[tilespmem:s4+$0x17C20] =	vst v55  }
0x228: {  	[tilespmem:s4+$0x17830] =	vst v60  }
0x229: {  	[tilespmem:s4+$0x17E30] =	vst v35  }
0x22a: {  	[tilespmem:s4+$0x17640] =	vst v32  }
0x22b: {  	[tilespmem:s4+$0x17A40] =	vst v33  }
0x22c: {  	[tilespmem:s4+$0x17E40] =	vst v34  }
0x22d: {  	[tilespmem:s4+$0x17650] =	vst v46  }
0x22e: {  	[tilespmem:s4+$0x17850] =	vst v37  }
0x22f: {  	[tilespmem:s4+$0x17C50] =	vst v44  }
0x230: {  	[tilespmem:s4+$0x17E60] =	vst v25  }
0x231: {  	[tilespmem:s4+$0x17670] =	vst v31  }
0x232: {  	[tilespmem:s4+$0x17870] =	vst v30  }
0x233: {  	[tilespmem:s4+$0x17A70] =	vst v41  }
0x234: {  	v12 =	vadd.f32 v12, v8;
	[tilespmem:s4+$0x17A10] =	vst v20  }
0x235: {  	v16 =	vadd.f32 v16, v21;
	[tilespmem:s4+$0x17A50] =	vst v47  }
0x236: {  	v23 =	vadd.f32 v14, v62;
	[tilespmem:s4+$0x17610] =	vst v12  }
0x237: {  	v63 =	vadd.f32 v49, v38;
	[tilespmem:s4+$0x17820] =	vst v16  }
0x238: {  	v0 =	vmul.f32 v6, v36;
	v1 =	vadd.f32 v13, v11;
	[tilespmem:s4+$0x17A30] =	vst v23  }
0x239: {  	v11 =	vmul.f32 v58, v39;
	v58 =	vadd.f32 v51, v56;
	[tilespmem:s4+$0x17E70] =	vst v63  }
0x23a: {  	v43 =	vmul.f32 v28, v39;
	v0 =	vadd.f32 v0, v10;
	[tilespmem:s4+$0x17A00] =	vst v1  }
0x23b: {  	v55 =	vmul.f32 v24, v26;
	v10 =	vadd.f32 v15, v7;
	[tilespmem:s4+$0x17860] =	vst v58  }
0x23c: {  	v45 =	vadd.f32 v43, v5;
	[tilespmem:s4+$0x17600] =	vst v0  }
0x23d: {  	v59 =	vadd.f32 v55, v59;
	[tilespmem:s4+$0x17C00] =	vst v10  }
0x23e: {  	v52 =	vmul.f32 v50, v42;
	v13 =	vadd.f32 v11, v9;
	[tilespmem:s4+$0x17840] =	vst v45  }
0x23f: {  	v62 =	vld [tilespmem:$0x1FF30];
	v15 =	vadd.f32 v17, v18;
	v17 =	vmul.f32 v48, v42;
	[tilespmem:s4+$0x17A60] =	vst v59  }
0x240: {  	v18 =	vmul.f32 v40, v36;
	v0 =	vadd.f32 v52, v61;
	[tilespmem:s4+$0x17810] =	vst v13  }
0x241: {  	v48 =	vmul.f32 v28, v29;
	[tilespmem:s4+$0x17C10] =	vst v15;
	v20 =	vadd.f32 v17, v22  }
0x242: {  	v61 =	vmul.f32 v27, v29;
	v21 =	vadd.f32 v18, v4;
	[tilespmem:s4+$0x17E50] =	vst v0  }
0x243: {  	v53 =	vmul.f32 v24, v36;
	s11 =	sadd.s32 $0x1, s11;
	v22 =	vmul.f32 v40, v29;
	v1 =	vadd.f32 v48, v19;
	[tilespmem:s4+$0x17E20] =	vst v20  }
0x244: {  	p1 =	sne.s32 s11, $0x4;
	v0 =	vadd.f32 v61, v62;
	[tilespmem:s4+$0x17630] =	vst v21  }
.Ltmp4:
0x245: {  	v40 =	vadd.f32 v22, v3;
	[tilespmem:s4+$0x17C40] =	vst v1;
	v1 =	vadd.f32 v53, v57;
	v57 =	vmul.f32 v24, v29;
	(pc) =	sbr.rel @p1 .LBB2_3-.Ltmp4, $4  }
0x246: {  	[tilespmem:s4+$0x17C70] =	vst v0  }
0x247: {  	[tilespmem:s4+$0x17C30] =	vst v40;
	v60 =	vadd.f32 v57, v54  }
0x248: {  	s12 =	sadd.s32 $0x20, s12;
	v30 =	vimm.s32 $0x1;
	v31 =	vimm.s32 $0x2;
	[tilespmem:s4+$0x17660] =	vst v1  }
0x249: {  	s15 =	sadd.s32 $0x20, s15;
	s21 =	sadd.s32 $0x20, s21;
	s2 =	sadd.s32 $0x1000, s2;
	v32 =	vimm.s32 $0x3;
	v33 =	vimm.s32 $0x4;
	v29 =	vimm.s32 $0x0;
	[tilespmem:s4+$0x17C60] =	vst v60  }
0x24a: {  	s0 =	rddreg [dreg:$0x9]  }
0x24b: {  	s4 =	rddreg [dreg:$0x10]  }
0x24c: {  	s1 =	rddreg [dreg:$0x8];
	s0 =	sadd.s32 s0, s4  }
0x24d: {  	s28 =	simm.s32 $0x200;
	s2 =	simm.s32 $0x400;
	s0 =	sshll.u32 s0, $0xB  }
0x24e: {  	s3 =	simm.s32 $0x16200;
	p1 =	seq.s32 s4, $0x27;
	s0 =	sadd.s32 s1, s0  }
0x24f: {  	[hbm4b:s0+s28] =	stream.strided.scatter [tilespmem:s3], [sflag:$0x3], $0x2000, s2, s28, $0x38;
	[tilespmem:$0x1A200] =	vst v63  }
0x250: {  	s0 =	sshll.u32 @!p1 s4, $0x8  }
0x251: {  	s1 =	simm.s32 @!p1 $0x80;
	s0 =	sand.u32 @!p1 $0x3FFFFF00, s0  }
0x252: {  	s2 =	simm.s32 @!p1 $0xCA00;
	s3 =	rddreg [dreg:$0x0];
	s0 =	sadd.s32 @!p1 $0x100, s0  }
0x253: {  	[tilespmem:s2], [sflag:$0x1] =	stream.indirect.gather @!p1 [hbm4b:s3+s1], $0x80, s0, s1, $0xb8;
	[tilespmem:$0x1A200] =	vst v63  }
0x254: {  	s2 =	simm.s32 @!p1 $0x14A00;
	s3 =	rddreg [dreg:$0x4]  }
0x255: {  	[tilespmem:s2], [sflag:$0x1] =	stream.indirect.gather @!p1 [hbm4b:s3+s1], $0x1, s0, s1, $0xb8;
	[tilespmem:$0x1A200] =	vst v63  }
0x256: {  	s2 =	simm.s32 @!p1 $0x14B00;
	s3 =	rddreg [dreg:$0x5]  }
0x257: {  	[tilespmem:s2], [sflag:$0x1] =	stream.indirect.gather @!p1 [hbm4b:s3+s1], $0x1, s0, s1, $0xb8;
	[tilespmem:$0x1A200] =	vst v63  }
0x258: {  	s2 =	simm.s32 @!p1 $0x14C00;
	s3 =	rddreg [dreg:$0x6]  }
0x259: {  	[tilespmem:s2], [sflag:$0x1] =	stream.indirect.gather @!p1 [hbm4b:s3+s1], $0x1, s0, s1, $0xb8;
	[tilespmem:$0x1A200] =	vst v63  }
0x25a: {  	s29 =	simm.s32 $0x2;
	s2 =	simm.s32 @!p1 $0x15000;
	s3 =	rddreg [dreg:$0x1]  }
0x25b: {  	[tilespmem:s2], [sflag:$0x1] =	stream.indirect.gather @!p1 [hbm4b:s3+s1], $0x1, s0, s1, $0xb8;
	[tilespmem:$0x1A200] =	vst v63  }
0x25c: {  	_ =	swait.ge [sflag:s29], $0x4000  }
0x25d: {  	[sflag:s29] =	ssyncset.done $0x0  }
0x25e: {  	[sflag:s29] =	ssyncadd.s32 $0xFFFFC000  }
0x25f: {  	_ =	swait.ge [sflag:s29], $0x80  }
0x260: {  	[sflag:s29] =	ssyncset.done $0x0  }
0x261: {  	[sflag:s29] =	ssyncadd.s32 $0xFFFFFF80  }
0x262: {  	_ =	swait.ge [sflag:s29], $0x80  }
0x263: {  	[sflag:s29] =	ssyncset.done $0x0  }
0x264: {  	[sflag:s29] =	ssyncadd.s32 $0xFFFFFF80  }
0x265: {  	_ =	swait.ge [sflag:s29], $0x80  }
0x266: {  	[sflag:s29] =	ssyncset.done $0x0  }
0x267: {  	[sflag:s29] =	ssyncadd.s32 $0xFFFFFF80  }
0x268: {  	_ =	swait.ge [sflag:s29], $0x80  }
0x269: {  	[sflag:s29] =	ssyncset.done $0x0  }
0x26a: {  	s0 =	simm.s32 @!p0 $0x4;
	[sflag:s29] =	ssyncadd.s32 $0xFFFFFF80  }
0x26b: {  	_ =	swait.ge @!p0 [sflag:s0], $0x2000  }
0x26c: {  	s30 =	rddreg [dreg:$0x11]  }
0x26d: {  	s1 =	sshll.u32 s30, $0x9  }
0x26e: {  	[sflag:s0] =	ssyncset.done @!p0 $0x0;
	s31 =	sand.u32 $0x3FFFFE00, s1  }
0x26f: {  	[sflag:s0] =	ssyncadd.s32 @!p0 $0xFFFFE000;
	s0 =	sadd.s32 $0x2800, s31  }
0x270: {  	s8 =	simm.s32 $0x0;
	s11 =	simm.s32 $0x14F01;
	v0 =	vmov s0  }
0x271: {  	s12 =	simm.s32 $0x14E01;
	s15 =	simm.s32 $0x14D01;
	s2 =	simm.s32 $0x10A40;
	[tilespmem:$0x1FF10] =	vst v0  }
.LBB2_13:
0x272: {  	v0 =	vld [tilespmem:$0x1FF10];
	_ =	sdelay $0x5  }
0x273: {  	s0 =	sshll.u32 s8, $0x9  }
0x274: {  	s4 =	sshrl.u32 s0, $0x2  }
0x275: {  	v0 =	vld.idx.msk [tilespmem:v0+s4+$0x0 ss:$0x1], $0xffff;
	_ =	sdelay $0x1  }
0x276: {  	v6 =	vld [tilespmem:$0x1FF90];
	_ =	sdelay $0x2  }
0x277: {  	v3 =	vperm.xlane v0, v29;
	_ =	sdelay $0x1  }
0x278: {  	v23 =	vadd.f32 v3, v6;
	v3 =	vld [tilespmem:$0x1FFA0]  }
0x279: {  	[dreg:$0x13] =	wrdreg s2  }
0x27a: {  	v1 =	vld [tilespmem:s12+$0xFFFFFFFF]  }
0x27b: {  	v2 =	vld [tilespmem:s15+$0xFFFFFFFF];
	v5 =	vperm.xlane v0, v30  }
0x27c: {  	v4 =	vld [tilespmem:s11+$0xFFFFFFFF]  }
0x27d: {  	v24 =	vadd.f32 v5, v3;
	v3 =	vld [tilespmem:$0x1FFB0];
	_ =	sdelay $0x2  }
0x27e: {  	v0 =	vperm.xlane v0, v31  }
0x27f: {  	s13 =	sadd.s32 $0x2, s15;
	v2 =	vperm.xlane v2, v29;
	v1 =	vperm.xlane v1, v29  }
0x280: {  	s24 =	sadd.s32 $0x2, s12;
	v25 =	vadd.f32 v0, v3;
	v3 =	vperm.xlane v4, v29;
	v4 =	vld [tilespmem:s13+$0xFFFFFFFF]  }
0x281: {  	s14 =	sadd.s32 $0x2, s11;
	v2 =	vsub.f32 v2, v23;
	v1 =	vsub.f32 v1, v24;
	v0 =	vld [tilespmem:s24+$0xFFFFFFFF]  }
0x282: {  	v5 =	vld [tilespmem:s14+$0xFFFFFFFF]  }
0x283: {  	v2 =	vmul.f32 v2, v2;
	v1 =	vmul.f32 v1, v1;
	v3 =	vsub.f32 v3, v25;
	_ =	sdelay $0x1  }
0x284: {  	v1 =	vadd.f32 v1, v2;
	v2 =	vmul.f32 v3, v3;
	v3 =	vperm.xlane v4, v29  }
0x285: {  	s20 =	sadd.s32 $0x2, s24;
	v0 =	vperm.xlane v0, v29  }
0x286: {  	v4 =	vld [tilespmem:s20+$0xFFFFFFFF];
	v1 =	vadd.f32 v2, v1;
	v2 =	vsub.f32 v3, v23;
	v3 =	vperm.xlane v5, v29  }
0x287: {  	s1 =	sadd.s32 $0x2, s13;
	v0 =	vsub.f32 v0, v24  }
0x288: {  	v5 =	vld [tilespmem:s1+$0xFFFFFFFF];
	v1 =	vmax.f32 v1, $9.999999960e-13;
	v3 =	vsub.f32 v3, v25  }
0x289: {  	v2 =	vmul.f32 v2, v2;
	v0 =	vmul.f32 v0, v0;
	v6 =	vshrl.u32 v1, $0x1  }
0x28a: {  	s10 =	sadd.s32 $0x2, s14;
	v7 =	vmul.f32 $5.000000000e-01, v1;
	v6 =	vsub.s32 $0x5F3759DF, v6  }
0x28b: {  	v4 =	vperm.xlane v4, v29;
	v0 =	vadd.f32 v0, v2;
	v2 =	vmul.f32 v3, v3;
	v3 =	vld [tilespmem:s10+$0xFFFFFFFF]  }
0x28c: {  	v8 =	vmul.f32 v6, v7  }
0x28d: {  	s23 =	sadd.s32 $0x2, s20;
	v4 =	vsub.f32 v4, v24;
	v0 =	vadd.f32 v2, v0;
	v2 =	vperm.xlane v5, v29  }
0x28e: {  	s26 =	sadd.s32 $0x2, s1;
	v5 =	vmul.f32 v6, v8;
	v8 =	vld [tilespmem:s23+$0xFFFFFFFF]  }
0x28f: {  	v9 =	vld [tilespmem:s26+$0xFFFFFFFF];
	v4 =	vmul.f32 v4, v4;
	v2 =	vsub.f32 v2, v23  }
0x290: {  	s25 =	sadd.s32 $0x2, s10;
	v0 =	vmax.f32 v0, $9.999999960e-13;
	v5 =	vsub.f32 $1.500000000e+00, v5;
	v3 =	vperm.xlane v3, v29  }
0x291: {  	v12 =	vld [tilespmem:s25+$0xFFFFFFFF];
	v10 =	vshrl.u32 v0, $0x1;
	v11 =	vmul.f32 $5.000000000e-01, v0;
	v2 =	vmul.f32 v2, v2  }
0x292: {  	v5 =	vmul.f32 v6, v5;
	v6 =	vsub.s32 $0x5F3759DF, v10;
	v3 =	vsub.f32 v3, v25  }
0x293: {  	v10 =	vmul.f32 v6, v11;
	v8 =	vperm.xlane v8, v29  }
0x294: {  	v2 =	vadd.f32 v4, v2;
	v4 =	vperm.xlane v9, v29;
	v3 =	vmul.f32 v3, v3  }
0x295: {  	v7 =	vmul.f32 v5, v7;
	v9 =	vmul.f32 v6, v10;
	v8 =	vsub.f32 v8, v24  }
0x296: {  	v2 =	vadd.f32 v3, v2;
	v3 =	vsub.f32 v4, v23;
	v4 =	vperm.xlane v12, v29  }
0x297: {  	s29 =	sadd.s32 $0x2, s23;
	v7 =	vmul.f32 v7, v5;
	v9 =	vsub.f32 $1.500000000e+00, v9;
	v8 =	vmul.f32 v8, v8  }
0x298: {  	v10 =	vld [tilespmem:s29+$0xFFFFFFFF];
	v2 =	vmax.f32 v2, $9.999999960e-13;
	v4 =	vsub.f32 v4, v25;
	v3 =	vmul.f32 v3, v3  }
0x299: {  	s9 =	sadd.s32 $0x2, s26;
	v7 =	vsub.f32 $1.500000000e+00, v7;
	v6 =	vmul.f32 v6, v9;
	v9 =	vshrl.u32 v2, $0x1  }
0x29a: {  	v57 =	vmul.f32 $5.000000000e-01, v2;
	v3 =	vadd.f32 v8, v3;
	v4 =	vmul.f32 v4, v4;
	v8 =	vld [tilespmem:s9+$0xFFFFFFFF]  }
0x29b: {  	s17 =	sadd.s32 $0x2, s25;
	v5 =	vmul.f32 v7, v5;
	v7 =	vsub.s32 $0x5F3759DF, v9  }
0x29c: {  	v9 =	vmul.f32 v6, v11;
	v11 =	vmul.f32 v7, v57;
	v3 =	vadd.f32 v4, v3;
	v4 =	vld [tilespmem:s17+$0xFFFFFFFF]  }
0x29d: {  	v10 =	vperm.xlane v10, v29;
	v1 =	vmul.f32 v5, v1  }
0x29e: {  	v5 =	vmul.f32 v9, v6;
	v9 =	vmul.f32 v7, v11  }
0x29f: {  	v3 =	vmax.f32 v3, $9.999999960e-13;
	v8 =	vperm.xlane v8, v29  }
0x2a0: {  	v10 =	vsub.f32 v10, v24;
	v11 =	vshrl.u32 v3, $0x1;
	v9 =	vsub.f32 $1.500000000e+00, v9  }
0x2a1: {  	v13 =	vmul.f32 $5.000000000e-01, v3;
	v8 =	vsub.f32 v8, v23;
	v4 =	vperm.xlane v4, v29  }
0x2a2: {  	v10 =	vmul.f32 v10, v10;
	v11 =	vsub.s32 $0x5F3759DF, v11;
	v7 =	vmul.f32 v7, v9  }
0x2a3: {  	v9 =	vmul.f32 v11, v13;
	v4 =	vsub.f32 v4, v25;
	v8 =	vmul.f32 v8, v8  }
0x2a4: {  	v1 =	vmul.f32 $4.000000060e-01, v1;
	v5 =	vsub.f32 $1.500000000e+00, v5;
	v12 =	vmul.f32 v7, v57  }
0x2a5: {  	v9 =	vmul.f32 v11, v9;
	v8 =	vadd.f32 v10, v8;
	v4 =	vmul.f32 v4, v4  }
0x2a6: {  	v1 =	vsub.f32 $1.000000000e+00, v1;
	v10 =	vmul.f32 v12, v7  }
0x2a7: {  	s3 =	sadd.s32 $0x2, s9;
	v5 =	vmul.f32 v5, v6;
	v9 =	vsub.f32 $1.500000000e+00, v9;
	v4 =	vadd.f32 v4, v8  }
0x2a8: {  	s16 =	simm.s32 $0x15280;
	s5 =	sadd.s32 $0x2, s29;
	v1 =	vmax.f32 v1, $0.0e+00;
	v6 =	vsub.f32 $1.500000000e+00, v10;
	v8 =	vld [tilespmem:s3+$0xFFFFFFFF]  }
0x2a9: {  	[tilespmem:s16+$0xFFFFFF80] =	vst v1;
	v0 =	vmul.f32 v5, v0;
	v9 =	vmul.f32 v11, v9;
	v10 =	vld [tilespmem:s5+$0xFFFFFFFF];
	v4 =	vmax.f32 v4, $9.999999960e-13  }
0x2aa: {  	s0 =	sadd.s32 $0x2, s17;
	v59 =	vld [tilespmem:s12+$0x0];
	v6 =	vmul.f32 v6, v7;
	v11 =	vshrl.u32 v4, $0x1;
	v58 =	vmul.f32 $5.000000000e-01, v4  }
0x2ab: {  	v0 =	vmul.f32 $4.000000060e-01, v0;
	v7 =	vld [tilespmem:s0+$0xFFFFFFFF];
	v5 =	vsub.s32 $0x5F3759DF, v11  }
0x2ac: {  	v11 =	vld [tilespmem:s15+$0x0];
	v2 =	vmul.f32 v6, v2;
	v6 =	vmul.f32 v5, v58  }
0x2ad: {  	v1 =	vmul.f32 v9, v13;
	v8 =	vperm.xlane v8, v29  }
0x2ae: {  	v14 =	vld [tilespmem:s11+$0x0];
	v0 =	vsub.f32 $1.000000000e+00, v0;
	v10 =	vperm.xlane v10, v29;
	v6 =	vmul.f32 v5, v6  }
0x2af: {  	v13 =	vperm.xlane v59, v29;
	v1 =	vmul.f32 v1, v9;
	v8 =	vsub.f32 v8, v23  }
0x2b0: {  	v7 =	vperm.xlane v7, v29;
	v10 =	vsub.f32 v10, v24;
	v6 =	vsub.f32 $1.500000000e+00, v6  }
0x2b1: {  	v1 =	vsub.f32 $1.500000000e+00, v1;
	v11 =	vperm.xlane v11, v29;
	v8 =	vmul.f32 v8, v8  }
0x2b2: {  	v7 =	vsub.f32 v7, v25;
	v10 =	vmul.f32 v10, v10;
	v5 =	vmul.f32 v5, v6  }
0x2b3: {  	v14 =	vperm.xlane v14, v29;
	v6 =	vsub.f32 v11, v23;
	v11 =	vsub.f32 v13, v24  }
0x2b4: {  	v7 =	vmul.f32 v7, v7;
	v8 =	vadd.f32 v10, v8;
	v12 =	vmul.f32 v5, v58  }
0x2b5: {  	v60 =	vsub.f32 v14, v25;
	v6 =	vmul.f32 v6, v6;
	v10 =	vmul.f32 v11, v11  }
0x2b6: {  	v0 =	vmax.f32 v0, $0.0e+00;
	v1 =	vmul.f32 v1, v9;
	v7 =	vadd.f32 v7, v8  }
0x2b7: {  	s22 =	simm.s32 $0x15380;
	s19 =	sadd.s32 $0x2, s3;
	v8 =	vmul.f32 v60, v60;
	v9 =	vmul.f32 v12, v5;
	v6 =	vadd.f32 v10, v6  }
0x2b8: {  	[tilespmem:s22+$0xFFFFFF80] =	vst v0;
	v1 =	vmul.f32 v1, v3;
	v3 =	vld [tilespmem:s19+$0xFFFFFFFF]  }
0x2b9: {  	s7 =	sadd.s32 $0x2, s5;
	v62 =	vld [tilespmem:s14+$0x0];
	v26 =	vmax.f32 v7, $9.999999960e-13;
	v9 =	vsub.f32 $1.500000000e+00, v9;
	v6 =	vadd.f32 v8, v6  }
0x2ba: {  	v2 =	vmul.f32 $4.000000060e-01, v2;
	v7 =	vld [tilespmem:s7+$0xFFFFFFFF];
	v10 =	vmul.f32 $5.000000000e-01, v26;
	v8 =	vshrl.u32 v26, $0x1  }
0x2bb: {  	s6 =	sadd.s32 $0x2, s0;
	v0 =	vsub.s32 $0x5F3759DF, v8;
	v5 =	vmul.f32 v9, v5;
	v27 =	vmax.f32 v6, $9.999999960e-13  }
0x2bc: {  	v11 =	vld [tilespmem:s6+$0xFFFFFFFF];
	v6 =	vmul.f32 v0, v10;
	v9 =	vshrl.u32 v27, $0x1;
	v61 =	vmul.f32 $5.000000000e-01, v27  }
0x2bd: {  	v3 =	vperm.xlane v3, v29;
	v8 =	vld [tilespmem:s13+$0x0];
	v28 =	vmul.f32 v5, v4;
	v4 =	vsub.s32 $0x5F3759DF, v9  }
0x2be: {  	v2 =	vsub.f32 $1.000000000e+00, v2;
	v5 =	vmul.f32 v0, v6;
	v6 =	vld [tilespmem:s24+$0x0];
	v9 =	vmul.f32 v4, v61  }
0x2bf: {  	v13 =	vperm.xlane v62, v29;
	v3 =	vsub.f32 v3, v23;
	v7 =	vperm.xlane v7, v29  }
0x2c0: {  	v1 =	vmul.f32 $4.000000060e-01, v1;
	v5 =	vsub.f32 $1.500000000e+00, v5;
	v9 =	vmul.f32 v4, v9  }
0x2c1: {  	v11 =	vperm.xlane v11, v29;
	v63 =	vmul.f32 v3, v3;
	v7 =	vsub.f32 v7, v24  }
0x2c2: {  	v8 =	vperm.xlane v8, v29;
	v3 =	vmul.f32 v0, v5;
	v0 =	vsub.f32 $1.500000000e+00, v9  }
0x2c3: {  	v7 =	vmul.f32 v7, v7;
	v5 =	vsub.f32 v11, v25;
	v6 =	vperm.xlane v6, v29  }
0x2c4: {  	v8 =	vsub.f32 v8, v23;
	v9 =	vmul.f32 v3, v10;
	v4 =	vmul.f32 v4, v0  }
0x2c5: {  	s28 =	sshll.u32 s8, $0x5;
	s2 =	simm.s32 $0x15580;
	v10 =	vmul.f32 v5, v5;
	v0 =	vadd.f32 v7, v63;
	v11 =	vsub.f32 v6, v24  }
0x2c6: {  	s30 =	simm.s32 $0xC;
	s31 =	sadd.s32 $0x2, s6;
	s18 =	sadd.s32 $0x2, s7;
	v5 =	vsub.f32 v13, v25;
	v6 =	vmul.f32 v9, v3;
	v7 =	vmul.f32 v4, v61  }
0x2c7: {  	s14 =	simm.s32 $0x15480;
	s13 =	simm.s32 $0x15680;
	s24 =	sadd.s32 $0x2, s19;
	v8 =	vmul.f32 v8, v8;
	v10 =	vadd.f32 v10, v0;
	v9 =	vmul.f32 v11, v11  }
.LBB2_14:
0x2c8: {  	v0 =	vld [tilespmem:s18+$0xFFFFFFFF];
	s30 =	sadd.s32 $0x2, s30;
	v6 =	vsub.f32 $1.500000000e+00, v6;
	v5 =	vmul.f32 v5, v5;
	v7 =	vmul.f32 v7, v4;
	s21 =	smov.u32 s16;
	s16 =	smov.u32 s22  }
0x2c9: {  	v2 =	vmax.f32 v2, $0.0e+00;
	s22 =	smov.u32 s14;
	s14 =	smov.u32 s2;
	v11 =	vld [tilespmem:s31+$0xFFFFFFFF];
	p0 =	slt.u32 s30, $0x1E;
	v10 =	vmax.f32 v10, $9.999999960e-13;
	v8 =	vadd.f32 v9, v8  }
0x2ca: {  	s2 =	smov.u32 s13;
	v9 =	vld [tilespmem:s24+$0xFFFFFFFF];
	v12 =	vshrl.u32 v10, $0x1;
	v13 =	vmul.f32 $5.000000000e-01, v10;
	[tilespmem:s22+$0xFFFFFF80] =	vst v2;
	v7 =	vsub.f32 $1.500000000e+00, v7  }
0x2cb: {  	v3 =	vmul.f32 v6, v3;
	v12 =	vsub.s32 $0x5F3759DF, v12;
	v6 =	vld [tilespmem:s10+$0x0];
	v5 =	vadd.f32 v5, v8;
	s10 =	smov.u32 s25;
	s25 =	smov.u32 s17;
	s17 =	smov.u32 s0  }
0x2cc: {  	v2 =	vsub.f32 $1.000000000e+00, v1;
	s0 =	smov.u32 s6;
	s6 =	smov.u32 s31;
	v8 =	vmul.f32 v12, v13;
	v14 =	vld [tilespmem:s1+$0x0];
	v4 =	vmul.f32 v7, v4;
	s1 =	smov.u32 s26  }
0x2cd: {  	v1 =	vmul.f32 $4.000000060e-01, v28;
	v28 =	vmul.f32 v3, v26;
	v26 =	vmovc v10;
	s26 =	smov.u32 s9;
	s9 =	smov.u32 s3;
	s3 =	smov.u32 s19;
	v3 =	vmax.f32 v5, $9.999999960e-13  }
0x2ce: {  	s13 =	sadd.s32 $0x100, s13;
	s19 =	smov.u32 s24;
	v5 =	vmul.f32 v12, v8;
	v7 =	vshrl.u32 v3, $0x1;
	v8 =	vmul.f32 $5.000000000e-01, v3  }
0x2cf: {  	v4 =	vmul.f32 v4, v27;
	v27 =	vmovc v3;
	v9 =	vperm.xlane v9, v29;
	v7 =	vsub.s32 $0x5F3759DF, v7  }
0x2d0: {  	v0 =	vperm.xlane v0, v29;
	v3 =	vsub.f32 $1.500000000e+00, v5;
	v5 =	vld [tilespmem:s20+$0x0];
	v10 =	vmul.f32 v7, v8;
	s20 =	smov.u32 s23;
	s23 =	smov.u32 s29;
	s29 =	smov.u32 s5  }
0x2d1: {  	v11 =	vperm.xlane v11, v29;
	v4 =	vmul.f32 $4.000000060e-01, v4;
	s5 =	smov.u32 s7;
	s7 =	smov.u32 s18;
	v9 =	vsub.f32 v9, v23  }
0x2d2: {  	v0 =	vsub.f32 v0, v24;
	v14 =	vperm.xlane v14, v29;
	v10 =	vmul.f32 v7, v10  }
0x2d3: {  	v11 =	vsub.f32 v11, v25;
	v6 =	vperm.xlane v6, v29;
	v9 =	vmul.f32 v9, v9  }
0x2d4: {  	v3 =	vmul.f32 v12, v3;
	v12 =	vsub.f32 v14, v23;
	v10 =	vsub.f32 $1.500000000e+00, v10  }
.Ltmp5:
0x2d5: {  	v0 =	vmul.f32 v0, v0;
	v15 =	vsub.f32 $1.000000000e+00, v4;
	v14 =	vperm.xlane v5, v29;
	(pc) =	sbr.rel @p0 .LBB2_14-.Ltmp5, $4  }
0x2d6: {  	v13 =	vmul.f32 v3, v13;
	v5 =	vsub.f32 v6, v25;
	v4 =	vmul.f32 v7, v10  }
0x2d7: {  	v0 =	vadd.f32 v0, v9;
	v9 =	vmul.f32 v11, v11;
	v11 =	vsub.f32 v14, v24  }
0x2d8: {  	v6 =	vmul.f32 v13, v3;
	v13 =	vmax.f32 v15, $0.0e+00;
	v7 =	vmul.f32 v4, v8  }
0x2d9: {  	s31 =	sadd.s32 $0x2, s31;
	s24 =	sadd.s32 $0x2, s24;
	s18 =	sadd.s32 $0x2, s18;
	v10 =	vadd.f32 v9, v0;
	v8 =	vmul.f32 v12, v12;
	v9 =	vmul.f32 v11, v11;
	[tilespmem:s21+$0x0] =	vst v13  }
0x2da: {  	_ = 	snop  }
0x2db: {  	v2 =	vmax.f32 v2, $0.0e+00;
	v0 =	vmax.f32 v10, $9.999999960e-13  }
0x2dc: {  	[tilespmem:s14+$0xFFFFFF80] =	vst v2;
	v10 =	vshrl.u32 v0, $0x1;
	v11 =	vmul.f32 $5.000000000e-01, v0  }
0x2dd: {  	v13 =	vld [tilespmem:s20+$0x0];
	v2 =	vsub.s32 $0x5F3759DF, v10  }
0x2de: {  	v7 =	vmul.f32 v7, v4;
	v10 =	vld [tilespmem:s1+$0x0];
	v12 =	vmul.f32 v2, v11  }
0x2df: {  	v5 =	vmul.f32 v5, v5;
	v6 =	vsub.f32 $1.500000000e+00, v6;
	v8 =	vadd.f32 v9, v8  }
0x2e0: {  	v9 =	vld [tilespmem:s10+$0x0];
	v7 =	vsub.f32 $1.500000000e+00, v7;
	v12 =	vmul.f32 v2, v12  }
0x2e1: {  	v3 =	vmul.f32 v6, v3;
	v5 =	vadd.f32 v5, v8  }
0x2e2: {  	v6 =	vsub.f32 $1.000000000e+00, v1;
	v4 =	vmul.f32 v7, v4;
	v8 =	vsub.f32 $1.500000000e+00, v12  }
0x2e3: {  	v1 =	vmax.f32 v5, $9.999999960e-13;
	v5 =	vperm.xlane v10, v29;
	v10 =	vperm.xlane v13, v29  }
0x2e4: {  	v3 =	vmul.f32 v3, v26;
	v7 =	vshrl.u32 v1, $0x1;
	v2 =	vmul.f32 v2, v8  }
0x2e5: {  	v8 =	vperm.xlane v9, v29;
	v5 =	vsub.f32 v5, v23;
	v9 =	vsub.f32 v10, v24  }
0x2e6: {  	v7 =	vsub.s32 $0x5F3759DF, v7;
	v10 =	vmul.f32 $5.000000000e-01, v1;
	v11 =	vmul.f32 v2, v11  }
0x2e7: {  	v8 =	vsub.f32 v8, v25;
	v5 =	vmul.f32 v5, v5;
	v9 =	vmul.f32 v9, v9  }
0x2e8: {  	v6 =	vmax.f32 v6, $0.0e+00;
	v12 =	vmul.f32 v7, v10;
	v11 =	vmul.f32 v11, v2  }
0x2e9: {  	[tilespmem:s2+$0xFFFFFF80] =	vst v6;
	v8 =	vmul.f32 v8, v8;
	v5 =	vadd.f32 v9, v5;
	v9 =	vmul.f32 $4.000000060e-01, v28  }
0x2ea: {  	v3 =	vmul.f32 $4.000000060e-01, v3;
	v6 =	vmul.f32 v7, v12;
	v12 =	vld [tilespmem:s23+$0x0];
	v11 =	vsub.f32 $1.500000000e+00, v11  }
0x2eb: {  	v5 =	vadd.f32 v8, v5;
	v8 =	vld [tilespmem:s26+$0x0];
	v9 =	vsub.f32 $1.000000000e+00, v9  }
0x2ec: {  	v4 =	vmul.f32 v4, v27;
	v3 =	vsub.f32 $1.000000000e+00, v3;
	v6 =	vsub.f32 $1.500000000e+00, v6  }
0x2ed: {  	v2 =	vmul.f32 v11, v2;
	v5 =	vmax.f32 v5, $9.999999960e-13;
	v11 =	vld [tilespmem:s25+$0x0];
	v9 =	vmax.f32 v9, $0.0e+00  }
0x2ee: {  	v6 =	vmul.f32 v7, v6;
	v13 =	vshrl.u32 v5, $0x1;
	v14 =	vmul.f32 $5.000000000e-01, v5;
	[tilespmem:s13+$0xFFFFFF80] =	vst v9  }
0x2ef: {  	v12 =	vperm.xlane v12, v29;
	v0 =	vmul.f32 v2, v0;
	v2 =	vsub.s32 $0x5F3759DF, v13;
	v9 =	vld [tilespmem:s9+$0x0]  }
0x2f0: {  	v13 =	vld [tilespmem:s29+$0x0];
	v7 =	vmul.f32 v2, v14;
	v8 =	vperm.xlane v8, v29  }
0x2f1: {  	v3 =	vmax.f32 v3, $0.0e+00;
	v12 =	vsub.f32 v12, v24;
	v0 =	vmul.f32 $4.000000060e-01, v0  }
0x2f2: {  	v15 =	vld [tilespmem:s17+$0x0];
	v7 =	vmul.f32 v2, v7;
	v11 =	vperm.xlane v11, v29;
	v8 =	vsub.f32 v8, v23  }
0x2f3: {  	s29 =	sadd.s32 $0x100, s13;
	v10 =	vmul.f32 v6, v10;
	v12 =	vmul.f32 v12, v12;
	v0 =	vsub.f32 $1.000000000e+00, v0  }
0x2f4: {  	[tilespmem:s29+$0xFFFFFF80] =	vst v3;
	v7 =	vsub.f32 $1.500000000e+00, v7;
	v11 =	vsub.f32 v11, v25;
	v8 =	vmul.f32 v8, v8  }
0x2f5: {  	s30 =	sadd.s32 $0x100, s29;
	v3 =	vperm.xlane v9, v29;
	v9 =	vperm.xlane v13, v29;
	v13 =	vld [tilespmem:s3+$0x0];
	v0 =	vmax.f32 v0, $0.0e+00  }
0x2f6: {  	v2 =	vmul.f32 v2, v7;
	v7 =	vmul.f32 v11, v11;
	v8 =	vadd.f32 v12, v8;
	v11 =	vld [tilespmem:s5+$0x0];
	[tilespmem:s30+$0xFFFFFF80] =	vst v0  }
0x2f7: {  	v0 =	vperm.xlane v15, v29;
	v3 =	vsub.f32 v3, v23;
	v9 =	vsub.f32 v9, v24;
	v12 =	vld [tilespmem:s19+$0x0]  }
0x2f8: {  	v4 =	vmul.f32 $4.000000060e-01, v4;
	v10 =	vmul.f32 v10, v6;
	v7 =	vadd.f32 v7, v8;
	v8 =	vld [tilespmem:s7+$0x0]  }
0x2f9: {  	v15 =	vld [tilespmem:s0+$0x0];
	v0 =	vsub.f32 v0, v25;
	v3 =	vmul.f32 v3, v3;
	v9 =	vmul.f32 v9, v9  }
0x2fa: {  	v16 =	vld [tilespmem:s6+$0x0];
	v14 =	vmul.f32 v2, v14;
	v13 =	vperm.xlane v13, v29  }
0x2fb: {  	v7 =	vmax.f32 v7, $9.999999960e-13;
	v0 =	vmul.f32 v0, v0;
	v3 =	vadd.f32 v9, v3  }
0x2fc: {  	v14 =	vmul.f32 v14, v2;
	v9 =	vshrl.u32 v7, $0x1;
	v11 =	vperm.xlane v11, v29  }
0x2fd: {  	v0 =	vadd.f32 v0, v3;
	v3 =	vperm.xlane v12, v29;
	v8 =	vperm.xlane v8, v29  }
0x2fe: {  	v13 =	vsub.f32 v13, v23;
	v12 =	vperm.xlane v15, v29;
	v11 =	vsub.f32 v11, v24  }
0x2ff: {  	v15 =	vperm.xlane v16, v29;
	v3 =	vsub.f32 v3, v23;
	v8 =	vsub.f32 v8, v24  }
0x300: {  	v13 =	vmul.f32 v13, v13;
	v12 =	vsub.f32 v12, v25;
	v11 =	vmul.f32 v11, v11  }
0x301: {  	v15 =	vsub.f32 v15, v25;
	v3 =	vmul.f32 v3, v3;
	v8 =	vmul.f32 v8, v8  }
0x302: {  	v16 =	vmul.f32 $5.000000000e-01, v7;
	v12 =	vmul.f32 v12, v12;
	v11 =	vadd.f32 v11, v13  }
0x303: {  	v0 =	vmax.f32 v0, $9.999999960e-13;
	v13 =	vmul.f32 v15, v15;
	v3 =	vadd.f32 v8, v3  }
0x304: {  	v15 =	vmul.f32 $5.000000000e-01, v0;
	v8 =	vshrl.u32 v0, $0x1;
	v11 =	vadd.f32 v12, v11  }
0x305: {  	v9 =	vsub.s32 $0x5F3759DF, v9;
	v8 =	vsub.s32 $0x5F3759DF, v8;
	v3 =	vadd.f32 v13, v3  }
0x306: {  	v12 =	vmul.f32 v9, v16;
	v13 =	vmul.f32 v8, v15;
	v11 =	vmax.f32 v11, $9.999999960e-13  }
0x307: {  	v17 =	vshrl.u32 v11, $0x1;
	v18 =	vmul.f32 $5.000000000e-01, v11;
	v3 =	vmax.f32 v3, $9.999999960e-13  }
0x308: {  	v17 =	vsub.s32 $0x5F3759DF, v17;
	v19 =	vshrl.u32 v3, $0x1;
	v20 =	vmul.f32 $5.000000000e-01, v3  }
0x309: {  	v12 =	vmul.f32 v9, v12;
	v21 =	vmul.f32 v17, v18;
	v19 =	vsub.s32 $0x5F3759DF, v19  }
0x30a: {  	v13 =	vmul.f32 v8, v13;
	v22 =	vmul.f32 v19, v20  }
0x30b: {  	v10 =	vsub.f32 $1.500000000e+00, v10;
	v12 =	vsub.f32 $1.500000000e+00, v12;
	v21 =	vmul.f32 v17, v21  }
0x30c: {  	v14 =	vsub.f32 $1.500000000e+00, v14;
	v13 =	vsub.f32 $1.500000000e+00, v13;
	v22 =	vmul.f32 v19, v22  }
0x30d: {  	v6 =	vmul.f32 v10, v6;
	v9 =	vmul.f32 v9, v12;
	v10 =	vsub.f32 $1.500000000e+00, v21  }
0x30e: {  	v2 =	vmul.f32 v14, v2;
	v8 =	vmul.f32 v8, v13;
	v12 =	vsub.f32 $1.500000000e+00, v22  }
0x30f: {  	v13 =	vmul.f32 v9, v16;
	v10 =	vmul.f32 v17, v10  }
0x310: {  	v14 =	vmul.f32 v8, v15;
	v12 =	vmul.f32 v19, v12  }
0x311: {  	v13 =	vmul.f32 v13, v9;
	v15 =	vmul.f32 v10, v18  }
0x312: {  	v4 =	vsub.f32 $1.000000000e+00, v4;
	v14 =	vmul.f32 v14, v8;
	v16 =	vmul.f32 v12, v20  }
0x313: {  	v1 =	vmul.f32 v6, v1;
	v6 =	vsub.f32 $1.500000000e+00, v13;
	v13 =	vmul.f32 v15, v10  }
0x314: {  	v2 =	vmul.f32 v2, v5;
	v5 =	vsub.f32 $1.500000000e+00, v14;
	v14 =	vmul.f32 v16, v12  }
0x315: {  	v1 =	vmul.f32 $4.000000060e-01, v1;
	v6 =	vmul.f32 v6, v9;
	v9 =	vsub.f32 $1.500000000e+00, v13  }
0x316: {  	v2 =	vmul.f32 $4.000000060e-01, v2;
	v5 =	vmul.f32 v5, v8;
	v8 =	vsub.f32 $1.500000000e+00, v14  }
0x317: {  	v6 =	vmul.f32 v6, v7;
	v7 =	vmul.f32 v9, v10  }
0x318: {  	v4 =	vmax.f32 v4, $0.0e+00;
	v0 =	vmul.f32 v5, v0;
	v5 =	vmul.f32 v8, v12  }
0x319: {  	v1 =	vsub.f32 $1.000000000e+00, v1;
	v6 =	vmul.f32 $4.000000060e-01, v6;
	v7 =	vmul.f32 v7, v11  }
0x31a: {  	v2 =	vsub.f32 $1.000000000e+00, v2;
	v0 =	vmul.f32 $4.000000060e-01, v0;
	v3 =	vmul.f32 v5, v3  }
0x31b: {  	[tilespmem:s16+$0x0] =	vst v4;
	v1 =	vmax.f32 v1, $0.0e+00;
	v4 =	vsub.f32 $1.000000000e+00, v6;
	v5 =	vmul.f32 $4.000000060e-01, v7  }
0x31c: {  	[tilespmem:s22+$0x0] =	vst v1;
	v1 =	vmax.f32 v2, $0.0e+00;
	v0 =	vsub.f32 $1.000000000e+00, v0;
	v2 =	vmul.f32 $4.000000060e-01, v3  }
0x31d: {  	[tilespmem:s14+$0x0] =	vst v1;
	v1 =	vmax.f32 v4, $0.0e+00;
	v3 =	vsub.f32 $1.000000000e+00, v5  }
0x31e: {  	[tilespmem:s2+$0x0] =	vst v1;
	v0 =	vmax.f32 v0, $0.0e+00;
	v1 =	vsub.f32 $1.000000000e+00, v2  }
0x31f: {  	[tilespmem:s13+$0x0] =	vst v0;
	v0 =	vmax.f32 v3, $0.0e+00  }
0x320: {  	[tilespmem:s29+$0x0] =	vst v0;
	v0 =	vmax.f32 v1, $0.0e+00  }
0x321: {  	[tilespmem:s30+$0x0] =	vst v0  }
0x322: {  	v0 =	vld [tilespmem:s28+$0x15100]  }
0x323: {  	v1 =	vld [tilespmem:s28+$0x15110];
	_ =	sdelay $0x4  }
0x324: {  	v0 =	vadd.f32 v1, v0;
	v1 =	vld [tilespmem:$0x1FFC0];
	_ =	sdelay $0x4  }
0x325: {  	v1 =	vperm.xlane v0, v1;
	_ =	sdelay $0x1  }
0x326: {  	v0 =	vadd.f32 v1, v0;
	v1 =	vld [tilespmem:$0x1FFD0];
	_ =	sdelay $0x4  }
0x327: {  	v1 =	vperm.xlane v0, v1;
	_ =	sdelay $0x1  }
0x328: {  	v0 =	vadd.f32 v1, v0;
	v1 =	vld [tilespmem:$0x1FFE0];
	_ =	sdelay $0x4  }
0x329: {  	v1 =	vperm.xlane v0, v1;
	_ =	sdelay $0x1  }
0x32a: {  	v0 =	vadd.f32 v1, v0;
	v1 =	vld [tilespmem:$0x1FFF0];
	_ =	sdelay $0x4  }
0x32b: {  	v1 =	vperm.xlane v0, v1;
	_ =	sdelay $0x1  }
0x32c: {  	v0 =	vadd.f32 v1, v0;
	_ =	sdelay $0x1  }
0x32d: {  	v0 =	vmax.f32 v0, $1.000000000e+00  }
0x32e: {  	v1 =	vshrl.u32 v0, $0x1;
	v0 =	vmul.f32 $5.000000000e-01, v0  }
0x32f: {  	v1 =	vsub.s32 $0x5F3759DF, v1  }
0x330: {  	v2 =	vmul.f32 v1, v0;
	_ =	sdelay $0x1  }
0x331: {  	v2 =	vmul.f32 v1, v2;
	_ =	sdelay $0x1  }
0x332: {  	v2 =	vsub.f32 $1.500000000e+00, v2;
	_ =	sdelay $0x1  }
0x333: {  	v1 =	vmul.f32 v1, v2;
	_ =	sdelay $0x1  }
0x334: {  	v2 =	vmul.f32 v1, v0;
	_ =	sdelay $0x1  }
0x335: {  	v2 =	vmul.f32 v2, v1;
	_ =	sdelay $0x1  }
0x336: {  	v2 =	vsub.f32 $1.500000000e+00, v2;
	_ =	sdelay $0x1  }
0x337: {  	v1 =	vmul.f32 v2, v1;
	_ =	sdelay $0x1  }
0x338: {  	v0 =	vmul.f32 v1, v0;
	_ =	sdelay $0x1  }
0x339: {  	v0 =	vmul.f32 v0, v1;
	_ =	sdelay $0x1  }
0x33a: {  	v0 =	vsub.f32 $1.500000000e+00, v0;
	_ =	sdelay $0x1  }
0x33b: {  	s2 =	rddreg [dreg:$0x13];
	v0 =	vmul.f32 v0, v1  }
0x33c: {  	v23 =	vmov s2  }
0x33d: {  	v0 =	vmul.f32 v0, v0;
	_ =	sdelay $0x1  }
0x33e: {  	s31 =	simm.s32 $0x0;
	[tilespmem:s4+$0x1A000] =	vst v0  }
0x33f: {  	v0 =	vld [tilespmem:s31+$0x15200]  }
0x340: {  	v24 =	vld.idx.msk [tilespmem:v23+s31+$0x20 ss:$0x1], $0xffff  }
0x341: {  	v40 =	vld.idx.msk [tilespmem:v23+s31+$0xFFFFFFF0 ss:$0x1], $0xffff  }
0x342: {  	v58 =	vld.idx.msk [tilespmem:v23+s31+$0xFFFFFFD0 ss:$0x1], $0xffff  }
0x343: {  	v62 =	vimm.f32 $0.0e+00;
	v48 =	vld.idx.msk [tilespmem:v23+s31+$0xFFFFFFE0 ss:$0x1], $0xffff  }
0x344: {  	v38 =	vimm.f32 $0.0e+00;
	v57 =	vimm.f32 $0.0e+00;
	v56 =	vimm.f32 $0.0e+00;
	v28 =	vld.idx.msk [tilespmem:v23+s31+$0x0 ss:$0x1], $0xffff  }
0x345: {  	v54 =	vimm.f32 $0.0e+00;
	v61 =	vimm.f32 $0.0e+00;
	v27 =	vld.idx.msk [tilespmem:v23+s31+$0x30 ss:$0x1], $0xffff;
	v26 =	vperm.xlane v0, v31  }
0x346: {  	v59 =	vimm.f32 $0.0e+00;
	v6 =	vld.idx.msk [tilespmem:v23+s31+$0xFFFFFFC0 ss:$0x1], $0xffff;
	v42 =	vperm.xlane v0, v33;
	v36 =	vperm.xlane v0, v29  }
0x347: {  	v21 =	vimm.f32 $0.0e+00;
	v50 =	vld.idx.msk [tilespmem:v23+s31+$0x10 ss:$0x1], $0xffff;
	v39 =	vperm.xlane v0, v30;
	v29 =	vperm.xlane v0, v32  }
0x348: {  	v22 =	vimm.f32 $0.0e+00;
	v0 =	vmul.f32 v24, v42;
	v1 =	vmul.f32 v58, v42  }
0x349: {  	v18 =	vimm.f32 $0.0e+00;
	v2 =	vmul.f32 v48, v36;
	v3 =	vmul.f32 v40, v42  }
0x34a: {  	v19 =	vimm.f32 $0.0e+00;
	v4 =	vmul.f32 v28, v36;
	v49 =	vmul.f32 v27, v42  }
0x34b: {  	v10 =	vimm.f32 $0.0e+00;
	v12 =	vmul.f32 v58, v36;
	v51 =	vmul.f32 v24, v39  }
0x34c: {  	v9 =	vimm.f32 $0.0e+00;
	v5 =	vmul.f32 v50, v29;
	v13 =	vmul.f32 v6, v26  }
0x34d: {  	v11 =	vimm.f32 $0.0e+00;
	v7 =	vmul.f32 v40, v39;
	v15 =	vmul.f32 v6, v29  }
0x34e: {  	v8 =	vimm.f32 $0.0e+00;
	v17 =	vmul.f32 v58, v29;
	v14 =	vmul.f32 v40, v26  }
0x34f: {  	v16 =	vmul.f32 v48, v39;
	v25 =	vadd.f32 v0, v18;
	v43 =	vadd.f32 v1, v18  }
0x350: {  	v0 =	vmul.f32 v28, v26;
	v45 =	vadd.f32 v2, v18;
	v32 =	vadd.f32 v4, v18  }
0x351: {  	v1 =	vmul.f32 v28, v42;
	v2 =	vmul.f32 v48, v26;
	v35 =	vadd.f32 v3, v18  }
0x352: {  	v3 =	vmul.f32 v27, v36;
	v33 =	vadd.f32 v0, v18;
	v0 =	vmul.f32 v48, v29  }
0x353: {  	v4 =	vmul.f32 v6, v42;
	v60 =	vadd.f32 v7, v18;
	v44 =	vadd.f32 v5, v18  }
0x354: {  	v7 =	vimm.f32 $0.0e+00;
	v55 =	vadd.f32 v0, v18;
	v0 =	vmul.f32 v27, v39  }
0x355: {  	v5 =	vimm.f32 $0.0e+00;
	v34 =	vadd.f32 v1, v18;
	v1 =	vmul.f32 v6, v39  }
0x356: {  	v52 =	vadd.f32 v2, v18;
	v30 =	vadd.f32 v0, v18;
	v0 =	vmul.f32 v50, v36  }
0x357: {  	v2 =	vmul.f32 v50, v39;
	v31 =	vadd.f32 v3, v18;
	v3 =	vmul.f32 v58, v26  }
0x358: {  	v63 =	vadd.f32 v1, v18;
	v46 =	vadd.f32 v0, v18;
	v0 =	vmul.f32 v50, v26  }
0x359: {  	v37 =	vadd.f32 v2, v18;
	v2 =	vadd.f32 v4, v18;
	v4 =	vmul.f32 v27, v26  }
0x35a: {  	v20 =	vadd.f32 v3, v18;
	v47 =	vadd.f32 v0, v18;
	v0 =	vimm.f32 $0.0e+00  }
0x35b: {  	s0 =	simm.s32 $0x200;
	v3 =	vimm.f32 $0.0e+00;
	v41 =	vadd.f32 v4, v18;
	v4 =	vimm.f32 $0.0e+00;
	[tilespmem:$0x1FF00] =	vst v0  }
.LBB2_16:
0x35c: {  	v0 =	vmul.f32 v40, v29  }
0x35d: {  	s1 =	sshra.s32 s0, $0x2;
	v62 =	vadd.f32 v14, v62;
	v7 =	vadd.f32 v15, v7;
	v15 =	vmul.f32 v28, v39  }
0x35e: {  	v14 =	vld.idx.msk [tilespmem:v23+s1+$0x20 ss:$0x1], $0xffff;
	v21 =	vadd.f32 v16, v21;
	v16 =	vmul.f32 v48, v42;
	v42 =	vmul.f32 v50, v42  }
0x35f: {  	v53 =	vld.idx.msk [tilespmem:v23+s1+$0xFFFFFFF0 ss:$0x1], $0xffff;
	v48 =	vmul.f32 v24, v29;
	v38 =	vadd.f32 v49, v38;
	v11 =	vadd.f32 v13, v11  }
0x360: {  	v49 =	vmovc v46;
	v13 =	vmul.f32 v58, v39;
	v8 =	vadd.f32 v12, v8;
	v3 =	vadd.f32 v0, v3  }
0x361: {  	v46 =	vmovc v44;
	v12 =	vmul.f32 v24, v26;
	v54 =	vadd.f32 v48, v54;
	v5 =	vadd.f32 v15, v5  }
0x362: {  	v1 =	vld.idx.msk [tilespmem:v23+s1+$0xFFFFFFD0 ss:$0x1], $0xffff;
	v18 =	vadd.f32 v17, v18;
	v17 =	vmul.f32 v6, v36;
	v6 =	vmul.f32 v24, v36  }
0x363: {  	v44 =	vmovc v38;
	v15 =	vmul.f32 v28, v29;
	v22 =	vadd.f32 v16, v22;
	v16 =	vld [tilespmem:$0x1FF00];
	v9 =	vadd.f32 v13, v9  }
0x364: {  	v61 =	vadd.f32 v42, v61;
	v38 =	vmovc v35;
	v35 =	vmovc v33;
	v33 =	vmov v31;
	v31 =	vmov v25;
	v25 =	vld [tilespmem:s1+$0x15200]  }
0x365: {  	v59 =	vadd.f32 v12, v59;
	v19 =	vadd.f32 v15, v19;
	[tilespmem:$0x1FEF0] =	vst v18;
	v18 =	vld.idx.msk [tilespmem:v23+s1+$0x30 ss:$0x1], $0xffff  }
0x366: {  	v0 =	vmul.f32 v27, v29;
	v57 =	vadd.f32 v6, v57;
	v10 =	vadd.f32 v17, v10;
	v6 =	vmovc v51  }
0x367: {  	v51 =	vmovc v47;
	v47 =	vmovc v45;
	v45 =	vmov v43;
	v43 =	vmov v37;
	v37 =	vmov v34  }
0x368: {  	v34 =	vmovc v32;
	v32 =	vmovc v30;
	v30 =	vmul.f32 v40, v36;
	v16 =	vadd.f32 v0, v16;
	v0 =	vimm.s32 $0x2  }
0x369: {  	v48 =	vld.idx.msk [tilespmem:v23+s1+$0xFFFFFFE0 ss:$0x1], $0xffff;
	v56 =	vadd.f32 v6, v56;
	v26 =	vperm.xlane v25, v0;
	v0 =	vimm.s32 $0x4  }
0x36a: {  	v28 =	vld.idx.msk [tilespmem:v23+s1+$0x0 ss:$0x1], $0xffff;
	v24 =	vmovc v14;
	v4 =	vadd.f32 v30, v4;
	v27 =	vmovc v18;
	v42 =	vperm.xlane v25, v0;
	v0 =	vimm.s32 $0x0  }
0x36b: {  	v58 =	vmovc v1;
	v40 =	vmovc v53;
	v36 =	vperm.xlane v25, v0;
	v0 =	vimm.s32 $0x1;
	v18 =	vmul.f32 v27, v26  }
0x36c: {  	v6 =	vld.idx.msk [tilespmem:v23+s1+$0xFFFFFFC0 ss:$0x1], $0xffff;
	v53 =	vmovc v47;
	v30 =	vmovc v32;
	v39 =	vperm.xlane v25, v0;
	v0 =	vimm.s32 $0x3;
	v1 =	vmul.f32 v58, v42  }
0x36d: {  	v32 =	vmovc v34;
	v34 =	vmovc v37;
	v13 =	vmul.f32 v40, v42;
	v29 =	vperm.xlane v25, v0;
	v25 =	vmov v31  }
0x36e: {  	v50 =	vld.idx.msk [tilespmem:v23+s1+$0x10 ss:$0x1], $0xffff;
	v31 =	vmovc v33;
	v33 =	vmovc v35;
	v35 =	vmov v38;
	v38 =	vmov v44;
	v0 =	vmul.f32 v24, v42  }
0x36f: {  	v44 =	vmovc v46;
	v46 =	vmovc v49;
	v49 =	vmov v45;
	v12 =	vmul.f32 v48, v36;
	v14 =	vmul.f32 v28, v36  }
0x370: {  	v37 =	vmovc v43;
	v41 =	vadd.f32 v18, v41;
	v43 =	vadd.f32 v1, v49;
	v49 =	vmul.f32 v27, v42  }
0x371: {  	[tilespmem:$0x1FF00] =	vst v16;
	v1 =	vmul.f32 v28, v42;
	v35 =	vadd.f32 v13, v35;
	v13 =	vmul.f32 v6, v39  }
0x372: {  	v47 =	vmovc v51;
	v51 =	vmul.f32 v24, v39;
	v16 =	vmul.f32 v40, v39;
	v25 =	vadd.f32 v0, v25  }
0x373: {  	v0 =	vmul.f32 v28, v26;
	v45 =	vadd.f32 v12, v53;
	v12 =	vmul.f32 v48, v26  }
0x374: {  	v32 =	vadd.f32 v14, v32;
	v14 =	vmul.f32 v50, v39;
	v15 =	vmul.f32 v6, v29  }
0x375: {  	v17 =	vmul.f32 v58, v29;
	v33 =	vadd.f32 v0, v33;
	v0 =	vmul.f32 v48, v29  }
0x376: {  	v34 =	vadd.f32 v1, v34;
	v1 =	vmul.f32 v27, v36;
	v63 =	vadd.f32 v13, v63  }
0x377: {  	v13 =	vmul.f32 v6, v42;
	v55 =	vadd.f32 v0, v55;
	v0 =	vmul.f32 v27, v39  }
0x378: {  	p0 =	sne.s32 s0, $0x3E00;
	v60 =	vadd.f32 v16, v60;
	v16 =	vmul.f32 v48, v39;
	v52 =	vadd.f32 v12, v52  }
.Ltmp6:
0x379: {  	v12 =	vmul.f32 v58, v36;
	v30 =	vadd.f32 v0, v30;
	v0 =	vmul.f32 v50, v36;
	(pc) =	sbr.rel @p0 .LBB2_16-.Ltmp6, $4  }
0x37a: {  	v37 =	vadd.f32 v14, v37;
	v14 =	vmul.f32 v50, v29;
	v31 =	vadd.f32 v1, v31  }
0x37b: {  	v1 =	vmul.f32 v58, v26;
	v46 =	vadd.f32 v0, v46;
	v0 =	vmul.f32 v50, v26  }
0x37c: {  	v2 =	vadd.f32 v13, v2;
	v13 =	vmul.f32 v6, v26;
	v44 =	vadd.f32 v14, v44  }
0x37d: {  	s0 =	sadd.s32 $0x200, s0;
	v18 =	vld [tilespmem:$0x1FEF0];
	v14 =	vmul.f32 v40, v26;
	v20 =	vadd.f32 v1, v20;
	v47 =	vadd.f32 v0, v47  }
0x37e: {  	[tilespmem:s4+$0x18400] =	vst v63  }
0x37f: {  	[tilespmem:s4+$0x18A00] =	vst v2  }
0x380: {  	[tilespmem:s4+$0x18A10] =	vst v43  }
0x381: {  	[tilespmem:s4+$0x18220] =	vst v45  }
0x382: {  	[tilespmem:s4+$0x18620] =	vst v52  }
0x383: {  	[tilespmem:s4+$0x18820] =	vst v55  }
0x384: {  	[tilespmem:s4+$0x18430] =	vst v60  }
0x385: {  	v0 =	vmul.f32 v6, v36;
	[tilespmem:s4+$0x18A30] =	vst v35  }
0x386: {  	v1 =	vadd.f32 v13, v11;
	[tilespmem:s4+$0x18240] =	vst v32  }
0x387: {  	[tilespmem:s4+$0x18640] =	vst v33;
	v0 =	vadd.f32 v0, v10  }
0x388: {  	[tilespmem:s4+$0x18600] =	vst v1;
	v1 =	vadd.f32 v12, v8  }
0x389: {  	v6 =	vmul.f32 v58, v39;
	[tilespmem:s4+$0x18200] =	vst v0;
	v0 =	vadd.f32 v15, v7  }
0x38a: {  	[tilespmem:s4+$0x18210] =	vst v1;
	v1 =	vadd.f32 v17, v18  }
0x38b: {  	[tilespmem:s4+$0x18800] =	vst v0;
	v0 =	vadd.f32 v6, v9  }
0x38c: {  	[tilespmem:s4+$0x18810] =	vst v1  }
0x38d: {  	v2 =	vmul.f32 v40, v36;
	v1 =	vmul.f32 v48, v42;
	[tilespmem:s4+$0x18410] =	vst v0;
	v0 =	vadd.f32 v16, v21  }
0x38e: {  	[tilespmem:s4+$0x18A40] =	vst v34  }
0x38f: {  	[tilespmem:s4+$0x18420] =	vst v0;
	v0 =	vadd.f32 v1, v22;
	v1 =	vadd.f32 v2, v4;
	v2 =	vmul.f32 v40, v29  }
0x390: {  	[tilespmem:s4+$0x18250] =	vst v46  }
0x391: {  	[tilespmem:s4+$0x18230] =	vst v1;
	v1 =	vadd.f32 v2, v3  }
0x392: {  	[tilespmem:s4+$0x18450] =	vst v37  }
0x393: {  	[tilespmem:s4+$0x18830] =	vst v1;
	v1 =	vmul.f32 v28, v29  }
0x394: {  	[tilespmem:s4+$0x18850] =	vst v44  }
0x395: {  	[tilespmem:s4+$0x18A60] =	vst v25;
	v1 =	vadd.f32 v1, v19  }
0x396: {  	[tilespmem:s4+$0x18A20] =	vst v0;
	v0 =	vadd.f32 v14, v62;
	v2 =	vmul.f32 v28, v39  }
0x397: {  	[tilespmem:s4+$0x18840] =	vst v1;
	v1 =	vmul.f32 v24, v36  }
0x398: {  	[tilespmem:s4+$0x18630] =	vst v0;
	v0 =	vadd.f32 v2, v5  }
0x399: {  	[tilespmem:s4+$0x18270] =	vst v31;
	v3 =	vmul.f32 v24, v29;
	v1 =	vadd.f32 v1, v57  }
0x39a: {  	[tilespmem:s4+$0x18440] =	vst v0;
	v0 =	vmul.f32 v50, v42  }
0x39b: {  	[tilespmem:s4+$0x18260] =	vst v1;
	v1 =	vadd.f32 v3, v54  }
0x39c: {  	[tilespmem:s4+$0x18470] =	vst v30;
	v2 =	vmul.f32 v24, v26;
	v0 =	vadd.f32 v0, v61  }
0x39d: {  	[tilespmem:s4+$0x18860] =	vst v1;
	v1 =	vld [tilespmem:$0x1FF00]  }
0x39e: {  	[tilespmem:s4+$0x18A50] =	vst v0;
	v0 =	vadd.f32 v2, v59  }
0x39f: {  	[tilespmem:s4+$0x18670] =	vst v41  }
0x3a0: {  	[tilespmem:s4+$0x18660] =	vst v0;
	v0 =	vmul.f32 v27, v29  }
0x3a1: {  	[tilespmem:s4+$0x18610] =	vst v20;
	v4 =	vadd.f32 v51, v56  }
0x3a2: {  	[tilespmem:s4+$0x18650] =	vst v47;
	v0 =	vadd.f32 v0, v1  }
0x3a3: {  	[tilespmem:s4+$0x18460] =	vst v4;
	v1 =	vadd.f32 v49, v38  }
0x3a4: {  	[tilespmem:s4+$0x18870] =	vst v0  }
0x3a5: {  	s0 =	simm.s32 $0x0;
	[tilespmem:s4+$0x18A70] =	vst v1  }
0x3a6: {  	v0 =	vld [tilespmem:s0+$0x15200]  }
0x3a7: {  	v24 =	vld.idx.msk [tilespmem:v23+s0+$0x20 ss:$0x1], $0xffff  }
0x3a8: {  	v11 =	vimm.f32 $0.0e+00;
	v10 =	vimm.f32 $0.0e+00;
	v8 =	vimm.f32 $0.0e+00;
	v6 =	vld.idx.msk [tilespmem:v23+s0+$0xFFFFFFC0 ss:$0x1], $0xffff  }
0x3a9: {  	v18 =	vimm.f32 $0.0e+00;
	v9 =	vimm.f32 $0.0e+00;
	v21 =	vimm.f32 $0.0e+00;
	v40 =	vld.idx.msk [tilespmem:v23+s0+$0xFFFFFFF0 ss:$0x1], $0xffff  }
0x3aa: {  	v56 =	vimm.f32 $0.0e+00;
	v22 =	vimm.f32 $0.0e+00;
	v1 =	vimm.s32 $0x7;
	v27 =	vld.idx.msk [tilespmem:v23+s0+$0x30 ss:$0x1], $0xffff  }
0x3ab: {  	v62 =	vimm.f32 $0.0e+00;
	v58 =	vld.idx.msk [tilespmem:v23+s0+$0xFFFFFFD0 ss:$0x1], $0xffff;
	v26 =	vperm.xlane v0, v1;
	v1 =	vimm.s32 $0x9  }
0x3ac: {  	v19 =	vimm.f32 $0.0e+00;
	v48 =	vld.idx.msk [tilespmem:v23+s0+$0xFFFFFFE0 ss:$0x1], $0xffff;
	v42 =	vperm.xlane v0, v1;
	v1 =	vimm.s32 $0x5  }
0x3ad: {  	v28 =	vld.idx.msk [tilespmem:v23+s0+$0x0 ss:$0x1], $0xffff;
	v36 =	vperm.xlane v0, v1;
	v1 =	vimm.s32 $0x6;
	v13 =	vmul.f32 v6, v26  }
0x3ae: {  	v61 =	vimm.f32 $0.0e+00;
	v14 =	vmul.f32 v40, v26;
	v39 =	vperm.xlane v0, v1  }
0x3af: {  	v1 =	vimm.s32 $0x8;
	v3 =	vmul.f32 v40, v42;
	v49 =	vmul.f32 v27, v42  }
0x3b0: {  	v57 =	vimm.f32 $0.0e+00;
	v29 =	vperm.xlane v0, v1;
	v0 =	vmul.f32 v24, v42  }
0x3b1: {  	v59 =	vimm.f32 $0.0e+00;
	v1 =	vmul.f32 v58, v42;
	v2 =	vmul.f32 v48, v36  }
0x3b2: {  	v54 =	vimm.f32 $0.0e+00;
	v50 =	vld.idx.msk [tilespmem:v23+s0+$0x10 ss:$0x1], $0xffff;
	v4 =	vmul.f32 v28, v36;
	v12 =	vmul.f32 v58, v36  }
0x3b3: {  	v35 =	vadd.f32 v3, v18;
	v3 =	vmul.f32 v27, v36;
	v51 =	vmul.f32 v24, v39  }
0x3b4: {  	v38 =	vimm.f32 $0.0e+00;
	v7 =	vmul.f32 v40, v39;
	v16 =	vmul.f32 v48, v39  }
0x3b5: {  	v25 =	vadd.f32 v0, v18;
	v43 =	vadd.f32 v1, v18;
	v0 =	vmul.f32 v28, v26  }
0x3b6: {  	v45 =	vadd.f32 v2, v18;
	v1 =	vmul.f32 v28, v42;
	v2 =	vmul.f32 v48, v26  }
0x3b7: {  	v32 =	vadd.f32 v4, v18;
	v4 =	vmul.f32 v6, v42;
	v5 =	vmul.f32 v50, v29  }
0x3b8: {  	v15 =	vmul.f32 v6, v29;
	v33 =	vadd.f32 v0, v18;
	v0 =	vmul.f32 v48, v29  }
0x3b9: {  	v17 =	vmul.f32 v58, v29;
	v31 =	vadd.f32 v3, v18;
	v3 =	vmul.f32 v58, v26  }
0x3ba: {  	v60 =	vadd.f32 v7, v18;
	v55 =	vadd.f32 v0, v18;
	v0 =	vmul.f32 v27, v39  }
0x3bb: {  	v7 =	vimm.f32 $0.0e+00;
	v34 =	vadd.f32 v1, v18;
	v1 =	vmul.f32 v6, v39  }
0x3bc: {  	v52 =	vadd.f32 v2, v18;
	v30 =	vadd.f32 v0, v18;
	v0 =	vmul.f32 v50, v36  }
0x3bd: {  	v2 =	vmul.f32 v50, v39;
	v44 =	vadd.f32 v5, v18;
	v5 =	vimm.f32 $0.0e+00  }
0x3be: {  	v20 =	vadd.f32 v3, v18;
	v46 =	vadd.f32 v0, v18;
	v0 =	vmul.f32 v50, v26  }
0x3bf: {  	v37 =	vadd.f32 v2, v18;
	v2 =	vadd.f32 v4, v18;
	v4 =	vmul.f32 v27, v26  }
0x3c0: {  	v3 =	vimm.f32 $0.0e+00;
	v47 =	vadd.f32 v0, v18;
	v0 =	vimm.f32 $0.0e+00  }
0x3c1: {  	s0 =	simm.s32 $0x200;
	v63 =	vadd.f32 v1, v18;
	v41 =	vadd.f32 v4, v18;
	v4 =	vimm.f32 $0.0e+00;
	[tilespmem:$0x1FEE0] =	vst v0  }
.LBB2_18:
0x3c2: {  	v0 =	vmul.f32 v40, v29  }
0x3c3: {  	s1 =	sshra.s32 s0, $0x2;
	v62 =	vadd.f32 v14, v62;
	v7 =	vadd.f32 v15, v7;
	v15 =	vmul.f32 v28, v39  }
0x3c4: {  	v14 =	vld.idx.msk [tilespmem:v23+s1+$0x20 ss:$0x1], $0xffff;
	v21 =	vadd.f32 v16, v21;
	v16 =	vmul.f32 v48, v42;
	v42 =	vmul.f32 v50, v42  }
0x3c5: {  	v53 =	vld.idx.msk [tilespmem:v23+s1+$0xFFFFFFF0 ss:$0x1], $0xffff;
	v48 =	vmul.f32 v24, v29;
	v38 =	vadd.f32 v49, v38;
	v11 =	vadd.f32 v13, v11  }
0x3c6: {  	v49 =	vmovc v46;
	v13 =	vmul.f32 v58, v39;
	v8 =	vadd.f32 v12, v8;
	v3 =	vadd.f32 v0, v3  }
0x3c7: {  	v46 =	vmovc v44;
	v12 =	vmul.f32 v24, v26;
	v54 =	vadd.f32 v48, v54;
	v5 =	vadd.f32 v15, v5  }
0x3c8: {  	v1 =	vld.idx.msk [tilespmem:v23+s1+$0xFFFFFFD0 ss:$0x1], $0xffff;
	v18 =	vadd.f32 v17, v18;
	v17 =	vmul.f32 v6, v36;
	v6 =	vmul.f32 v24, v36  }
0x3c9: {  	v44 =	vmovc v38;
	v15 =	vmul.f32 v28, v29;
	v22 =	vadd.f32 v16, v22;
	v16 =	vld [tilespmem:$0x1FEE0];
	v9 =	vadd.f32 v13, v9  }
0x3ca: {  	v61 =	vadd.f32 v42, v61;
	v38 =	vmovc v35;
	v35 =	vmovc v33;
	v33 =	vmov v31;
	v31 =	vmov v25;
	v25 =	vld [tilespmem:s1+$0x15200]  }
0x3cb: {  	v59 =	vadd.f32 v12, v59;
	v19 =	vadd.f32 v15, v19;
	[tilespmem:$0x1FED0] =	vst v18;
	v18 =	vld.idx.msk [tilespmem:v23+s1+$0x30 ss:$0x1], $0xffff  }
0x3cc: {  	v0 =	vmul.f32 v27, v29;
	v57 =	vadd.f32 v6, v57;
	v10 =	vadd.f32 v17, v10;
	v6 =	vmovc v51  }
0x3cd: {  	v51 =	vmovc v47;
	v47 =	vmovc v45;
	v45 =	vmov v43;
	v43 =	vmov v37;
	v37 =	vmov v34  }
0x3ce: {  	v34 =	vmovc v32;
	v32 =	vmovc v30;
	v30 =	vmul.f32 v40, v36;
	v16 =	vadd.f32 v0, v16;
	v0 =	vimm.s32 $0x7  }
0x3cf: {  	v48 =	vld.idx.msk [tilespmem:v23+s1+$0xFFFFFFE0 ss:$0x1], $0xffff;
	v56 =	vadd.f32 v6, v56;
	v26 =	vperm.xlane v25, v0;
	v0 =	vimm.s32 $0x9  }
0x3d0: {  	v28 =	vld.idx.msk [tilespmem:v23+s1+$0x0 ss:$0x1], $0xffff;
	v24 =	vmovc v14;
	v4 =	vadd.f32 v30, v4;
	v27 =	vmovc v18;
	v42 =	vperm.xlane v25, v0;
	v0 =	vimm.s32 $0x5  }
0x3d1: {  	v58 =	vmovc v1;
	v40 =	vmovc v53;
	v36 =	vperm.xlane v25, v0;
	v0 =	vimm.s32 $0x6;
	v18 =	vmul.f32 v27, v26  }
0x3d2: {  	v6 =	vld.idx.msk [tilespmem:v23+s1+$0xFFFFFFC0 ss:$0x1], $0xffff;
	v53 =	vmovc v47;
	v30 =	vmovc v32;
	v39 =	vperm.xlane v25, v0;
	v0 =	vimm.s32 $0x8;
	v1 =	vmul.f32 v58, v42  }
0x3d3: {  	v32 =	vmovc v34;
	v34 =	vmovc v37;
	v13 =	vmul.f32 v40, v42;
	v29 =	vperm.xlane v25, v0;
	v25 =	vmov v31  }
0x3d4: {  	v50 =	vld.idx.msk [tilespmem:v23+s1+$0x10 ss:$0x1], $0xffff;
	v31 =	vmovc v33;
	v33 =	vmovc v35;
	v35 =	vmov v38;
	v38 =	vmov v44;
	v0 =	vmul.f32 v24, v42  }
0x3d5: {  	v44 =	vmovc v46;
	v46 =	vmovc v49;
	v49 =	vmov v45;
	v12 =	vmul.f32 v48, v36;
	v14 =	vmul.f32 v28, v36  }
0x3d6: {  	v37 =	vmovc v43;
	v41 =	vadd.f32 v18, v41;
	v43 =	vadd.f32 v1, v49;
	v49 =	vmul.f32 v27, v42  }
0x3d7: {  	[tilespmem:$0x1FEE0] =	vst v16;
	v1 =	vmul.f32 v28, v42;
	v35 =	vadd.f32 v13, v35;
	v13 =	vmul.f32 v6, v39  }
0x3d8: {  	v47 =	vmovc v51;
	v51 =	vmul.f32 v24, v39;
	v16 =	vmul.f32 v40, v39;
	v25 =	vadd.f32 v0, v25  }
0x3d9: {  	v0 =	vmul.f32 v28, v26;
	v45 =	vadd.f32 v12, v53;
	v12 =	vmul.f32 v48, v26  }
0x3da: {  	v32 =	vadd.f32 v14, v32;
	v14 =	vmul.f32 v50, v39;
	v15 =	vmul.f32 v6, v29  }
0x3db: {  	v17 =	vmul.f32 v58, v29;
	v33 =	vadd.f32 v0, v33;
	v0 =	vmul.f32 v48, v29  }
0x3dc: {  	v34 =	vadd.f32 v1, v34;
	v1 =	vmul.f32 v27, v36;
	v63 =	vadd.f32 v13, v63  }
0x3dd: {  	v13 =	vmul.f32 v6, v42;
	v55 =	vadd.f32 v0, v55;
	v0 =	vmul.f32 v27, v39  }
0x3de: {  	p0 =	sne.s32 s0, $0x3E00;
	v60 =	vadd.f32 v16, v60;
	v16 =	vmul.f32 v48, v39;
	v52 =	vadd.f32 v12, v52  }
.Ltmp7:
0x3df: {  	v12 =	vmul.f32 v58, v36;
	v30 =	vadd.f32 v0, v30;
	v0 =	vmul.f32 v50, v36;
	(pc) =	sbr.rel @p0 .LBB2_18-.Ltmp7, $4  }
0x3e0: {  	v37 =	vadd.f32 v14, v37;
	v14 =	vmul.f32 v50, v29;
	v31 =	vadd.f32 v1, v31  }
0x3e1: {  	v1 =	vmul.f32 v58, v26;
	v46 =	vadd.f32 v0, v46;
	v0 =	vmul.f32 v50, v26  }
0x3e2: {  	v2 =	vadd.f32 v13, v2;
	v13 =	vmul.f32 v6, v26;
	v44 =	vadd.f32 v14, v44  }
0x3e3: {  	s0 =	sadd.s32 $0x200, s0;
	v18 =	vld [tilespmem:$0x1FED0];
	v14 =	vmul.f32 v40, v26;
	v20 =	vadd.f32 v1, v20;
	v47 =	vadd.f32 v0, v47  }
0x3e4: {  	[tilespmem:s4+$0x18E00] =	vst v63  }
0x3e5: {  	[tilespmem:s4+$0x19400] =	vst v2  }
0x3e6: {  	[tilespmem:s4+$0x19410] =	vst v43  }
0x3e7: {  	[tilespmem:s4+$0x18C20] =	vst v45  }
0x3e8: {  	[tilespmem:s4+$0x19020] =	vst v52  }
0x3e9: {  	[tilespmem:s4+$0x19220] =	vst v55  }
0x3ea: {  	[tilespmem:s4+$0x18E30] =	vst v60  }
0x3eb: {  	v0 =	vmul.f32 v6, v36;
	[tilespmem:s4+$0x19430] =	vst v35  }
0x3ec: {  	v1 =	vadd.f32 v13, v11;
	[tilespmem:s4+$0x18C40] =	vst v32  }
0x3ed: {  	[tilespmem:s4+$0x19040] =	vst v33;
	v0 =	vadd.f32 v0, v10  }
0x3ee: {  	[tilespmem:s4+$0x19000] =	vst v1;
	v1 =	vadd.f32 v12, v8  }
0x3ef: {  	v6 =	vmul.f32 v58, v39;
	[tilespmem:s4+$0x18C00] =	vst v0;
	v0 =	vadd.f32 v15, v7  }
0x3f0: {  	[tilespmem:s4+$0x18C10] =	vst v1;
	v1 =	vadd.f32 v17, v18  }
0x3f1: {  	[tilespmem:s4+$0x19200] =	vst v0;
	v0 =	vadd.f32 v6, v9  }
0x3f2: {  	[tilespmem:s4+$0x19210] =	vst v1  }
0x3f3: {  	v2 =	vmul.f32 v40, v36;
	v1 =	vmul.f32 v48, v42;
	[tilespmem:s4+$0x18E10] =	vst v0;
	v0 =	vadd.f32 v16, v21  }
0x3f4: {  	[tilespmem:s4+$0x19440] =	vst v34  }
0x3f5: {  	[tilespmem:s4+$0x18E20] =	vst v0;
	v0 =	vadd.f32 v1, v22;
	v1 =	vadd.f32 v2, v4;
	v2 =	vmul.f32 v40, v29  }
0x3f6: {  	[tilespmem:s4+$0x18C50] =	vst v46  }
0x3f7: {  	[tilespmem:s4+$0x18C30] =	vst v1;
	v1 =	vadd.f32 v2, v3  }
0x3f8: {  	[tilespmem:s4+$0x18E50] =	vst v37  }
0x3f9: {  	[tilespmem:s4+$0x19230] =	vst v1;
	v1 =	vmul.f32 v28, v29  }
0x3fa: {  	[tilespmem:s4+$0x19250] =	vst v44  }
0x3fb: {  	[tilespmem:s4+$0x19460] =	vst v25;
	v1 =	vadd.f32 v1, v19  }
0x3fc: {  	[tilespmem:s4+$0x19420] =	vst v0;
	v0 =	vadd.f32 v14, v62;
	v2 =	vmul.f32 v28, v39  }
0x3fd: {  	[tilespmem:s4+$0x19240] =	vst v1;
	v1 =	vmul.f32 v24, v36  }
0x3fe: {  	[tilespmem:s4+$0x19030] =	vst v0;
	v0 =	vadd.f32 v2, v5  }
0x3ff: {  	[tilespmem:s4+$0x18C70] =	vst v31;
	v3 =	vmul.f32 v24, v29;
	v1 =	vadd.f32 v1, v57  }
0x400: {  	[tilespmem:s4+$0x18E40] =	vst v0;
	v0 =	vmul.f32 v50, v42  }
0x401: {  	[tilespmem:s4+$0x18C60] =	vst v1;
	v1 =	vadd.f32 v3, v54  }
0x402: {  	[tilespmem:s4+$0x18E70] =	vst v30;
	v2 =	vmul.f32 v24, v26;
	v0 =	vadd.f32 v0, v61  }
0x403: {  	[tilespmem:s4+$0x19260] =	vst v1;
	v1 =	vld [tilespmem:$0x1FEE0]  }
0x404: {  	[tilespmem:s4+$0x19450] =	vst v0;
	v0 =	vadd.f32 v2, v59  }
0x405: {  	[tilespmem:s4+$0x19070] =	vst v41  }
0x406: {  	[tilespmem:s4+$0x19060] =	vst v0;
	v0 =	vmul.f32 v27, v29  }
0x407: {  	[tilespmem:s4+$0x19010] =	vst v20;
	v4 =	vadd.f32 v51, v56  }
0x408: {  	[tilespmem:s4+$0x19050] =	vst v47;
	v0 =	vadd.f32 v0, v1  }
0x409: {  	[tilespmem:s4+$0x18E60] =	vst v4;
	v1 =	vadd.f32 v49, v38  }
0x40a: {  	[tilespmem:s4+$0x19270] =	vst v0  }
0x40b: {  	s0 =	simm.s32 $0x0;
	[tilespmem:s4+$0x19470] =	vst v1  }
0x40c: {  	v0 =	vld [tilespmem:s0+$0x15200]  }
0x40d: {  	v24 =	vld.idx.msk [tilespmem:v23+s0+$0x20 ss:$0x1], $0xffff  }
0x40e: {  	v11 =	vimm.f32 $0.0e+00;
	v10 =	vimm.f32 $0.0e+00;
	v8 =	vimm.f32 $0.0e+00;
	v6 =	vld.idx.msk [tilespmem:v23+s0+$0xFFFFFFC0 ss:$0x1], $0xffff  }
0x40f: {  	v18 =	vimm.f32 $0.0e+00;
	v9 =	vimm.f32 $0.0e+00;
	v21 =	vimm.f32 $0.0e+00;
	v40 =	vld.idx.msk [tilespmem:v23+s0+$0xFFFFFFF0 ss:$0x1], $0xffff  }
0x410: {  	v56 =	vimm.f32 $0.0e+00;
	v22 =	vimm.f32 $0.0e+00;
	v1 =	vimm.s32 $0xC;
	v27 =	vld.idx.msk [tilespmem:v23+s0+$0x30 ss:$0x1], $0xffff  }
0x411: {  	v62 =	vimm.f32 $0.0e+00;
	v58 =	vld.idx.msk [tilespmem:v23+s0+$0xFFFFFFD0 ss:$0x1], $0xffff;
	v26 =	vperm.xlane v0, v1;
	v1 =	vimm.s32 $0xE  }
0x412: {  	v19 =	vimm.f32 $0.0e+00;
	v48 =	vld.idx.msk [tilespmem:v23+s0+$0xFFFFFFE0 ss:$0x1], $0xffff;
	v42 =	vperm.xlane v0, v1;
	v1 =	vimm.s32 $0xA  }
0x413: {  	v28 =	vld.idx.msk [tilespmem:v23+s0+$0x0 ss:$0x1], $0xffff;
	v36 =	vperm.xlane v0, v1;
	v1 =	vimm.s32 $0xB;
	v13 =	vmul.f32 v6, v26  }
0x414: {  	v61 =	vimm.f32 $0.0e+00;
	v14 =	vmul.f32 v40, v26;
	v39 =	vperm.xlane v0, v1  }
0x415: {  	v1 =	vimm.s32 $0xD;
	v3 =	vmul.f32 v40, v42;
	v49 =	vmul.f32 v27, v42  }
0x416: {  	v57 =	vimm.f32 $0.0e+00;
	v29 =	vperm.xlane v0, v1;
	v0 =	vmul.f32 v24, v42  }
0x417: {  	v59 =	vimm.f32 $0.0e+00;
	v1 =	vmul.f32 v58, v42;
	v2 =	vmul.f32 v48, v36  }
0x418: {  	v54 =	vimm.f32 $0.0e+00;
	v50 =	vld.idx.msk [tilespmem:v23+s0+$0x10 ss:$0x1], $0xffff;
	v4 =	vmul.f32 v28, v36;
	v12 =	vmul.f32 v58, v36  }
0x419: {  	v35 =	vadd.f32 v3, v18;
	v3 =	vmul.f32 v27, v36;
	v51 =	vmul.f32 v24, v39  }
0x41a: {  	v38 =	vimm.f32 $0.0e+00;
	v7 =	vmul.f32 v40, v39;
	v16 =	vmul.f32 v48, v39  }
0x41b: {  	v25 =	vadd.f32 v0, v18;
	v43 =	vadd.f32 v1, v18;
	v0 =	vmul.f32 v28, v26  }
0x41c: {  	v45 =	vadd.f32 v2, v18;
	v1 =	vmul.f32 v28, v42;
	v2 =	vmul.f32 v48, v26  }
0x41d: {  	v32 =	vadd.f32 v4, v18;
	v4 =	vmul.f32 v6, v42;
	v5 =	vmul.f32 v50, v29  }
0x41e: {  	v15 =	vmul.f32 v6, v29;
	v33 =	vadd.f32 v0, v18;
	v0 =	vmul.f32 v48, v29  }
0x41f: {  	v17 =	vmul.f32 v58, v29;
	v31 =	vadd.f32 v3, v18;
	v3 =	vmul.f32 v58, v26  }
0x420: {  	v60 =	vadd.f32 v7, v18;
	v55 =	vadd.f32 v0, v18;
	v0 =	vmul.f32 v27, v39  }
0x421: {  	v7 =	vimm.f32 $0.0e+00;
	v34 =	vadd.f32 v1, v18;
	v1 =	vmul.f32 v6, v39  }
0x422: {  	v52 =	vadd.f32 v2, v18;
	v30 =	vadd.f32 v0, v18;
	v0 =	vmul.f32 v50, v36  }
0x423: {  	v2 =	vmul.f32 v50, v39;
	v44 =	vadd.f32 v5, v18;
	v5 =	vimm.f32 $0.0e+00  }
0x424: {  	v20 =	vadd.f32 v3, v18;
	v46 =	vadd.f32 v0, v18;
	v0 =	vmul.f32 v50, v26  }
0x425: {  	v37 =	vadd.f32 v2, v18;
	v2 =	vadd.f32 v4, v18;
	v4 =	vmul.f32 v27, v26  }
0x426: {  	v3 =	vimm.f32 $0.0e+00;
	v47 =	vadd.f32 v0, v18;
	v0 =	vimm.f32 $0.0e+00  }
0x427: {  	s0 =	simm.s32 $0x200;
	v63 =	vadd.f32 v1, v18;
	v41 =	vadd.f32 v4, v18;
	v4 =	vimm.f32 $0.0e+00;
	[tilespmem:$0x1FEC0] =	vst v0  }
.LBB2_20:
0x428: {  	v0 =	vmul.f32 v40, v29;
	v62 =	vadd.f32 v14, v62;
	v7 =	vadd.f32 v15, v7  }
0x429: {  	s1 =	sshra.s32 s0, $0x2;
	v15 =	vmul.f32 v28, v39;
	v21 =	vadd.f32 v16, v21;
	v16 =	vmul.f32 v48, v42  }
0x42a: {  	v14 =	vld.idx.msk [tilespmem:v23+s1+$0x20 ss:$0x1], $0xffff;
	v42 =	vmul.f32 v50, v42;
	v48 =	vmul.f32 v24, v29;
	v38 =	vadd.f32 v49, v38  }
0x42b: {  	v53 =	vld.idx.msk [tilespmem:v23+s1+$0xFFFFFFF0 ss:$0x1], $0xffff;
	v11 =	vadd.f32 v13, v11;
	v13 =	vmul.f32 v58, v39;
	v8 =	vadd.f32 v12, v8  }
0x42c: {  	v49 =	vmovc v46;
	v12 =	vmul.f32 v24, v26;
	v3 =	vadd.f32 v0, v3;
	v54 =	vadd.f32 v48, v54  }
0x42d: {  	v1 =	vld.idx.msk [tilespmem:v23+s1+$0xFFFFFFD0 ss:$0x1], $0xffff;
	v0 =	vmul.f32 v27, v29;
	v5 =	vadd.f32 v15, v5;
	v22 =	vadd.f32 v16, v22  }
0x42e: {  	v46 =	vmovc v44;
	v16 =	vld [tilespmem:$0x1FEC0];
	v18 =	vadd.f32 v17, v18;
	v17 =	vmul.f32 v6, v36;
	v6 =	vmul.f32 v24, v36  }
0x42f: {  	v44 =	vmovc v38;
	v15 =	vmul.f32 v28, v29;
	v9 =	vadd.f32 v13, v9;
	v61 =	vadd.f32 v42, v61  }
0x430: {  	v59 =	vadd.f32 v12, v59;
	v38 =	vmovc v35;
	v35 =	vmovc v33;
	v33 =	vmov v31;
	v31 =	vmov v25;
	v25 =	vld [tilespmem:s1+$0x15200]  }
0x431: {  	v48 =	vld.idx.msk [tilespmem:v23+s1+$0xFFFFFFE0 ss:$0x1], $0xffff;
	v13 =	vimm.s32 $0xB;
	v19 =	vadd.f32 v15, v19;
	v57 =	vadd.f32 v6, v57  }
0x432: {  	v28 =	vld.idx.msk [tilespmem:v23+s1+$0x0 ss:$0x1], $0xffff;
	[tilespmem:$0x1FEB0] =	vst v18;
	v10 =	vadd.f32 v17, v10;
	v24 =	vmovc v14;
	v14 =	vimm.s32 $0xC;
	v6 =	vmovc v51;
	v51 =	vmov v47  }
0x433: {  	v18 =	vld.idx.msk [tilespmem:v23+s1+$0x30 ss:$0x1], $0xffff;
	v47 =	vmovc v45;
	v45 =	vmovc v43;
	v43 =	vmov v37;
	v37 =	vmov v34;
	v16 =	vadd.f32 v0, v16  }
0x434: {  	v34 =	vmovc v32;
	v32 =	vmovc v30;
	v30 =	vmul.f32 v40, v36;
	v0 =	vimm.s32 $0xA;
	v56 =	vadd.f32 v6, v56  }
0x435: {  	[tilespmem:$0x1FEC0] =	vst v16;
	v16 =	vimm.s32 $0xE;
	v26 =	vperm.xlane v25, v14;
	v36 =	vperm.xlane v25, v0  }
0x436: {  	v50 =	vld.idx.msk [tilespmem:v23+s1+$0x10 ss:$0x1], $0xffff;
	v58 =	vmovc v1;
	v40 =	vmovc v53;
	v39 =	vperm.xlane v25, v13;
	v0 =	vimm.s32 $0xD;
	v42 =	vperm.xlane v25, v16  }
0x437: {  	v6 =	vld.idx.msk [tilespmem:v23+s1+$0xFFFFFFC0 ss:$0x1], $0xffff;
	v4 =	vadd.f32 v30, v4;
	v29 =	vperm.xlane v25, v0;
	v12 =	vmul.f32 v48, v36  }
0x438: {  	v53 =	vmovc v47;
	v27 =	vmovc v18;
	v47 =	vmov v51;
	v14 =	vmul.f32 v28, v36;
	v51 =	vmul.f32 v24, v39  }
0x439: {  	v25 =	vmovc v31;
	v31 =	vmovc v33;
	v33 =	vmov v35;
	v18 =	vmul.f32 v27, v26;
	v16 =	vmul.f32 v40, v39  }
0x43a: {  	v35 =	vmovc v38;
	v38 =	vmovc v44;
	v44 =	vmov v46;
	v0 =	vmul.f32 v24, v42;
	v1 =	vmul.f32 v58, v42  }
0x43b: {  	v46 =	vmovc v49;
	v30 =	vmovc v32;
	v32 =	vmov v34;
	v13 =	vmul.f32 v40, v42;
	v17 =	vmul.f32 v58, v29  }
0x43c: {  	v49 =	vmovc v45;
	v45 =	vadd.f32 v12, v53;
	v32 =	vadd.f32 v14, v32;
	v12 =	vmul.f32 v48, v26  }
0x43d: {  	v14 =	vmul.f32 v50, v39;
	v15 =	vmul.f32 v6, v29;
	v60 =	vadd.f32 v16, v60  }
0x43e: {  	v34 =	vmovc v37;
	v16 =	vmul.f32 v48, v39;
	v25 =	vadd.f32 v0, v25;
	v0 =	vmul.f32 v28, v26  }
0x43f: {  	v37 =	vmovc v43;
	v41 =	vadd.f32 v18, v41;
	v43 =	vadd.f32 v1, v49;
	v49 =	vmul.f32 v27, v42  }
0x440: {  	v1 =	vmul.f32 v28, v42;
	v33 =	vadd.f32 v0, v33;
	v0 =	vmul.f32 v48, v29  }
0x441: {  	v35 =	vadd.f32 v13, v35;
	v13 =	vmul.f32 v6, v39;
	v52 =	vadd.f32 v12, v52  }
0x442: {  	v12 =	vmul.f32 v58, v36;
	v55 =	vadd.f32 v0, v55;
	v0 =	vmul.f32 v27, v39  }
0x443: {  	p0 =	sne.s32 s0, $0x3E00;
	v37 =	vadd.f32 v14, v37;
	v34 =	vadd.f32 v1, v34;
	v1 =	vmul.f32 v27, v36  }
.Ltmp8:
0x444: {  	v14 =	vmul.f32 v50, v29;
	v30 =	vadd.f32 v0, v30;
	v0 =	vmul.f32 v50, v36;
	(pc) =	sbr.rel @p0 .LBB2_20-.Ltmp8, $4  }
0x445: {  	v63 =	vadd.f32 v13, v63;
	v13 =	vmul.f32 v6, v42;
	v31 =	vadd.f32 v1, v31  }
0x446: {  	v1 =	vmul.f32 v58, v26;
	v46 =	vadd.f32 v0, v46;
	v0 =	vmul.f32 v50, v26  }
0x447: {  	v44 =	vadd.f32 v14, v44;
	v14 =	vmul.f32 v40, v26;
	v2 =	vadd.f32 v13, v2  }
0x448: {  	s0 =	sadd.s32 $0x200, s0;
	v18 =	vld [tilespmem:$0x1FEB0];
	v13 =	vmul.f32 v6, v26;
	v20 =	vadd.f32 v1, v20;
	v47 =	vadd.f32 v0, v47  }
0x449: {  	[tilespmem:s4+$0x19800] =	vst v63  }
0x44a: {  	[tilespmem:s4+$0x19E00] =	vst v2  }
0x44b: {  	[tilespmem:s4+$0x19E10] =	vst v43  }
0x44c: {  	[tilespmem:s4+$0x19620] =	vst v45  }
0x44d: {  	[tilespmem:s4+$0x19A20] =	vst v52  }
0x44e: {  	[tilespmem:s4+$0x19C20] =	vst v55  }
0x44f: {  	[tilespmem:s4+$0x19830] =	vst v60  }
0x450: {  	[tilespmem:s4+$0x19E30] =	vst v35  }
0x451: {  	[tilespmem:s4+$0x19640] =	vst v32  }
0x452: {  	[tilespmem:s4+$0x19A40] =	vst v33  }
0x453: {  	[tilespmem:s4+$0x19E40] =	vst v34  }
0x454: {  	[tilespmem:s4+$0x19650] =	vst v46  }
0x455: {  	[tilespmem:s4+$0x19850] =	vst v37  }
0x456: {  	[tilespmem:s4+$0x19C50] =	vst v44  }
0x457: {  	[tilespmem:s4+$0x19E60] =	vst v25  }
0x458: {  	[tilespmem:s4+$0x19670] =	vst v31  }
0x459: {  	[tilespmem:s4+$0x19870] =	vst v30  }
0x45a: {  	[tilespmem:s4+$0x19A70] =	vst v41  }
0x45b: {  	v12 =	vadd.f32 v12, v8;
	[tilespmem:s4+$0x19A10] =	vst v20  }
0x45c: {  	v16 =	vadd.f32 v16, v21;
	[tilespmem:s4+$0x19A50] =	vst v47  }
0x45d: {  	v23 =	vadd.f32 v14, v62;
	[tilespmem:s4+$0x19610] =	vst v12  }
0x45e: {  	v63 =	vadd.f32 v49, v38;
	[tilespmem:s4+$0x19820] =	vst v16  }
0x45f: {  	v0 =	vmul.f32 v6, v36;
	v1 =	vadd.f32 v13, v11;
	[tilespmem:s4+$0x19A30] =	vst v23  }
0x460: {  	v11 =	vmul.f32 v58, v39;
	v58 =	vadd.f32 v51, v56;
	[tilespmem:s4+$0x19E70] =	vst v63  }
0x461: {  	v43 =	vmul.f32 v28, v39;
	v0 =	vadd.f32 v0, v10;
	[tilespmem:s4+$0x19A00] =	vst v1  }
0x462: {  	v55 =	vmul.f32 v24, v26;
	v10 =	vadd.f32 v15, v7;
	[tilespmem:s4+$0x19860] =	vst v58  }
0x463: {  	v45 =	vadd.f32 v43, v5;
	[tilespmem:s4+$0x19600] =	vst v0  }
0x464: {  	v59 =	vadd.f32 v55, v59;
	[tilespmem:s4+$0x19C00] =	vst v10  }
0x465: {  	v52 =	vmul.f32 v50, v42;
	v13 =	vadd.f32 v11, v9;
	[tilespmem:s4+$0x19840] =	vst v45  }
0x466: {  	v62 =	vld [tilespmem:$0x1FEC0];
	v15 =	vadd.f32 v17, v18;
	v17 =	vmul.f32 v48, v42;
	[tilespmem:s4+$0x19A60] =	vst v59  }
0x467: {  	v18 =	vmul.f32 v40, v36;
	v0 =	vadd.f32 v52, v61;
	[tilespmem:s4+$0x19810] =	vst v13  }
0x468: {  	v48 =	vmul.f32 v28, v29;
	[tilespmem:s4+$0x19C10] =	vst v15;
	v20 =	vadd.f32 v17, v22  }
0x469: {  	v61 =	vmul.f32 v27, v29;
	v21 =	vadd.f32 v18, v4;
	[tilespmem:s4+$0x19E50] =	vst v0  }
0x46a: {  	v53 =	vmul.f32 v24, v36;
	s8 =	sadd.s32 $0x1, s8;
	v22 =	vmul.f32 v40, v29;
	v1 =	vadd.f32 v48, v19;
	[tilespmem:s4+$0x19E20] =	vst v20  }
0x46b: {  	p0 =	sne.s32 s8, $0x4;
	v0 =	vadd.f32 v61, v62;
	[tilespmem:s4+$0x19630] =	vst v21  }
.Ltmp9:
0x46c: {  	v40 =	vadd.f32 v22, v3;
	[tilespmem:s4+$0x19C40] =	vst v1;
	v1 =	vadd.f32 v53, v57;
	v57 =	vmul.f32 v24, v29;
	(pc) =	sbr.rel @p0 .LBB2_13-.Ltmp9, $4  }
0x46d: {  	[tilespmem:s4+$0x19C70] =	vst v0  }
0x46e: {  	[tilespmem:s4+$0x19C30] =	vst v40;
	v60 =	vadd.f32 v57, v54  }
0x46f: {  	s11 =	sadd.s32 $0x20, s11;
	v30 =	vimm.s32 $0x1;
	v31 =	vimm.s32 $0x2;
	[tilespmem:s4+$0x19660] =	vst v1  }
0x470: {  	s12 =	sadd.s32 $0x20, s12;
	s15 =	sadd.s32 $0x20, s15;
	s2 =	sadd.s32 $0x1000, s2;
	v32 =	vimm.s32 $0x3;
	v33 =	vimm.s32 $0x4;
	v29 =	vimm.s32 $0x0;
	[tilespmem:s4+$0x19C60] =	vst v60  }
0x471: {  	s4 =	rddreg [dreg:$0x10]  }
0x472: {  	s0 =	sshll.u32 s4, $0xE;
	s4 =	sadd.s32 $0x1, s4  }
0x473: {  	p0 =	sne.s32 s4, $0x28  }
.Ltmp10:
0x474: {  	s1 =	rddreg [dreg:$0xc];
	(pc) =	sbr.rel @p0 .LBB2_2-.Ltmp10, $4  }
0x475: {  	s0 =	sadd.s32 s1, s0  }
0x476: {  	s30 =	rddreg [dreg:$0xd];
	s31 =	simm.s32 $0x200;
	s0 =	sshrl.u32 s0, $0x3  }
0x477: {  	s2 =	simm.s32 $0x400;
	s3 =	simm.s32 $0x18200;
	s0 =	sadd.s32 s0, s30  }
0x478: {  	[hbm4b:s0+s31] =	stream.strided.scatter [tilespmem:s3], [sflag:$0x4], $0x2000, s2, s31, $0x38;
	[tilespmem:$0x1A200] =	vst v63  }
0x479: {  	s0 =	simm.s32 $0x3  }
0x47a: {  	_ =	swait.ge [sflag:s0], $0x2000  }
0x47b: {  	[sflag:s0] =	ssyncset.done $0x0  }
0x47c: {  	s1 =	simm.s32 $0x4;
	[sflag:s0] =	ssyncadd.s32 $0xFFFFE000  }
0x47d: {  	_ =	swait.ge [sflag:s1], $0x2000  }
0x47e: {  	s2 =	rddreg [dreg:$0xf]  }
0x47f: {  	s31 =	rddreg [dreg:$0xe];
	s2 =	sadd.s32 $0x1, s2  }
0x480: {  	p0 =	sne.s32 s2, s31  }
.Ltmp11:
0x481: {  	_ = 	snop;
	(pc) =	sbr.rel @p0 .LBB2_1-.Ltmp11, $3  }
0x482: {  	_ =	sdelay $0x1  }
0x483: {  	[sflag:s1] =	ssyncset.done $0x0  }
0x484: {  	[sflag:s1] =	ssyncadd.s32 $0xFFFFE000  }
0x485: {  	_ =	sfence.sel $0x180000  }
0x486: {  	[bflag:$0x0] =	sbarrier.arrive $0xFFFF  }
0x487: {  	_ =	strace $0x90000047  }
0x488: {  	s0 =	stileid.u32;
	[bflag:$0x2] =	sbarrier.arrive $0xFFFF  }
0x489: {  	p0 =	sne.s32 s0, $0x0;
	s0 =	rddreg [dreg:$0x3]  }
0x48a: {  	s0 =	sadd.s32 @!p0 $0x100000, s0  }
0x48b: {  	[sflag:s0] =	ssyncadd.tile.s32 @!p0 $0x1;
	_ =	shalt  }
.Lfunc_end2:
_tile_overlayer_lowered:
.L_overlay_start_2:
0x48c: {  	(tag) =	ssettag $0x2  }
0x48d: {  	s0 =	rddreg [dreg:$0x0];
	s2 =	stileid.u32  }
0x48e: {  	s1 =	rddreg [dreg:$0x1];
	p0 =	sne.s32 s2, $0x0  }
0x48f: {  	s3 =	rddreg [dreg:$0x2];
	[bflag:$0x3] =	sbarrier.arrive $0xFFFF;
	s2 =	simm.s32 @!p0 $0x1C05  }
0x490: {  	[timem:s3], [sflag:s2] =	dma.local @!p0 [hbm:s0], s1  }
0x491: {  	s0 =	simm.s32 @!p0 $0x5  }
0x492: {  	_ =	swait.ge @!p0 [sflag:s0], s1  }
0x493: {  	s1 =	ssub.s32 @!p0 $0x0, s1;
	[sflag:s0] =	ssyncset.done @!p0 $0x0  }
0x494: {  	[sflag:s0] =	ssyncadd.s32 @!p0 s1  }
0x495: {  	[bflag:$0x3] =	sbarrier.arrive $0xFFFF  }
0x496: {  	_ =	shalt  }

</sc_bundles>
